<compile_context>
chip_gen: v7x
topology: tpu7x:2x2x1
jax: 0.10.2.dev20260603
libtpu: 0.0.44.dev20260713+nightly
codegen_flags: <defaults>
</compile_context>

<pallas_src>
import functools

import jax
import jax.numpy as jnp
from jax import lax
from jax.experimental import pallas as pl
from jax.experimental.pallas import tpu as pltpu
from jax.experimental.pallas import tpu_sc as plsc

F32 = jnp.float32
I32 = jnp.int32

_SC_PARAMS = pltpu.CompilerParams(use_tc_tiling_on_sc=False,
                                  needs_layout_passes=False)

NC = 2
NS = 16
NW = NC * NS
L = 16

D = 16
GB = 128


def _cdiv(a, b):
    return (a + b - 1) // b



def _encode_body(emb_ref, w1_ref, b1_ref, g_ref):
    acc = lax.dot_general(emb_ref[...], w1_ref[...],
                          (((1,), (0,)), ((), ())),
                          preferred_element_type=F32)
    g_ref[...] = jnp.maximum(acc + b1_ref[...], 0.0)


def _encode(emb, W1, b1):
    n, dfeat = emb.shape
    blk = 2000
    return pl.pallas_call(
        _encode_body,
        grid=(n // blk,),
        in_specs=[
            pl.BlockSpec((blk, dfeat), lambda i: (i, 0)),
            pl.BlockSpec((dfeat, D), lambda i: (0, 0)),
            pl.BlockSpec((1, D), lambda i: (0, 0)),
        ],
        out_specs=pl.BlockSpec((blk, D), lambda i: (i, 0)),
        out_shape=jax.ShapeDtypeStruct((n, D), F32),
    )(emb, W1, b1.reshape(1, D))


def _agnn_out(h, acc, den, beta):
    nrm2 = jnp.sum(h * h, axis=-1, keepdims=True)
    nrm = jnp.sqrt(nrm2)
    inv = 1.0 / jnp.maximum(nrm, 1e-12)
    s = nrm2 * inv * inv
    ex_self = jnp.exp(beta * s)
    num = acc[0] + acc[1] + ex_self * h
    dfull = (den[0] + den[1])[:, None] + ex_self
    return num / jnp.maximum(dfull, 1e-16)


def _prep_body(beta_ref, h_ref, t32_ref, tn_ref):
    h = h_ref[...]
    nrm = jnp.sqrt(jnp.sum(h * h, axis=-1, keepdims=True))
    xn = h / jnp.maximum(nrm, 1e-12)
    t32_ref[...] = jnp.concatenate([beta_ref[0] * xn, h], axis=-1)
    tn_ref[...] = xn


def _prep(h, beta, np_):
    blk = 1024
    return pl.pallas_call(
        _prep_body,
        grid=(np_ // blk,),
        in_specs=[
            pl.BlockSpec(memory_space=pltpu.SMEM),
            pl.BlockSpec((blk, D), lambda i: (i, 0)),
        ],
        out_specs=[
            pl.BlockSpec((blk, 2 * D), lambda i: (i, 0)),
            pl.BlockSpec((blk, D), lambda i: (i, 0)),
        ],
        out_shape=[
            jax.ShapeDtypeStruct((np_, 2 * D), F32),
            jax.ShapeDtypeStruct((np_, D), F32),
        ],
    )(jnp.reshape(beta.astype(F32), (1,)), h)


def _fin_prep_body(betas_ref, told_ref, acc_ref, den_ref, h1_ref, t32_ref,
                   tn_ref):
    h = told_ref[:, D:]
    h1 = _agnn_out(h, acc_ref[...], den_ref[...], betas_ref[0])
    h1_ref[...] = h1
    nrm = jnp.sqrt(jnp.sum(h1 * h1, axis=-1, keepdims=True))
    xn = h1 / jnp.maximum(nrm, 1e-12)
    t32_ref[...] = jnp.concatenate([betas_ref[1] * xn, h1], axis=-1)
    tn_ref[...] = xn


def _fin_prep(told, acc, den, beta, beta_next, np_):
    blk = 1024
    betas = jnp.stack([beta.astype(F32), beta_next.astype(F32)])
    return pl.pallas_call(
        _fin_prep_body,
        grid=(np_ // blk,),
        in_specs=[
            pl.BlockSpec(memory_space=pltpu.SMEM),
            pl.BlockSpec((blk, 2 * D), lambda i: (i, 0)),
            pl.BlockSpec((2, blk, D), lambda i: (0, i, 0)),
            pl.BlockSpec((2, blk), lambda i: (0, i)),
        ],
        out_specs=[
            pl.BlockSpec((blk, D), lambda i: (i, 0)),
            pl.BlockSpec((blk, 2 * D), lambda i: (i, 0)),
            pl.BlockSpec((blk, D), lambda i: (i, 0)),
        ],
        out_shape=[
            jax.ShapeDtypeStruct((np_, D), F32),
            jax.ShapeDtypeStruct((np_, 2 * D), F32),
            jax.ShapeDtypeStruct((np_, D), F32),
        ],
    )(betas, told, acc, den)


def _fin_head_body(beta_ref, h_ref, acc_ref, den_ref, w2_ref, b2_ref,
                   out_ref):
    h2 = _agnn_out(h_ref[...], acc_ref[...], den_ref[...], beta_ref[0])
    logits = lax.dot_general(h2, w2_ref[...],
                             (((1,), (0,)), ((), ())),
                             preferred_element_type=F32) + b2_ref[...]
    m = jnp.max(logits, axis=-1, keepdims=True)
    lse = jnp.log(jnp.sum(jnp.exp(logits - m), axis=-1, keepdims=True)) + m
    out_ref[...] = logits - lse


def _fin_head(h, acc, den, beta, W2, b2, np_):
    blk = 1024
    return pl.pallas_call(
        _fin_head_body,
        grid=(np_ // blk,),
        in_specs=[
            pl.BlockSpec(memory_space=pltpu.SMEM),
            pl.BlockSpec((blk, D), lambda i: (i, 0)),
            pl.BlockSpec((2, blk, D), lambda i: (0, i, 0)),
            pl.BlockSpec((2, blk), lambda i: (0, i)),
            pl.BlockSpec((D, D), lambda i: (0, 0)),
            pl.BlockSpec((1, D), lambda i: (0, 0)),
        ],
        out_specs=pl.BlockSpec((blk, D), lambda i: (i, 0)),
        out_shape=jax.ShapeDtypeStruct((np_, D), F32),
    )(jnp.reshape(beta.astype(F32), (1,)), h, acc, den, W2,
      b2.reshape(1, D))



def _gather(table, idx, np_):
    n_rows = np_ // NW
    n_grp = n_rows // GB
    mesh = plsc.VectorSubcoreMesh(core_axis_name="c", subcore_axis_name="s")

    @functools.partial(
        pl.kernel,
        out_type=jax.ShapeDtypeStruct((np_, D), F32),
        mesh=mesh,
        compiler_params=_SC_PARAMS,
        scratch_types=[
            pltpu.VMEM((2, GB), I32),
            pltpu.VMEM((GB, D), F32),
            pltpu.VMEM((GB, D), F32),
            pltpu.SemaphoreType.DMA,
            pltpu.SemaphoreType.DMA,
        ],
    )
    def gk(table_hbm, idx_hbm, out_hbm, idx_v, rows_a, rows_b, sem_a, sem_b):
        wid = lax.axis_index("s") * NC + lax.axis_index("c")
        base = wid * n_rows
        rows = (rows_a, rows_b)
        sems = (sem_a, sem_b)

        def start(j, b):
            off = base + j * GB
            pltpu.sync_copy(idx_hbm.at[pl.ds(off, GB)], idx_v.at[b])
            pltpu.async_copy(table_hbm.at[idx_v.at[b]], rows[b], sems[b])

        start(0, 0)

        @pl.loop(0, n_grp)
        def _grp(i):
            for b in range(2):
                @pl.when(i % 2 == b)
                def _():
                    jn = i + 1

                    @pl.when(jn < n_grp)
                    def _():
                        start(jn, 1 - b)

                    pltpu.make_async_copy(table_hbm.at[idx_v.at[b]],
                                          rows[b], sems[b]).wait()
                    pltpu.sync_copy(rows[b],
                                    out_hbm.at[pl.ds(base + i * GB, GB)])

    return gk(table, idx)


CH = 8
NB = 2


def _edge_pass(t32, tn, src2d, dst2d, zer_acc, zer_den, nsp, epw):
    n_grp = epw // GB
    rows_per_sub = nsp // NS
    mesh = plsc.VectorSubcoreMesh(core_axis_name="c", subcore_axis_name="s")

    @functools.partial(
        pl.kernel,
        out_type=[
            jax.ShapeDtypeStruct((NC, nsp, D), F32),
            jax.ShapeDtypeStruct((NC, nsp), F32),
        ],
        mesh=mesh,
        compiler_params=_SC_PARAMS,
        scratch_types=(
            [pltpu.VMEM((2 * CH, GB), I32)] * 2
            + [pltpu.VMEM((GB, 2 * D), F32)] * NB
            + [pltpu.VMEM((GB, D), F32)] * NB
            + [pltpu.VMEM((GB, D), F32)] * NB
            + [pltpu.VMEM((GB,), F32)] * NB
            + [pltpu.VMEM_SHARED((nsp, D), F32),
               pltpu.VMEM_SHARED((nsp,), F32)]
            + [pltpu.SemaphoreType.DMA] * (2 * NB)
        ),
    )
    def ek(t32_hbm, tn_hbm, src_hbm, dst_hbm, za_hbm, zd_hbm,
           acc_out, den_out, sidx, didx, *rest):
        srows = rest[0:NB]
        drows = rest[NB:2 * NB]
        pbuf = rest[2 * NB:3 * NB]
        exbuf = rest[3 * NB:4 * NB]
        acc_sh = rest[4 * NB]
        den_sh = rest[4 * NB + 1]
        semg = rest[4 * NB + 2:5 * NB + 2]
        sems = rest[5 * NB + 2:6 * NB + 2]
        cid = lax.axis_index("c")
        sid = lax.axis_index("s")
        wid = sid * NC + cid

        zoff = sid * rows_per_sub
        pltpu.sync_copy(za_hbm.at[pl.ds(zoff, rows_per_sub)],
                        acc_sh.at[pl.ds(zoff, rows_per_sub)])
        pltpu.sync_copy(zd_hbm.at[pl.ds(zoff, rows_per_sub)],
                        den_sh.at[pl.ds(zoff, rows_per_sub)])
        plsc.subcore_barrier()

        gbase = wid * n_grp
        lanes = jnp.arange(L, dtype=I32)

        def stage(c):
            par = (c % 2) * CH
            pltpu.sync_copy(src_hbm.at[pl.ds(gbase + c * CH, CH)],
                            sidx.at[pl.ds(par, CH)])
            pltpu.sync_copy(dst_hbm.at[pl.ds(gbase + c * CH, CH)],
                            didx.at[pl.ds(par, CH)])

        def idxrow(j):
            return (j % CH) + ((j // CH) % 2) * CH

        def start_gather(b, j):
            row = idxrow(j)
            pltpu.async_copy(t32_hbm.at[sidx.at[row]], srows[b], semg[b])
            pltpu.async_copy(tn_hbm.at[didx.at[row]], drows[b], semg[b])

        def wait_gather(b):
            pltpu.make_async_copy(t32_hbm.at[sidx.at[0]], srows[b],
                                  semg[b]).wait()
            pltpu.make_async_copy(tn_hbm.at[didx.at[0]], drows[b],
                                  semg[b]).wait()

        def start_scatter(b, j):
            row = idxrow(j)
            pltpu.async_copy(pbuf[b], acc_sh.at[didx.at[row]], sems[b],
                             add=True)
            pltpu.async_copy(exbuf[b], den_sh.at[didx.at[row]], sems[b],
                             add=True)

        def wait_scatter(b):
            pltpu.make_async_copy(pbuf[b], acc_sh.at[didx.at[0]],
                                  sems[b]).wait()
            pltpu.make_async_copy(exbuf[b], den_sh.at[didx.at[0]],
                                  sems[b]).wait()

        def compute(b):
            @pl.loop(0, GB // L)
            def _blk(eb):
                eidx = eb * L + lanes
                acc = jnp.zeros((L,), F32)
                for f in range(D):
                    fs = jnp.full((L,), f, I32)
                    a = plsc.load_gather(srows[b], [eidx, fs])
                    bb = plsc.load_gather(drows[b], [eidx, fs])
                    acc = acc + a * bb
                ex = jnp.exp(acc)
                plsc.store_scatter(exbuf[b], [eidx], ex)
                for f in range(D):
                    fs = jnp.full((L,), f, I32)
                    xv = plsc.load_gather(srows[b],
                                          [eidx, jnp.full((L,), D + f, I32)])
                    plsc.store_scatter(pbuf[b], [eidx, fs], ex * xv)

        stage(0)
        for b in range(NB):
            start_gather(b, b)

        @pl.loop(0, n_grp // NB)
        def _round(q):
            for b in range(NB):
                j = q * NB + b
                wait_gather(b)

                @pl.when(q > 0)
                def _():
                    wait_scatter(b)

                compute(b)
                start_scatter(b, j)
                jn = j + NB

                @pl.when(jn < n_grp)
                def _():
                    @pl.when(jn % CH == 0)
                    def _():
                        stage(jn // CH)

                    start_gather(b, jn)

        for b in range(NB):
            wait_scatter(b)
        plsc.subcore_barrier()
        pltpu.sync_copy(acc_sh.at[pl.ds(zoff, rows_per_sub)],
                        acc_out.at[cid, pl.ds(zoff, rows_per_sub)])
        pltpu.sync_copy(den_sh.at[pl.ds(zoff, rows_per_sub)],
                        den_out.at[cid, pl.ds(zoff, rows_per_sub)])

    return ek(t32, tn, src2d, dst2d, zer_acc, zer_den)



def kernel(x, edge_index, emb, W1, b1, beta2, W2, b2):
    n = x.shape[0]
    e = edge_index.shape[1]

    np_ = NW * GB * _cdiv(n, NW * GB)
    nsp = 2048 * _cdiv(n + 1, 2048)
    epw = CH * GB * _cdiv(_cdiv(e, NW), CH * GB)
    ep = NW * epw

    xi = jnp.concatenate(
        [x[:, 0], jnp.zeros((np_ - n,), I32)])
    pad_e = jnp.full((ep - e,), nsp - 1, I32)
    src = jnp.concatenate([edge_index[0], pad_e]).reshape(ep // GB, GB)
    dst = jnp.concatenate([edge_index[1], pad_e]).reshape(ep // GB, GB)

    zer_acc = jnp.zeros((nsp, D), F32)
    zer_den = jnp.zeros((nsp,), F32)
    one = jnp.ones((), F32)

    g = _encode(emb, W1, b1)
    gh = _gather(g, xi, np_)
    t32, tn = _prep(gh, one, np_)

    acc, den = _edge_pass(t32, tn, src, dst, zer_acc, zer_den, nsp, epw)
    h1, t32, tn = _fin_prep(t32[:nsp], acc, den, one, beta2, nsp)

    acc, den = _edge_pass(t32, tn, src, dst, zer_acc, zer_den, nsp, epw)
    out = _fin_head(h1, acc, den, beta2, W2, b2, nsp)
    return out[:n]

# --- scband reference (transcript-rebuilt; emitter-appended) ---
"""Pipeline reference for scband-agnn-19782619365935 (READ-ONLY COPY).

The authoritative reference and input builder live on the scoring server;
editing this copy changes nothing except your own understanding.
"""

import jax, jax.numpy as jnp
import numpy as np

N = 100000
E = 3200000
D_FEAT = 128
D_HID = 16
N_CLASSES = 16


def _with_self_loops(edge_index, num_nodes):
    loop = jnp.arange(num_nodes, dtype=edge_index.dtype)
    src = jnp.concatenate([edge_index[0], loop])
    dst = jnp.concatenate([edge_index[1], loop])
    return src, dst


def _agnn_conv(x, src, dst, beta, num_nodes):
    # x_norm = F.normalize(x, p=2, dim=-1)
    norm = jnp.sqrt(jnp.sum(x * x, axis=-1, keepdims=True))
    x_norm = x / jnp.maximum(norm, 1e-12)
    # per-edge attention logit: beta * cos(x_i, x_j)
    alpha = beta * jnp.sum(x_norm[src] * x_norm[dst], axis=-1)
    # segment softmax over edges grouped by dst
    amax = jax.ops.segment_max(alpha, dst, num_segments=num_nodes)
    amax = jnp.where(jnp.isfinite(amax), amax, 0.0)
    ex = jnp.exp(alpha - amax[dst])
    denom = jax.ops.segment_sum(ex, dst, num_segments=num_nodes)
    coef = ex / jnp.maximum(denom[dst], 1e-16)
    # weighted aggregation of source features
    return jax.ops.segment_sum(x[src] * coef[:, None], dst, num_segments=num_nodes)


def setup_inputs(seed: int = 0) -> dict:
    key = jax.random.key(seed)
    ks = jax.random.split(key, 8)
    x = jax.random.randint(ks[0], (N, 1), 0, N, dtype=jnp.int32)
    edge_index = jax.random.randint(ks[1], (2, E), 0, N, dtype=jnp.int32)
    emb = jax.random.normal(ks[2], (N, D_FEAT), dtype=jnp.float32)
    W1 = jax.random.normal(ks[3], (D_FEAT, D_HID), dtype=jnp.float32) * (1.0 / np.sqrt(D_FEAT))
    b1 = jnp.zeros((D_HID,), dtype=jnp.float32)
    beta2 = jnp.ones((), dtype=jnp.float32)
    W2 = jax.random.normal(ks[4], (D_HID, N_CLASSES), dtype=jnp.float32) * (1.0 / np.sqrt(D_HID))
    b2 = jnp.zeros((N_CLASSES,), dtype=jnp.float32)
    return {"x": x, "edge_index": edge_index, "emb": emb, "W1": W1, "b1": b1, "beta2": beta2, "W2": W2, "b2": b2}


def reference(x, edge_index, emb, W1, b1, beta2, W2, b2):
    # embedding lookup + squeeze
    h = emb[x[:, 0]]
    # dropout is identity in eval mode
    h = jnp.maximum(h @ W1 + b1, 0.0)
    src, dst = _with_self_loops(edge_index, N)
    h = _agnn_conv(h, src, dst, 1.0, N)      # prop1: beta fixed (requires_grad=False)
    h = _agnn_conv(h, src, dst, beta2, N)    # prop2: learnable beta
    logits = h @ W2 + b2
    return jax.nn.log_softmax(logits, axis=1)

if __name__ == "__main__":
    import jax
    _d = setup_inputs()
    print(jax.jit(kernel)(*tuple(_d.values())))

</pallas_src>

<mosaic_0001>
#map = affine_map<(d0, d1) -> (0, 0)>
#map1 = affine_map<(d0, d1) -> (0)>
#map2 = affine_map<(d0, d1) -> (0, 0, 0)>
module attributes {stable_mosaic.version = 14 : i64} {
  func.func @ek(%arg0: i32, %arg1: i32, %arg2: memref<100352x32xf32, #tpu.memory_space<hbm>>, %arg3: memref<100352x16xf32, #tpu.memory_space<hbm>>, %arg4: memref<25088x128xi32, #tpu.memory_space<hbm>>, %arg5: memref<25088x128xi32, #tpu.memory_space<hbm>>, %arg6: memref<100352x16xf32, #tpu.memory_space<hbm>>, %arg7: memref<100352xf32, #tpu.memory_space<hbm>>, %arg8: memref<2x100352x16xf32, #tpu.memory_space<hbm>>, %arg9: memref<2x100352xf32, #tpu.memory_space<hbm>>, %arg10: memref<16x128xi32, #tpu.memory_space<vmem>>, %arg11: memref<16x128xi32, #tpu.memory_space<vmem>>, %arg12: memref<128x32xf32, #tpu.memory_space<vmem>>, %arg13: memref<128x32xf32, #tpu.memory_space<vmem>>, %arg14: memref<128x16xf32, #tpu.memory_space<vmem>>, %arg15: memref<128x16xf32, #tpu.memory_space<vmem>>, %arg16: memref<128x16xf32, #tpu.memory_space<vmem>>, %arg17: memref<128x16xf32, #tpu.memory_space<vmem>>, %arg18: memref<128xf32, #tpu.memory_space<vmem>>, %arg19: memref<128xf32, #tpu.memory_space<vmem>>, %arg20: memref<100352x16xf32, #tpu.memory_space<vmem_shared>>, %arg21: memref<100352xf32, #tpu.memory_space<vmem_shared>>, %arg22: memref<!tpu.dma_semaphore, #tpu.memory_space<semaphore_mem>>, %arg23: memref<!tpu.dma_semaphore, #tpu.memory_space<semaphore_mem>>, %arg24: memref<!tpu.dma_semaphore, #tpu.memory_space<semaphore_mem>>, %arg25: memref<!tpu.dma_semaphore, #tpu.memory_space<semaphore_mem>>) attributes {dimension_semantics = [#tpu.dimension_semantics<core_parallel>, #tpu.dimension_semantics<subcore_parallel>], iteration_bounds = array<i64: 2, 16>, scalar_prefetch = 0 : i64, scratch_operands = 16 : i64, tpu.core_type = #tpu.core_type<sc_vector_subcore>, window_params = [{transform_indices = #map}, {transform_indices = #map}, {transform_indices = #map}, {transform_indices = #map}, {transform_indices = #map}, {transform_indices = #map1}, {transform_indices = #map2}, {transform_indices = #map}]} {
    %mul3A = arith.constant 2 : i32
    %mul3A_0 = arith.muli %arg1, %mul3A : i32
    %add3A = arith.addi %mul3A_0, %arg0 : i32
    %mul3A_1 = arith.constant 6272 : i32
    %mul3A_2 = arith.muli %arg1, %mul3A_1 : i32
    "tpu.region"() ({
      %run_scoped3A = tpu.sem_alloc : memref<!tpu.dma_semaphore, #tpu.memory_space<semaphore_mem>>
      %dma_start3A_66 = arith.constant 0 : i32
      %dma_start3A_67 = tpu.memref_slice %arg20[%mul3A_2, %dma_start3A_66] : memref<100352x16xf32, #tpu.memory_space<vmem_shared>> -> memref<6272x16xf32, #tpu.memory_space<vmem_shared>>
      %dma_start3A_68 = arith.constant 0 : i32
      %dma_start3A_69 = tpu.memref_slice %arg6[%mul3A_2, %dma_start3A_68] : memref<100352x16xf32, #tpu.memory_space<hbm>> -> memref<6272x16xf32, #tpu.memory_space<hbm>>
      tpu.enqueue_dma source(%dma_start3A_69 : memref<6272x16xf32, #tpu.memory_space<hbm>>) target(%dma_start3A_67 : memref<6272x16xf32, #tpu.memory_space<vmem_shared>>) target_semaphore(%run_scoped3A : memref<!tpu.dma_semaphore, #tpu.memory_space<semaphore_mem>>)
      %dma_wait3A_70 = arith.constant 0 : i32
      %dma_wait3A_71 = tpu.memref_slice %arg20[%mul3A_2, %dma_wait3A_70] : memref<100352x16xf32, #tpu.memory_space<vmem_shared>> -> memref<6272x16xf32, #tpu.memory_space<vmem_shared>>
      %dma_wait3A_72 = arith.constant 0 : i32
      %dma_wait3A_73 = tpu.memref_slice %arg6[%mul3A_2, %dma_wait3A_72] : memref<100352x16xf32, #tpu.memory_space<hbm>> -> memref<6272x16xf32, #tpu.memory_space<hbm>>
      tpu.wait_dma2 semaphore(%run_scoped3A : memref<!tpu.dma_semaphore, #tpu.memory_space<semaphore_mem>>) src(%dma_wait3A_73 : memref<6272x16xf32, #tpu.memory_space<hbm>>) dst(%dma_wait3A_71 : memref<6272x16xf32, #tpu.memory_space<vmem_shared>>)
      tpu.yield
    }) : () -> ()
    "tpu.region"() ({
      %run_scoped3A = tpu.sem_alloc : memref<!tpu.dma_semaphore, #tpu.memory_space<semaphore_mem>>
      %dma_start3A_66 = tpu.memref_slice %arg21[%mul3A_2] : memref<100352xf32, #tpu.memory_space<vmem_shared>> -> memref<6272xf32, #tpu.memory_space<vmem_shared>>
      %dma_start3A_67 = tpu.memref_slice %arg7[%mul3A_2] : memref<100352xf32, #tpu.memory_space<hbm>> -> memref<6272xf32, #tpu.memory_space<hbm>>
      tpu.enqueue_dma source(%dma_start3A_67 : memref<6272xf32, #tpu.memory_space<hbm>>) target(%dma_start3A_66 : memref<6272xf32, #tpu.memory_space<vmem_shared>>) target_semaphore(%run_scoped3A : memref<!tpu.dma_semaphore, #tpu.memory_space<semaphore_mem>>)
      %dma_wait3A_68 = tpu.memref_slice %arg21[%mul3A_2] : memref<100352xf32, #tpu.memory_space<vmem_shared>> -> memref<6272xf32, #tpu.memory_space<vmem_shared>>
      %dma_wait3A_69 = tpu.memref_slice %arg7[%mul3A_2] : memref<100352xf32, #tpu.memory_space<hbm>> -> memref<6272xf32, #tpu.memory_space<hbm>>
      tpu.wait_dma2 semaphore(%run_scoped3A : memref<!tpu.dma_semaphore, #tpu.memory_space<semaphore_mem>>) src(%dma_wait3A_69 : memref<6272xf32, #tpu.memory_space<hbm>>) dst(%dma_wait3A_68 : memref<6272xf32, #tpu.memory_space<vmem_shared>>)
      tpu.yield
    }) : () -> ()
    %barrier3A = arith.constant 0 : index
    tpu.barrier barrier_id(%barrier3A)
    %mul3A_3 = arith.constant 784 : i32
    %mul3A_4 = arith.muli %add3A, %mul3A_3 : i32
    %iota3A = tpu.iota {dimensions = array<i32: 0>} : vector<16xi32>
    %add3A_5 = arith.constant 0 : i32
    %add3A_6 = arith.addi %mul3A_4, %add3A_5 : i32
    "tpu.region"() ({
      %run_scoped3A = tpu.sem_alloc : memref<!tpu.dma_semaphore, #tpu.memory_space<semaphore_mem>>
      %dma_start3A_66 = arith.constant 0 : i32
      %dma_start3A_67 = arith.constant 0 : i32
      %dma_start3A_68 = tpu.memref_slice %arg10[%dma_start3A_66, %dma_start3A_67] : memref<16x128xi32, #tpu.memory_space<vmem>> -> memref<8x128xi32, #tpu.memory_space<vmem>>
      %dma_start3A_69 = arith.constant 0 : i32
      %dma_start3A_70 = tpu.memref_slice %arg4[%add3A_6, %dma_start3A_69] : memref<25088x128xi32, #tpu.memory_space<hbm>> -> memref<8x128xi32, #tpu.memory_space<hbm>>
      %dma_start3A_71 = arith.constant 0 : i32
      %dma_start3A_72 = arith.constant 0 : i32
      %dma_start3A_73 = tpu.memref_slice %arg10[%dma_start3A_71, %dma_start3A_72] : memref<16x128xi32, #tpu.memory_space<vmem>> -> memref<8x128xi32, #tpu.memory_space<vmem>>
      %dma_start3A_74 = arith.constant 0 : i32
      %dma_start3A_75 = tpu.memref_slice %arg4[%add3A_6, %dma_start3A_74] : memref<25088x128xi32, #tpu.memory_space<hbm>> -> memref<8x128xi32, #tpu.memory_space<hbm>>
      tpu.enqueue_dma source(%dma_start3A_75 : memref<8x128xi32, #tpu.memory_space<hbm>>) target(%dma_start3A_73 : memref<8x128xi32, #tpu.memory_space<vmem>>) target_semaphore(%run_scoped3A : memref<!tpu.dma_semaphore, #tpu.memory_space<semaphore_mem>>)
      %dma_wait3A_76 = arith.constant 0 : i32
      %dma_wait3A_77 = arith.constant 0 : i32
      %dma_wait3A_78 = tpu.memref_slice %arg10[%dma_wait3A_76, %dma_wait3A_77] : memref<16x128xi32, #tpu.memory_space<vmem>> -> memref<8x128xi32, #tpu.memory_space<vmem>>
      %dma_wait3A_79 = arith.constant 0 : i32
      %dma_wait3A_80 = tpu.memref_slice %arg4[%add3A_6, %dma_wait3A_79] : memref<25088x128xi32, #tpu.memory_space<hbm>> -> memref<8x128xi32, #tpu.memory_space<hbm>>
      %dma_wait3A_81 = arith.constant 0 : i32
      %dma_wait3A_82 = arith.constant 0 : i32
      %dma_wait3A_83 = tpu.memref_slice %arg10[%dma_wait3A_81, %dma_wait3A_82] : memref<16x128xi32, #tpu.memory_space<vmem>> -> memref<8x128xi32, #tpu.memory_space<vmem>>
      %dma_wait3A_84 = arith.constant 0 : i32
      %dma_wait3A_85 = tpu.memref_slice %arg4[%add3A_6, %dma_wait3A_84] : memref<25088x128xi32, #tpu.memory_space<hbm>> -> memref<8x128xi32, #tpu.memory_space<hbm>>
      tpu.wait_dma2 semaphore(%run_scoped3A : memref<!tpu.dma_semaphore, #tpu.memory_space<semaphore_mem>>) src(%dma_wait3A_85 : memref<8x128xi32, #tpu.memory_space<hbm>>) dst(%dma_wait3A_83 : memref<8x128xi32, #tpu.memory_space<vmem>>)
      tpu.yield
    }) : () -> ()
    %add3A_7 = arith.constant 0 : i32
    %add3A_8 = arith.addi %mul3A_4, %add3A_7 : i32
    "tpu.region"() ({
      %run_scoped3A = tpu.sem_alloc : memref<!tpu.dma_semaphore, #tpu.memory_space<semaphore_mem>>
      %dma_start3A_66 = arith.constant 0 : i32
      %dma_start3A_67 = arith.constant 0 : i32
      %dma_start3A_68 = tpu.memref_slice %arg11[%dma_start3A_66, %dma_start3A_67] : memref<16x128xi32, #tpu.memory_space<vmem>> -> memref<8x128xi32, #tpu.memory_space<vmem>>
      %dma_start3A_69 = arith.constant 0 : i32
      %dma_start3A_70 = tpu.memref_slice %arg5[%add3A_8, %dma_start3A_69] : memref<25088x128xi32, #tpu.memory_space<hbm>> -> memref<8x128xi32, #tpu.memory_space<hbm>>
      %dma_start3A_71 = arith.constant 0 : i32
      %dma_start3A_72 = arith.constant 0 : i32
      %dma_start3A_73 = tpu.memref_slice %arg11[%dma_start3A_71, %dma_start3A_72] : memref<16x128xi32, #tpu.memory_space<vmem>> -> memref<8x128xi32, #tpu.memory_space<vmem>>
      %dma_start3A_74 = arith.constant 0 : i32
      %dma_start3A_75 = tpu.memref_slice %arg5[%add3A_8, %dma_start3A_74] : memref<25088x128xi32, #tpu.memory_space<hbm>> -> memref<8x128xi32, #tpu.memory_space<hbm>>
      tpu.enqueue_dma source(%dma_start3A_75 : memref<8x128xi32, #tpu.memory_space<hbm>>) target(%dma_start3A_73 : memref<8x128xi32, #tpu.memory_space<vmem>>) target_semaphore(%run_scoped3A : memref<!tpu.dma_semaphore, #tpu.memory_space<semaphore_mem>>)
      %dma_wait3A_76 = arith.constant 0 : i32
      %dma_wait3A_77 = arith.constant 0 : i32
      %dma_wait3A_78 = tpu.memref_slice %arg11[%dma_wait3A_76, %dma_wait3A_77] : memref<16x128xi32, #tpu.memory_space<vmem>> -> memref<8x128xi32, #tpu.memory_space<vmem>>
      %dma_wait3A_79 = arith.constant 0 : i32
      %dma_wait3A_80 = tpu.memref_slice %arg5[%add3A_8, %dma_wait3A_79] : memref<25088x128xi32, #tpu.memory_space<hbm>> -> memref<8x128xi32, #tpu.memory_space<hbm>>
      %dma_wait3A_81 = arith.constant 0 : i32
      %dma_wait3A_82 = arith.constant 0 : i32
      %dma_wait3A_83 = tpu.memref_slice %arg11[%dma_wait3A_81, %dma_wait3A_82] : memref<16x128xi32, #tpu.memory_space<vmem>> -> memref<8x128xi32, #tpu.memory_space<vmem>>
      %dma_wait3A_84 = arith.constant 0 : i32
      %dma_wait3A_85 = tpu.memref_slice %arg5[%add3A_8, %dma_wait3A_84] : memref<25088x128xi32, #tpu.memory_space<hbm>> -> memref<8x128xi32, #tpu.memory_space<hbm>>
      tpu.wait_dma2 semaphore(%run_scoped3A : memref<!tpu.dma_semaphore, #tpu.memory_space<semaphore_mem>>) src(%dma_wait3A_85 : memref<8x128xi32, #tpu.memory_space<hbm>>) dst(%dma_wait3A_83 : memref<8x128xi32, #tpu.memory_space<vmem>>)
      tpu.yield
    }) : () -> ()
    %dma_start3A = arith.constant 0 : i32
    %dma_start3A_9 = arith.constant 0 : i32
    %dma_start3A_10 = tpu.memref_slice %arg10[%dma_start3A, %dma_start3A_9] : memref<16x128xi32, #tpu.memory_space<vmem>> -> memref<1x128xi32, #tpu.memory_space<vmem>>
    %dma_start3A_11 = tpu.memref_squeeze %dma_start3A_10 : memref<1x128xi32, #tpu.memory_space<vmem>> -> memref<128xi32, #tpu.memory_space<vmem>>
    %dma_start3A_12 = arith.constant 0 : i32
    %dma_start3A_13 = arith.constant 0 : i32
    %dma_start3A_14 = tpu.memref_slice %arg2[%dma_start3A_12, %dma_start3A_13] : memref<100352x32xf32, #tpu.memory_space<hbm>> -> memref<100352x32xf32, #tpu.memory_space<hbm>>
    tpu.enqueue_indirect_dma source(%dma_start3A_14 : memref<100352x32xf32, #tpu.memory_space<hbm>>) target(%arg12 : memref<128x32xf32, #tpu.memory_space<vmem>>) offsets(%dma_start3A_11 : memref<128xi32, #tpu.memory_space<vmem>>) semaphore(%arg22 : memref<!tpu.dma_semaphore, #tpu.memory_space<semaphore_mem>>)
    %dma_start3A_15 = arith.constant 0 : i32
    %dma_start3A_16 = arith.constant 0 : i32
    %dma_start3A_17 = tpu.memref_slice %arg11[%dma_start3A_15, %dma_start3A_16] : memref<16x128xi32, #tpu.memory_space<vmem>> -> memref<1x128xi32, #tpu.memory_space<vmem>>
    %dma_start3A_18 = tpu.memref_squeeze %dma_start3A_17 : memref<1x128xi32, #tpu.memory_space<vmem>> -> memref<128xi32, #tpu.memory_space<vmem>>
    %dma_start3A_19 = arith.constant 0 : i32
    %dma_start3A_20 = arith.constant 0 : i32
    %dma_start3A_21 = tpu.memref_slice %arg3[%dma_start3A_19, %dma_start3A_20] : memref<100352x16xf32, #tpu.memory_space<hbm>> -> memref<100352x16xf32, #tpu.memory_space<hbm>>
    tpu.enqueue_indirect_dma source(%dma_start3A_21 : memref<100352x16xf32, #tpu.memory_space<hbm>>) target(%arg14 : memref<128x16xf32, #tpu.memory_space<vmem>>) offsets(%dma_start3A_18 : memref<128xi32, #tpu.memory_space<vmem>>) semaphore(%arg22 : memref<!tpu.dma_semaphore, #tpu.memory_space<semaphore_mem>>)
    %dma_start3A_22 = arith.constant 1 : i32
    %dma_start3A_23 = arith.constant 0 : i32
    %dma_start3A_24 = tpu.memref_slice %arg10[%dma_start3A_22, %dma_start3A_23] : memref<16x128xi32, #tpu.memory_space<vmem>> -> memref<1x128xi32, #tpu.memory_space<vmem>>
    %dma_start3A_25 = tpu.memref_squeeze %dma_start3A_24 : memref<1x128xi32, #tpu.memory_space<vmem>> -> memref<128xi32, #tpu.memory_space<vmem>>
    %dma_start3A_26 = arith.constant 0 : i32
    %dma_start3A_27 = arith.constant 0 : i32
    %dma_start3A_28 = tpu.memref_slice %arg2[%dma_start3A_26, %dma_start3A_27] : memref<100352x32xf32, #tpu.memory_space<hbm>> -> memref<100352x32xf32, #tpu.memory_space<hbm>>
    tpu.enqueue_indirect_dma source(%dma_start3A_28 : memref<100352x32xf32, #tpu.memory_space<hbm>>) target(%arg13 : memref<128x32xf32, #tpu.memory_space<vmem>>) offsets(%dma_start3A_25 : memref<128xi32, #tpu.memory_space<vmem>>) semaphore(%arg23 : memref<!tpu.dma_semaphore, #tpu.memory_space<semaphore_mem>>)
    %dma_start3A_29 = arith.constant 1 : i32
    %dma_start3A_30 = arith.constant 0 : i32
    %dma_start3A_31 = tpu.memref_slice %arg11[%dma_start3A_29, %dma_start3A_30] : memref<16x128xi32, #tpu.memory_space<vmem>> -> memref<1x128xi32, #tpu.memory_space<vmem>>
    %dma_start3A_32 = tpu.memref_squeeze %dma_start3A_31 : memref<1x128xi32, #tpu.memory_space<vmem>> -> memref<128xi32, #tpu.memory_space<vmem>>
    %dma_start3A_33 = arith.constant 0 : i32
    %dma_start3A_34 = arith.constant 0 : i32
    %dma_start3A_35 = tpu.memref_slice %arg3[%dma_start3A_33, %dma_start3A_34] : memref<100352x16xf32, #tpu.memory_space<hbm>> -> memref<100352x16xf32, #tpu.memory_space<hbm>>
    tpu.enqueue_indirect_dma source(%dma_start3A_35 : memref<100352x16xf32, #tpu.memory_space<hbm>>) target(%arg15 : memref<128x16xf32, #tpu.memory_space<vmem>>) offsets(%dma_start3A_32 : memref<128xi32, #tpu.memory_space<vmem>>) semaphore(%arg23 : memref<!tpu.dma_semaphore, #tpu.memory_space<semaphore_mem>>)
    %scan3A = arith.constant 0 : i32
    %scan3A_36 = arith.constant 392 : i32
    %scan3A_37 = arith.addi %scan3A, %scan3A_36 : i32
    %scan3A_38 = arith.constant 1 : i32
    scf.for %scan3A_66 = %scan3A to %scan3A_37 step %scan3A_38  : i32 {
      %mul3A_67 = arith.constant 1 : i32
      %mul3A_68 = arith.muli %scan3A_66, %mul3A_67 : i32
      %add3A_69 = arith.constant 0 : i32
      %add3A_70 = arith.addi %add3A_69, %mul3A_68 : i32
      %mul3A_71 = arith.constant 2 : i32
      %mul3A_72 = arith.muli %add3A_70, %mul3A_71 : i32
      %add3A_73 = arith.constant 0 : i32
      %add3A_74 = arith.addi %mul3A_72, %add3A_73 : i32
      %dma_wait3A_75 = arith.constant 0 : i32
      %dma_wait3A_76 = arith.constant 0 : i32
      %dma_wait3A_77 = tpu.memref_slice %arg10[%dma_wait3A_75, %dma_wait3A_76] : memref<16x128xi32, #tpu.memory_space<vmem>> -> memref<1x128xi32, #tpu.memory_space<vmem>>
      %dma_wait3A_78 = tpu.memref_squeeze %dma_wait3A_77 : memref<1x128xi32, #tpu.memory_space<vmem>> -> memref<128xi32, #tpu.memory_space<vmem>>
      %dma_wait3A_79 = arith.constant 0 : i32
      %dma_wait3A_80 = arith.constant 0 : i32
      %dma_wait3A_81 = tpu.memref_slice %arg2[%dma_wait3A_79, %dma_wait3A_80] : memref<100352x32xf32, #tpu.memory_space<hbm>> -> memref<100352x32xf32, #tpu.memory_space<hbm>>
      tpu.wait_indirect_dma semaphore(%arg22 : memref<!tpu.dma_semaphore, #tpu.memory_space<semaphore_mem>>) src(%dma_wait3A_81 : memref<100352x32xf32, #tpu.memory_space<hbm>>) dst(%arg12 : memref<128x32xf32, #tpu.memory_space<vmem>>)
      %dma_wait3A_82 = arith.constant 0 : i32
      %dma_wait3A_83 = arith.constant 0 : i32
      %dma_wait3A_84 = tpu.memref_slice %arg11[%dma_wait3A_82, %dma_wait3A_83] : memref<16x128xi32, #tpu.memory_space<vmem>> -> memref<1x128xi32, #tpu.memory_space<vmem>>
      %dma_wait3A_85 = tpu.memref_squeeze %dma_wait3A_84 : memref<1x128xi32, #tpu.memory_space<vmem>> -> memref<128xi32, #tpu.memory_space<vmem>>
      %dma_wait3A_86 = arith.constant 0 : i32
      %dma_wait3A_87 = arith.constant 0 : i32
      %dma_wait3A_88 = tpu.memref_slice %arg3[%dma_wait3A_86, %dma_wait3A_87] : memref<100352x16xf32, #tpu.memory_space<hbm>> -> memref<100352x16xf32, #tpu.memory_space<hbm>>
      tpu.wait_indirect_dma semaphore(%arg22 : memref<!tpu.dma_semaphore, #tpu.memory_space<semaphore_mem>>) src(%dma_wait3A_88 : memref<100352x16xf32, #tpu.memory_space<hbm>>) dst(%arg14 : memref<128x16xf32, #tpu.memory_space<vmem>>)
      %gt3A = arith.constant 0 : i32
      %gt3A_89 = arith.cmpi sgt, %add3A_70, %gt3A : i32
      %convert_element_type3A = arith.extui %gt3A_89 : i1 to i32
      %cond3A = arith.constant 0 : i32
      %cond3A_90 = arith.cmpi ne, %convert_element_type3A, %cond3A : i32
      scf.if %cond3A_90 {
        %dma_wait3A_268 = arith.constant 0 : i32
        %dma_wait3A_269 = arith.constant 0 : i32
        %dma_wait3A_270 = tpu.memref_slice %arg11[%dma_wait3A_268, %dma_wait3A_269] : memref<16x128xi32, #tpu.memory_space<vmem>> -> memref<1x128xi32, #tpu.memory_space<vmem>>
        %dma_wait3A_271 = tpu.memref_squeeze %dma_wait3A_270 : memref<1x128xi32, #tpu.memory_space<vmem>> -> memref<128xi32, #tpu.memory_space<vmem>>
        %dma_wait3A_272 = arith.constant 0 : i32
        %dma_wait3A_273 = arith.constant 0 : i32
        %dma_wait3A_274 = tpu.memref_slice %arg20[%dma_wait3A_272, %dma_wait3A_273] : memref<100352x16xf32, #tpu.memory_space<vmem_shared>> -> memref<100352x16xf32, #tpu.memory_space<vmem_shared>>
        tpu.wait_indirect_dma semaphore(%arg24 : memref<!tpu.dma_semaphore, #tpu.memory_space<semaphore_mem>>) src(%arg16 : memref<128x16xf32, #tpu.memory_space<vmem>>) dst(%dma_wait3A_274 : memref<100352x16xf32, #tpu.memory_space<vmem_shared>>)
        %dma_wait3A_275 = arith.constant 0 : i32
        %dma_wait3A_276 = arith.constant 0 : i32
        %dma_wait3A_277 = tpu.memref_slice %arg11[%dma_wait3A_275, %dma_wait3A_276] : memref<16x128xi32, #tpu.memory_space<vmem>> -> memref<1x128xi32, #tpu.memory_space<vmem>>
        %dma_wait3A_278 = tpu.memref_squeeze %dma_wait3A_277 : memref<1x128xi32, #tpu.memory_space<vmem>> -> memref<128xi32, #tpu.memory_space<vmem>>
        %dma_wait3A_279 = arith.constant 0 : i32
        %dma_wait3A_280 = tpu.memref_slice %arg21[%dma_wait3A_279] : memref<100352xf32, #tpu.memory_space<vmem_shared>> -> memref<100352xf32, #tpu.memory_space<vmem_shared>>
        tpu.wait_indirect_dma semaphore(%arg24 : memref<!tpu.dma_semaphore, #tpu.memory_space<semaphore_mem>>) src(%arg18 : memref<128xf32, #tpu.memory_space<vmem>>) dst(%dma_wait3A_280 : memref<100352xf32, #tpu.memory_space<vmem_shared>>)
      } else {
      }
      %scan3A_91 = arith.constant 0 : i32
      %scan3A_92 = arith.constant 8 : i32
      %scan3A_93 = arith.addi %scan3A_91, %scan3A_92 : i32
      %scan3A_94 = arith.constant 1 : i32
      scf.for %scan3A_268 = %scan3A_91 to %scan3A_93 step %scan3A_94  : i32 {
        %mul3A_269 = arith.constant 1 : i32
        %mul3A_270 = arith.muli %scan3A_268, %mul3A_269 : i32
        %add3A_271 = arith.constant 0 : i32
        %add3A_272 = arith.addi %add3A_271, %mul3A_270 : i32
        %mul3A_273 = arith.constant 16 : i32
        %mul3A_274 = arith.muli %add3A_272, %mul3A_273 : i32
        %add3A_275 = vector.broadcast %mul3A_274 : i32 to vector<16xi32>
        %add3A_276 = arith.addi %add3A_275, %iota3A : vector<16xi32>
        %broadcast_in_dim3A = arith.constant 0.000000e+00 : f32
        %broadcast_in_dim3A_277 = vector.broadcast %broadcast_in_dim3A : f32 to vector<16xf32>
        %broadcast_in_dim3A_278 = arith.constant 0 : i32
        %broadcast_in_dim3A_279 = vector.broadcast %broadcast_in_dim3A_278 : i32 to vector<16xi32>
        %gather3A = tpu.vector_load_idx %arg12[%add3A_276, %broadcast_in_dim3A_279] : memref<128x32xf32, #tpu.memory_space<vmem>>[vector<16xi32>, vector<16xi32>], vector<16xf32>,
        %gather3A_280 = tpu.vector_load_idx %arg14[%add3A_276, %broadcast_in_dim3A_279] : memref<128x16xf32, #tpu.memory_space<vmem>>[vector<16xi32>, vector<16xi32>], vector<16xf32>,
        %mul3A_281 = arith.mulf %gather3A, %gather3A_280 : vector<16xf32>
        %add3A_282 = arith.addf %broadcast_in_dim3A_277, %mul3A_281 : vector<16xf32>
        %broadcast_in_dim3A_283 = arith.constant 1 : i32
        %broadcast_in_dim3A_284 = vector.broadcast %broadcast_in_dim3A_283 : i32 to vector<16xi32>
        %gather3A_285 = tpu.vector_load_idx %arg12[%add3A_276, %broadcast_in_dim3A_284] : memref<128x32xf32, #tpu.memory_space<vmem>>[vector<16xi32>, vector<16xi32>], vector<16xf32>,
        %gather3A_286 = tpu.vector_load_idx %arg14[%add3A_276, %broadcast_in_dim3A_284] : memref<128x16xf32, #tpu.memory_space<vmem>>[vector<16xi32>, vector<16xi32>], vector<16xf32>,
        %mul3A_287 = arith.mulf %gather3A_285, %gather3A_286 : vector<16xf32>
        %add3A_288 = arith.addf %add3A_282, %mul3A_287 : vector<16xf32>
        %broadcast_in_dim3A_289 = arith.constant 2 : i32
        %broadcast_in_dim3A_290 = vector.broadcast %broadcast_in_dim3A_289 : i32 to vector<16xi32>
        %gather3A_291 = tpu.vector_load_idx %arg12[%add3A_276, %broadcast_in_dim3A_290] : memref<128x32xf32, #tpu.memory_space<vmem>>[vector<16xi32>, vector<16xi32>], vector<16xf32>,
        %gather3A_292 = tpu.vector_load_idx %arg14[%add3A_276, %broadcast_in_dim3A_290] : memref<128x16xf32, #tpu.memory_space<vmem>>[vector<16xi32>, vector<16xi32>], vector<16xf32>,
        %mul3A_293 = arith.mulf %gather3A_291, %gather3A_292 : vector<16xf32>
        %add3A_294 = arith.addf %add3A_288, %mul3A_293 : vector<16xf32>
        %broadcast_in_dim3A_295 = arith.constant 3 : i32
        %broadcast_in_dim3A_296 = vector.broadcast %broadcast_in_dim3A_295 : i32 to vector<16xi32>
        %gather3A_297 = tpu.vector_load_idx %arg12[%add3A_276, %broadcast_in_dim3A_296] : memref<128x32xf32, #tpu.memory_space<vmem>>[vector<16xi32>, vector<16xi32>], vector<16xf32>,
        %gather3A_298 = tpu.vector_load_idx %arg14[%add3A_276, %broadcast_in_dim3A_296] : memref<128x16xf32, #tpu.memory_space<vmem>>[vector<16xi32>, vector<16xi32>], vector<16xf32>,
        %mul3A_299 = arith.mulf %gather3A_297, %gather3A_298 : vector<16xf32>
        %add3A_300 = arith.addf %add3A_294, %mul3A_299 : vector<16xf32>
        %broadcast_in_dim3A_301 = arith.constant 4 : i32
        %broadcast_in_dim3A_302 = vector.broadcast %broadcast_in_dim3A_301 : i32 to vector<16xi32>
        %gather3A_303 = tpu.vector_load_idx %arg12[%add3A_276, %broadcast_in_dim3A_302] : memref<128x32xf32, #tpu.memory_space<vmem>>[vector<16xi32>, vector<16xi32>], vector<16xf32>,
        %gather3A_304 = tpu.vector_load_idx %arg14[%add3A_276, %broadcast_in_dim3A_302] : memref<128x16xf32, #tpu.memory_space<vmem>>[vector<16xi32>, vector<16xi32>], vector<16xf32>,
        %mul3A_305 = arith.mulf %gather3A_303, %gather3A_304 : vector<16xf32>
        %add3A_306 = arith.addf %add3A_300, %mul3A_305 : vector<16xf32>
        %broadcast_in_dim3A_307 = arith.constant 5 : i32
        %broadcast_in_dim3A_308 = vector.broadcast %broadcast_in_dim3A_307 : i32 to vector<16xi32>
        %gather3A_309 = tpu.vector_load_idx %arg12[%add3A_276, %broadcast_in_dim3A_308] : memref<128x32xf32, #tpu.memory_space<vmem>>[vector<16xi32>, vector<16xi32>], vector<16xf32>,
        %gather3A_310 = tpu.vector_load_idx %arg14[%add3A_276, %broadcast_in_dim3A_308] : memref<128x16xf32, #tpu.memory_space<vmem>>[vector<16xi32>, vector<16xi32>], vector<16xf32>,
        %mul3A_311 = arith.mulf %gather3A_309, %gather3A_310 : vector<16xf32>
        %add3A_312 = arith.addf %add3A_306, %mul3A_311 : vector<16xf32>
        %broadcast_in_dim3A_313 = arith.constant 6 : i32
        %broadcast_in_dim3A_314 = vector.broadcast %broadcast_in_dim3A_313 : i32 to vector<16xi32>
        %gather3A_315 = tpu.vector_load_idx %arg12[%add3A_276, %broadcast_in_dim3A_314] : memref<128x32xf32, #tpu.memory_space<vmem>>[vector<16xi32>, vector<16xi32>], vector<16xf32>,
        %gather3A_316 = tpu.vector_load_idx %arg14[%add3A_276, %broadcast_in_dim3A_314] : memref<128x16xf32, #tpu.memory_space<vmem>>[vector<16xi32>, vector<16xi32>], vector<16xf32>,
        %mul3A_317 = arith.mulf %gather3A_315, %gather3A_316 : vector<16xf32>
        %add3A_318 = arith.addf %add3A_312, %mul3A_317 : vector<16xf32>
        %broadcast_in_dim3A_319 = arith.constant 7 : i32
        %broadcast_in_dim3A_320 = vector.broadcast %broadcast_in_dim3A_319 : i32 to vector<16xi32>
        %gather3A_321 = tpu.vector_load_idx %arg12[%add3A_276, %broadcast_in_dim3A_320] : memref<128x32xf32, #tpu.memory_space<vmem>>[vector<16xi32>, vector<16xi32>], vector<16xf32>,
        %gather3A_322 = tpu.vector_load_idx %arg14[%add3A_276, %broadcast_in_dim3A_320] : memref<128x16xf32, #tpu.memory_space<vmem>>[vector<16xi32>, vector<16xi32>], vector<16xf32>,
        %mul3A_323 = arith.mulf %gather3A_321, %gather3A_322 : vector<16xf32>
        %add3A_324 = arith.addf %add3A_318, %mul3A_323 : vector<16xf32>
        %broadcast_in_dim3A_325 = arith.constant 8 : i32
        %broadcast_in_dim3A_326 = vector.broadcast %broadcast_in_dim3A_325 : i32 to vector<16xi32>
        %gather3A_327 = tpu.vector_load_idx %arg12[%add3A_276, %broadcast_in_dim3A_326] : memref<128x32xf32, #tpu.memory_space<vmem>>[vector<16xi32>, vector<16xi32>], vector<16xf32>,
        %gather3A_328 = tpu.vector_load_idx %arg14[%add3A_276, %broadcast_in_dim3A_326] : memref<128x16xf32, #tpu.memory_space<vmem>>[vector<16xi32>, vector<16xi32>], vector<16xf32>,
        %mul3A_329 = arith.mulf %gather3A_327, %gather3A_328 : vector<16xf32>
        %add3A_330 = arith.addf %add3A_324, %mul3A_329 : vector<16xf32>
        %broadcast_in_dim3A_331 = arith.constant 9 : i32
        %broadcast_in_dim3A_332 = vector.broadcast %broadcast_in_dim3A_331 : i32 to vector<16xi32>
        %gather3A_333 = tpu.vector_load_idx %arg12[%add3A_276, %broadcast_in_dim3A_332] : memref<128x32xf32, #tpu.memory_space<vmem>>[vector<16xi32>, vector<16xi32>], vector<16xf32>,
        %gather3A_334 = tpu.vector_load_idx %arg14[%add3A_276, %broadcast_in_dim3A_332] : memref<128x16xf32, #tpu.memory_space<vmem>>[vector<16xi32>, vector<16xi32>], vector<16xf32>,
        %mul3A_335 = arith.mulf %gather3A_333, %gather3A_334 : vector<16xf32>
        %add3A_336 = arith.addf %add3A_330, %mul3A_335 : vector<16xf32>
        %broadcast_in_dim3A_337 = arith.constant 10 : i32
        %broadcast_in_dim3A_338 = vector.broadcast %broadcast_in_dim3A_337 : i32 to vector<16xi32>
        %gather3A_339 = tpu.vector_load_idx %arg12[%add3A_276, %broadcast_in_dim3A_338] : memref<128x32xf32, #tpu.memory_space<vmem>>[vector<16xi32>, vector<16xi32>], vector<16xf32>,
        %gather3A_340 = tpu.vector_load_idx %arg14[%add3A_276, %broadcast_in_dim3A_338] : memref<128x16xf32, #tpu.memory_space<vmem>>[vector<16xi32>, vector<16xi32>], vector<16xf32>,
        %mul3A_341 = arith.mulf %gather3A_339, %gather3A_340 : vector<16xf32>
        %add3A_342 = arith.addf %add3A_336, %mul3A_341 : vector<16xf32>
        %broadcast_in_dim3A_343 = arith.constant 11 : i32
        %broadcast_in_dim3A_344 = vector.broadcast %broadcast_in_dim3A_343 : i32 to vector<16xi32>
        %gather3A_345 = tpu.vector_load_idx %arg12[%add3A_276, %broadcast_in_dim3A_344] : memref<128x32xf32, #tpu.memory_space<vmem>>[vector<16xi32>, vector<16xi32>], vector<16xf32>,
        %gather3A_346 = tpu.vector_load_idx %arg14[%add3A_276, %broadcast_in_dim3A_344] : memref<128x16xf32, #tpu.memory_space<vmem>>[vector<16xi32>, vector<16xi32>], vector<16xf32>,
        %mul3A_347 = arith.mulf %gather3A_345, %gather3A_346 : vector<16xf32>
        %add3A_348 = arith.addf %add3A_342, %mul3A_347 : vector<16xf32>
        %broadcast_in_dim3A_349 = arith.constant 12 : i32
        %broadcast_in_dim3A_350 = vector.broadcast %broadcast_in_dim3A_349 : i32 to vector<16xi32>
        %gather3A_351 = tpu.vector_load_idx %arg12[%add3A_276, %broadcast_in_dim3A_350] : memref<128x32xf32, #tpu.memory_space<vmem>>[vector<16xi32>, vector<16xi32>], vector<16xf32>,
        %gather3A_352 = tpu.vector_load_idx %arg14[%add3A_276, %broadcast_in_dim3A_350] : memref<128x16xf32, #tpu.memory_space<vmem>>[vector<16xi32>, vector<16xi32>], vector<16xf32>,
        %mul3A_353 = arith.mulf %gather3A_351, %gather3A_352 : vector<16xf32>
        %add3A_354 = arith.addf %add3A_348, %mul3A_353 : vector<16xf32>
        %broadcast_in_dim3A_355 = arith.constant 13 : i32
        %broadcast_in_dim3A_356 = vector.broadcast %broadcast_in_dim3A_355 : i32 to vector<16xi32>
        %gather3A_357 = tpu.vector_load_idx %arg12[%add3A_276, %broadcast_in_dim3A_356] : memref<128x32xf32, #tpu.memory_space<vmem>>[vector<16xi32>, vector<16xi32>], vector<16xf32>,
        %gather3A_358 = tpu.vector_load_idx %arg14[%add3A_276, %broadcast_in_dim3A_356] : memref<128x16xf32, #tpu.memory_space<vmem>>[vector<16xi32>, vector<16xi32>], vector<16xf32>,
        %mul3A_359 = arith.mulf %gather3A_357, %gather3A_358 : vector<16xf32>
        %add3A_360 = arith.addf %add3A_354, %mul3A_359 : vector<16xf32>
        %broadcast_in_dim3A_361 = arith.constant 14 : i32
        %broadcast_in_dim3A_362 = vector.broadcast %broadcast_in_dim3A_361 : i32 to vector<16xi32>
        %gather3A_363 = tpu.vector_load_idx %arg12[%add3A_276, %broadcast_in_dim3A_362] : memref<128x32xf32, #tpu.memory_space<vmem>>[vector<16xi32>, vector<16xi32>], vector<16xf32>,
        %gather3A_364 = tpu.vector_load_idx %arg14[%add3A_276, %broadcast_in_dim3A_362] : memref<128x16xf32, #tpu.memory_space<vmem>>[vector<16xi32>, vector<16xi32>], vector<16xf32>,
        %mul3A_365 = arith.mulf %gather3A_363, %gather3A_364 : vector<16xf32>
        %add3A_366 = arith.addf %add3A_360, %mul3A_365 : vector<16xf32>
        %broadcast_in_dim3A_367 = arith.constant 15 : i32
        %broadcast_in_dim3A_368 = vector.broadcast %broadcast_in_dim3A_367 : i32 to vector<16xi32>
        %gather3A_369 = tpu.vector_load_idx %arg12[%add3A_276, %broadcast_in_dim3A_368] : memref<128x32xf32, #tpu.memory_space<vmem>>[vector<16xi32>, vector<16xi32>], vector<16xf32>,
        %gather3A_370 = tpu.vector_load_idx %arg14[%add3A_276, %broadcast_in_dim3A_368] : memref<128x16xf32, #tpu.memory_space<vmem>>[vector<16xi32>, vector<16xi32>], vector<16xf32>,
        %mul3A_371 = arith.mulf %gather3A_369, %gather3A_370 : vector<16xf32>
        %add3A_372 = arith.addf %add3A_366, %mul3A_371 : vector<16xf32>
        %exp3A = math.exp %add3A_372 : vector<16xf32>
        tpu.vector_store_idx %arg18[%add3A_276], %exp3A : memref<128xf32, #tpu.memory_space<vmem>>[vector<16xi32>], vector<16xf32>,
        %broadcast_in_dim3A_373 = arith.constant 0 : i32
        %broadcast_in_dim3A_374 = vector.broadcast %broadcast_in_dim3A_373 : i32 to vector<16xi32>
        %broadcast_in_dim3A_375 = arith.constant 16 : i32
        %broadcast_in_dim3A_376 = vector.broadcast %broadcast_in_dim3A_375 : i32 to vector<16xi32>
        %gather3A_377 = tpu.vector_load_idx %arg12[%add3A_276, %broadcast_in_dim3A_376] : memref<128x32xf32, #tpu.memory_space<vmem>>[vector<16xi32>, vector<16xi32>], vector<16xf32>,
        %mul3A_378 = arith.mulf %exp3A, %gather3A_377 : vector<16xf32>
        tpu.vector_store_idx %arg16[%add3A_276, %broadcast_in_dim3A_374], %mul3A_378 : memref<128x16xf32, #tpu.memory_space<vmem>>[vector<16xi32>, vector<16xi32>], vector<16xf32>,
        %broadcast_in_dim3A_379 = arith.constant 1 : i32
        %broadcast_in_dim3A_380 = vector.broadcast %broadcast_in_dim3A_379 : i32 to vector<16xi32>
        %broadcast_in_dim3A_381 = arith.constant 17 : i32
        %broadcast_in_dim3A_382 = vector.broadcast %broadcast_in_dim3A_381 : i32 to vector<16xi32>
        %gather3A_383 = tpu.vector_load_idx %arg12[%add3A_276, %broadcast_in_dim3A_382] : memref<128x32xf32, #tpu.memory_space<vmem>>[vector<16xi32>, vector<16xi32>], vector<16xf32>,
        %mul3A_384 = arith.mulf %exp3A, %gather3A_383 : vector<16xf32>
        tpu.vector_store_idx %arg16[%add3A_276, %broadcast_in_dim3A_380], %mul3A_384 : memref<128x16xf32, #tpu.memory_space<vmem>>[vector<16xi32>, vector<16xi32>], vector<16xf32>,
        %broadcast_in_dim3A_385 = arith.constant 2 : i32
        %broadcast_in_dim3A_386 = vector.broadcast %broadcast_in_dim3A_385 : i32 to vector<16xi32>
        %broadcast_in_dim3A_387 = arith.constant 18 : i32
        %broadcast_in_dim3A_388 = vector.broadcast %broadcast_in_dim3A_387 : i32 to vector<16xi32>
        %gather3A_389 = tpu.vector_load_idx %arg12[%add3A_276, %broadcast_in_dim3A_388] : memref<128x32xf32, #tpu.memory_space<vmem>>[vector<16xi32>, vector<16xi32>], vector<16xf32>,
        %mul3A_390 = arith.mulf %exp3A, %gather3A_389 : vector<16xf32>
        tpu.vector_store_idx %arg16[%add3A_276, %broadcast_in_dim3A_386], %mul3A_390 : memref<128x16xf32, #tpu.memory_space<vmem>>[vector<16xi32>, vector<16xi32>], vector<16xf32>,
        %broadcast_in_dim3A_391 = arith.constant 3 : i32
        %broadcast_in_dim3A_392 = vector.broadcast %broadcast_in_dim3A_391 : i32 to vector<16xi32>
        %broadcast_in_dim3A_393 = arith.constant 19 : i32
        %broadcast_in_dim3A_394 = vector.broadcast %broadcast_in_dim3A_393 : i32 to vector<16xi32>
        %gather3A_395 = tpu.vector_load_idx %arg12[%add3A_276, %broadcast_in_dim3A_394] : memref<128x32xf32, #tpu.memory_space<vmem>>[vector<16xi32>, vector<16xi32>], vector<16xf32>,
        %mul3A_396 = arith.mulf %exp3A, %gather3A_395 : vector<16xf32>
        tpu.vector_store_idx %arg16[%add3A_276, %broadcast_in_dim3A_392], %mul3A_396 : memref<128x16xf32, #tpu.memory_space<vmem>>[vector<16xi32>, vector<16xi32>], vector<16xf32>,
        %broadcast_in_dim3A_397 = arith.constant 4 : i32
        %broadcast_in_dim3A_398 = vector.broadcast %broadcast_in_dim3A_397 : i32 to vector<16xi32>
        %broadcast_in_dim3A_399 = arith.constant 20 : i32
        %broadcast_in_dim3A_400 = vector.broadcast %broadcast_in_dim3A_399 : i32 to vector<16xi32>
        %gather3A_401 = tpu.vector_load_idx %arg12[%add3A_276, %broadcast_in_dim3A_400] : memref<128x32xf32, #tpu.memory_space<vmem>>[vector<16xi32>, vector<16xi32>], vector<16xf32>,
        %mul3A_402 = arith.mulf %exp3A, %gather3A_401 : vector<16xf32>
        tpu.vector_store_idx %arg16[%add3A_276, %broadcast_in_dim3A_398], %mul3A_402 : memref<128x16xf32, #tpu.memory_space<vmem>>[vector<16xi32>, vector<16xi32>], vector<16xf32>,
        %broadcast_in_dim3A_403 = arith.constant 5 : i32
        %broadcast_in_dim3A_404 = vector.broadcast %broadcast_in_dim3A_403 : i32 to vector<16xi32>
        %broadcast_in_dim3A_405 = arith.constant 21 : i32
        %broadcast_in_dim3A_406 = vector.broadcast %broadcast_in_dim3A_405 : i32 to vector<16xi32>
        %gather3A_407 = tpu.vector_load_idx %arg12[%add3A_276, %broadcast_in_dim3A_406] : memref<128x32xf32, #tpu.memory_space<vmem>>[vector<16xi32>, vector<16xi32>], vector<16xf32>,
        %mul3A_408 = arith.mulf %exp3A, %gather3A_407 : vector<16xf32>
        tpu.vector_store_idx %arg16[%add3A_276, %broadcast_in_dim3A_404], %mul3A_408 : memref<128x16xf32, #tpu.memory_space<vmem>>[vector<16xi32>, vector<16xi32>], vector<16xf32>,
        %broadcast_in_dim3A_409 = arith.constant 6 : i32
        %broadcast_in_dim3A_410 = vector.broadcast %broadcast_in_dim3A_409 : i32 to vector<16xi32>
        %broadcast_in_dim3A_411 = arith.constant 22 : i32
        %broadcast_in_dim3A_412 = vector.broadcast %broadcast_in_dim3A_411 : i32 to vector<16xi32>
        %gather3A_413 = tpu.vector_load_idx %arg12[%add3A_276, %broadcast_in_dim3A_412] : memref<128x32xf32, #tpu.memory_space<vmem>>[vector<16xi32>, vector<16xi32>], vector<16xf32>,
        %mul3A_414 = arith.mulf %exp3A, %gather3A_413 : vector<16xf32>
        tpu.vector_store_idx %arg16[%add3A_276, %broadcast_in_dim3A_410], %mul3A_414 : memref<128x16xf32, #tpu.memory_space<vmem>>[vector<16xi32>, vector<16xi32>], vector<16xf32>,
        %broadcast_in_dim3A_415 = arith.constant 7 : i32
        %broadcast_in_dim3A_416 = vector.broadcast %broadcast_in_dim3A_415 : i32 to vector<16xi32>
        %broadcast_in_dim3A_417 = arith.constant 23 : i32
        %broadcast_in_dim3A_418 = vector.broadcast %broadcast_in_dim3A_417 : i32 to vector<16xi32>
        %gather3A_419 = tpu.vector_load_idx %arg12[%add3A_276, %broadcast_in_dim3A_418] : memref<128x32xf32, #tpu.memory_space<vmem>>[vector<16xi32>, vector<16xi32>], vector<16xf32>,
        %mul3A_420 = arith.mulf %exp3A, %gather3A_419 : vector<16xf32>
        tpu.vector_store_idx %arg16[%add3A_276, %broadcast_in_dim3A_416], %mul3A_420 : memref<128x16xf32, #tpu.memory_space<vmem>>[vector<16xi32>, vector<16xi32>], vector<16xf32>,
        %broadcast_in_dim3A_421 = arith.constant 8 : i32
        %broadcast_in_dim3A_422 = vector.broadcast %broadcast_in_dim3A_421 : i32 to vector<16xi32>
        %broadcast_in_dim3A_423 = arith.constant 24 : i32
        %broadcast_in_dim3A_424 = vector.broadcast %broadcast_in_dim3A_423 : i32 to vector<16xi32>
        %gather3A_425 = tpu.vector_load_idx %arg12[%add3A_276, %broadcast_in_dim3A_424] : memref<128x32xf32, #tpu.memory_space<vmem>>[vector<16xi32>, vector<16xi32>], vector<16xf32>,
        %mul3A_426 = arith.mulf %exp3A, %gather3A_425 : vector<16xf32>
        tpu.vector_store_idx %arg16[%add3A_276, %broadcast_in_dim3A_422], %mul3A_426 : memref<128x16xf32, #tpu.memory_space<vmem>>[vector<16xi32>, vector<16xi32>], vector<16xf32>,
        %broadcast_in_dim3A_427 = arith.constant 9 : i32
        %broadcast_in_dim3A_428 = vector.broadcast %broadcast_in_dim3A_427 : i32 to vector<16xi32>
        %broadcast_in_dim3A_429 = arith.constant 25 : i32
        %broadcast_in_dim3A_430 = vector.broadcast %broadcast_in_dim3A_429 : i32 to vector<16xi32>
        %gather3A_431 = tpu.vector_load_idx %arg12[%add3A_276, %broadcast_in_dim3A_430] : memref<128x32xf32, #tpu.memory_space<vmem>>[vector<16xi32>, vector<16xi32>], vector<16xf32>,
        %mul3A_432 = arith.mulf %exp3A, %gather3A_431 : vector<16xf32>
        tpu.vector_store_idx %arg16[%add3A_276, %broadcast_in_dim3A_428], %mul3A_432 : memref<128x16xf32, #tpu.memory_space<vmem>>[vector<16xi32>, vector<16xi32>], vector<16xf32>,
        %broadcast_in_dim3A_433 = arith.constant 10 : i32
        %broadcast_in_dim3A_434 = vector.broadcast %broadcast_in_dim3A_433 : i32 to vector<16xi32>
        %broadcast_in_dim3A_435 = arith.constant 26 : i32
        %broadcast_in_dim3A_436 = vector.broadcast %broadcast_in_dim3A_435 : i32 to vector<16xi32>
        %gather3A_437 = tpu.vector_load_idx %arg12[%add3A_276, %broadcast_in_dim3A_436] : memref<128x32xf32, #tpu.memory_space<vmem>>[vector<16xi32>, vector<16xi32>], vector<16xf32>,
        %mul3A_438 = arith.mulf %exp3A, %gather3A_437 : vector<16xf32>
        tpu.vector_store_idx %arg16[%add3A_276, %broadcast_in_dim3A_434], %mul3A_438 : memref<128x16xf32, #tpu.memory_space<vmem>>[vector<16xi32>, vector<16xi32>], vector<16xf32>,
        %broadcast_in_dim3A_439 = arith.constant 11 : i32
        %broadcast_in_dim3A_440 = vector.broadcast %broadcast_in_dim3A_439 : i32 to vector<16xi32>
        %broadcast_in_dim3A_441 = arith.constant 27 : i32
        %broadcast_in_dim3A_442 = vector.broadcast %broadcast_in_dim3A_441 : i32 to vector<16xi32>
        %gather3A_443 = tpu.vector_load_idx %arg12[%add3A_276, %broadcast_in_dim3A_442] : memref<128x32xf32, #tpu.memory_space<vmem>>[vector<16xi32>, vector<16xi32>], vector<16xf32>,
        %mul3A_444 = arith.mulf %exp3A, %gather3A_443 : vector<16xf32>
        tpu.vector_store_idx %arg16[%add3A_276, %broadcast_in_dim3A_440], %mul3A_444 : memref<128x16xf32, #tpu.memory_space<vmem>>[vector<16xi32>, vector<16xi32>], vector<16xf32>,
        %broadcast_in_dim3A_445 = arith.constant 12 : i32
        %broadcast_in_dim3A_446 = vector.broadcast %broadcast_in_dim3A_445 : i32 to vector<16xi32>
        %broadcast_in_dim3A_447 = arith.constant 28 : i32
        %broadcast_in_dim3A_448 = vector.broadcast %broadcast_in_dim3A_447 : i32 to vector<16xi32>
        %gather3A_449 = tpu.vector_load_idx %arg12[%add3A_276, %broadcast_in_dim3A_448] : memref<128x32xf32, #tpu.memory_space<vmem>>[vector<16xi32>, vector<16xi32>], vector<16xf32>,
        %mul3A_450 = arith.mulf %exp3A, %gather3A_449 : vector<16xf32>
        tpu.vector_store_idx %arg16[%add3A_276, %broadcast_in_dim3A_446], %mul3A_450 : memref<128x16xf32, #tpu.memory_space<vmem>>[vector<16xi32>, vector<16xi32>], vector<16xf32>,
        %broadcast_in_dim3A_451 = arith.constant 13 : i32
        %broadcast_in_dim3A_452 = vector.broadcast %broadcast_in_dim3A_451 : i32 to vector<16xi32>
        %broadcast_in_dim3A_453 = arith.constant 29 : i32
        %broadcast_in_dim3A_454 = vector.broadcast %broadcast_in_dim3A_453 : i32 to vector<16xi32>
        %gather3A_455 = tpu.vector_load_idx %arg12[%add3A_276, %broadcast_in_dim3A_454] : memref<128x32xf32, #tpu.memory_space<vmem>>[vector<16xi32>, vector<16xi32>], vector<16xf32>,
        %mul3A_456 = arith.mulf %exp3A, %gather3A_455 : vector<16xf32>
        tpu.vector_store_idx %arg16[%add3A_276, %broadcast_in_dim3A_452], %mul3A_456 : memref<128x16xf32, #tpu.memory_space<vmem>>[vector<16xi32>, vector<16xi32>], vector<16xf32>,
        %broadcast_in_dim3A_457 = arith.constant 14 : i32
        %broadcast_in_dim3A_458 = vector.broadcast %broadcast_in_dim3A_457 : i32 to vector<16xi32>
        %broadcast_in_dim3A_459 = arith.constant 30 : i32
        %broadcast_in_dim3A_460 = vector.broadcast %broadcast_in_dim3A_459 : i32 to vector<16xi32>
        %gather3A_461 = tpu.vector_load_idx %arg12[%add3A_276, %broadcast_in_dim3A_460] : memref<128x32xf32, #tpu.memory_space<vmem>>[vector<16xi32>, vector<16xi32>], vector<16xf32>,
        %mul3A_462 = arith.mulf %exp3A, %gather3A_461 : vector<16xf32>
        tpu.vector_store_idx %arg16[%add3A_276, %broadcast_in_dim3A_458], %mul3A_462 : memref<128x16xf32, #tpu.memory_space<vmem>>[vector<16xi32>, vector<16xi32>], vector<16xf32>,
        %broadcast_in_dim3A_463 = arith.constant 15 : i32
        %broadcast_in_dim3A_464 = vector.broadcast %broadcast_in_dim3A_463 : i32 to vector<16xi32>
        %broadcast_in_dim3A_465 = arith.constant 31 : i32
        %broadcast_in_dim3A_466 = vector.broadcast %broadcast_in_dim3A_465 : i32 to vector<16xi32>
        %gather3A_467 = tpu.vector_load_idx %arg12[%add3A_276, %broadcast_in_dim3A_466] : memref<128x32xf32, #tpu.memory_space<vmem>>[vector<16xi32>, vector<16xi32>], vector<16xf32>,
        %mul3A_468 = arith.mulf %exp3A, %gather3A_467 : vector<16xf32>
        tpu.vector_store_idx %arg16[%add3A_276, %broadcast_in_dim3A_464], %mul3A_468 : memref<128x16xf32, #tpu.memory_space<vmem>>[vector<16xi32>, vector<16xi32>], vector<16xf32>,
      }
      %scan3A_95 = arith.constant 8 : i32
      %jit3A = arith.constant 8 : i32
      %eq3A = arith.constant 0 : i32
      %eq3A_96 = arith.cmpi eq, %jit3A, %eq3A : i32
      %jit3A_97 = arith.constant 1 : i32
      %select_n3A = arith.select %eq3A_96, %jit3A_97, %jit3A : i32
      %rem3A = arith.remsi %add3A_74, %select_n3A : i32
      %ne3A = arith.constant 0 : i32
      %ne3A_98 = arith.cmpi ne, %rem3A, %ne3A : i32
      %lt3A = arith.constant 0 : i32
      %lt3A_99 = arith.cmpi slt, %rem3A, %lt3A : i32
      %lt3A_100 = arith.constant 0 : i32
      %lt3A_101 = arith.cmpi slt, %select_n3A, %lt3A_100 : i32
      %ne3A_102 = arith.xori %lt3A_99, %lt3A_101 : i1
      %and3A = arith.andi %ne3A_102, %ne3A_98 : i1
      %add3A_103 = arith.addi %rem3A, %select_n3A : i32
      %select_n3A_104 = arith.select %and3A, %add3A_103, %rem3A : i32
      %jit3A_105 = arith.constant 8 : i32
      %div3A = arith.divsi %add3A_74, %jit3A_105 : i32
      %sign3A = arith.constant 0 : i32
      %sign3A_106 = arith.cmpi sgt, %add3A_74, %sign3A : i32
      %sign3A_107 = arith.extui %sign3A_106 : i1 to i32
      %sign3A_108 = arith.constant 0 : i32
      %sign3A_109 = arith.cmpi slt, %add3A_74, %sign3A_108 : i32
      %sign3A_110 = arith.extui %sign3A_109 : i1 to i32
      %sign3A_111 = arith.subi %sign3A_107, %sign3A_110 : i32
      %sign3A_112 = arith.constant 0 : i32
      %sign3A_113 = arith.cmpi sgt, %jit3A_105, %sign3A_112 : i32
      %sign3A_114 = arith.extui %sign3A_113 : i1 to i32
      %sign3A_115 = arith.constant 0 : i32
      %sign3A_116 = arith.cmpi slt, %jit3A_105, %sign3A_115 : i32
      %sign3A_117 = arith.extui %sign3A_116 : i1 to i32
      %sign3A_118 = arith.subi %sign3A_114, %sign3A_117 : i32
      %ne3A_119 = arith.cmpi ne, %sign3A_111, %sign3A_118 : i32
      %rem3A_120 = arith.remsi %add3A_74, %jit3A_105 : i32
      %ne3A_121 = arith.constant 0 : i32
      %ne3A_122 = arith.cmpi ne, %rem3A_120, %ne3A_121 : i32
      %and3A_123 = arith.andi %ne3A_119, %ne3A_122 : i1
      %sub3A = arith.constant 1 : i32
      %sub3A_124 = arith.subi %div3A, %sub3A : i32
      %select_n3A_125 = arith.select %and3A_123, %sub3A_124, %div3A : i32
      %jit3A_126 = arith.constant 2 : i32
      %eq3A_127 = arith.constant 0 : i32
      %eq3A_128 = arith.cmpi eq, %jit3A_126, %eq3A_127 : i32
      %jit3A_129 = arith.constant 1 : i32
      %select_n3A_130 = arith.select %eq3A_128, %jit3A_129, %jit3A_126 : i32
      %rem3A_131 = arith.remsi %select_n3A_125, %select_n3A_130 : i32
      %ne3A_132 = arith.constant 0 : i32
      %ne3A_133 = arith.cmpi ne, %rem3A_131, %ne3A_132 : i32
      %lt3A_134 = arith.constant 0 : i32
      %lt3A_135 = arith.cmpi slt, %rem3A_131, %lt3A_134 : i32
      %lt3A_136 = arith.constant 0 : i32
      %lt3A_137 = arith.cmpi slt, %select_n3A_130, %lt3A_136 : i32
      %ne3A_138 = arith.xori %lt3A_135, %lt3A_137 : i1
      %and3A_139 = arith.andi %ne3A_138, %ne3A_133 : i1
      %add3A_140 = arith.addi %rem3A_131, %select_n3A_130 : i32
      %select_n3A_141 = arith.select %and3A_139, %add3A_140, %rem3A_131 : i32
      %mul3A_142 = arith.constant 8 : i32
      %mul3A_143 = arith.muli %select_n3A_141, %mul3A_142 : i32
      %add3A_144 = arith.addi %select_n3A_104, %mul3A_143 : i32
      %dma_start3A_145 = arith.constant 0 : i32
      %dma_start3A_146 = tpu.memref_slice %arg11[%add3A_144, %dma_start3A_145] : memref<16x128xi32, #tpu.memory_space<vmem>> -> memref<1x128xi32, #tpu.memory_space<vmem>>
      %dma_start3A_147 = tpu.memref_squeeze %dma_start3A_146 : memref<1x128xi32, #tpu.memory_space<vmem>> -> memref<128xi32, #tpu.memory_space<vmem>>
      %dma_start3A_148 = arith.constant 0 : i32
      %dma_start3A_149 = arith.constant 0 : i32
      %dma_start3A_150 = tpu.memref_slice %arg20[%dma_start3A_148, %dma_start3A_149] : memref<100352x16xf32, #tpu.memory_space<vmem_shared>> -> memref<100352x16xf32, #tpu.memory_space<vmem_shared>>
      tpu.enqueue_indirect_dma source(%arg16 : memref<128x16xf32, #tpu.memory_space<vmem>>) target(%dma_start3A_150 : memref<100352x16xf32, #tpu.memory_space<vmem_shared>>) offsets(%dma_start3A_147 : memref<128xi32, #tpu.memory_space<vmem>>) semaphore(%arg24 : memref<!tpu.dma_semaphore, #tpu.memory_space<semaphore_mem>>) {add = true}
      %dma_start3A_151 = arith.constant 0 : i32
      %dma_start3A_152 = tpu.memref_slice %arg11[%add3A_144, %dma_start3A_151] : memref<16x128xi32, #tpu.memory_space<vmem>> -> memref<1x128xi32, #tpu.memory_space<vmem>>
      %dma_start3A_153 = tpu.memref_squeeze %dma_start3A_152 : memref<1x128xi32, #tpu.memory_space<vmem>> -> memref<128xi32, #tpu.memory_space<vmem>>
      %dma_start3A_154 = arith.constant 0 : i32
      %dma_start3A_155 = tpu.memref_slice %arg21[%dma_start3A_154] : memref<100352xf32, #tpu.memory_space<vmem_shared>> -> memref<100352xf32, #tpu.memory_space<vmem_shared>>
      tpu.enqueue_indirect_dma source(%arg18 : memref<128xf32, #tpu.memory_space<vmem>>) target(%dma_start3A_155 : memref<100352xf32, #tpu.memory_space<vmem_shared>>) offsets(%dma_start3A_153 : memref<128xi32, #tpu.memory_space<vmem>>) semaphore(%arg24 : memref<!tpu.dma_semaphore, #tpu.memory_space<semaphore_mem>>) {add = true}
      %add3A_156 = arith.constant 2 : i32
      %add3A_157 = arith.addi %add3A_74, %add3A_156 : i32
      %lt3A_158 = arith.constant 784 : i32
      %lt3A_159 = arith.cmpi slt, %add3A_157, %lt3A_158 : i32
      %convert_element_type3A_160 = arith.extui %lt3A_159 : i1 to i32
      %cond3A_161 = arith.constant 0 : i32
      %cond3A_162 = arith.cmpi ne, %convert_element_type3A_160, %cond3A_161 : i32
      scf.if %cond3A_162 {
        %jit3A_268 = arith.constant 8 : i32
        %eq3A_269 = arith.constant 0 : i32
        %eq3A_270 = arith.cmpi eq, %jit3A_268, %eq3A_269 : i32
        %jit3A_271 = arith.constant 1 : i32
        %select_n3A_272 = arith.select %eq3A_270, %jit3A_271, %jit3A_268 : i32
        %rem3A_273 = arith.remsi %add3A_157, %select_n3A_272 : i32
        %ne3A_274 = arith.constant 0 : i32
        %ne3A_275 = arith.cmpi ne, %rem3A_273, %ne3A_274 : i32
        %lt3A_276 = arith.constant 0 : i32
        %lt3A_277 = arith.cmpi slt, %rem3A_273, %lt3A_276 : i32
        %lt3A_278 = arith.constant 0 : i32
        %lt3A_279 = arith.cmpi slt, %select_n3A_272, %lt3A_278 : i32
        %ne3A_280 = arith.xori %lt3A_277, %lt3A_279 : i1
        %and3A_281 = arith.andi %ne3A_280, %ne3A_275 : i1
        %add3A_282 = arith.addi %rem3A_273, %select_n3A_272 : i32
        %select_n3A_283 = arith.select %and3A_281, %add3A_282, %rem3A_273 : i32
        %eq3A_284 = arith.constant 0 : i32
        %eq3A_285 = arith.cmpi eq, %select_n3A_283, %eq3A_284 : i32
        %convert_element_type3A_286 = arith.extui %eq3A_285 : i1 to i32
        %cond3A_287 = arith.constant 0 : i32
        %cond3A_288 = arith.cmpi ne, %convert_element_type3A_286, %cond3A_287 : i32
        scf.if %cond3A_288 {
          %jit3A_360 = arith.constant 8 : i32
          %div3A_361 = arith.divsi %add3A_157, %jit3A_360 : i32
          %sign3A_362 = arith.constant 0 : i32
          %sign3A_363 = arith.cmpi sgt, %add3A_157, %sign3A_362 : i32
          %sign3A_364 = arith.extui %sign3A_363 : i1 to i32
          %sign3A_365 = arith.constant 0 : i32
          %sign3A_366 = arith.cmpi slt, %add3A_157, %sign3A_365 : i32
          %sign3A_367 = arith.extui %sign3A_366 : i1 to i32
          %sign3A_368 = arith.subi %sign3A_364, %sign3A_367 : i32
          %sign3A_369 = arith.constant 0 : i32
          %sign3A_370 = arith.cmpi sgt, %jit3A_360, %sign3A_369 : i32
          %sign3A_371 = arith.extui %sign3A_370 : i1 to i32
          %sign3A_372 = arith.constant 0 : i32
          %sign3A_373 = arith.cmpi slt, %jit3A_360, %sign3A_372 : i32
          %sign3A_374 = arith.extui %sign3A_373 : i1 to i32
          %sign3A_375 = arith.subi %sign3A_371, %sign3A_374 : i32
          %ne3A_376 = arith.cmpi ne, %sign3A_368, %sign3A_375 : i32
          %rem3A_377 = arith.remsi %add3A_157, %jit3A_360 : i32
          %ne3A_378 = arith.constant 0 : i32
          %ne3A_379 = arith.cmpi ne, %rem3A_377, %ne3A_378 : i32
          %and3A_380 = arith.andi %ne3A_376, %ne3A_379 : i1
          %sub3A_381 = arith.constant 1 : i32
          %sub3A_382 = arith.subi %div3A_361, %sub3A_381 : i32
          %select_n3A_383 = arith.select %and3A_380, %sub3A_382, %div3A_361 : i32
          %jit3A_384 = arith.constant 2 : i32
          %eq3A_385 = arith.constant 0 : i32
          %eq3A_386 = arith.cmpi eq, %jit3A_384, %eq3A_385 : i32
          %jit3A_387 = arith.constant 1 : i32
          %select_n3A_388 = arith.select %eq3A_386, %jit3A_387, %jit3A_384 : i32
          %rem3A_389 = arith.remsi %select_n3A_383, %select_n3A_388 : i32
          %ne3A_390 = arith.constant 0 : i32
          %ne3A_391 = arith.cmpi ne, %rem3A_389, %ne3A_390 : i32
          %lt3A_392 = arith.constant 0 : i32
          %lt3A_393 = arith.cmpi slt, %rem3A_389, %lt3A_392 : i32
          %lt3A_394 = arith.constant 0 : i32
          %lt3A_395 = arith.cmpi slt, %select_n3A_388, %lt3A_394 : i32
          %ne3A_396 = arith.xori %lt3A_393, %lt3A_395 : i1
          %and3A_397 = arith.andi %ne3A_396, %ne3A_391 : i1
          %add3A_398 = arith.addi %rem3A_389, %select_n3A_388 : i32
          %select_n3A_399 = arith.select %and3A_397, %add3A_398, %rem3A_389 : i32
          %mul3A_400 = arith.constant 8 : i32
          %mul3A_401 = arith.muli %select_n3A_399, %mul3A_400 : i32
          %mul3A_402 = arith.constant 8 : i32
          %mul3A_403 = arith.muli %select_n3A_383, %mul3A_402 : i32
          %add3A_404 = arith.addi %mul3A_4, %mul3A_403 : i32
          "tpu.region"() ({
            %run_scoped3A = tpu.sem_alloc : memref<!tpu.dma_semaphore, #tpu.memory_space<semaphore_mem>>
            %dma_start3A_408 = arith.constant 0 : i32
            %dma_start3A_409 = tpu.memref_slice %arg10[%mul3A_401, %dma_start3A_408] : memref<16x128xi32, #tpu.memory_space<vmem>> -> memref<8x128xi32, #tpu.memory_space<vmem>>
            %dma_start3A_410 = arith.constant 0 : i32
            %dma_start3A_411 = tpu.memref_slice %arg4[%add3A_404, %dma_start3A_410] : memref<25088x128xi32, #tpu.memory_space<hbm>> -> memref<8x128xi32, #tpu.memory_space<hbm>>
            %dma_start3A_412 = arith.constant 0 : i32
            %dma_start3A_413 = tpu.memref_slice %arg10[%mul3A_401, %dma_start3A_412] : memref<16x128xi32, #tpu.memory_space<vmem>> -> memref<8x128xi32, #tpu.memory_space<vmem>>
            %dma_start3A_414 = arith.constant 0 : i32
            %dma_start3A_415 = tpu.memref_slice %arg4[%add3A_404, %dma_start3A_414] : memref<25088x128xi32, #tpu.memory_space<hbm>> -> memref<8x128xi32, #tpu.memory_space<hbm>>
            tpu.enqueue_dma source(%dma_start3A_415 : memref<8x128xi32, #tpu.memory_space<hbm>>) target(%dma_start3A_413 : memref<8x128xi32, #tpu.memory_space<vmem>>) target_semaphore(%run_scoped3A : memref<!tpu.dma_semaphore, #tpu.memory_space<semaphore_mem>>)
            %dma_wait3A_416 = arith.constant 0 : i32
            %dma_wait3A_417 = tpu.memref_slice %arg10[%mul3A_401, %dma_wait3A_416] : memref<16x128xi32, #tpu.memory_space<vmem>> -> memref<8x128xi32, #tpu.memory_space<vmem>>
            %dma_wait3A_418 = arith.constant 0 : i32
            %dma_wait3A_419 = tpu.memref_slice %arg4[%add3A_404, %dma_wait3A_418] : memref<25088x128xi32, #tpu.memory_space<hbm>> -> memref<8x128xi32, #tpu.memory_space<hbm>>
            %dma_wait3A_420 = arith.constant 0 : i32
            %dma_wait3A_421 = tpu.memref_slice %arg10[%mul3A_401, %dma_wait3A_420] : memref<16x128xi32, #tpu.memory_space<vmem>> -> memref<8x128xi32, #tpu.memory_space<vmem>>
            %dma_wait3A_422 = arith.constant 0 : i32
            %dma_wait3A_423 = tpu.memref_slice %arg4[%add3A_404, %dma_wait3A_422] : memref<25088x128xi32, #tpu.memory_space<hbm>> -> memref<8x128xi32, #tpu.memory_space<hbm>>
            tpu.wait_dma2 semaphore(%run_scoped3A : memref<!tpu.dma_semaphore, #tpu.memory_space<semaphore_mem>>) src(%dma_wait3A_423 : memref<8x128xi32, #tpu.memory_space<hbm>>) dst(%dma_wait3A_421 : memref<8x128xi32, #tpu.memory_space<vmem>>)
            tpu.yield
          }) : () -> ()
          %mul3A_405 = arith.constant 8 : i32
          %mul3A_406 = arith.muli %select_n3A_383, %mul3A_405 : i32
          %add3A_407 = arith.addi %mul3A_4, %mul3A_406 : i32
          "tpu.region"() ({
            %run_scoped3A = tpu.sem_alloc : memref<!tpu.dma_semaphore, #tpu.memory_space<semaphore_mem>>
            %dma_start3A_408 = arith.constant 0 : i32
            %dma_start3A_409 = tpu.memref_slice %arg11[%mul3A_401, %dma_start3A_408] : memref<16x128xi32, #tpu.memory_space<vmem>> -> memref<8x128xi32, #tpu.memory_space<vmem>>
            %dma_start3A_410 = arith.constant 0 : i32
            %dma_start3A_411 = tpu.memref_slice %arg5[%add3A_407, %dma_start3A_410] : memref<25088x128xi32, #tpu.memory_space<hbm>> -> memref<8x128xi32, #tpu.memory_space<hbm>>
            %dma_start3A_412 = arith.constant 0 : i32
            %dma_start3A_413 = tpu.memref_slice %arg11[%mul3A_401, %dma_start3A_412] : memref<16x128xi32, #tpu.memory_space<vmem>> -> memref<8x128xi32, #tpu.memory_space<vmem>>
            %dma_start3A_414 = arith.constant 0 : i32
            %dma_start3A_415 = tpu.memref_slice %arg5[%add3A_407, %dma_start3A_414] : memref<25088x128xi32, #tpu.memory_space<hbm>> -> memref<8x128xi32, #tpu.memory_space<hbm>>
            tpu.enqueue_dma source(%dma_start3A_415 : memref<8x128xi32, #tpu.memory_space<hbm>>) target(%dma_start3A_413 : memref<8x128xi32, #tpu.memory_space<vmem>>) target_semaphore(%run_scoped3A : memref<!tpu.dma_semaphore, #tpu.memory_space<semaphore_mem>>)
            %dma_wait3A_416 = arith.constant 0 : i32
            %dma_wait3A_417 = tpu.memref_slice %arg11[%mul3A_401, %dma_wait3A_416] : memref<16x128xi32, #tpu.memory_space<vmem>> -> memref<8x128xi32, #tpu.memory_space<vmem>>
            %dma_wait3A_418 = arith.constant 0 : i32
            %dma_wait3A_419 = tpu.memref_slice %arg5[%add3A_407, %dma_wait3A_418] : memref<25088x128xi32, #tpu.memory_space<hbm>> -> memref<8x128xi32, #tpu.memory_space<hbm>>
            %dma_wait3A_420 = arith.constant 0 : i32
            %dma_wait3A_421 = tpu.memref_slice %arg11[%mul3A_401, %dma_wait3A_420] : memref<16x128xi32, #tpu.memory_space<vmem>> -> memref<8x128xi32, #tpu.memory_space<vmem>>
            %dma_wait3A_422 = arith.constant 0 : i32
            %dma_wait3A_423 = tpu.memref_slice %arg5[%add3A_407, %dma_wait3A_422] : memref<25088x128xi32, #tpu.memory_space<hbm>> -> memref<8x128xi32, #tpu.memory_space<hbm>>
            tpu.wait_dma2 semaphore(%run_scoped3A : memref<!tpu.dma_semaphore, #tpu.memory_space<semaphore_mem>>) src(%dma_wait3A_423 : memref<8x128xi32, #tpu.memory_space<hbm>>) dst(%dma_wait3A_421 : memref<8x128xi32, #tpu.memory_space<vmem>>)
            tpu.yield
          }) : () -> ()
        } else {
        }
        %jit3A_289 = arith.constant 8 : i32
        %eq3A_290 = arith.constant 0 : i32
        %eq3A_291 = arith.cmpi eq, %jit3A_289, %eq3A_290 : i32
        %jit3A_292 = arith.constant 1 : i32
        %select_n3A_293 = arith.select %eq3A_291, %jit3A_292, %jit3A_289 : i32
        %rem3A_294 = arith.remsi %add3A_157, %select_n3A_293 : i32
        %ne3A_295 = arith.constant 0 : i32
        %ne3A_296 = arith.cmpi ne, %rem3A_294, %ne3A_295 : i32
        %lt3A_297 = arith.constant 0 : i32
        %lt3A_298 = arith.cmpi slt, %rem3A_294, %lt3A_297 : i32
        %lt3A_299 = arith.constant 0 : i32
        %lt3A_300 = arith.cmpi slt, %select_n3A_293, %lt3A_299 : i32
        %ne3A_301 = arith.xori %lt3A_298, %lt3A_300 : i1
        %and3A_302 = arith.andi %ne3A_301, %ne3A_296 : i1
        %add3A_303 = arith.addi %rem3A_294, %select_n3A_293 : i32
        %select_n3A_304 = arith.select %and3A_302, %add3A_303, %rem3A_294 : i32
        %jit3A_305 = arith.constant 8 : i32
        %div3A_306 = arith.divsi %add3A_157, %jit3A_305 : i32
        %sign3A_307 = arith.constant 0 : i32
        %sign3A_308 = arith.cmpi sgt, %add3A_157, %sign3A_307 : i32
        %sign3A_309 = arith.extui %sign3A_308 : i1 to i32
        %sign3A_310 = arith.constant 0 : i32
        %sign3A_311 = arith.cmpi slt, %add3A_157, %sign3A_310 : i32
        %sign3A_312 = arith.extui %sign3A_311 : i1 to i32
        %sign3A_313 = arith.subi %sign3A_309, %sign3A_312 : i32
        %sign3A_314 = arith.constant 0 : i32
        %sign3A_315 = arith.cmpi sgt, %jit3A_305, %sign3A_314 : i32
        %sign3A_316 = arith.extui %sign3A_315 : i1 to i32
        %sign3A_317 = arith.constant 0 : i32
        %sign3A_318 = arith.cmpi slt, %jit3A_305, %sign3A_317 : i32
        %sign3A_319 = arith.extui %sign3A_318 : i1 to i32
        %sign3A_320 = arith.subi %sign3A_316, %sign3A_319 : i32
        %ne3A_321 = arith.cmpi ne, %sign3A_313, %sign3A_320 : i32
        %rem3A_322 = arith.remsi %add3A_157, %jit3A_305 : i32
        %ne3A_323 = arith.constant 0 : i32
        %ne3A_324 = arith.cmpi ne, %rem3A_322, %ne3A_323 : i32
        %and3A_325 = arith.andi %ne3A_321, %ne3A_324 : i1
        %sub3A_326 = arith.constant 1 : i32
        %sub3A_327 = arith.subi %div3A_306, %sub3A_326 : i32
        %select_n3A_328 = arith.select %and3A_325, %sub3A_327, %div3A_306 : i32
        %jit3A_329 = arith.constant 2 : i32
        %eq3A_330 = arith.constant 0 : i32
        %eq3A_331 = arith.cmpi eq, %jit3A_329, %eq3A_330 : i32
        %jit3A_332 = arith.constant 1 : i32
        %select_n3A_333 = arith.select %eq3A_331, %jit3A_332, %jit3A_329 : i32
        %rem3A_334 = arith.remsi %select_n3A_328, %select_n3A_333 : i32
        %ne3A_335 = arith.constant 0 : i32
        %ne3A_336 = arith.cmpi ne, %rem3A_334, %ne3A_335 : i32
        %lt3A_337 = arith.constant 0 : i32
        %lt3A_338 = arith.cmpi slt, %rem3A_334, %lt3A_337 : i32
        %lt3A_339 = arith.constant 0 : i32
        %lt3A_340 = arith.cmpi slt, %select_n3A_333, %lt3A_339 : i32
        %ne3A_341 = arith.xori %lt3A_338, %lt3A_340 : i1
        %and3A_342 = arith.andi %ne3A_341, %ne3A_336 : i1
        %add3A_343 = arith.addi %rem3A_334, %select_n3A_333 : i32
        %select_n3A_344 = arith.select %and3A_342, %add3A_343, %rem3A_334 : i32
        %mul3A_345 = arith.constant 8 : i32
        %mul3A_346 = arith.muli %select_n3A_344, %mul3A_345 : i32
        %add3A_347 = arith.addi %select_n3A_304, %mul3A_346 : i32
        %dma_start3A_348 = arith.constant 0 : i32
        %dma_start3A_349 = tpu.memref_slice %arg10[%add3A_347, %dma_start3A_348] : memref<16x128xi32, #tpu.memory_space<vmem>> -> memref<1x128xi32, #tpu.memory_space<vmem>>
        %dma_start3A_350 = tpu.memref_squeeze %dma_start3A_349 : memref<1x128xi32, #tpu.memory_space<vmem>> -> memref<128xi32, #tpu.memory_space<vmem>>
        %dma_start3A_351 = arith.constant 0 : i32
        %dma_start3A_352 = arith.constant 0 : i32
        %dma_start3A_353 = tpu.memref_slice %arg2[%dma_start3A_351, %dma_start3A_352] : memref<100352x32xf32, #tpu.memory_space<hbm>> -> memref<100352x32xf32, #tpu.memory_space<hbm>>
        tpu.enqueue_indirect_dma source(%dma_start3A_353 : memref<100352x32xf32, #tpu.memory_space<hbm>>) target(%arg12 : memref<128x32xf32, #tpu.memory_space<vmem>>) offsets(%dma_start3A_350 : memref<128xi32, #tpu.memory_space<vmem>>) semaphore(%arg22 : memref<!tpu.dma_semaphore, #tpu.memory_space<semaphore_mem>>)
        %dma_start3A_354 = arith.constant 0 : i32
        %dma_start3A_355 = tpu.memref_slice %arg11[%add3A_347, %dma_start3A_354] : memref<16x128xi32, #tpu.memory_space<vmem>> -> memref<1x128xi32, #tpu.memory_space<vmem>>
        %dma_start3A_356 = tpu.memref_squeeze %dma_start3A_355 : memref<1x128xi32, #tpu.memory_space<vmem>> -> memref<128xi32, #tpu.memory_space<vmem>>
        %dma_start3A_357 = arith.constant 0 : i32
        %dma_start3A_358 = arith.constant 0 : i32
        %dma_start3A_359 = tpu.memref_slice %arg3[%dma_start3A_357, %dma_start3A_358] : memref<100352x16xf32, #tpu.memory_space<hbm>> -> memref<100352x16xf32, #tpu.memory_space<hbm>>
        tpu.enqueue_indirect_dma source(%dma_start3A_359 : memref<100352x16xf32, #tpu.memory_space<hbm>>) target(%arg14 : memref<128x16xf32, #tpu.memory_space<vmem>>) offsets(%dma_start3A_356 : memref<128xi32, #tpu.memory_space<vmem>>) semaphore(%arg22 : memref<!tpu.dma_semaphore, #tpu.memory_space<semaphore_mem>>)
      } else {
      }
      %mul3A_163 = arith.constant 2 : i32
      %mul3A_164 = arith.muli %add3A_70, %mul3A_163 : i32
      %add3A_165 = arith.constant 1 : i32
      %add3A_166 = arith.addi %mul3A_164, %add3A_165 : i32
      %dma_wait3A_167 = arith.constant 0 : i32
      %dma_wait3A_168 = arith.constant 0 : i32
      %dma_wait3A_169 = tpu.memref_slice %arg10[%dma_wait3A_167, %dma_wait3A_168] : memref<16x128xi32, #tpu.memory_space<vmem>> -> memref<1x128xi32, #tpu.memory_space<vmem>>
      %dma_wait3A_170 = tpu.memref_squeeze %dma_wait3A_169 : memref<1x128xi32, #tpu.memory_space<vmem>> -> memref<128xi32, #tpu.memory_space<vmem>>
      %dma_wait3A_171 = arith.constant 0 : i32
      %dma_wait3A_172 = arith.constant 0 : i32
      %dma_wait3A_173 = tpu.memref_slice %arg2[%dma_wait3A_171, %dma_wait3A_172] : memref<100352x32xf32, #tpu.memory_space<hbm>> -> memref<100352x32xf32, #tpu.memory_space<hbm>>
      tpu.wait_indirect_dma semaphore(%arg23 : memref<!tpu.dma_semaphore, #tpu.memory_space<semaphore_mem>>) src(%dma_wait3A_173 : memref<100352x32xf32, #tpu.memory_space<hbm>>) dst(%arg13 : memref<128x32xf32, #tpu.memory_space<vmem>>)
      %dma_wait3A_174 = arith.constant 0 : i32
      %dma_wait3A_175 = arith.constant 0 : i32
      %dma_wait3A_176 = tpu.memref_slice %arg11[%dma_wait3A_174, %dma_wait3A_175] : memref<16x128xi32, #tpu.memory_space<vmem>> -> memref<1x128xi32, #tpu.memory_space<vmem>>
      %dma_wait3A_177 = tpu.memref_squeeze %dma_wait3A_176 : memref<1x128xi32, #tpu.memory_space<vmem>> -> memref<128xi32, #tpu.memory_space<vmem>>
      %dma_wait3A_178 = arith.constant 0 : i32
      %dma_wait3A_179 = arith.constant 0 : i32
      %dma_wait3A_180 = tpu.memref_slice %arg3[%dma_wait3A_178, %dma_wait3A_179] : memref<100352x16xf32, #tpu.memory_space<hbm>> -> memref<100352x16xf32, #tpu.memory_space<hbm>>
      tpu.wait_indirect_dma semaphore(%arg23 : memref<!tpu.dma_semaphore, #tpu.memory_space<semaphore_mem>>) src(%dma_wait3A_180 : memref<100352x16xf32, #tpu.memory_space<hbm>>) dst(%arg15 : memref<128x16xf32, #tpu.memory_space<vmem>>)
      %gt3A_181 = arith.constant 0 : i32
      %gt3A_182 = arith.cmpi sgt, %add3A_70, %gt3A_181 : i32
      %convert_element_type3A_183 = arith.extui %gt3A_182 : i1 to i32
      %cond3A_184 = arith.constant 0 : i32
      %cond3A_185 = arith.cmpi ne, %convert_element_type3A_183, %cond3A_184 : i32
      scf.if %cond3A_185 {
        %dma_wait3A_268 = arith.constant 0 : i32
        %dma_wait3A_269 = arith.constant 0 : i32
        %dma_wait3A_270 = tpu.memref_slice %arg11[%dma_wait3A_268, %dma_wait3A_269] : memref<16x128xi32, #tpu.memory_space<vmem>> -> memref<1x128xi32, #tpu.memory_space<vmem>>
        %dma_wait3A_271 = tpu.memref_squeeze %dma_wait3A_270 : memref<1x128xi32, #tpu.memory_space<vmem>> -> memref<128xi32, #tpu.memory_space<vmem>>
        %dma_wait3A_272 = arith.constant 0 : i32
        %dma_wait3A_273 = arith.constant 0 : i32
        %dma_wait3A_274 = tpu.memref_slice %arg20[%dma_wait3A_272, %dma_wait3A_273] : memref<100352x16xf32, #tpu.memory_space<vmem_shared>> -> memref<100352x16xf32, #tpu.memory_space<vmem_shared>>
        tpu.wait_indirect_dma semaphore(%arg25 : memref<!tpu.dma_semaphore, #tpu.memory_space<semaphore_mem>>) src(%arg17 : memref<128x16xf32, #tpu.memory_space<vmem>>) dst(%dma_wait3A_274 : memref<100352x16xf32, #tpu.memory_space<vmem_shared>>)
        %dma_wait3A_275 = arith.constant 0 : i32
        %dma_wait3A_276 = arith.constant 0 : i32
        %dma_wait3A_277 = tpu.memref_slice %arg11[%dma_wait3A_275, %dma_wait3A_276] : memref<16x128xi32, #tpu.memory_space<vmem>> -> memref<1x128xi32, #tpu.memory_space<vmem>>
        %dma_wait3A_278 = tpu.memref_squeeze %dma_wait3A_277 : memref<1x128xi32, #tpu.memory_space<vmem>> -> memref<128xi32, #tpu.memory_space<vmem>>
        %dma_wait3A_279 = arith.constant 0 : i32
        %dma_wait3A_280 = tpu.memref_slice %arg21[%dma_wait3A_279] : memref<100352xf32, #tpu.memory_space<vmem_shared>> -> memref<100352xf32, #tpu.memory_space<vmem_shared>>
        tpu.wait_indirect_dma semaphore(%arg25 : memref<!tpu.dma_semaphore, #tpu.memory_space<semaphore_mem>>) src(%arg19 : memref<128xf32, #tpu.memory_space<vmem>>) dst(%dma_wait3A_280 : memref<100352xf32, #tpu.memory_space<vmem_shared>>)
      } else {
      }
      %scan3A_186 = arith.constant 0 : i32
      %scan3A_187 = arith.constant 8 : i32
      %scan3A_188 = arith.addi %scan3A_186, %scan3A_187 : i32
      %scan3A_189 = arith.constant 1 : i32
      scf.for %scan3A_268 = %scan3A_186 to %scan3A_188 step %scan3A_189  : i32 {
        %mul3A_269 = arith.constant 1 : i32
        %mul3A_270 = arith.muli %scan3A_268, %mul3A_269 : i32
        %add3A_271 = arith.constant 0 : i32
        %add3A_272 = arith.addi %add3A_271, %mul3A_270 : i32
        %mul3A_273 = arith.constant 16 : i32
        %mul3A_274 = arith.muli %add3A_272, %mul3A_273 : i32
        %add3A_275 = vector.broadcast %mul3A_274 : i32 to vector<16xi32>
        %add3A_276 = arith.addi %add3A_275, %iota3A : vector<16xi32>
        %broadcast_in_dim3A = arith.constant 0.000000e+00 : f32
        %broadcast_in_dim3A_277 = vector.broadcast %broadcast_in_dim3A : f32 to vector<16xf32>
        %broadcast_in_dim3A_278 = arith.constant 0 : i32
        %broadcast_in_dim3A_279 = vector.broadcast %broadcast_in_dim3A_278 : i32 to vector<16xi32>
        %gather3A = tpu.vector_load_idx %arg13[%add3A_276, %broadcast_in_dim3A_279] : memref<128x32xf32, #tpu.memory_space<vmem>>[vector<16xi32>, vector<16xi32>], vector<16xf32>,
        %gather3A_280 = tpu.vector_load_idx %arg15[%add3A_276, %broadcast_in_dim3A_279] : memref<128x16xf32, #tpu.memory_space<vmem>>[vector<16xi32>, vector<16xi32>], vector<16xf32>,
        %mul3A_281 = arith.mulf %gather3A, %gather3A_280 : vector<16xf32>
        %add3A_282 = arith.addf %broadcast_in_dim3A_277, %mul3A_281 : vector<16xf32>
        %broadcast_in_dim3A_283 = arith.constant 1 : i32
        %broadcast_in_dim3A_284 = vector.broadcast %broadcast_in_dim3A_283 : i32 to vector<16xi32>
        %gather3A_285 = tpu.vector_load_idx %arg13[%add3A_276, %broadcast_in_dim3A_284] : memref<128x32xf32, #tpu.memory_space<vmem>>[vector<16xi32>, vector<16xi32>], vector<16xf32>,
        %gather3A_286 = tpu.vector_load_idx %arg15[%add3A_276, %broadcast_in_dim3A_284] : memref<128x16xf32, #tpu.memory_space<vmem>>[vector<16xi32>, vector<16xi32>], vector<16xf32>,
        %mul3A_287 = arith.mulf %gather3A_285, %gather3A_286 : vector<16xf32>
        %add3A_288 = arith.addf %add3A_282, %mul3A_287 : vector<16xf32>
        %broadcast_in_dim3A_289 = arith.constant 2 : i32
        %broadcast_in_dim3A_290 = vector.broadcast %broadcast_in_dim3A_289 : i32 to vector<16xi32>
        %gather3A_291 = tpu.vector_load_idx %arg13[%add3A_276, %broadcast_in_dim3A_290] : memref<128x32xf32, #tpu.memory_space<vmem>>[vector<16xi32>, vector<16xi32>], vector<16xf32>,
        %gather3A_292 = tpu.vector_load_idx %arg15[%add3A_276, %broadcast_in_dim3A_290] : memref<128x16xf32, #tpu.memory_space<vmem>>[vector<16xi32>, vector<16xi32>], vector<16xf32>,
        %mul3A_293 = arith.mulf %gather3A_291, %gather3A_292 : vector<16xf32>
        %add3A_294 = arith.addf %add3A_288, %mul3A_293 : vector<16xf32>
        %broadcast_in_dim3A_295 = arith.constant 3 : i32
        %broadcast_in_dim3A_296 = vector.broadcast %broadcast_in_dim3A_295 : i32 to vector<16xi32>
        %gather3A_297 = tpu.vector_load_idx %arg13[%add3A_276, %broadcast_in_dim3A_296] : memref<128x32xf32, #tpu.memory_space<vmem>>[vector<16xi32>, vector<16xi32>], vector<16xf32>,
        %gather3A_298 = tpu.vector_load_idx %arg15[%add3A_276, %broadcast_in_dim3A_296] : memref<128x16xf32, #tpu.memory_space<vmem>>[vector<16xi32>, vector<16xi32>], vector<16xf32>,
        %mul3A_299 = arith.mulf %gather3A_297, %gather3A_298 : vector<16xf32>
        %add3A_300 = arith.addf %add3A_294, %mul3A_299 : vector<16xf32>
        %broadcast_in_dim3A_301 = arith.constant 4 : i32
        %broadcast_in_dim3A_302 = vector.broadcast %broadcast_in_dim3A_301 : i32 to vector<16xi32>
        %gather3A_303 = tpu.vector_load_idx %arg13[%add3A_276, %broadcast_in_dim3A_302] : memref<128x32xf32, #tpu.memory_space<vmem>>[vector<16xi32>, vector<16xi32>], vector<16xf32>,
        %gather3A_304 = tpu.vector_load_idx %arg15[%add3A_276, %broadcast_in_dim3A_302] : memref<128x16xf32, #tpu.memory_space<vmem>>[vector<16xi32>, vector<16xi32>], vector<16xf32>,
        %mul3A_305 = arith.mulf %gather3A_303, %gather3A_304 : vector<16xf32>
        %add3A_306 = arith.addf %add3A_300, %mul3A_305 : vector<16xf32>
        %broadcast_in_dim3A_307 = arith.constant 5 : i32
        %broadcast_in_dim3A_308 = vector.broadcast %broadcast_in_dim3A_307 : i32 to vector<16xi32>
        %gather3A_309 = tpu.vector_load_idx %arg13[%add3A_276, %broadcast_in_dim3A_308] : memref<128x32xf32, #tpu.memory_space<vmem>>[vector<16xi32>, vector<16xi32>], vector<16xf32>,
        %gather3A_310 = tpu.vector_load_idx %arg15[%add3A_276, %broadcast_in_dim3A_308] : memref<128x16xf32, #tpu.memory_space<vmem>>[vector<16xi32>, vector<16xi32>], vector<16xf32>,
        %mul3A_311 = arith.mulf %gather3A_309, %gather3A_310 : vector<16xf32>
        %add3A_312 = arith.addf %add3A_306, %mul3A_311 : vector<16xf32>
        %broadcast_in_dim3A_313 = arith.constant 6 : i32
        %broadcast_in_dim3A_314 = vector.broadcast %broadcast_in_dim3A_313 : i32 to vector<16xi32>
        %gather3A_315 = tpu.vector_load_idx %arg13[%add3A_276, %broadcast_in_dim3A_314] : memref<128x32xf32, #tpu.memory_space<vmem>>[vector<16xi32>, vector<16xi32>], vector<16xf32>,
        %gather3A_316 = tpu.vector_load_idx %arg15[%add3A_276, %broadcast_in_dim3A_314] : memref<128x16xf32, #tpu.memory_space<vmem>>[vector<16xi32>, vector<16xi32>], vector<16xf32>,
        %mul3A_317 = arith.mulf %gather3A_315, %gather3A_316 : vector<16xf32>
        %add3A_318 = arith.addf %add3A_312, %mul3A_317 : vector<16xf32>
        %broadcast_in_dim3A_319 = arith.constant 7 : i32
        %broadcast_in_dim3A_320 = vector.broadcast %broadcast_in_dim3A_319 : i32 to vector<16xi32>
        %gather3A_321 = tpu.vector_load_idx %arg13[%add3A_276, %broadcast_in_dim3A_320] : memref<128x32xf32, #tpu.memory_space<vmem>>[vector<16xi32>, vector<16xi32>], vector<16xf32>,
        %gather3A_322 = tpu.vector_load_idx %arg15[%add3A_276, %broadcast_in_dim3A_320] : memref<128x16xf32, #tpu.memory_space<vmem>>[vector<16xi32>, vector<16xi32>], vector<16xf32>,
        %mul3A_323 = arith.mulf %gather3A_321, %gather3A_322 : vector<16xf32>
        %add3A_324 = arith.addf %add3A_318, %mul3A_323 : vector<16xf32>
        %broadcast_in_dim3A_325 = arith.constant 8 : i32
        %broadcast_in_dim3A_326 = vector.broadcast %broadcast_in_dim3A_325 : i32 to vector<16xi32>
        %gather3A_327 = tpu.vector_load_idx %arg13[%add3A_276, %broadcast_in_dim3A_326] : memref<128x32xf32, #tpu.memory_space<vmem>>[vector<16xi32>, vector<16xi32>], vector<16xf32>,
        %gather3A_328 = tpu.vector_load_idx %arg15[%add3A_276, %broadcast_in_dim3A_326] : memref<128x16xf32, #tpu.memory_space<vmem>>[vector<16xi32>, vector<16xi32>], vector<16xf32>,
        %mul3A_329 = arith.mulf %gather3A_327, %gather3A_328 : vector<16xf32>
        %add3A_330 = arith.addf %add3A_324, %mul3A_329 : vector<16xf32>
        %broadcast_in_dim3A_331 = arith.constant 9 : i32
        %broadcast_in_dim3A_332 = vector.broadcast %broadcast_in_dim3A_331 : i32 to vector<16xi32>
        %gather3A_333 = tpu.vector_load_idx %arg13[%add3A_276, %broadcast_in_dim3A_332] : memref<128x32xf32, #tpu.memory_space<vmem>>[vector<16xi32>, vector<16xi32>], vector<16xf32>,
        %gather3A_334 = tpu.vector_load_idx %arg15[%add3A_276, %broadcast_in_dim3A_332] : memref<128x16xf32, #tpu.memory_space<vmem>>[vector<16xi32>, vector<16xi32>], vector<16xf32>,
        %mul3A_335 = arith.mulf %gather3A_333, %gather3A_334 : vector<16xf32>
        %add3A_336 = arith.addf %add3A_330, %mul3A_335 : vector<16xf32>
        %broadcast_in_dim3A_337 = arith.constant 10 : i32
        %broadcast_in_dim3A_338 = vector.broadcast %broadcast_in_dim3A_337 : i32 to vector<16xi32>
        %gather3A_339 = tpu.vector_load_idx %arg13[%add3A_276, %broadcast_in_dim3A_338] : memref<128x32xf32, #tpu.memory_space<vmem>>[vector<16xi32>, vector<16xi32>], vector<16xf32>,
        %gather3A_340 = tpu.vector_load_idx %arg15[%add3A_276, %broadcast_in_dim3A_338] : memref<128x16xf32, #tpu.memory_space<vmem>>[vector<16xi32>, vector<16xi32>], vector<16xf32>,
        %mul3A_341 = arith.mulf %gather3A_339, %gather3A_340 : vector<16xf32>
        %add3A_342 = arith.addf %add3A_336, %mul3A_341 : vector<16xf32>
        %broadcast_in_dim3A_343 = arith.constant 11 : i32
        %broadcast_in_dim3A_344 = vector.broadcast %broadcast_in_dim3A_343 : i32 to vector<16xi32>
        %gather3A_345 = tpu.vector_load_idx %arg13[%add3A_276, %broadcast_in_dim3A_344] : memref<128x32xf32, #tpu.memory_space<vmem>>[vector<16xi32>, vector<16xi32>], vector<16xf32>,
        %gather3A_346 = tpu.vector_load_idx %arg15[%add3A_276, %broadcast_in_dim3A_344] : memref<128x16xf32, #tpu.memory_space<vmem>>[vector<16xi32>, vector<16xi32>], vector<16xf32>,
        %mul3A_347 = arith.mulf %gather3A_345, %gather3A_346 : vector<16xf32>
        %add3A_348 = arith.addf %add3A_342, %mul3A_347 : vector<16xf32>
        %broadcast_in_dim3A_349 = arith.constant 12 : i32
        %broadcast_in_dim3A_350 = vector.broadcast %broadcast_in_dim3A_349 : i32 to vector<16xi32>
        %gather3A_351 = tpu.vector_load_idx %arg13[%add3A_276, %broadcast_in_dim3A_350] : memref<128x32xf32, #tpu.memory_space<vmem>>[vector<16xi32>, vector<16xi32>], vector<16xf32>,
        %gather3A_352 = tpu.vector_load_idx %arg15[%add3A_276, %broadcast_in_dim3A_350] : memref<128x16xf32, #tpu.memory_space<vmem>>[vector<16xi32>, vector<16xi32>], vector<16xf32>,
        %mul3A_353 = arith.mulf %gather3A_351, %gather3A_352 : vector<16xf32>
        %add3A_354 = arith.addf %add3A_348, %mul3A_353 : vector<16xf32>
        %broadcast_in_dim3A_355 = arith.constant 13 : i32
        %broadcast_in_dim3A_356 = vector.broadcast %broadcast_in_dim3A_355 : i32 to vector<16xi32>
        %gather3A_357 = tpu.vector_load_idx %arg13[%add3A_276, %broadcast_in_dim3A_356] : memref<128x32xf32, #tpu.memory_space<vmem>>[vector<16xi32>, vector<16xi32>], vector<16xf32>,
        %gather3A_358 = tpu.vector_load_idx %arg15[%add3A_276, %broadcast_in_dim3A_356] : memref<128x16xf32, #tpu.memory_space<vmem>>[vector<16xi32>, vector<16xi32>], vector<16xf32>,
        %mul3A_359 = arith.mulf %gather3A_357, %gather3A_358 : vector<16xf32>
        %add3A_360 = arith.addf %add3A_354, %mul3A_359 : vector<16xf32>
        %broadcast_in_dim3A_361 = arith.constant 14 : i32
        %broadcast_in_dim3A_362 = vector.broadcast %broadcast_in_dim3A_361 : i32 to vector<16xi32>
        %gather3A_363 = tpu.vector_load_idx %arg13[%add3A_276, %broadcast_in_dim3A_362] : memref<128x32xf32, #tpu.memory_space<vmem>>[vector<16xi32>, vector<16xi32>], vector<16xf32>,
        %gather3A_364 = tpu.vector_load_idx %arg15[%add3A_276, %broadcast_in_dim3A_362] : memref<128x16xf32, #tpu.memory_space<vmem>>[vector<16xi32>, vector<16xi32>], vector<16xf32>,
        %mul3A_365 = arith.mulf %gather3A_363, %gather3A_364 : vector<16xf32>
        %add3A_366 = arith.addf %add3A_360, %mul3A_365 : vector<16xf32>
        %broadcast_in_dim3A_367 = arith.constant 15 : i32
        %broadcast_in_dim3A_368 = vector.broadcast %broadcast_in_dim3A_367 : i32 to vector<16xi32>
        %gather3A_369 = tpu.vector_load_idx %arg13[%add3A_276, %broadcast_in_dim3A_368] : memref<128x32xf32, #tpu.memory_space<vmem>>[vector<16xi32>, vector<16xi32>], vector<16xf32>,
        %gather3A_370 = tpu.vector_load_idx %arg15[%add3A_276, %broadcast_in_dim3A_368] : memref<128x16xf32, #tpu.memory_space<vmem>>[vector<16xi32>, vector<16xi32>], vector<16xf32>,
        %mul3A_371 = arith.mulf %gather3A_369, %gather3A_370 : vector<16xf32>
        %add3A_372 = arith.addf %add3A_366, %mul3A_371 : vector<16xf32>
        %exp3A = math.exp %add3A_372 : vector<16xf32>
        tpu.vector_store_idx %arg19[%add3A_276], %exp3A : memref<128xf32, #tpu.memory_space<vmem>>[vector<16xi32>], vector<16xf32>,
        %broadcast_in_dim3A_373 = arith.constant 0 : i32
        %broadcast_in_dim3A_374 = vector.broadcast %broadcast_in_dim3A_373 : i32 to vector<16xi32>
        %broadcast_in_dim3A_375 = arith.constant 16 : i32
        %broadcast_in_dim3A_376 = vector.broadcast %broadcast_in_dim3A_375 : i32 to vector<16xi32>
        %gather3A_377 = tpu.vector_load_idx %arg13[%add3A_276, %broadcast_in_dim3A_376] : memref<128x32xf32, #tpu.memory_space<vmem>>[vector<16xi32>, vector<16xi32>], vector<16xf32>,
        %mul3A_378 = arith.mulf %exp3A, %gather3A_377 : vector<16xf32>
        tpu.vector_store_idx %arg17[%add3A_276, %broadcast_in_dim3A_374], %mul3A_378 : memref<128x16xf32, #tpu.memory_space<vmem>>[vector<16xi32>, vector<16xi32>], vector<16xf32>,
        %broadcast_in_dim3A_379 = arith.constant 1 : i32
        %broadcast_in_dim3A_380 = vector.broadcast %broadcast_in_dim3A_379 : i32 to vector<16xi32>
        %broadcast_in_dim3A_381 = arith.constant 17 : i32
        %broadcast_in_dim3A_382 = vector.broadcast %broadcast_in_dim3A_381 : i32 to vector<16xi32>
        %gather3A_383 = tpu.vector_load_idx %arg13[%add3A_276, %broadcast_in_dim3A_382] : memref<128x32xf32, #tpu.memory_space<vmem>>[vector<16xi32>, vector<16xi32>], vector<16xf32>,
        %mul3A_384 = arith.mulf %exp3A, %gather3A_383 : vector<16xf32>
        tpu.vector_store_idx %arg17[%add3A_276, %broadcast_in_dim3A_380], %mul3A_384 : memref<128x16xf32, #tpu.memory_space<vmem>>[vector<16xi32>, vector<16xi32>], vector<16xf32>,
        %broadcast_in_dim3A_385 = arith.constant 2 : i32
        %broadcast_in_dim3A_386 = vector.broadcast %broadcast_in_dim3A_385 : i32 to vector<16xi32>
        %broadcast_in_dim3A_387 = arith.constant 18 : i32
        %broadcast_in_dim3A_388 = vector.broadcast %broadcast_in_dim3A_387 : i32 to vector<16xi32>
        %gather3A_389 = tpu.vector_load_idx %arg13[%add3A_276, %broadcast_in_dim3A_388] : memref<128x32xf32, #tpu.memory_space<vmem>>[vector<16xi32>, vector<16xi32>], vector<16xf32>,
        %mul3A_390 = arith.mulf %exp3A, %gather3A_389 : vector<16xf32>
        tpu.vector_store_idx %arg17[%add3A_276, %broadcast_in_dim3A_386], %mul3A_390 : memref<128x16xf32, #tpu.memory_space<vmem>>[vector<16xi32>, vector<16xi32>], vector<16xf32>,
        %broadcast_in_dim3A_391 = arith.constant 3 : i32
        %broadcast_in_dim3A_392 = vector.broadcast %broadcast_in_dim3A_391 : i32 to vector<16xi32>
        %broadcast_in_dim3A_393 = arith.constant 19 : i32
        %broadcast_in_dim3A_394 = vector.broadcast %broadcast_in_dim3A_393 : i32 to vector<16xi32>
        %gather3A_395 = tpu.vector_load_idx %arg13[%add3A_276, %broadcast_in_dim3A_394] : memref<128x32xf32, #tpu.memory_space<vmem>>[vector<16xi32>, vector<16xi32>], vector<16xf32>,
        %mul3A_396 = arith.mulf %exp3A, %gather3A_395 : vector<16xf32>
        tpu.vector_store_idx %arg17[%add3A_276, %broadcast_in_dim3A_392], %mul3A_396 : memref<128x16xf32, #tpu.memory_space<vmem>>[vector<16xi32>, vector<16xi32>], vector<16xf32>,
        %broadcast_in_dim3A_397 = arith.constant 4 : i32
        %broadcast_in_dim3A_398 = vector.broadcast %broadcast_in_dim3A_397 : i32 to vector<16xi32>
        %broadcast_in_dim3A_399 = arith.constant 20 : i32
        %broadcast_in_dim3A_400 = vector.broadcast %broadcast_in_dim3A_399 : i32 to vector<16xi32>
        %gather3A_401 = tpu.vector_load_idx %arg13[%add3A_276, %broadcast_in_dim3A_400] : memref<128x32xf32, #tpu.memory_space<vmem>>[vector<16xi32>, vector<16xi32>], vector<16xf32>,
        %mul3A_402 = arith.mulf %exp3A, %gather3A_401 : vector<16xf32>
        tpu.vector_store_idx %arg17[%add3A_276, %broadcast_in_dim3A_398], %mul3A_402 : memref<128x16xf32, #tpu.memory_space<vmem>>[vector<16xi32>, vector<16xi32>], vector<16xf32>,
        %broadcast_in_dim3A_403 = arith.constant 5 : i32
        %broadcast_in_dim3A_404 = vector.broadcast %broadcast_in_dim3A_403 : i32 to vector<16xi32>
        %broadcast_in_dim3A_405 = arith.constant 21 : i32
        %broadcast_in_dim3A_406 = vector.broadcast %broadcast_in_dim3A_405 : i32 to vector<16xi32>
        %gather3A_407 = tpu.vector_load_idx %arg13[%add3A_276, %broadcast_in_dim3A_406] : memref<128x32xf32, #tpu.memory_space<vmem>>[vector<16xi32>, vector<16xi32>], vector<16xf32>,
        %mul3A_408 = arith.mulf %exp3A, %gather3A_407 : vector<16xf32>
        tpu.vector_store_idx %arg17[%add3A_276, %broadcast_in_dim3A_404], %mul3A_408 : memref<128x16xf32, #tpu.memory_space<vmem>>[vector<16xi32>, vector<16xi32>], vector<16xf32>,
        %broadcast_in_dim3A_409 = arith.constant 6 : i32
        %broadcast_in_dim3A_410 = vector.broadcast %broadcast_in_dim3A_409 : i32 to vector<16xi32>
        %broadcast_in_dim3A_411 = arith.constant 22 : i32
        %broadcast_in_dim3A_412 = vector.broadcast %broadcast_in_dim3A_411 : i32 to vector<16xi32>
        %gather3A_413 = tpu.vector_load_idx %arg13[%add3A_276, %broadcast_in_dim3A_412] : memref<128x32xf32, #tpu.memory_space<vmem>>[vector<16xi32>, vector<16xi32>], vector<16xf32>,
        %mul3A_414 = arith.mulf %exp3A, %gather3A_413 : vector<16xf32>
        tpu.vector_store_idx %arg17[%add3A_276, %broadcast_in_dim3A_410], %mul3A_414 : memref<128x16xf32, #tpu.memory_space<vmem>>[vector<16xi32>, vector<16xi32>], vector<16xf32>,
        %broadcast_in_dim3A_415 = arith.constant 7 : i32
        %broadcast_in_dim3A_416 = vector.broadcast %broadcast_in_dim3A_415 : i32 to vector<16xi32>
        %broadcast_in_dim3A_417 = arith.constant 23 : i32
        %broadcast_in_dim3A_418 = vector.broadcast %broadcast_in_dim3A_417 : i32 to vector<16xi32>
        %gather3A_419 = tpu.vector_load_idx %arg13[%add3A_276, %broadcast_in_dim3A_418] : memref<128x32xf32, #tpu.memory_space<vmem>>[vector<16xi32>, vector<16xi32>], vector<16xf32>,
        %mul3A_420 = arith.mulf %exp3A, %gather3A_419 : vector<16xf32>
        tpu.vector_store_idx %arg17[%add3A_276, %broadcast_in_dim3A_416], %mul3A_420 : memref<128x16xf32, #tpu.memory_space<vmem>>[vector<16xi32>, vector<16xi32>], vector<16xf32>,
        %broadcast_in_dim3A_421 = arith.constant 8 : i32
        %broadcast_in_dim3A_422 = vector.broadcast %broadcast_in_dim3A_421 : i32 to vector<16xi32>
        %broadcast_in_dim3A_423 = arith.constant 24 : i32
        %broadcast_in_dim3A_424 = vector.broadcast %broadcast_in_dim3A_423 : i32 to vector<16xi32>
        %gather3A_425 = tpu.vector_load_idx %arg13[%add3A_276, %broadcast_in_dim3A_424] : memref<128x32xf32, #tpu.memory_space<vmem>>[vector<16xi32>, vector<16xi32>], vector<16xf32>,
        %mul3A_426 = arith.mulf %exp3A, %gather3A_425 : vector<16xf32>
        tpu.vector_store_idx %arg17[%add3A_276, %broadcast_in_dim3A_422], %mul3A_426 : memref<128x16xf32, #tpu.memory_space<vmem>>[vector<16xi32>, vector<16xi32>], vector<16xf32>,
        %broadcast_in_dim3A_427 = arith.constant 9 : i32
        %broadcast_in_dim3A_428 = vector.broadcast %broadcast_in_dim3A_427 : i32 to vector<16xi32>
        %broadcast_in_dim3A_429 = arith.constant 25 : i32
        %broadcast_in_dim3A_430 = vector.broadcast %broadcast_in_dim3A_429 : i32 to vector<16xi32>
        %gather3A_431 = tpu.vector_load_idx %arg13[%add3A_276, %broadcast_in_dim3A_430] : memref<128x32xf32, #tpu.memory_space<vmem>>[vector<16xi32>, vector<16xi32>], vector<16xf32>,
        %mul3A_432 = arith.mulf %exp3A, %gather3A_431 : vector<16xf32>
        tpu.vector_store_idx %arg17[%add3A_276, %broadcast_in_dim3A_428], %mul3A_432 : memref<128x16xf32, #tpu.memory_space<vmem>>[vector<16xi32>, vector<16xi32>], vector<16xf32>,
        %broadcast_in_dim3A_433 = arith.constant 10 : i32
        %broadcast_in_dim3A_434 = vector.broadcast %broadcast_in_dim3A_433 : i32 to vector<16xi32>
        %broadcast_in_dim3A_435 = arith.constant 26 : i32
        %broadcast_in_dim3A_436 = vector.broadcast %broadcast_in_dim3A_435 : i32 to vector<16xi32>
        %gather3A_437 = tpu.vector_load_idx %arg13[%add3A_276, %broadcast_in_dim3A_436] : memref<128x32xf32, #tpu.memory_space<vmem>>[vector<16xi32>, vector<16xi32>], vector<16xf32>,
        %mul3A_438 = arith.mulf %exp3A, %gather3A_437 : vector<16xf32>
        tpu.vector_store_idx %arg17[%add3A_276, %broadcast_in_dim3A_434], %mul3A_438 : memref<128x16xf32, #tpu.memory_space<vmem>>[vector<16xi32>, vector<16xi32>], vector<16xf32>,
        %broadcast_in_dim3A_439 = arith.constant 11 : i32
        %broadcast_in_dim3A_440 = vector.broadcast %broadcast_in_dim3A_439 : i32 to vector<16xi32>
        %broadcast_in_dim3A_441 = arith.constant 27 : i32
        %broadcast_in_dim3A_442 = vector.broadcast %broadcast_in_dim3A_441 : i32 to vector<16xi32>
        %gather3A_443 = tpu.vector_load_idx %arg13[%add3A_276, %broadcast_in_dim3A_442] : memref<128x32xf32, #tpu.memory_space<vmem>>[vector<16xi32>, vector<16xi32>], vector<16xf32>,
        %mul3A_444 = arith.mulf %exp3A, %gather3A_443 : vector<16xf32>
        tpu.vector_store_idx %arg17[%add3A_276, %broadcast_in_dim3A_440], %mul3A_444 : memref<128x16xf32, #tpu.memory_space<vmem>>[vector<16xi32>, vector<16xi32>], vector<16xf32>,
        %broadcast_in_dim3A_445 = arith.constant 12 : i32
        %broadcast_in_dim3A_446 = vector.broadcast %broadcast_in_dim3A_445 : i32 to vector<16xi32>
        %broadcast_in_dim3A_447 = arith.constant 28 : i32
        %broadcast_in_dim3A_448 = vector.broadcast %broadcast_in_dim3A_447 : i32 to vector<16xi32>
        %gather3A_449 = tpu.vector_load_idx %arg13[%add3A_276, %broadcast_in_dim3A_448] : memref<128x32xf32, #tpu.memory_space<vmem>>[vector<16xi32>, vector<16xi32>], vector<16xf32>,
        %mul3A_450 = arith.mulf %exp3A, %gather3A_449 : vector<16xf32>
        tpu.vector_store_idx %arg17[%add3A_276, %broadcast_in_dim3A_446], %mul3A_450 : memref<128x16xf32, #tpu.memory_space<vmem>>[vector<16xi32>, vector<16xi32>], vector<16xf32>,
        %broadcast_in_dim3A_451 = arith.constant 13 : i32
        %broadcast_in_dim3A_452 = vector.broadcast %broadcast_in_dim3A_451 : i32 to vector<16xi32>
        %broadcast_in_dim3A_453 = arith.constant 29 : i32
        %broadcast_in_dim3A_454 = vector.broadcast %broadcast_in_dim3A_453 : i32 to vector<16xi32>
        %gather3A_455 = tpu.vector_load_idx %arg13[%add3A_276, %broadcast_in_dim3A_454] : memref<128x32xf32, #tpu.memory_space<vmem>>[vector<16xi32>, vector<16xi32>], vector<16xf32>,
        %mul3A_456 = arith.mulf %exp3A, %gather3A_455 : vector<16xf32>
        tpu.vector_store_idx %arg17[%add3A_276, %broadcast_in_dim3A_452], %mul3A_456 : memref<128x16xf32, #tpu.memory_space<vmem>>[vector<16xi32>, vector<16xi32>], vector<16xf32>,
        %broadcast_in_dim3A_457 = arith.constant 14 : i32
        %broadcast_in_dim3A_458 = vector.broadcast %broadcast_in_dim3A_457 : i32 to vector<16xi32>
        %broadcast_in_dim3A_459 = arith.constant 30 : i32
        %broadcast_in_dim3A_460 = vector.broadcast %broadcast_in_dim3A_459 : i32 to vector<16xi32>
        %gather3A_461 = tpu.vector_load_idx %arg13[%add3A_276, %broadcast_in_dim3A_460] : memref<128x32xf32, #tpu.memory_space<vmem>>[vector<16xi32>, vector<16xi32>], vector<16xf32>,
        %mul3A_462 = arith.mulf %exp3A, %gather3A_461 : vector<16xf32>
        tpu.vector_store_idx %arg17[%add3A_276, %broadcast_in_dim3A_458], %mul3A_462 : memref<128x16xf32, #tpu.memory_space<vmem>>[vector<16xi32>, vector<16xi32>], vector<16xf32>,
        %broadcast_in_dim3A_463 = arith.constant 15 : i32
        %broadcast_in_dim3A_464 = vector.broadcast %broadcast_in_dim3A_463 : i32 to vector<16xi32>
        %broadcast_in_dim3A_465 = arith.constant 31 : i32
        %broadcast_in_dim3A_466 = vector.broadcast %broadcast_in_dim3A_465 : i32 to vector<16xi32>
        %gather3A_467 = tpu.vector_load_idx %arg13[%add3A_276, %broadcast_in_dim3A_466] : memref<128x32xf32, #tpu.memory_space<vmem>>[vector<16xi32>, vector<16xi32>], vector<16xf32>,
        %mul3A_468 = arith.mulf %exp3A, %gather3A_467 : vector<16xf32>
        tpu.vector_store_idx %arg17[%add3A_276, %broadcast_in_dim3A_464], %mul3A_468 : memref<128x16xf32, #tpu.memory_space<vmem>>[vector<16xi32>, vector<16xi32>], vector<16xf32>,
      }
      %scan3A_190 = arith.constant 8 : i32
      %jit3A_191 = arith.constant 8 : i32
      %eq3A_192 = arith.constant 0 : i32
      %eq3A_193 = arith.cmpi eq, %jit3A_191, %eq3A_192 : i32
      %jit3A_194 = arith.constant 1 : i32
      %select_n3A_195 = arith.select %eq3A_193, %jit3A_194, %jit3A_191 : i32
      %rem3A_196 = arith.remsi %add3A_166, %select_n3A_195 : i32
      %ne3A_197 = arith.constant 0 : i32
      %ne3A_198 = arith.cmpi ne, %rem3A_196, %ne3A_197 : i32
      %lt3A_199 = arith.constant 0 : i32
      %lt3A_200 = arith.cmpi slt, %rem3A_196, %lt3A_199 : i32
      %lt3A_201 = arith.constant 0 : i32
      %lt3A_202 = arith.cmpi slt, %select_n3A_195, %lt3A_201 : i32
      %ne3A_203 = arith.xori %lt3A_200, %lt3A_202 : i1
      %and3A_204 = arith.andi %ne3A_203, %ne3A_198 : i1
      %add3A_205 = arith.addi %rem3A_196, %select_n3A_195 : i32
      %select_n3A_206 = arith.select %and3A_204, %add3A_205, %rem3A_196 : i32
      %jit3A_207 = arith.constant 8 : i32
      %div3A_208 = arith.divsi %add3A_166, %jit3A_207 : i32
      %sign3A_209 = arith.constant 0 : i32
      %sign3A_210 = arith.cmpi sgt, %add3A_166, %sign3A_209 : i32
      %sign3A_211 = arith.extui %sign3A_210 : i1 to i32
      %sign3A_212 = arith.constant 0 : i32
      %sign3A_213 = arith.cmpi slt, %add3A_166, %sign3A_212 : i32
      %sign3A_214 = arith.extui %sign3A_213 : i1 to i32
      %sign3A_215 = arith.subi %sign3A_211, %sign3A_214 : i32
      %sign3A_216 = arith.constant 0 : i32
      %sign3A_217 = arith.cmpi sgt, %jit3A_207, %sign3A_216 : i32
      %sign3A_218 = arith.extui %sign3A_217 : i1 to i32
      %sign3A_219 = arith.constant 0 : i32
      %sign3A_220 = arith.cmpi slt, %jit3A_207, %sign3A_219 : i32
      %sign3A_221 = arith.extui %sign3A_220 : i1 to i32
      %sign3A_222 = arith.subi %sign3A_218, %sign3A_221 : i32
      %ne3A_223 = arith.cmpi ne, %sign3A_215, %sign3A_222 : i32
      %rem3A_224 = arith.remsi %add3A_166, %jit3A_207 : i32
      %ne3A_225 = arith.constant 0 : i32
      %ne3A_226 = arith.cmpi ne, %rem3A_224, %ne3A_225 : i32
      %and3A_227 = arith.andi %ne3A_223, %ne3A_226 : i1
      %sub3A_228 = arith.constant 1 : i32
      %sub3A_229 = arith.subi %div3A_208, %sub3A_228 : i32
      %select_n3A_230 = arith.select %and3A_227, %sub3A_229, %div3A_208 : i32
      %jit3A_231 = arith.constant 2 : i32
      %eq3A_232 = arith.constant 0 : i32
      %eq3A_233 = arith.cmpi eq, %jit3A_231, %eq3A_232 : i32
      %jit3A_234 = arith.constant 1 : i32
      %select_n3A_235 = arith.select %eq3A_233, %jit3A_234, %jit3A_231 : i32
      %rem3A_236 = arith.remsi %select_n3A_230, %select_n3A_235 : i32
      %ne3A_237 = arith.constant 0 : i32
      %ne3A_238 = arith.cmpi ne, %rem3A_236, %ne3A_237 : i32
      %lt3A_239 = arith.constant 0 : i32
      %lt3A_240 = arith.cmpi slt, %rem3A_236, %lt3A_239 : i32
      %lt3A_241 = arith.constant 0 : i32
      %lt3A_242 = arith.cmpi slt, %select_n3A_235, %lt3A_241 : i32
      %ne3A_243 = arith.xori %lt3A_240, %lt3A_242 : i1
      %and3A_244 = arith.andi %ne3A_243, %ne3A_238 : i1
      %add3A_245 = arith.addi %rem3A_236, %select_n3A_235 : i32
      %select_n3A_246 = arith.select %and3A_244, %add3A_245, %rem3A_236 : i32
      %mul3A_247 = arith.constant 8 : i32
      %mul3A_248 = arith.muli %select_n3A_246, %mul3A_247 : i32
      %add3A_249 = arith.addi %select_n3A_206, %mul3A_248 : i32
      %dma_start3A_250 = arith.constant 0 : i32
      %dma_start3A_251 = tpu.memref_slice %arg11[%add3A_249, %dma_start3A_250] : memref<16x128xi32, #tpu.memory_space<vmem>> -> memref<1x128xi32, #tpu.memory_space<vmem>>
      %dma_start3A_252 = tpu.memref_squeeze %dma_start3A_251 : memref<1x128xi32, #tpu.memory_space<vmem>> -> memref<128xi32, #tpu.memory_space<vmem>>
      %dma_start3A_253 = arith.constant 0 : i32
      %dma_start3A_254 = arith.constant 0 : i32
      %dma_start3A_255 = tpu.memref_slice %arg20[%dma_start3A_253, %dma_start3A_254] : memref<100352x16xf32, #tpu.memory_space<vmem_shared>> -> memref<100352x16xf32, #tpu.memory_space<vmem_shared>>
      tpu.enqueue_indirect_dma source(%arg17 : memref<128x16xf32, #tpu.memory_space<vmem>>) target(%dma_start3A_255 : memref<100352x16xf32, #tpu.memory_space<vmem_shared>>) offsets(%dma_start3A_252 : memref<128xi32, #tpu.memory_space<vmem>>) semaphore(%arg25 : memref<!tpu.dma_semaphore, #tpu.memory_space<semaphore_mem>>) {add = true}
      %dma_start3A_256 = arith.constant 0 : i32
      %dma_start3A_257 = tpu.memref_slice %arg11[%add3A_249, %dma_start3A_256] : memref<16x128xi32, #tpu.memory_space<vmem>> -> memref<1x128xi32, #tpu.memory_space<vmem>>
      %dma_start3A_258 = tpu.memref_squeeze %dma_start3A_257 : memref<1x128xi32, #tpu.memory_space<vmem>> -> memref<128xi32, #tpu.memory_space<vmem>>
      %dma_start3A_259 = arith.constant 0 : i32
      %dma_start3A_260 = tpu.memref_slice %arg21[%dma_start3A_259] : memref<100352xf32, #tpu.memory_space<vmem_shared>> -> memref<100352xf32, #tpu.memory_space<vmem_shared>>
      tpu.enqueue_indirect_dma source(%arg19 : memref<128xf32, #tpu.memory_space<vmem>>) target(%dma_start3A_260 : memref<100352xf32, #tpu.memory_space<vmem_shared>>) offsets(%dma_start3A_258 : memref<128xi32, #tpu.memory_space<vmem>>) semaphore(%arg25 : memref<!tpu.dma_semaphore, #tpu.memory_space<semaphore_mem>>) {add = true}
      %add3A_261 = arith.constant 2 : i32
      %add3A_262 = arith.addi %add3A_166, %add3A_261 : i32
      %lt3A_263 = arith.constant 784 : i32
      %lt3A_264 = arith.cmpi slt, %add3A_262, %lt3A_263 : i32
      %convert_element_type3A_265 = arith.extui %lt3A_264 : i1 to i32
      %cond3A_266 = arith.constant 0 : i32
      %cond3A_267 = arith.cmpi ne, %convert_element_type3A_265, %cond3A_266 : i32
      scf.if %cond3A_267 {
        %jit3A_268 = arith.constant 8 : i32
        %eq3A_269 = arith.constant 0 : i32
        %eq3A_270 = arith.cmpi eq, %jit3A_268, %eq3A_269 : i32
        %jit3A_271 = arith.constant 1 : i32
        %select_n3A_272 = arith.select %eq3A_270, %jit3A_271, %jit3A_268 : i32
        %rem3A_273 = arith.remsi %add3A_262, %select_n3A_272 : i32
        %ne3A_274 = arith.constant 0 : i32
        %ne3A_275 = arith.cmpi ne, %rem3A_273, %ne3A_274 : i32
        %lt3A_276 = arith.constant 0 : i32
        %lt3A_277 = arith.cmpi slt, %rem3A_273, %lt3A_276 : i32
        %lt3A_278 = arith.constant 0 : i32
        %lt3A_279 = arith.cmpi slt, %select_n3A_272, %lt3A_278 : i32
        %ne3A_280 = arith.xori %lt3A_277, %lt3A_279 : i1
        %and3A_281 = arith.andi %ne3A_280, %ne3A_275 : i1
        %add3A_282 = arith.addi %rem3A_273, %select_n3A_272 : i32
        %select_n3A_283 = arith.select %and3A_281, %add3A_282, %rem3A_273 : i32
        %eq3A_284 = arith.constant 0 : i32
        %eq3A_285 = arith.cmpi eq, %select_n3A_283, %eq3A_284 : i32
        %convert_element_type3A_286 = arith.extui %eq3A_285 : i1 to i32
        %cond3A_287 = arith.constant 0 : i32
        %cond3A_288 = arith.cmpi ne, %convert_element_type3A_286, %cond3A_287 : i32
        scf.if %cond3A_288 {
          %jit3A_360 = arith.constant 8 : i32
          %div3A_361 = arith.divsi %add3A_262, %jit3A_360 : i32
          %sign3A_362 = arith.constant 0 : i32
          %sign3A_363 = arith.cmpi sgt, %add3A_262, %sign3A_362 : i32
          %sign3A_364 = arith.extui %sign3A_363 : i1 to i32
          %sign3A_365 = arith.constant 0 : i32
          %sign3A_366 = arith.cmpi slt, %add3A_262, %sign3A_365 : i32
          %sign3A_367 = arith.extui %sign3A_366 : i1 to i32
          %sign3A_368 = arith.subi %sign3A_364, %sign3A_367 : i32
          %sign3A_369 = arith.constant 0 : i32
          %sign3A_370 = arith.cmpi sgt, %jit3A_360, %sign3A_369 : i32
          %sign3A_371 = arith.extui %sign3A_370 : i1 to i32
          %sign3A_372 = arith.constant 0 : i32
          %sign3A_373 = arith.cmpi slt, %jit3A_360, %sign3A_372 : i32
          %sign3A_374 = arith.extui %sign3A_373 : i1 to i32
          %sign3A_375 = arith.subi %sign3A_371, %sign3A_374 : i32
          %ne3A_376 = arith.cmpi ne, %sign3A_368, %sign3A_375 : i32
          %rem3A_377 = arith.remsi %add3A_262, %jit3A_360 : i32
          %ne3A_378 = arith.constant 0 : i32
          %ne3A_379 = arith.cmpi ne, %rem3A_377, %ne3A_378 : i32
          %and3A_380 = arith.andi %ne3A_376, %ne3A_379 : i1
          %sub3A_381 = arith.constant 1 : i32
          %sub3A_382 = arith.subi %div3A_361, %sub3A_381 : i32
          %select_n3A_383 = arith.select %and3A_380, %sub3A_382, %div3A_361 : i32
          %jit3A_384 = arith.constant 2 : i32
          %eq3A_385 = arith.constant 0 : i32
          %eq3A_386 = arith.cmpi eq, %jit3A_384, %eq3A_385 : i32
          %jit3A_387 = arith.constant 1 : i32
          %select_n3A_388 = arith.select %eq3A_386, %jit3A_387, %jit3A_384 : i32
          %rem3A_389 = arith.remsi %select_n3A_383, %select_n3A_388 : i32
          %ne3A_390 = arith.constant 0 : i32
          %ne3A_391 = arith.cmpi ne, %rem3A_389, %ne3A_390 : i32
          %lt3A_392 = arith.constant 0 : i32
          %lt3A_393 = arith.cmpi slt, %rem3A_389, %lt3A_392 : i32
          %lt3A_394 = arith.constant 0 : i32
          %lt3A_395 = arith.cmpi slt, %select_n3A_388, %lt3A_394 : i32
          %ne3A_396 = arith.xori %lt3A_393, %lt3A_395 : i1
          %and3A_397 = arith.andi %ne3A_396, %ne3A_391 : i1
          %add3A_398 = arith.addi %rem3A_389, %select_n3A_388 : i32
          %select_n3A_399 = arith.select %and3A_397, %add3A_398, %rem3A_389 : i32
          %mul3A_400 = arith.constant 8 : i32
          %mul3A_401 = arith.muli %select_n3A_399, %mul3A_400 : i32
          %mul3A_402 = arith.constant 8 : i32
          %mul3A_403 = arith.muli %select_n3A_383, %mul3A_402 : i32
          %add3A_404 = arith.addi %mul3A_4, %mul3A_403 : i32
          "tpu.region"() ({
            %run_scoped3A = tpu.sem_alloc : memref<!tpu.dma_semaphore, #tpu.memory_space<semaphore_mem>>
            %dma_start3A_408 = arith.constant 0 : i32
            %dma_start3A_409 = tpu.memref_slice %arg10[%mul3A_401, %dma_start3A_408] : memref<16x128xi32, #tpu.memory_space<vmem>> -> memref<8x128xi32, #tpu.memory_space<vmem>>
            %dma_start3A_410 = arith.constant 0 : i32
            %dma_start3A_411 = tpu.memref_slice %arg4[%add3A_404, %dma_start3A_410] : memref<25088x128xi32, #tpu.memory_space<hbm>> -> memref<8x128xi32, #tpu.memory_space<hbm>>
            %dma_start3A_412 = arith.constant 0 : i32
            %dma_start3A_413 = tpu.memref_slice %arg10[%mul3A_401, %dma_start3A_412] : memref<16x128xi32, #tpu.memory_space<vmem>> -> memref<8x128xi32, #tpu.memory_space<vmem>>
            %dma_start3A_414 = arith.constant 0 : i32
            %dma_start3A_415 = tpu.memref_slice %arg4[%add3A_404, %dma_start3A_414] : memref<25088x128xi32, #tpu.memory_space<hbm>> -> memref<8x128xi32, #tpu.memory_space<hbm>>
            tpu.enqueue_dma source(%dma_start3A_415 : memref<8x128xi32, #tpu.memory_space<hbm>>) target(%dma_start3A_413 : memref<8x128xi32, #tpu.memory_space<vmem>>) target_semaphore(%run_scoped3A : memref<!tpu.dma_semaphore, #tpu.memory_space<semaphore_mem>>)
            %dma_wait3A_416 = arith.constant 0 : i32
            %dma_wait3A_417 = tpu.memref_slice %arg10[%mul3A_401, %dma_wait3A_416] : memref<16x128xi32, #tpu.memory_space<vmem>> -> memref<8x128xi32, #tpu.memory_space<vmem>>
            %dma_wait3A_418 = arith.constant 0 : i32
            %dma_wait3A_419 = tpu.memref_slice %arg4[%add3A_404, %dma_wait3A_418] : memref<25088x128xi32, #tpu.memory_space<hbm>> -> memref<8x128xi32, #tpu.memory_space<hbm>>
            %dma_wait3A_420 = arith.constant 0 : i32
            %dma_wait3A_421 = tpu.memref_slice %arg10[%mul3A_401, %dma_wait3A_420] : memref<16x128xi32, #tpu.memory_space<vmem>> -> memref<8x128xi32, #tpu.memory_space<vmem>>
            %dma_wait3A_422 = arith.constant 0 : i32
            %dma_wait3A_423 = tpu.memref_slice %arg4[%add3A_404, %dma_wait3A_422] : memref<25088x128xi32, #tpu.memory_space<hbm>> -> memref<8x128xi32, #tpu.memory_space<hbm>>
            tpu.wait_dma2 semaphore(%run_scoped3A : memref<!tpu.dma_semaphore, #tpu.memory_space<semaphore_mem>>) src(%dma_wait3A_423 : memref<8x128xi32, #tpu.memory_space<hbm>>) dst(%dma_wait3A_421 : memref<8x128xi32, #tpu.memory_space<vmem>>)
            tpu.yield
          }) : () -> ()
          %mul3A_405 = arith.constant 8 : i32
          %mul3A_406 = arith.muli %select_n3A_383, %mul3A_405 : i32
          %add3A_407 = arith.addi %mul3A_4, %mul3A_406 : i32
          "tpu.region"() ({
            %run_scoped3A = tpu.sem_alloc : memref<!tpu.dma_semaphore, #tpu.memory_space<semaphore_mem>>
            %dma_start3A_408 = arith.constant 0 : i32
            %dma_start3A_409 = tpu.memref_slice %arg11[%mul3A_401, %dma_start3A_408] : memref<16x128xi32, #tpu.memory_space<vmem>> -> memref<8x128xi32, #tpu.memory_space<vmem>>
            %dma_start3A_410 = arith.constant 0 : i32
            %dma_start3A_411 = tpu.memref_slice %arg5[%add3A_407, %dma_start3A_410] : memref<25088x128xi32, #tpu.memory_space<hbm>> -> memref<8x128xi32, #tpu.memory_space<hbm>>
            %dma_start3A_412 = arith.constant 0 : i32
            %dma_start3A_413 = tpu.memref_slice %arg11[%mul3A_401, %dma_start3A_412] : memref<16x128xi32, #tpu.memory_space<vmem>> -> memref<8x128xi32, #tpu.memory_space<vmem>>
            %dma_start3A_414 = arith.constant 0 : i32
            %dma_start3A_415 = tpu.memref_slice %arg5[%add3A_407, %dma_start3A_414] : memref<25088x128xi32, #tpu.memory_space<hbm>> -> memref<8x128xi32, #tpu.memory_space<hbm>>
            tpu.enqueue_dma source(%dma_start3A_415 : memref<8x128xi32, #tpu.memory_space<hbm>>) target(%dma_start3A_413 : memref<8x128xi32, #tpu.memory_space<vmem>>) target_semaphore(%run_scoped3A : memref<!tpu.dma_semaphore, #tpu.memory_space<semaphore_mem>>)
            %dma_wait3A_416 = arith.constant 0 : i32
            %dma_wait3A_417 = tpu.memref_slice %arg11[%mul3A_401, %dma_wait3A_416] : memref<16x128xi32, #tpu.memory_space<vmem>> -> memref<8x128xi32, #tpu.memory_space<vmem>>
            %dma_wait3A_418 = arith.constant 0 : i32
            %dma_wait3A_419 = tpu.memref_slice %arg5[%add3A_407, %dma_wait3A_418] : memref<25088x128xi32, #tpu.memory_space<hbm>> -> memref<8x128xi32, #tpu.memory_space<hbm>>
            %dma_wait3A_420 = arith.constant 0 : i32
            %dma_wait3A_421 = tpu.memref_slice %arg11[%mul3A_401, %dma_wait3A_420] : memref<16x128xi32, #tpu.memory_space<vmem>> -> memref<8x128xi32, #tpu.memory_space<vmem>>
            %dma_wait3A_422 = arith.constant 0 : i32
            %dma_wait3A_423 = tpu.memref_slice %arg5[%add3A_407, %dma_wait3A_422] : memref<25088x128xi32, #tpu.memory_space<hbm>> -> memref<8x128xi32, #tpu.memory_space<hbm>>
            tpu.wait_dma2 semaphore(%run_scoped3A : memref<!tpu.dma_semaphore, #tpu.memory_space<semaphore_mem>>) src(%dma_wait3A_423 : memref<8x128xi32, #tpu.memory_space<hbm>>) dst(%dma_wait3A_421 : memref<8x128xi32, #tpu.memory_space<vmem>>)
            tpu.yield
          }) : () -> ()
        } else {
        }
        %jit3A_289 = arith.constant 8 : i32
        %eq3A_290 = arith.constant 0 : i32
        %eq3A_291 = arith.cmpi eq, %jit3A_289, %eq3A_290 : i32
        %jit3A_292 = arith.constant 1 : i32
        %select_n3A_293 = arith.select %eq3A_291, %jit3A_292, %jit3A_289 : i32
        %rem3A_294 = arith.remsi %add3A_262, %select_n3A_293 : i32
        %ne3A_295 = arith.constant 0 : i32
        %ne3A_296 = arith.cmpi ne, %rem3A_294, %ne3A_295 : i32
        %lt3A_297 = arith.constant 0 : i32
        %lt3A_298 = arith.cmpi slt, %rem3A_294, %lt3A_297 : i32
        %lt3A_299 = arith.constant 0 : i32
        %lt3A_300 = arith.cmpi slt, %select_n3A_293, %lt3A_299 : i32
        %ne3A_301 = arith.xori %lt3A_298, %lt3A_300 : i1
        %and3A_302 = arith.andi %ne3A_301, %ne3A_296 : i1
        %add3A_303 = arith.addi %rem3A_294, %select_n3A_293 : i32
        %select_n3A_304 = arith.select %and3A_302, %add3A_303, %rem3A_294 : i32
        %jit3A_305 = arith.constant 8 : i32
        %div3A_306 = arith.divsi %add3A_262, %jit3A_305 : i32
        %sign3A_307 = arith.constant 0 : i32
        %sign3A_308 = arith.cmpi sgt, %add3A_262, %sign3A_307 : i32
        %sign3A_309 = arith.extui %sign3A_308 : i1 to i32
        %sign3A_310 = arith.constant 0 : i32
        %sign3A_311 = arith.cmpi slt, %add3A_262, %sign3A_310 : i32
        %sign3A_312 = arith.extui %sign3A_311 : i1 to i32
        %sign3A_313 = arith.subi %sign3A_309, %sign3A_312 : i32
        %sign3A_314 = arith.constant 0 : i32
        %sign3A_315 = arith.cmpi sgt, %jit3A_305, %sign3A_314 : i32
        %sign3A_316 = arith.extui %sign3A_315 : i1 to i32
        %sign3A_317 = arith.constant 0 : i32
        %sign3A_318 = arith.cmpi slt, %jit3A_305, %sign3A_317 : i32
        %sign3A_319 = arith.extui %sign3A_318 : i1 to i32
        %sign3A_320 = arith.subi %sign3A_316, %sign3A_319 : i32
        %ne3A_321 = arith.cmpi ne, %sign3A_313, %sign3A_320 : i32
        %rem3A_322 = arith.remsi %add3A_262, %jit3A_305 : i32
        %ne3A_323 = arith.constant 0 : i32
        %ne3A_324 = arith.cmpi ne, %rem3A_322, %ne3A_323 : i32
        %and3A_325 = arith.andi %ne3A_321, %ne3A_324 : i1
        %sub3A_326 = arith.constant 1 : i32
        %sub3A_327 = arith.subi %div3A_306, %sub3A_326 : i32
        %select_n3A_328 = arith.select %and3A_325, %sub3A_327, %div3A_306 : i32
        %jit3A_329 = arith.constant 2 : i32
        %eq3A_330 = arith.constant 0 : i32
        %eq3A_331 = arith.cmpi eq, %jit3A_329, %eq3A_330 : i32
        %jit3A_332 = arith.constant 1 : i32
        %select_n3A_333 = arith.select %eq3A_331, %jit3A_332, %jit3A_329 : i32
        %rem3A_334 = arith.remsi %select_n3A_328, %select_n3A_333 : i32
        %ne3A_335 = arith.constant 0 : i32
        %ne3A_336 = arith.cmpi ne, %rem3A_334, %ne3A_335 : i32
        %lt3A_337 = arith.constant 0 : i32
        %lt3A_338 = arith.cmpi slt, %rem3A_334, %lt3A_337 : i32
        %lt3A_339 = arith.constant 0 : i32
        %lt3A_340 = arith.cmpi slt, %select_n3A_333, %lt3A_339 : i32
        %ne3A_341 = arith.xori %lt3A_338, %lt3A_340 : i1
        %and3A_342 = arith.andi %ne3A_341, %ne3A_336 : i1
        %add3A_343 = arith.addi %rem3A_334, %select_n3A_333 : i32
        %select_n3A_344 = arith.select %and3A_342, %add3A_343, %rem3A_334 : i32
        %mul3A_345 = arith.constant 8 : i32
        %mul3A_346 = arith.muli %select_n3A_344, %mul3A_345 : i32
        %add3A_347 = arith.addi %select_n3A_304, %mul3A_346 : i32
        %dma_start3A_348 = arith.constant 0 : i32
        %dma_start3A_349 = tpu.memref_slice %arg10[%add3A_347, %dma_start3A_348] : memref<16x128xi32, #tpu.memory_space<vmem>> -> memref<1x128xi32, #tpu.memory_space<vmem>>
        %dma_start3A_350 = tpu.memref_squeeze %dma_start3A_349 : memref<1x128xi32, #tpu.memory_space<vmem>> -> memref<128xi32, #tpu.memory_space<vmem>>
        %dma_start3A_351 = arith.constant 0 : i32
        %dma_start3A_352 = arith.constant 0 : i32
        %dma_start3A_353 = tpu.memref_slice %arg2[%dma_start3A_351, %dma_start3A_352] : memref<100352x32xf32, #tpu.memory_space<hbm>> -> memref<100352x32xf32, #tpu.memory_space<hbm>>
        tpu.enqueue_indirect_dma source(%dma_start3A_353 : memref<100352x32xf32, #tpu.memory_space<hbm>>) target(%arg13 : memref<128x32xf32, #tpu.memory_space<vmem>>) offsets(%dma_start3A_350 : memref<128xi32, #tpu.memory_space<vmem>>) semaphore(%arg23 : memref<!tpu.dma_semaphore, #tpu.memory_space<semaphore_mem>>)
        %dma_start3A_354 = arith.constant 0 : i32
        %dma_start3A_355 = tpu.memref_slice %arg11[%add3A_347, %dma_start3A_354] : memref<16x128xi32, #tpu.memory_space<vmem>> -> memref<1x128xi32, #tpu.memory_space<vmem>>
        %dma_start3A_356 = tpu.memref_squeeze %dma_start3A_355 : memref<1x128xi32, #tpu.memory_space<vmem>> -> memref<128xi32, #tpu.memory_space<vmem>>
        %dma_start3A_357 = arith.constant 0 : i32
        %dma_start3A_358 = arith.constant 0 : i32
        %dma_start3A_359 = tpu.memref_slice %arg3[%dma_start3A_357, %dma_start3A_358] : memref<100352x16xf32, #tpu.memory_space<hbm>> -> memref<100352x16xf32, #tpu.memory_space<hbm>>
        tpu.enqueue_indirect_dma source(%dma_start3A_359 : memref<100352x16xf32, #tpu.memory_space<hbm>>) target(%arg15 : memref<128x16xf32, #tpu.memory_space<vmem>>) offsets(%dma_start3A_356 : memref<128xi32, #tpu.memory_space<vmem>>) semaphore(%arg23 : memref<!tpu.dma_semaphore, #tpu.memory_space<semaphore_mem>>)
      } else {
      }
    }
    %scan3A_39 = arith.constant 392 : i32
    %dma_wait3A = arith.constant 0 : i32
    %dma_wait3A_40 = arith.constant 0 : i32
    %dma_wait3A_41 = tpu.memref_slice %arg11[%dma_wait3A, %dma_wait3A_40] : memref<16x128xi32, #tpu.memory_space<vmem>> -> memref<1x128xi32, #tpu.memory_space<vmem>>
    %dma_wait3A_42 = tpu.memref_squeeze %dma_wait3A_41 : memref<1x128xi32, #tpu.memory_space<vmem>> -> memref<128xi32, #tpu.memory_space<vmem>>
    %dma_wait3A_43 = arith.constant 0 : i32
    %dma_wait3A_44 = arith.constant 0 : i32
    %dma_wait3A_45 = tpu.memref_slice %arg20[%dma_wait3A_43, %dma_wait3A_44] : memref<100352x16xf32, #tpu.memory_space<vmem_shared>> -> memref<100352x16xf32, #tpu.memory_space<vmem_shared>>
    tpu.wait_indirect_dma semaphore(%arg24 : memref<!tpu.dma_semaphore, #tpu.memory_space<semaphore_mem>>) src(%arg16 : memref<128x16xf32, #tpu.memory_space<vmem>>) dst(%dma_wait3A_45 : memref<100352x16xf32, #tpu.memory_space<vmem_shared>>)
    %dma_wait3A_46 = arith.constant 0 : i32
    %dma_wait3A_47 = arith.constant 0 : i32
    %dma_wait3A_48 = tpu.memref_slice %arg11[%dma_wait3A_46, %dma_wait3A_47] : memref<16x128xi32, #tpu.memory_space<vmem>> -> memref<1x128xi32, #tpu.memory_space<vmem>>
    %dma_wait3A_49 = tpu.memref_squeeze %dma_wait3A_48 : memref<1x128xi32, #tpu.memory_space<vmem>> -> memref<128xi32, #tpu.memory_space<vmem>>
    %dma_wait3A_50 = arith.constant 0 : i32
    %dma_wait3A_51 = tpu.memref_slice %arg21[%dma_wait3A_50] : memref<100352xf32, #tpu.memory_space<vmem_shared>> -> memref<100352xf32, #tpu.memory_space<vmem_shared>>
    tpu.wait_indirect_dma semaphore(%arg24 : memref<!tpu.dma_semaphore, #tpu.memory_space<semaphore_mem>>) src(%arg18 : memref<128xf32, #tpu.memory_space<vmem>>) dst(%dma_wait3A_51 : memref<100352xf32, #tpu.memory_space<vmem_shared>>)
    %dma_wait3A_52 = arith.constant 0 : i32
    %dma_wait3A_53 = arith.constant 0 : i32
    %dma_wait3A_54 = tpu.memref_slice %arg11[%dma_wait3A_52, %dma_wait3A_53] : memref<16x128xi32, #tpu.memory_space<vmem>> -> memref<1x128xi32, #tpu.memory_space<vmem>>
    %dma_wait3A_55 = tpu.memref_squeeze %dma_wait3A_54 : memref<1x128xi32, #tpu.memory_space<vmem>> -> memref<128xi32, #tpu.memory_space<vmem>>
    %dma_wait3A_56 = arith.constant 0 : i32
    %dma_wait3A_57 = arith.constant 0 : i32
    %dma_wait3A_58 = tpu.memref_slice %arg20[%dma_wait3A_56, %dma_wait3A_57] : memref<100352x16xf32, #tpu.memory_space<vmem_shared>> -> memref<100352x16xf32, #tpu.memory_space<vmem_shared>>
    tpu.wait_indirect_dma semaphore(%arg25 : memref<!tpu.dma_semaphore, #tpu.memory_space<semaphore_mem>>) src(%arg17 : memref<128x16xf32, #tpu.memory_space<vmem>>) dst(%dma_wait3A_58 : memref<100352x16xf32, #tpu.memory_space<vmem_shared>>)
    %dma_wait3A_59 = arith.constant 0 : i32
    %dma_wait3A_60 = arith.constant 0 : i32
    %dma_wait3A_61 = tpu.memref_slice %arg11[%dma_wait3A_59, %dma_wait3A_60] : memref<16x128xi32, #tpu.memory_space<vmem>> -> memref<1x128xi32, #tpu.memory_space<vmem>>
    %dma_wait3A_62 = tpu.memref_squeeze %dma_wait3A_61 : memref<1x128xi32, #tpu.memory_space<vmem>> -> memref<128xi32, #tpu.memory_space<vmem>>
    %dma_wait3A_63 = arith.constant 0 : i32
    %dma_wait3A_64 = tpu.memref_slice %arg21[%dma_wait3A_63] : memref<100352xf32, #tpu.memory_space<vmem_shared>> -> memref<100352xf32, #tpu.memory_space<vmem_shared>>
    tpu.wait_indirect_dma semaphore(%arg25 : memref<!tpu.dma_semaphore, #tpu.memory_space<semaphore_mem>>) src(%arg19 : memref<128xf32, #tpu.memory_space<vmem>>) dst(%dma_wait3A_64 : memref<100352xf32, #tpu.memory_space<vmem_shared>>)
    %barrier3A_65 = arith.constant 0 : index
    tpu.barrier barrier_id(%barrier3A_65)
    "tpu.region"() ({
      %run_scoped3A = tpu.sem_alloc : memref<!tpu.dma_semaphore, #tpu.memory_space<semaphore_mem>>
      %dma_start3A_66 = arith.constant 0 : i32
      %dma_start3A_67 = tpu.memref_slice %arg8[%arg0, %mul3A_2, %dma_start3A_66] : memref<2x100352x16xf32, #tpu.memory_space<hbm>> -> memref<1x6272x16xf32, #tpu.memory_space<hbm>>
      %dma_start3A_68 = tpu.memref_squeeze %dma_start3A_67 : memref<1x6272x16xf32, #tpu.memory_space<hbm>> -> memref<6272x16xf32, #tpu.memory_space<hbm>>
      %dma_start3A_69 = arith.constant 0 : i32
      %dma_start3A_70 = tpu.memref_slice %arg20[%mul3A_2, %dma_start3A_69] : memref<100352x16xf32, #tpu.memory_space<vmem_shared>> -> memref<6272x16xf32, #tpu.memory_space<vmem_shared>>
      tpu.enqueue_dma source(%dma_start3A_70 : memref<6272x16xf32, #tpu.memory_space<vmem_shared>>) target(%dma_start3A_68 : memref<6272x16xf32, #tpu.memory_space<hbm>>) target_semaphore(%run_scoped3A : memref<!tpu.dma_semaphore, #tpu.memory_space<semaphore_mem>>)
      %dma_wait3A_71 = arith.constant 0 : i32
      %dma_wait3A_72 = tpu.memref_slice %arg8[%arg0, %mul3A_2, %dma_wait3A_71] : memref<2x100352x16xf32, #tpu.memory_space<hbm>> -> memref<1x6272x16xf32, #tpu.memory_space<hbm>>
      %dma_wait3A_73 = tpu.memref_squeeze %dma_wait3A_72 : memref<1x6272x16xf32, #tpu.memory_space<hbm>> -> memref<6272x16xf32, #tpu.memory_space<hbm>>
      %dma_wait3A_74 = arith.constant 0 : i32
      %dma_wait3A_75 = tpu.memref_slice %arg20[%mul3A_2, %dma_wait3A_74] : memref<100352x16xf32, #tpu.memory_space<vmem_shared>> -> memref<6272x16xf32, #tpu.memory_space<vmem_shared>>
      tpu.wait_dma2 semaphore(%run_scoped3A : memref<!tpu.dma_semaphore, #tpu.memory_space<semaphore_mem>>) src(%dma_wait3A_75 : memref<6272x16xf32, #tpu.memory_space<vmem_shared>>) dst(%dma_wait3A_73 : memref<6272x16xf32, #tpu.memory_space<hbm>>)
      tpu.yield
    }) : () -> ()
    "tpu.region"() ({
      %run_scoped3A = tpu.sem_alloc : memref<!tpu.dma_semaphore, #tpu.memory_space<semaphore_mem>>
      %dma_start3A_66 = tpu.memref_slice %arg9[%arg0, %mul3A_2] : memref<2x100352xf32, #tpu.memory_space<hbm>> -> memref<1x6272xf32, #tpu.memory_space<hbm>>
      %dma_start3A_67 = tpu.memref_squeeze %dma_start3A_66 : memref<1x6272xf32, #tpu.memory_space<hbm>> -> memref<6272xf32, #tpu.memory_space<hbm>>
      %dma_start3A_68 = tpu.memref_slice %arg21[%mul3A_2] : memref<100352xf32, #tpu.memory_space<vmem_shared>> -> memref<6272xf32, #tpu.memory_space<vmem_shared>>
      tpu.enqueue_dma source(%dma_start3A_68 : memref<6272xf32, #tpu.memory_space<vmem_shared>>) target(%dma_start3A_67 : memref<6272xf32, #tpu.memory_space<hbm>>) target_semaphore(%run_scoped3A : memref<!tpu.dma_semaphore, #tpu.memory_space<semaphore_mem>>)
      %dma_wait3A_69 = tpu.memref_slice %arg9[%arg0, %mul3A_2] : memref<2x100352xf32, #tpu.memory_space<hbm>> -> memref<1x6272xf32, #tpu.memory_space<hbm>>
      %dma_wait3A_70 = tpu.memref_squeeze %dma_wait3A_69 : memref<1x6272xf32, #tpu.memory_space<hbm>> -> memref<6272xf32, #tpu.memory_space<hbm>>
      %dma_wait3A_71 = tpu.memref_slice %arg21[%mul3A_2] : memref<100352xf32, #tpu.memory_space<vmem_shared>> -> memref<6272xf32, #tpu.memory_space<vmem_shared>>
      tpu.wait_dma2 semaphore(%run_scoped3A : memref<!tpu.dma_semaphore, #tpu.memory_space<semaphore_mem>>) src(%dma_wait3A_71 : memref<6272xf32, #tpu.memory_space<vmem_shared>>) dst(%dma_wait3A_70 : memref<6272xf32, #tpu.memory_space<hbm>>)
      tpu.yield
    }) : () -> ()
    return
  }
}

#map = affine_map<(d0, d1) -> (0, 0)>
#map1 = affine_map<(d0, d1) -> (0)>
#map2 = affine_map<(d0, d1) -> (0, 0, 0)>
module attributes {stable_mosaic.version = 14 : i64} {
  func.func @ek(%arg0: i32, %arg1: i32, %arg2: memref<102400x32xf32, #tpu.memory_space<hbm>>, %arg3: memref<102400x16xf32, #tpu.memory_space<hbm>>, %arg4: memref<25088x128xi32, #tpu.memory_space<hbm>>, %arg5: memref<25088x128xi32, #tpu.memory_space<hbm>>, %arg6: memref<100352x16xf32, #tpu.memory_space<hbm>>, %arg7: memref<100352xf32, #tpu.memory_space<hbm>>, %arg8: memref<2x100352x16xf32, #tpu.memory_space<hbm>>, %arg9: memref<2x100352xf32, #tpu.memory_space<hbm>>, %arg10: memref<16x128xi32, #tpu.memory_space<vmem>>, %arg11: memref<16x128xi32, #tpu.memory_space<vmem>>, %arg12: memref<128x32xf32, #tpu.memory_space<vmem>>, %arg13: memref<128x32xf32, #tpu.memory_space<vmem>>, %arg14: memref<128x16xf32, #tpu.memory_space<vmem>>, %arg15: memref<128x16xf32, #tpu.memory_space<vmem>>, %arg16: memref<128x16xf32, #tpu.memory_space<vmem>>, %arg17: memref<128x16xf32, #tpu.memory_space<vmem>>, %arg18: memref<128xf32, #tpu.memory_space<vmem>>, %arg19: memref<128xf32, #tpu.memory_space<vmem>>, %arg20: memref<100352x16xf32, #tpu.memory_space<vmem_shared>>, %arg21: memref<100352xf32, #tpu.memory_space<vmem_shared>>, %arg22: memref<!tpu.dma_semaphore, #tpu.memory_space<semaphore_mem>>, %arg23: memref<!tpu.dma_semaphore, #tpu.memory_space<semaphore_mem>>, %arg24: memref<!tpu.dma_semaphore, #tpu.memory_space<semaphore_mem>>, %arg25: memref<!tpu.dma_semaphore, #tpu.memory_space<semaphore_mem>>) attributes {dimension_semantics = [#tpu.dimension_semantics<core_parallel>, #tpu.dimension_semantics<subcore_parallel>], iteration_bounds = array<i64: 2, 16>, scalar_prefetch = 0 : i64, scratch_operands = 16 : i64, tpu.core_type = #tpu.core_type<sc_vector_subcore>, window_params = [{transform_indices = #map}, {transform_indices = #map}, {transform_indices = #map}, {transform_indices = #map}, {transform_indices = #map}, {transform_indices = #map1}, {transform_indices = #map2}, {transform_indices = #map}]} {
    %mul3A = arith.constant 2 : i32
    %mul3A_0 = arith.muli %arg1, %mul3A : i32
    %add3A = arith.addi %mul3A_0, %arg0 : i32
    %mul3A_1 = arith.constant 6272 : i32
    %mul3A_2 = arith.muli %arg1, %mul3A_1 : i32
    "tpu.region"() ({
      %run_scoped3A = tpu.sem_alloc : memref<!tpu.dma_semaphore, #tpu.memory_space<semaphore_mem>>
      %dma_start3A_66 = arith.constant 0 : i32
      %dma_start3A_67 = tpu.memref_slice %arg20[%mul3A_2, %dma_start3A_66] : memref<100352x16xf32, #tpu.memory_space<vmem_shared>> -> memref<6272x16xf32, #tpu.memory_space<vmem_shared>>
      %dma_start3A_68 = arith.constant 0 : i32
      %dma_start3A_69 = tpu.memref_slice %arg6[%mul3A_2, %dma_start3A_68] : memref<100352x16xf32, #tpu.memory_space<hbm>> -> memref<6272x16xf32, #tpu.memory_space<hbm>>
      tpu.enqueue_dma source(%dma_start3A_69 : memref<6272x16xf32, #tpu.memory_space<hbm>>) target(%dma_start3A_67 : memref<6272x16xf32, #tpu.memory_space<vmem_shared>>) target_semaphore(%run_scoped3A : memref<!tpu.dma_semaphore, #tpu.memory_space<semaphore_mem>>)
      %dma_wait3A_70 = arith.constant 0 : i32
      %dma_wait3A_71 = tpu.memref_slice %arg20[%mul3A_2, %dma_wait3A_70] : memref<100352x16xf32, #tpu.memory_space<vmem_shared>> -> memref<6272x16xf32, #tpu.memory_space<vmem_shared>>
      %dma_wait3A_72 = arith.constant 0 : i32
      %dma_wait3A_73 = tpu.memref_slice %arg6[%mul3A_2, %dma_wait3A_72] : memref<100352x16xf32, #tpu.memory_space<hbm>> -> memref<6272x16xf32, #tpu.memory_space<hbm>>
      tpu.wait_dma2 semaphore(%run_scoped3A : memref<!tpu.dma_semaphore, #tpu.memory_space<semaphore_mem>>) src(%dma_wait3A_73 : memref<6272x16xf32, #tpu.memory_space<hbm>>) dst(%dma_wait3A_71 : memref<6272x16xf32, #tpu.memory_space<vmem_shared>>)
      tpu.yield
    }) : () -> ()
    "tpu.region"() ({
      %run_scoped3A = tpu.sem_alloc : memref<!tpu.dma_semaphore, #tpu.memory_space<semaphore_mem>>
      %dma_start3A_66 = tpu.memref_slice %arg21[%mul3A_2] : memref<100352xf32, #tpu.memory_space<vmem_shared>> -> memref<6272xf32, #tpu.memory_space<vmem_shared>>
      %dma_start3A_67 = tpu.memref_slice %arg7[%mul3A_2] : memref<100352xf32, #tpu.memory_space<hbm>> -> memref<6272xf32, #tpu.memory_space<hbm>>
      tpu.enqueue_dma source(%dma_start3A_67 : memref<6272xf32, #tpu.memory_space<hbm>>) target(%dma_start3A_66 : memref<6272xf32, #tpu.memory_space<vmem_shared>>) target_semaphore(%run_scoped3A : memref<!tpu.dma_semaphore, #tpu.memory_space<semaphore_mem>>)
      %dma_wait3A_68 = tpu.memref_slice %arg21[%mul3A_2] : memref<100352xf32, #tpu.memory_space<vmem_shared>> -> memref<6272xf32, #tpu.memory_space<vmem_shared>>
      %dma_wait3A_69 = tpu.memref_slice %arg7[%mul3A_2] : memref<100352xf32, #tpu.memory_space<hbm>> -> memref<6272xf32, #tpu.memory_space<hbm>>
      tpu.wait_dma2 semaphore(%run_scoped3A : memref<!tpu.dma_semaphore, #tpu.memory_space<semaphore_mem>>) src(%dma_wait3A_69 : memref<6272xf32, #tpu.memory_space<hbm>>) dst(%dma_wait3A_68 : memref<6272xf32, #tpu.memory_space<vmem_shared>>)
      tpu.yield
    }) : () -> ()
    %barrier3A = arith.constant 0 : index
    tpu.barrier barrier_id(%barrier3A)
    %mul3A_3 = arith.constant 784 : i32
    %mul3A_4 = arith.muli %add3A, %mul3A_3 : i32
    %iota3A = tpu.iota {dimensions = array<i32: 0>} : vector<16xi32>
    %add3A_5 = arith.constant 0 : i32
    %add3A_6 = arith.addi %mul3A_4, %add3A_5 : i32
    "tpu.region"() ({
      %run_scoped3A = tpu.sem_alloc : memref<!tpu.dma_semaphore, #tpu.memory_space<semaphore_mem>>
      %dma_start3A_66 = arith.constant 0 : i32
      %dma_start3A_67 = arith.constant 0 : i32
      %dma_start3A_68 = tpu.memref_slice %arg10[%dma_start3A_66, %dma_start3A_67] : memref<16x128xi32, #tpu.memory_space<vmem>> -> memref<8x128xi32, #tpu.memory_space<vmem>>
      %dma_start3A_69 = arith.constant 0 : i32
      %dma_start3A_70 = tpu.memref_slice %arg4[%add3A_6, %dma_start3A_69] : memref<25088x128xi32, #tpu.memory_space<hbm>> -> memref<8x128xi32, #tpu.memory_space<hbm>>
      %dma_start3A_71 = arith.constant 0 : i32
      %dma_start3A_72 = arith.constant 0 : i32
      %dma_start3A_73 = tpu.memref_slice %arg10[%dma_start3A_71, %dma_start3A_72] : memref<16x128xi32, #tpu.memory_space<vmem>> -> memref<8x128xi32, #tpu.memory_space<vmem>>
      %dma_start3A_74 = arith.constant 0 : i32
      %dma_start3A_75 = tpu.memref_slice %arg4[%add3A_6, %dma_start3A_74] : memref<25088x128xi32, #tpu.memory_space<hbm>> -> memref<8x128xi32, #tpu.memory_space<hbm>>
      tpu.enqueue_dma source(%dma_start3A_75 : memref<8x128xi32, #tpu.memory_space<hbm>>) target(%dma_start3A_73 : memref<8x128xi32, #tpu.memory_space<vmem>>) target_semaphore(%run_scoped3A : memref<!tpu.dma_semaphore, #tpu.memory_space<semaphore_mem>>)
      %dma_wait3A_76 = arith.constant 0 : i32
      %dma_wait3A_77 = arith.constant 0 : i32
      %dma_wait3A_78 = tpu.memref_slice %arg10[%dma_wait3A_76, %dma_wait3A_77] : memref<16x128xi32, #tpu.memory_space<vmem>> -> memref<8x128xi32, #tpu.memory_space<vmem>>
      %dma_wait3A_79 = arith.constant 0 : i32
      %dma_wait3A_80 = tpu.memref_slice %arg4[%add3A_6, %dma_wait3A_79] : memref<25088x128xi32, #tpu.memory_space<hbm>> -> memref<8x128xi32, #tpu.memory_space<hbm>>
      %dma_wait3A_81 = arith.constant 0 : i32
      %dma_wait3A_82 = arith.constant 0 : i32
      %dma_wait3A_83 = tpu.memref_slice %arg10[%dma_wait3A_81, %dma_wait3A_82] : memref<16x128xi32, #tpu.memory_space<vmem>> -> memref<8x128xi32, #tpu.memory_space<vmem>>
      %dma_wait3A_84 = arith.constant 0 : i32
      %dma_wait3A_85 = tpu.memref_slice %arg4[%add3A_6, %dma_wait3A_84] : memref<25088x128xi32, #tpu.memory_space<hbm>> -> memref<8x128xi32, #tpu.memory_space<hbm>>
      tpu.wait_dma2 semaphore(%run_scoped3A : memref<!tpu.dma_semaphore, #tpu.memory_space<semaphore_mem>>) src(%dma_wait3A_85 : memref<8x128xi32, #tpu.memory_space<hbm>>) dst(%dma_wait3A_83 : memref<8x128xi32, #tpu.memory_space<vmem>>)
      tpu.yield
    }) : () -> ()
    %add3A_7 = arith.constant 0 : i32
    %add3A_8 = arith.addi %mul3A_4, %add3A_7 : i32
    "tpu.region"() ({
      %run_scoped3A = tpu.sem_alloc : memref<!tpu.dma_semaphore, #tpu.memory_space<semaphore_mem>>
      %dma_start3A_66 = arith.constant 0 : i32
      %dma_start3A_67 = arith.constant 0 : i32
      %dma_start3A_68 = tpu.memref_slice %arg11[%dma_start3A_66, %dma_start3A_67] : memref<16x128xi32, #tpu.memory_space<vmem>> -> memref<8x128xi32, #tpu.memory_space<vmem>>
      %dma_start3A_69 = arith.constant 0 : i32
      %dma_start3A_70 = tpu.memref_slice %arg5[%add3A_8, %dma_start3A_69] : memref<25088x128xi32, #tpu.memory_space<hbm>> -> memref<8x128xi32, #tpu.memory_space<hbm>>
      %dma_start3A_71 = arith.constant 0 : i32
      %dma_start3A_72 = arith.constant 0 : i32
      %dma_start3A_73 = tpu.memref_slice %arg11[%dma_start3A_71, %dma_start3A_72] : memref<16x128xi32, #tpu.memory_space<vmem>> -> memref<8x128xi32, #tpu.memory_space<vmem>>
      %dma_start3A_74 = arith.constant 0 : i32
      %dma_start3A_75 = tpu.memref_slice %arg5[%add3A_8, %dma_start3A_74] : memref<25088x128xi32, #tpu.memory_space<hbm>> -> memref<8x128xi32, #tpu.memory_space<hbm>>
      tpu.enqueue_dma source(%dma_start3A_75 : memref<8x128xi32, #tpu.memory_space<hbm>>) target(%dma_start3A_73 : memref<8x128xi32, #tpu.memory_space<vmem>>) target_semaphore(%run_scoped3A : memref<!tpu.dma_semaphore, #tpu.memory_space<semaphore_mem>>)
      %dma_wait3A_76 = arith.constant 0 : i32
      %dma_wait3A_77 = arith.constant 0 : i32
      %dma_wait3A_78 = tpu.memref_slice %arg11[%dma_wait3A_76, %dma_wait3A_77] : memref<16x128xi32, #tpu.memory_space<vmem>> -> memref<8x128xi32, #tpu.memory_space<vmem>>
      %dma_wait3A_79 = arith.constant 0 : i32
      %dma_wait3A_80 = tpu.memref_slice %arg5[%add3A_8, %dma_wait3A_79] : memref<25088x128xi32, #tpu.memory_space<hbm>> -> memref<8x128xi32, #tpu.memory_space<hbm>>
      %dma_wait3A_81 = arith.constant 0 : i32
      %dma_wait3A_82 = arith.constant 0 : i32
      %dma_wait3A_83 = tpu.memref_slice %arg11[%dma_wait3A_81, %dma_wait3A_82] : memref<16x128xi32, #tpu.memory_space<vmem>> -> memref<8x128xi32, #tpu.memory_space<vmem>>
      %dma_wait3A_84 = arith.constant 0 : i32
      %dma_wait3A_85 = tpu.memref_slice %arg5[%add3A_8, %dma_wait3A_84] : memref<25088x128xi32, #tpu.memory_space<hbm>> -> memref<8x128xi32, #tpu.memory_space<hbm>>
      tpu.wait_dma2 semaphore(%run_scoped3A : memref<!tpu.dma_semaphore, #tpu.memory_space<semaphore_mem>>) src(%dma_wait3A_85 : memref<8x128xi32, #tpu.memory_space<hbm>>) dst(%dma_wait3A_83 : memref<8x128xi32, #tpu.memory_space<vmem>>)
      tpu.yield
    }) : () -> ()
    %dma_start3A = arith.constant 0 : i32
    %dma_start3A_9 = arith.constant 0 : i32
    %dma_start3A_10 = tpu.memref_slice %arg10[%dma_start3A, %dma_start3A_9] : memref<16x128xi32, #tpu.memory_space<vmem>> -> memref<1x128xi32, #tpu.memory_space<vmem>>
    %dma_start3A_11 = tpu.memref_squeeze %dma_start3A_10 : memref<1x128xi32, #tpu.memory_space<vmem>> -> memref<128xi32, #tpu.memory_space<vmem>>
    %dma_start3A_12 = arith.constant 0 : i32
    %dma_start3A_13 = arith.constant 0 : i32
    %dma_start3A_14 = tpu.memref_slice %arg2[%dma_start3A_12, %dma_start3A_13] : memref<102400x32xf32, #tpu.memory_space<hbm>> -> memref<102400x32xf32, #tpu.memory_space<hbm>>
    tpu.enqueue_indirect_dma source(%dma_start3A_14 : memref<102400x32xf32, #tpu.memory_space<hbm>>) target(%arg12 : memref<128x32xf32, #tpu.memory_space<vmem>>) offsets(%dma_start3A_11 : memref<128xi32, #tpu.memory_space<vmem>>) semaphore(%arg22 : memref<!tpu.dma_semaphore, #tpu.memory_space<semaphore_mem>>)
    %dma_start3A_15 = arith.constant 0 : i32
    %dma_start3A_16 = arith.constant 0 : i32
    %dma_start3A_17 = tpu.memref_slice %arg11[%dma_start3A_15, %dma_start3A_16] : memref<16x128xi32, #tpu.memory_space<vmem>> -> memref<1x128xi32, #tpu.memory_space<vmem>>
    %dma_start3A_18 = tpu.memref_squeeze %dma_start3A_17 : memref<1x128xi32, #tpu.memory_space<vmem>> -> memref<128xi32, #tpu.memory_space<vmem>>
    %dma_start3A_19 = arith.constant 0 : i32
    %dma_start3A_20 = arith.constant 0 : i32
    %dma_start3A_21 = tpu.memref_slice %arg3[%dma_start3A_19, %dma_start3A_20] : memref<102400x16xf32, #tpu.memory_space<hbm>> -> memref<102400x16xf32, #tpu.memory_space<hbm>>
    tpu.enqueue_indirect_dma source(%dma_start3A_21 : memref<102400x16xf32, #tpu.memory_space<hbm>>) target(%arg14 : memref<128x16xf32, #tpu.memory_space<vmem>>) offsets(%dma_start3A_18 : memref<128xi32, #tpu.memory_space<vmem>>) semaphore(%arg22 : memref<!tpu.dma_semaphore, #tpu.memory_space<semaphore_mem>>)
    %dma_start3A_22 = arith.constant 1 : i32
    %dma_start3A_23 = arith.constant 0 : i32
    %dma_start3A_24 = tpu.memref_slice %arg10[%dma_start3A_22, %dma_start3A_23] : memref<16x128xi32, #tpu.memory_space<vmem>> -> memref<1x128xi32, #tpu.memory_space<vmem>>
    %dma_start3A_25 = tpu.memref_squeeze %dma_start3A_24 : memref<1x128xi32, #tpu.memory_space<vmem>> -> memref<128xi32, #tpu.memory_space<vmem>>
    %dma_start3A_26 = arith.constant 0 : i32
    %dma_start3A_27 = arith.constant 0 : i32
    %dma_start3A_28 = tpu.memref_slice %arg2[%dma_start3A_26, %dma_start3A_27] : memref<102400x32xf32, #tpu.memory_space<hbm>> -> memref<102400x32xf32, #tpu.memory_space<hbm>>
    tpu.enqueue_indirect_dma source(%dma_start3A_28 : memref<102400x32xf32, #tpu.memory_space<hbm>>) target(%arg13 : memref<128x32xf32, #tpu.memory_space<vmem>>) offsets(%dma_start3A_25 : memref<128xi32, #tpu.memory_space<vmem>>) semaphore(%arg23 : memref<!tpu.dma_semaphore, #tpu.memory_space<semaphore_mem>>)
    %dma_start3A_29 = arith.constant 1 : i32
    %dma_start3A_30 = arith.constant 0 : i32
    %dma_start3A_31 = tpu.memref_slice %arg11[%dma_start3A_29, %dma_start3A_30] : memref<16x128xi32, #tpu.memory_space<vmem>> -> memref<1x128xi32, #tpu.memory_space<vmem>>
    %dma_start3A_32 = tpu.memref_squeeze %dma_start3A_31 : memref<1x128xi32, #tpu.memory_space<vmem>> -> memref<128xi32, #tpu.memory_space<vmem>>
    %dma_start3A_33 = arith.constant 0 : i32
    %dma_start3A_34 = arith.constant 0 : i32
    %dma_start3A_35 = tpu.memref_slice %arg3[%dma_start3A_33, %dma_start3A_34] : memref<102400x16xf32, #tpu.memory_space<hbm>> -> memref<102400x16xf32, #tpu.memory_space<hbm>>
    tpu.enqueue_indirect_dma source(%dma_start3A_35 : memref<102400x16xf32, #tpu.memory_space<hbm>>) target(%arg15 : memref<128x16xf32, #tpu.memory_space<vmem>>) offsets(%dma_start3A_32 : memref<128xi32, #tpu.memory_space<vmem>>) semaphore(%arg23 : memref<!tpu.dma_semaphore, #tpu.memory_space<semaphore_mem>>)
    %scan3A = arith.constant 0 : i32
    %scan3A_36 = arith.constant 392 : i32
    %scan3A_37 = arith.addi %scan3A, %scan3A_36 : i32
    %scan3A_38 = arith.constant 1 : i32
    scf.for %scan3A_66 = %scan3A to %scan3A_37 step %scan3A_38  : i32 {
      %mul3A_67 = arith.constant 1 : i32
      %mul3A_68 = arith.muli %scan3A_66, %mul3A_67 : i32
      %add3A_69 = arith.constant 0 : i32
      %add3A_70 = arith.addi %add3A_69, %mul3A_68 : i32
      %mul3A_71 = arith.constant 2 : i32
      %mul3A_72 = arith.muli %add3A_70, %mul3A_71 : i32
      %add3A_73 = arith.constant 0 : i32
      %add3A_74 = arith.addi %mul3A_72, %add3A_73 : i32
      %dma_wait3A_75 = arith.constant 0 : i32
      %dma_wait3A_76 = arith.constant 0 : i32
      %dma_wait3A_77 = tpu.memref_slice %arg10[%dma_wait3A_75, %dma_wait3A_76] : memref<16x128xi32, #tpu.memory_space<vmem>> -> memref<1x128xi32, #tpu.memory_space<vmem>>
      %dma_wait3A_78 = tpu.memref_squeeze %dma_wait3A_77 : memref<1x128xi32, #tpu.memory_space<vmem>> -> memref<128xi32, #tpu.memory_space<vmem>>
      %dma_wait3A_79 = arith.constant 0 : i32
      %dma_wait3A_80 = arith.constant 0 : i32
      %dma_wait3A_81 = tpu.memref_slice %arg2[%dma_wait3A_79, %dma_wait3A_80] : memref<102400x32xf32, #tpu.memory_space<hbm>> -> memref<102400x32xf32, #tpu.memory_space<hbm>>
      tpu.wait_indirect_dma semaphore(%arg22 : memref<!tpu.dma_semaphore, #tpu.memory_space<semaphore_mem>>) src(%dma_wait3A_81 : memref<102400x32xf32, #tpu.memory_space<hbm>>) dst(%arg12 : memref<128x32xf32, #tpu.memory_space<vmem>>)
      %dma_wait3A_82 = arith.constant 0 : i32
      %dma_wait3A_83 = arith.constant 0 : i32
      %dma_wait3A_84 = tpu.memref_slice %arg11[%dma_wait3A_82, %dma_wait3A_83] : memref<16x128xi32, #tpu.memory_space<vmem>> -> memref<1x128xi32, #tpu.memory_space<vmem>>
      %dma_wait3A_85 = tpu.memref_squeeze %dma_wait3A_84 : memref<1x128xi32, #tpu.memory_space<vmem>> -> memref<128xi32, #tpu.memory_space<vmem>>
      %dma_wait3A_86 = arith.constant 0 : i32
      %dma_wait3A_87 = arith.constant 0 : i32
      %dma_wait3A_88 = tpu.memref_slice %arg3[%dma_wait3A_86, %dma_wait3A_87] : memref<102400x16xf32, #tpu.memory_space<hbm>> -> memref<102400x16xf32, #tpu.memory_space<hbm>>
      tpu.wait_indirect_dma semaphore(%arg22 : memref<!tpu.dma_semaphore, #tpu.memory_space<semaphore_mem>>) src(%dma_wait3A_88 : memref<102400x16xf32, #tpu.memory_space<hbm>>) dst(%arg14 : memref<128x16xf32, #tpu.memory_space<vmem>>)
      %gt3A = arith.constant 0 : i32
      %gt3A_89 = arith.cmpi sgt, %add3A_70, %gt3A : i32
      %convert_element_type3A = arith.extui %gt3A_89 : i1 to i32
      %cond3A = arith.constant 0 : i32
      %cond3A_90 = arith.cmpi ne, %convert_element_type3A, %cond3A : i32
      scf.if %cond3A_90 {
        %dma_wait3A_268 = arith.constant 0 : i32
        %dma_wait3A_269 = arith.constant 0 : i32
        %dma_wait3A_270 = tpu.memref_slice %arg11[%dma_wait3A_268, %dma_wait3A_269] : memref<16x128xi32, #tpu.memory_space<vmem>> -> memref<1x128xi32, #tpu.memory_space<vmem>>
        %dma_wait3A_271 = tpu.memref_squeeze %dma_wait3A_270 : memref<1x128xi32, #tpu.memory_space<vmem>> -> memref<128xi32, #tpu.memory_space<vmem>>
        %dma_wait3A_272 = arith.constant 0 : i32
        %dma_wait3A_273 = arith.constant 0 : i32
        %dma_wait3A_274 = tpu.memref_slice %arg20[%dma_wait3A_272, %dma_wait3A_273] : memref<100352x16xf32, #tpu.memory_space<vmem_shared>> -> memref<100352x16xf32, #tpu.memory_space<vmem_shared>>
        tpu.wait_indirect_dma semaphore(%arg24 : memref<!tpu.dma_semaphore, #tpu.memory_space<semaphore_mem>>) src(%arg16 : memref<128x16xf32, #tpu.memory_space<vmem>>) dst(%dma_wait3A_274 : memref<100352x16xf32, #tpu.memory_space<vmem_shared>>)
        %dma_wait3A_275 = arith.constant 0 : i32
        %dma_wait3A_276 = arith.constant 0 : i32
        %dma_wait3A_277 = tpu.memref_slice %arg11[%dma_wait3A_275, %dma_wait3A_276] : memref<16x128xi32, #tpu.memory_space<vmem>> -> memref<1x128xi32, #tpu.memory_space<vmem>>
        %dma_wait3A_278 = tpu.memref_squeeze %dma_wait3A_277 : memref<1x128xi32, #tpu.memory_space<vmem>> -> memref<128xi32, #tpu.memory_space<vmem>>
        %dma_wait3A_279 = arith.constant 0 : i32
        %dma_wait3A_280 = tpu.memref_slice %arg21[%dma_wait3A_279] : memref<100352xf32, #tpu.memory_space<vmem_shared>> -> memref<100352xf32, #tpu.memory_space<vmem_shared>>
        tpu.wait_indirect_dma semaphore(%arg24 : memref<!tpu.dma_semaphore, #tpu.memory_space<semaphore_mem>>) src(%arg18 : memref<128xf32, #tpu.memory_space<vmem>>) dst(%dma_wait3A_280 : memref<100352xf32, #tpu.memory_space<vmem_shared>>)
      } else {
      }
      %scan3A_91 = arith.constant 0 : i32
      %scan3A_92 = arith.constant 8 : i32
      %scan3A_93 = arith.addi %scan3A_91, %scan3A_92 : i32
      %scan3A_94 = arith.constant 1 : i32
      scf.for %scan3A_268 = %scan3A_91 to %scan3A_93 step %scan3A_94  : i32 {
        %mul3A_269 = arith.constant 1 : i32
        %mul3A_270 = arith.muli %scan3A_268, %mul3A_269 : i32
        %add3A_271 = arith.constant 0 : i32
        %add3A_272 = arith.addi %add3A_271, %mul3A_270 : i32
        %mul3A_273 = arith.constant 16 : i32
        %mul3A_274 = arith.muli %add3A_272, %mul3A_273 : i32
        %add3A_275 = vector.broadcast %mul3A_274 : i32 to vector<16xi32>
        %add3A_276 = arith.addi %add3A_275, %iota3A : vector<16xi32>
        %broadcast_in_dim3A = arith.constant 0.000000e+00 : f32
        %broadcast_in_dim3A_277 = vector.broadcast %broadcast_in_dim3A : f32 to vector<16xf32>
        %broadcast_in_dim3A_278 = arith.constant 0 : i32
        %broadcast_in_dim3A_279 = vector.broadcast %broadcast_in_dim3A_278 : i32 to vector<16xi32>
        %gather3A = tpu.vector_load_idx %arg12[%add3A_276, %broadcast_in_dim3A_279] : memref<128x32xf32, #tpu.memory_space<vmem>>[vector<16xi32>, vector<16xi32>], vector<16xf32>,
        %gather3A_280 = tpu.vector_load_idx %arg14[%add3A_276, %broadcast_in_dim3A_279] : memref<128x16xf32, #tpu.memory_space<vmem>>[vector<16xi32>, vector<16xi32>], vector<16xf32>,
        %mul3A_281 = arith.mulf %gather3A, %gather3A_280 : vector<16xf32>
        %add3A_282 = arith.addf %broadcast_in_dim3A_277, %mul3A_281 : vector<16xf32>
        %broadcast_in_dim3A_283 = arith.constant 1 : i32
        %broadcast_in_dim3A_284 = vector.broadcast %broadcast_in_dim3A_283 : i32 to vector<16xi32>
        %gather3A_285 = tpu.vector_load_idx %arg12[%add3A_276, %broadcast_in_dim3A_284] : memref<128x32xf32, #tpu.memory_space<vmem>>[vector<16xi32>, vector<16xi32>], vector<16xf32>,
        %gather3A_286 = tpu.vector_load_idx %arg14[%add3A_276, %broadcast_in_dim3A_284] : memref<128x16xf32, #tpu.memory_space<vmem>>[vector<16xi32>, vector<16xi32>], vector<16xf32>,
        %mul3A_287 = arith.mulf %gather3A_285, %gather3A_286 : vector<16xf32>
        %add3A_288 = arith.addf %add3A_282, %mul3A_287 : vector<16xf32>
        %broadcast_in_dim3A_289 = arith.constant 2 : i32
        %broadcast_in_dim3A_290 = vector.broadcast %broadcast_in_dim3A_289 : i32 to vector<16xi32>
        %gather3A_291 = tpu.vector_load_idx %arg12[%add3A_276, %broadcast_in_dim3A_290] : memref<128x32xf32, #tpu.memory_space<vmem>>[vector<16xi32>, vector<16xi32>], vector<16xf32>,
        %gather3A_292 = tpu.vector_load_idx %arg14[%add3A_276, %broadcast_in_dim3A_290] : memref<128x16xf32, #tpu.memory_space<vmem>>[vector<16xi32>, vector<16xi32>], vector<16xf32>,
        %mul3A_293 = arith.mulf %gather3A_291, %gather3A_292 : vector<16xf32>
        %add3A_294 = arith.addf %add3A_288, %mul3A_293 : vector<16xf32>
        %broadcast_in_dim3A_295 = arith.constant 3 : i32
        %broadcast_in_dim3A_296 = vector.broadcast %broadcast_in_dim3A_295 : i32 to vector<16xi32>
        %gather3A_297 = tpu.vector_load_idx %arg12[%add3A_276, %broadcast_in_dim3A_296] : memref<128x32xf32, #tpu.memory_space<vmem>>[vector<16xi32>, vector<16xi32>], vector<16xf32>,
        %gather3A_298 = tpu.vector_load_idx %arg14[%add3A_276, %broadcast_in_dim3A_296] : memref<128x16xf32, #tpu.memory_space<vmem>>[vector<16xi32>, vector<16xi32>], vector<16xf32>,
        %mul3A_299 = arith.mulf %gather3A_297, %gather3A_298 : vector<16xf32>
        %add3A_300 = arith.addf %add3A_294, %mul3A_299 : vector<16xf32>
        %broadcast_in_dim3A_301 = arith.constant 4 : i32
        %broadcast_in_dim3A_302 = vector.broadcast %broadcast_in_dim3A_301 : i32 to vector<16xi32>
        %gather3A_303 = tpu.vector_load_idx %arg12[%add3A_276, %broadcast_in_dim3A_302] : memref<128x32xf32, #tpu.memory_space<vmem>>[vector<16xi32>, vector<16xi32>], vector<16xf32>,
        %gather3A_304 = tpu.vector_load_idx %arg14[%add3A_276, %broadcast_in_dim3A_302] : memref<128x16xf32, #tpu.memory_space<vmem>>[vector<16xi32>, vector<16xi32>], vector<16xf32>,
        %mul3A_305 = arith.mulf %gather3A_303, %gather3A_304 : vector<16xf32>
        %add3A_306 = arith.addf %add3A_300, %mul3A_305 : vector<16xf32>
        %broadcast_in_dim3A_307 = arith.constant 5 : i32
        %broadcast_in_dim3A_308 = vector.broadcast %broadcast_in_dim3A_307 : i32 to vector<16xi32>
        %gather3A_309 = tpu.vector_load_idx %arg12[%add3A_276, %broadcast_in_dim3A_308] : memref<128x32xf32, #tpu.memory_space<vmem>>[vector<16xi32>, vector<16xi32>], vector<16xf32>,
        %gather3A_310 = tpu.vector_load_idx %arg14[%add3A_276, %broadcast_in_dim3A_308] : memref<128x16xf32, #tpu.memory_space<vmem>>[vector<16xi32>, vector<16xi32>], vector<16xf32>,
        %mul3A_311 = arith.mulf %gather3A_309, %gather3A_310 : vector<16xf32>
        %add3A_312 = arith.addf %add3A_306, %mul3A_311 : vector<16xf32>
        %broadcast_in_dim3A_313 = arith.constant 6 : i32
        %broadcast_in_dim3A_314 = vector.broadcast %broadcast_in_dim3A_313 : i32 to vector<16xi32>
        %gather3A_315 = tpu.vector_load_idx %arg12[%add3A_276, %broadcast_in_dim3A_314] : memref<128x32xf32, #tpu.memory_space<vmem>>[vector<16xi32>, vector<16xi32>], vector<16xf32>,
        %gather3A_316 = tpu.vector_load_idx %arg14[%add3A_276, %broadcast_in_dim3A_314] : memref<128x16xf32, #tpu.memory_space<vmem>>[vector<16xi32>, vector<16xi32>], vector<16xf32>,
        %mul3A_317 = arith.mulf %gather3A_315, %gather3A_316 : vector<16xf32>
        %add3A_318 = arith.addf %add3A_312, %mul3A_317 : vector<16xf32>
        %broadcast_in_dim3A_319 = arith.constant 7 : i32
        %broadcast_in_dim3A_320 = vector.broadcast %broadcast_in_dim3A_319 : i32 to vector<16xi32>
        %gather3A_321 = tpu.vector_load_idx %arg12[%add3A_276, %broadcast_in_dim3A_320] : memref<128x32xf32, #tpu.memory_space<vmem>>[vector<16xi32>, vector<16xi32>], vector<16xf32>,
        %gather3A_322 = tpu.vector_load_idx %arg14[%add3A_276, %broadcast_in_dim3A_320] : memref<128x16xf32, #tpu.memory_space<vmem>>[vector<16xi32>, vector<16xi32>], vector<16xf32>,
        %mul3A_323 = arith.mulf %gather3A_321, %gather3A_322 : vector<16xf32>
        %add3A_324 = arith.addf %add3A_318, %mul3A_323 : vector<16xf32>
        %broadcast_in_dim3A_325 = arith.constant 8 : i32
        %broadcast_in_dim3A_326 = vector.broadcast %broadcast_in_dim3A_325 : i32 to vector<16xi32>
        %gather3A_327 = tpu.vector_load_idx %arg12[%add3A_276, %broadcast_in_dim3A_326] : memref<128x32xf32, #tpu.memory_space<vmem>>[vector<16xi32>, vector<16xi32>], vector<16xf32>,
        %gather3A_328 = tpu.vector_load_idx %arg14[%add3A_276, %broadcast_in_dim3A_326] : memref<128x16xf32, #tpu.memory_space<vmem>>[vector<16xi32>, vector<16xi32>], vector<16xf32>,
        %mul3A_329 = arith.mulf %gather3A_327, %gather3A_328 : vector<16xf32>
        %add3A_330 = arith.addf %add3A_324, %mul3A_329 : vector<16xf32>
        %broadcast_in_dim3A_331 = arith.constant 9 : i32
        %broadcast_in_dim3A_332 = vector.broadcast %broadcast_in_dim3A_331 : i32 to vector<16xi32>
        %gather3A_333 = tpu.vector_load_idx %arg12[%add3A_276, %broadcast_in_dim3A_332] : memref<128x32xf32, #tpu.memory_space<vmem>>[vector<16xi32>, vector<16xi32>], vector<16xf32>,
        %gather3A_334 = tpu.vector_load_idx %arg14[%add3A_276, %broadcast_in_dim3A_332] : memref<128x16xf32, #tpu.memory_space<vmem>>[vector<16xi32>, vector<16xi32>], vector<16xf32>,
        %mul3A_335 = arith.mulf %gather3A_333, %gather3A_334 : vector<16xf32>
        %add3A_336 = arith.addf %add3A_330, %mul3A_335 : vector<16xf32>
        %broadcast_in_dim3A_337 = arith.constant 10 : i32
        %broadcast_in_dim3A_338 = vector.broadcast %broadcast_in_dim3A_337 : i32 to vector<16xi32>
        %gather3A_339 = tpu.vector_load_idx %arg12[%add3A_276, %broadcast_in_dim3A_338] : memref<128x32xf32, #tpu.memory_space<vmem>>[vector<16xi32>, vector<16xi32>], vector<16xf32>,
        %gather3A_340 = tpu.vector_load_idx %arg14[%add3A_276, %broadcast_in_dim3A_338] : memref<128x16xf32, #tpu.memory_space<vmem>>[vector<16xi32>, vector<16xi32>], vector<16xf32>,
        %mul3A_341 = arith.mulf %gather3A_339, %gather3A_340 : vector<16xf32>
        %add3A_342 = arith.addf %add3A_336, %mul3A_341 : vector<16xf32>
        %broadcast_in_dim3A_343 = arith.constant 11 : i32
        %broadcast_in_dim3A_344 = vector.broadcast %broadcast_in_dim3A_343 : i32 to vector<16xi32>
        %gather3A_345 = tpu.vector_load_idx %arg12[%add3A_276, %broadcast_in_dim3A_344] : memref<128x32xf32, #tpu.memory_space<vmem>>[vector<16xi32>, vector<16xi32>], vector<16xf32>,
        %gather3A_346 = tpu.vector_load_idx %arg14[%add3A_276, %broadcast_in_dim3A_344] : memref<128x16xf32, #tpu.memory_space<vmem>>[vector<16xi32>, vector<16xi32>], vector<16xf32>,
        %mul3A_347 = arith.mulf %gather3A_345, %gather3A_346 : vector<16xf32>
        %add3A_348 = arith.addf %add3A_342, %mul3A_347 : vector<16xf32>
        %broadcast_in_dim3A_349 = arith.constant 12 : i32
        %broadcast_in_dim3A_350 = vector.broadcast %broadcast_in_dim3A_349 : i32 to vector<16xi32>
        %gather3A_351 = tpu.vector_load_idx %arg12[%add3A_276, %broadcast_in_dim3A_350] : memref<128x32xf32, #tpu.memory_space<vmem>>[vector<16xi32>, vector<16xi32>], vector<16xf32>,
        %gather3A_352 = tpu.vector_load_idx %arg14[%add3A_276, %broadcast_in_dim3A_350] : memref<128x16xf32, #tpu.memory_space<vmem>>[vector<16xi32>, vector<16xi32>], vector<16xf32>,
        %mul3A_353 = arith.mulf %gather3A_351, %gather3A_352 : vector<16xf32>
        %add3A_354 = arith.addf %add3A_348, %mul3A_353 : vector<16xf32>
        %broadcast_in_dim3A_355 = arith.constant 13 : i32
        %broadcast_in_dim3A_356 = vector.broadcast %broadcast_in_dim3A_355 : i32 to vector<16xi32>
        %gather3A_357 = tpu.vector_load_idx %arg12[%add3A_276, %broadcast_in_dim3A_356] : memref<128x32xf32, #tpu.memory_space<vmem>>[vector<16xi32>, vector<16xi32>], vector<16xf32>,
        %gather3A_358 = tpu.vector_load_idx %arg14[%add3A_276, %broadcast_in_dim3A_356] : memref<128x16xf32, #tpu.memory_space<vmem>>[vector<16xi32>, vector<16xi32>], vector<16xf32>,
        %mul3A_359 = arith.mulf %gather3A_357, %gather3A_358 : vector<16xf32>
        %add3A_360 = arith.addf %add3A_354, %mul3A_359 : vector<16xf32>
        %broadcast_in_dim3A_361 = arith.constant 14 : i32
        %broadcast_in_dim3A_362 = vector.broadcast %broadcast_in_dim3A_361 : i32 to vector<16xi32>
        %gather3A_363 = tpu.vector_load_idx %arg12[%add3A_276, %broadcast_in_dim3A_362] : memref<128x32xf32, #tpu.memory_space<vmem>>[vector<16xi32>, vector<16xi32>], vector<16xf32>,
        %gather3A_364 = tpu.vector_load_idx %arg14[%add3A_276, %broadcast_in_dim3A_362] : memref<128x16xf32, #tpu.memory_space<vmem>>[vector<16xi32>, vector<16xi32>], vector<16xf32>,
        %mul3A_365 = arith.mulf %gather3A_363, %gather3A_364 : vector<16xf32>
        %add3A_366 = arith.addf %add3A_360, %mul3A_365 : vector<16xf32>
        %broadcast_in_dim3A_367 = arith.constant 15 : i32
        %broadcast_in_dim3A_368 = vector.broadcast %broadcast_in_dim3A_367 : i32 to vector<16xi32>
        %gather3A_369 = tpu.vector_load_idx %arg12[%add3A_276, %broadcast_in_dim3A_368] : memref<128x32xf32, #tpu.memory_space<vmem>>[vector<16xi32>, vector<16xi32>], vector<16xf32>,
        %gather3A_370 = tpu.vector_load_idx %arg14[%add3A_276, %broadcast_in_dim3A_368] : memref<128x16xf32, #tpu.memory_space<vmem>>[vector<16xi32>, vector<16xi32>], vector<16xf32>,
        %mul3A_371 = arith.mulf %gather3A_369, %gather3A_370 : vector<16xf32>
        %add3A_372 = arith.addf %add3A_366, %mul3A_371 : vector<16xf32>
        %exp3A = math.exp %add3A_372 : vector<16xf32>
        tpu.vector_store_idx %arg18[%add3A_276], %exp3A : memref<128xf32, #tpu.memory_space<vmem>>[vector<16xi32>], vector<16xf32>,
        %broadcast_in_dim3A_373 = arith.constant 0 : i32
        %broadcast_in_dim3A_374 = vector.broadcast %broadcast_in_dim3A_373 : i32 to vector<16xi32>
        %broadcast_in_dim3A_375 = arith.constant 16 : i32
        %broadcast_in_dim3A_376 = vector.broadcast %broadcast_in_dim3A_375 : i32 to vector<16xi32>
        %gather3A_377 = tpu.vector_load_idx %arg12[%add3A_276, %broadcast_in_dim3A_376] : memref<128x32xf32, #tpu.memory_space<vmem>>[vector<16xi32>, vector<16xi32>], vector<16xf32>,
        %mul3A_378 = arith.mulf %exp3A, %gather3A_377 : vector<16xf32>
        tpu.vector_store_idx %arg16[%add3A_276, %broadcast_in_dim3A_374], %mul3A_378 : memref<128x16xf32, #tpu.memory_space<vmem>>[vector<16xi32>, vector<16xi32>], vector<16xf32>,
        %broadcast_in_dim3A_379 = arith.constant 1 : i32
        %broadcast_in_dim3A_380 = vector.broadcast %broadcast_in_dim3A_379 : i32 to vector<16xi32>
        %broadcast_in_dim3A_381 = arith.constant 17 : i32
        %broadcast_in_dim3A_382 = vector.broadcast %broadcast_in_dim3A_381 : i32 to vector<16xi32>
        %gather3A_383 = tpu.vector_load_idx %arg12[%add3A_276, %broadcast_in_dim3A_382] : memref<128x32xf32, #tpu.memory_space<vmem>>[vector<16xi32>, vector<16xi32>], vector<16xf32>,
        %mul3A_384 = arith.mulf %exp3A, %gather3A_383 : vector<16xf32>
        tpu.vector_store_idx %arg16[%add3A_276, %broadcast_in_dim3A_380], %mul3A_384 : memref<128x16xf32, #tpu.memory_space<vmem>>[vector<16xi32>, vector<16xi32>], vector<16xf32>,
        %broadcast_in_dim3A_385 = arith.constant 2 : i32
        %broadcast_in_dim3A_386 = vector.broadcast %broadcast_in_dim3A_385 : i32 to vector<16xi32>
        %broadcast_in_dim3A_387 = arith.constant 18 : i32
        %broadcast_in_dim3A_388 = vector.broadcast %broadcast_in_dim3A_387 : i32 to vector<16xi32>
        %gather3A_389 = tpu.vector_load_idx %arg12[%add3A_276, %broadcast_in_dim3A_388] : memref<128x32xf32, #tpu.memory_space<vmem>>[vector<16xi32>, vector<16xi32>], vector<16xf32>,
        %mul3A_390 = arith.mulf %exp3A, %gather3A_389 : vector<16xf32>
        tpu.vector_store_idx %arg16[%add3A_276, %broadcast_in_dim3A_386], %mul3A_390 : memref<128x16xf32, #tpu.memory_space<vmem>>[vector<16xi32>, vector<16xi32>], vector<16xf32>,
        %broadcast_in_dim3A_391 = arith.constant 3 : i32
        %broadcast_in_dim3A_392 = vector.broadcast %broadcast_in_dim3A_391 : i32 to vector<16xi32>
        %broadcast_in_dim3A_393 = arith.constant 19 : i32
        %broadcast_in_dim3A_394 = vector.broadcast %broadcast_in_dim3A_393 : i32 to vector<16xi32>
        %gather3A_395 = tpu.vector_load_idx %arg12[%add3A_276, %broadcast_in_dim3A_394] : memref<128x32xf32, #tpu.memory_space<vmem>>[vector<16xi32>, vector<16xi32>], vector<16xf32>,
        %mul3A_396 = arith.mulf %exp3A, %gather3A_395 : vector<16xf32>
        tpu.vector_store_idx %arg16[%add3A_276, %broadcast_in_dim3A_392], %mul3A_396 : memref<128x16xf32, #tpu.memory_space<vmem>>[vector<16xi32>, vector<16xi32>], vector<16xf32>,
        %broadcast_in_dim3A_397 = arith.constant 4 : i32
        %broadcast_in_dim3A_398 = vector.broadcast %broadcast_in_dim3A_397 : i32 to vector<16xi32>
        %broadcast_in_dim3A_399 = arith.constant 20 : i32
        %broadcast_in_dim3A_400 = vector.broadcast %broadcast_in_dim3A_399 : i32 to vector<16xi32>
        %gather3A_401 = tpu.vector_load_idx %arg12[%add3A_276, %broadcast_in_dim3A_400] : memref<128x32xf32, #tpu.memory_space<vmem>>[vector<16xi32>, vector<16xi32>], vector<16xf32>,
        %mul3A_402 = arith.mulf %exp3A, %gather3A_401 : vector<16xf32>
        tpu.vector_store_idx %arg16[%add3A_276, %broadcast_in_dim3A_398], %mul3A_402 : memref<128x16xf32, #tpu.memory_space<vmem>>[vector<16xi32>, vector<16xi32>], vector<16xf32>,
        %broadcast_in_dim3A_403 = arith.constant 5 : i32
        %broadcast_in_dim3A_404 = vector.broadcast %broadcast_in_dim3A_403 : i32 to vector<16xi32>
        %broadcast_in_dim3A_405 = arith.constant 21 : i32
        %broadcast_in_dim3A_406 = vector.broadcast %broadcast_in_dim3A_405 : i32 to vector<16xi32>
        %gather3A_407 = tpu.vector_load_idx %arg12[%add3A_276, %broadcast_in_dim3A_406] : memref<128x32xf32, #tpu.memory_space<vmem>>[vector<16xi32>, vector<16xi32>], vector<16xf32>,
        %mul3A_408 = arith.mulf %exp3A, %gather3A_407 : vector<16xf32>
        tpu.vector_store_idx %arg16[%add3A_276, %broadcast_in_dim3A_404], %mul3A_408 : memref<128x16xf32, #tpu.memory_space<vmem>>[vector<16xi32>, vector<16xi32>], vector<16xf32>,
        %broadcast_in_dim3A_409 = arith.constant 6 : i32
        %broadcast_in_dim3A_410 = vector.broadcast %broadcast_in_dim3A_409 : i32 to vector<16xi32>
        %broadcast_in_dim3A_411 = arith.constant 22 : i32
        %broadcast_in_dim3A_412 = vector.broadcast %broadcast_in_dim3A_411 : i32 to vector<16xi32>
        %gather3A_413 = tpu.vector_load_idx %arg12[%add3A_276, %broadcast_in_dim3A_412] : memref<128x32xf32, #tpu.memory_space<vmem>>[vector<16xi32>, vector<16xi32>], vector<16xf32>,
        %mul3A_414 = arith.mulf %exp3A, %gather3A_413 : vector<16xf32>
        tpu.vector_store_idx %arg16[%add3A_276, %broadcast_in_dim3A_410], %mul3A_414 : memref<128x16xf32, #tpu.memory_space<vmem>>[vector<16xi32>, vector<16xi32>], vector<16xf32>,
        %broadcast_in_dim3A_415 = arith.constant 7 : i32
        %broadcast_in_dim3A_416 = vector.broadcast %broadcast_in_dim3A_415 : i32 to vector<16xi32>
        %broadcast_in_dim3A_417 = arith.constant 23 : i32
        %broadcast_in_dim3A_418 = vector.broadcast %broadcast_in_dim3A_417 : i32 to vector<16xi32>
        %gather3A_419 = tpu.vector_load_idx %arg12[%add3A_276, %broadcast_in_dim3A_418] : memref<128x32xf32, #tpu.memory_space<vmem>>[vector<16xi32>, vector<16xi32>], vector<16xf32>,
        %mul3A_420 = arith.mulf %exp3A, %gather3A_419 : vector<16xf32>
        tpu.vector_store_idx %arg16[%add3A_276, %broadcast_in_dim3A_416], %mul3A_420 : memref<128x16xf32, #tpu.memory_space<vmem>>[vector<16xi32>, vector<16xi32>], vector<16xf32>,
        %broadcast_in_dim3A_421 = arith.constant 8 : i32
        %broadcast_in_dim3A_422 = vector.broadcast %broadcast_in_dim3A_421 : i32 to vector<16xi32>
        %broadcast_in_dim3A_423 = arith.constant 24 : i32
        %broadcast_in_dim3A_424 = vector.broadcast %broadcast_in_dim3A_423 : i32 to vector<16xi32>
        %gather3A_425 = tpu.vector_load_idx %arg12[%add3A_276, %broadcast_in_dim3A_424] : memref<128x32xf32, #tpu.memory_space<vmem>>[vector<16xi32>, vector<16xi32>], vector<16xf32>,
        %mul3A_426 = arith.mulf %exp3A, %gather3A_425 : vector<16xf32>
        tpu.vector_store_idx %arg16[%add3A_276, %broadcast_in_dim3A_422], %mul3A_426 : memref<128x16xf32, #tpu.memory_space<vmem>>[vector<16xi32>, vector<16xi32>], vector<16xf32>,
        %broadcast_in_dim3A_427 = arith.constant 9 : i32
        %broadcast_in_dim3A_428 = vector.broadcast %broadcast_in_dim3A_427 : i32 to vector<16xi32>
        %broadcast_in_dim3A_429 = arith.constant 25 : i32
        %broadcast_in_dim3A_430 = vector.broadcast %broadcast_in_dim3A_429 : i32 to vector<16xi32>
        %gather3A_431 = tpu.vector_load_idx %arg12[%add3A_276, %broadcast_in_dim3A_430] : memref<128x32xf32, #tpu.memory_space<vmem>>[vector<16xi32>, vector<16xi32>], vector<16xf32>,
        %mul3A_432 = arith.mulf %exp3A, %gather3A_431 : vector<16xf32>
        tpu.vector_store_idx %arg16[%add3A_276, %broadcast_in_dim3A_428], %mul3A_432 : memref<128x16xf32, #tpu.memory_space<vmem>>[vector<16xi32>, vector<16xi32>], vector<16xf32>,
        %broadcast_in_dim3A_433 = arith.constant 10 : i32
        %broadcast_in_dim3A_434 = vector.broadcast %broadcast_in_dim3A_433 : i32 to vector<16xi32>
        %broadcast_in_dim3A_435 = arith.constant 26 : i32
        %broadcast_in_dim3A_436 = vector.broadcast %broadcast_in_dim3A_435 : i32 to vector<16xi32>
        %gather3A_437 = tpu.vector_load_idx %arg12[%add3A_276, %broadcast_in_dim3A_436] : memref<128x32xf32, #tpu.memory_space<vmem>>[vector<16xi32>, vector<16xi32>], vector<16xf32>,
        %mul3A_438 = arith.mulf %exp3A, %gather3A_437 : vector<16xf32>
        tpu.vector_store_idx %arg16[%add3A_276, %broadcast_in_dim3A_434], %mul3A_438 : memref<128x16xf32, #tpu.memory_space<vmem>>[vector<16xi32>, vector<16xi32>], vector<16xf32>,
        %broadcast_in_dim3A_439 = arith.constant 11 : i32
        %broadcast_in_dim3A_440 = vector.broadcast %broadcast_in_dim3A_439 : i32 to vector<16xi32>
        %broadcast_in_dim3A_441 = arith.constant 27 : i32
        %broadcast_in_dim3A_442 = vector.broadcast %broadcast_in_dim3A_441 : i32 to vector<16xi32>
        %gather3A_443 = tpu.vector_load_idx %arg12[%add3A_276, %broadcast_in_dim3A_442] : memref<128x32xf32, #tpu.memory_space<vmem>>[vector<16xi32>, vector<16xi32>], vector<16xf32>,
        %mul3A_444 = arith.mulf %exp3A, %gather3A_443 : vector<16xf32>
        tpu.vector_store_idx %arg16[%add3A_276, %broadcast_in_dim3A_440], %mul3A_444 : memref<128x16xf32, #tpu.memory_space<vmem>>[vector<16xi32>, vector<16xi32>], vector<16xf32>,
        %broadcast_in_dim3A_445 = arith.constant 12 : i32
        %broadcast_in_dim3A_446 = vector.broadcast %broadcast_in_dim3A_445 : i32 to vector<16xi32>
        %broadcast_in_dim3A_447 = arith.constant 28 : i32
        %broadcast_in_dim3A_448 = vector.broadcast %broadcast_in_dim3A_447 : i32 to vector<16xi32>
        %gather3A_449 = tpu.vector_load_idx %arg12[%add3A_276, %broadcast_in_dim3A_448] : memref<128x32xf32, #tpu.memory_space<vmem>>[vector<16xi32>, vector<16xi32>], vector<16xf32>,
        %mul3A_450 = arith.mulf %exp3A, %gather3A_449 : vector<16xf32>
        tpu.vector_store_idx %arg16[%add3A_276, %broadcast_in_dim3A_446], %mul3A_450 : memref<128x16xf32, #tpu.memory_space<vmem>>[vector<16xi32>, vector<16xi32>], vector<16xf32>,
        %broadcast_in_dim3A_451 = arith.constant 13 : i32
        %broadcast_in_dim3A_452 = vector.broadcast %broadcast_in_dim3A_451 : i32 to vector<16xi32>
        %broadcast_in_dim3A_453 = arith.constant 29 : i32
        %broadcast_in_dim3A_454 = vector.broadcast %broadcast_in_dim3A_453 : i32 to vector<16xi32>
        %gather3A_455 = tpu.vector_load_idx %arg12[%add3A_276, %broadcast_in_dim3A_454] : memref<128x32xf32, #tpu.memory_space<vmem>>[vector<16xi32>, vector<16xi32>], vector<16xf32>,
        %mul3A_456 = arith.mulf %exp3A, %gather3A_455 : vector<16xf32>
        tpu.vector_store_idx %arg16[%add3A_276, %broadcast_in_dim3A_452], %mul3A_456 : memref<128x16xf32, #tpu.memory_space<vmem>>[vector<16xi32>, vector<16xi32>], vector<16xf32>,
        %broadcast_in_dim3A_457 = arith.constant 14 : i32
        %broadcast_in_dim3A_458 = vector.broadcast %broadcast_in_dim3A_457 : i32 to vector<16xi32>
        %broadcast_in_dim3A_459 = arith.constant 30 : i32
        %broadcast_in_dim3A_460 = vector.broadcast %broadcast_in_dim3A_459 : i32 to vector<16xi32>
        %gather3A_461 = tpu.vector_load_idx %arg12[%add3A_276, %broadcast_in_dim3A_460] : memref<128x32xf32, #tpu.memory_space<vmem>>[vector<16xi32>, vector<16xi32>], vector<16xf32>,
        %mul3A_462 = arith.mulf %exp3A, %gather3A_461 : vector<16xf32>
        tpu.vector_store_idx %arg16[%add3A_276, %broadcast_in_dim3A_458], %mul3A_462 : memref<128x16xf32, #tpu.memory_space<vmem>>[vector<16xi32>, vector<16xi32>], vector<16xf32>,
        %broadcast_in_dim3A_463 = arith.constant 15 : i32
        %broadcast_in_dim3A_464 = vector.broadcast %broadcast_in_dim3A_463 : i32 to vector<16xi32>
        %broadcast_in_dim3A_465 = arith.constant 31 : i32
        %broadcast_in_dim3A_466 = vector.broadcast %broadcast_in_dim3A_465 : i32 to vector<16xi32>
        %gather3A_467 = tpu.vector_load_idx %arg12[%add3A_276, %broadcast_in_dim3A_466] : memref<128x32xf32, #tpu.memory_space<vmem>>[vector<16xi32>, vector<16xi32>], vector<16xf32>,
        %mul3A_468 = arith.mulf %exp3A, %gather3A_467 : vector<16xf32>
        tpu.vector_store_idx %arg16[%add3A_276, %broadcast_in_dim3A_464], %mul3A_468 : memref<128x16xf32, #tpu.memory_space<vmem>>[vector<16xi32>, vector<16xi32>], vector<16xf32>,
      }
      %scan3A_95 = arith.constant 8 : i32
      %jit3A = arith.constant 8 : i32
      %eq3A = arith.constant 0 : i32
      %eq3A_96 = arith.cmpi eq, %jit3A, %eq3A : i32
      %jit3A_97 = arith.constant 1 : i32
      %select_n3A = arith.select %eq3A_96, %jit3A_97, %jit3A : i32
      %rem3A = arith.remsi %add3A_74, %select_n3A : i32
      %ne3A = arith.constant 0 : i32
      %ne3A_98 = arith.cmpi ne, %rem3A, %ne3A : i32
      %lt3A = arith.constant 0 : i32
      %lt3A_99 = arith.cmpi slt, %rem3A, %lt3A : i32
      %lt3A_100 = arith.constant 0 : i32
      %lt3A_101 = arith.cmpi slt, %select_n3A, %lt3A_100 : i32
      %ne3A_102 = arith.xori %lt3A_99, %lt3A_101 : i1
      %and3A = arith.andi %ne3A_102, %ne3A_98 : i1
      %add3A_103 = arith.addi %rem3A, %select_n3A : i32
      %select_n3A_104 = arith.select %and3A, %add3A_103, %rem3A : i32
      %jit3A_105 = arith.constant 8 : i32
      %div3A = arith.divsi %add3A_74, %jit3A_105 : i32
      %sign3A = arith.constant 0 : i32
      %sign3A_106 = arith.cmpi sgt, %add3A_74, %sign3A : i32
      %sign3A_107 = arith.extui %sign3A_106 : i1 to i32
      %sign3A_108 = arith.constant 0 : i32
      %sign3A_109 = arith.cmpi slt, %add3A_74, %sign3A_108 : i32
      %sign3A_110 = arith.extui %sign3A_109 : i1 to i32
      %sign3A_111 = arith.subi %sign3A_107, %sign3A_110 : i32
      %sign3A_112 = arith.constant 0 : i32
      %sign3A_113 = arith.cmpi sgt, %jit3A_105, %sign3A_112 : i32
      %sign3A_114 = arith.extui %sign3A_113 : i1 to i32
      %sign3A_115 = arith.constant 0 : i32
      %sign3A_116 = arith.cmpi slt, %jit3A_105, %sign3A_115 : i32
      %sign3A_117 = arith.extui %sign3A_116 : i1 to i32
      %sign3A_118 = arith.subi %sign3A_114, %sign3A_117 : i32
      %ne3A_119 = arith.cmpi ne, %sign3A_111, %sign3A_118 : i32
      %rem3A_120 = arith.remsi %add3A_74, %jit3A_105 : i32
      %ne3A_121 = arith.constant 0 : i32
      %ne3A_122 = arith.cmpi ne, %rem3A_120, %ne3A_121 : i32
      %and3A_123 = arith.andi %ne3A_119, %ne3A_122 : i1
      %sub3A = arith.constant 1 : i32
      %sub3A_124 = arith.subi %div3A, %sub3A : i32
      %select_n3A_125 = arith.select %and3A_123, %sub3A_124, %div3A : i32
      %jit3A_126 = arith.constant 2 : i32
      %eq3A_127 = arith.constant 0 : i32
      %eq3A_128 = arith.cmpi eq, %jit3A_126, %eq3A_127 : i32
      %jit3A_129 = arith.constant 1 : i32
      %select_n3A_130 = arith.select %eq3A_128, %jit3A_129, %jit3A_126 : i32
      %rem3A_131 = arith.remsi %select_n3A_125, %select_n3A_130 : i32
      %ne3A_132 = arith.constant 0 : i32
      %ne3A_133 = arith.cmpi ne, %rem3A_131, %ne3A_132 : i32
      %lt3A_134 = arith.constant 0 : i32
      %lt3A_135 = arith.cmpi slt, %rem3A_131, %lt3A_134 : i32
      %lt3A_136 = arith.constant 0 : i32
      %lt3A_137 = arith.cmpi slt, %select_n3A_130, %lt3A_136 : i32
      %ne3A_138 = arith.xori %lt3A_135, %lt3A_137 : i1
      %and3A_139 = arith.andi %ne3A_138, %ne3A_133 : i1
      %add3A_140 = arith.addi %rem3A_131, %select_n3A_130 : i32
      %select_n3A_141 = arith.select %and3A_139, %add3A_140, %rem3A_131 : i32
      %mul3A_142 = arith.constant 8 : i32
      %mul3A_143 = arith.muli %select_n3A_141, %mul3A_142 : i32
      %add3A_144 = arith.addi %select_n3A_104, %mul3A_143 : i32
      %dma_start3A_145 = arith.constant 0 : i32
      %dma_start3A_146 = tpu.memref_slice %arg11[%add3A_144, %dma_start3A_145] : memref<16x128xi32, #tpu.memory_space<vmem>> -> memref<1x128xi32, #tpu.memory_space<vmem>>
      %dma_start3A_147 = tpu.memref_squeeze %dma_start3A_146 : memref<1x128xi32, #tpu.memory_space<vmem>> -> memref<128xi32, #tpu.memory_space<vmem>>
      %dma_start3A_148 = arith.constant 0 : i32
      %dma_start3A_149 = arith.constant 0 : i32
      %dma_start3A_150 = tpu.memref_slice %arg20[%dma_start3A_148, %dma_start3A_149] : memref<100352x16xf32, #tpu.memory_space<vmem_shared>> -> memref<100352x16xf32, #tpu.memory_space<vmem_shared>>
      tpu.enqueue_indirect_dma source(%arg16 : memref<128x16xf32, #tpu.memory_space<vmem>>) target(%dma_start3A_150 : memref<100352x16xf32, #tpu.memory_space<vmem_shared>>) offsets(%dma_start3A_147 : memref<128xi32, #tpu.memory_space<vmem>>) semaphore(%arg24 : memref<!tpu.dma_semaphore, #tpu.memory_space<semaphore_mem>>) {add = true}
      %dma_start3A_151 = arith.constant 0 : i32
      %dma_start3A_152 = tpu.memref_slice %arg11[%add3A_144, %dma_start3A_151] : memref<16x128xi32, #tpu.memory_space<vmem>> -> memref<1x128xi32, #tpu.memory_space<vmem>>
      %dma_start3A_153 = tpu.memref_squeeze %dma_start3A_152 : memref<1x128xi32, #tpu.memory_space<vmem>> -> memref<128xi32, #tpu.memory_space<vmem>>
      %dma_start3A_154 = arith.constant 0 : i32
      %dma_start3A_155 = tpu.memref_slice %arg21[%dma_start3A_154] : memref<100352xf32, #tpu.memory_space<vmem_shared>> -> memref<100352xf32, #tpu.memory_space<vmem_shared>>
      tpu.enqueue_indirect_dma source(%arg18 : memref<128xf32, #tpu.memory_space<vmem>>) target(%dma_start3A_155 : memref<100352xf32, #tpu.memory_space<vmem_shared>>) offsets(%dma_start3A_153 : memref<128xi32, #tpu.memory_space<vmem>>) semaphore(%arg24 : memref<!tpu.dma_semaphore, #tpu.memory_space<semaphore_mem>>) {add = true}
      %add3A_156 = arith.constant 2 : i32
      %add3A_157 = arith.addi %add3A_74, %add3A_156 : i32
      %lt3A_158 = arith.constant 784 : i32
      %lt3A_159 = arith.cmpi slt, %add3A_157, %lt3A_158 : i32
      %convert_element_type3A_160 = arith.extui %lt3A_159 : i1 to i32
      %cond3A_161 = arith.constant 0 : i32
      %cond3A_162 = arith.cmpi ne, %convert_element_type3A_160, %cond3A_161 : i32
      scf.if %cond3A_162 {
        %jit3A_268 = arith.constant 8 : i32
        %eq3A_269 = arith.constant 0 : i32
        %eq3A_270 = arith.cmpi eq, %jit3A_268, %eq3A_269 : i32
        %jit3A_271 = arith.constant 1 : i32
        %select_n3A_272 = arith.select %eq3A_270, %jit3A_271, %jit3A_268 : i32
        %rem3A_273 = arith.remsi %add3A_157, %select_n3A_272 : i32
        %ne3A_274 = arith.constant 0 : i32
        %ne3A_275 = arith.cmpi ne, %rem3A_273, %ne3A_274 : i32
        %lt3A_276 = arith.constant 0 : i32
        %lt3A_277 = arith.cmpi slt, %rem3A_273, %lt3A_276 : i32
        %lt3A_278 = arith.constant 0 : i32
        %lt3A_279 = arith.cmpi slt, %select_n3A_272, %lt3A_278 : i32
        %ne3A_280 = arith.xori %lt3A_277, %lt3A_279 : i1
        %and3A_281 = arith.andi %ne3A_280, %ne3A_275 : i1
        %add3A_282 = arith.addi %rem3A_273, %select_n3A_272 : i32
        %select_n3A_283 = arith.select %and3A_281, %add3A_282, %rem3A_273 : i32
        %eq3A_284 = arith.constant 0 : i32
        %eq3A_285 = arith.cmpi eq, %select_n3A_283, %eq3A_284 : i32
        %convert_element_type3A_286 = arith.extui %eq3A_285 : i1 to i32
        %cond3A_287 = arith.constant 0 : i32
        %cond3A_288 = arith.cmpi ne, %convert_element_type3A_286, %cond3A_287 : i32
        scf.if %cond3A_288 {
          %jit3A_360 = arith.constant 8 : i32
          %div3A_361 = arith.divsi %add3A_157, %jit3A_360 : i32
          %sign3A_362 = arith.constant 0 : i32
          %sign3A_363 = arith.cmpi sgt, %add3A_157, %sign3A_362 : i32
          %sign3A_364 = arith.extui %sign3A_363 : i1 to i32
          %sign3A_365 = arith.constant 0 : i32
          %sign3A_366 = arith.cmpi slt, %add3A_157, %sign3A_365 : i32
          %sign3A_367 = arith.extui %sign3A_366 : i1 to i32
          %sign3A_368 = arith.subi %sign3A_364, %sign3A_367 : i32
          %sign3A_369 = arith.constant 0 : i32
          %sign3A_370 = arith.cmpi sgt, %jit3A_360, %sign3A_369 : i32
          %sign3A_371 = arith.extui %sign3A_370 : i1 to i32
          %sign3A_372 = arith.constant 0 : i32
          %sign3A_373 = arith.cmpi slt, %jit3A_360, %sign3A_372 : i32
          %sign3A_374 = arith.extui %sign3A_373 : i1 to i32
          %sign3A_375 = arith.subi %sign3A_371, %sign3A_374 : i32
          %ne3A_376 = arith.cmpi ne, %sign3A_368, %sign3A_375 : i32
          %rem3A_377 = arith.remsi %add3A_157, %jit3A_360 : i32
          %ne3A_378 = arith.constant 0 : i32
          %ne3A_379 = arith.cmpi ne, %rem3A_377, %ne3A_378 : i32
          %and3A_380 = arith.andi %ne3A_376, %ne3A_379 : i1
          %sub3A_381 = arith.constant 1 : i32
          %sub3A_382 = arith.subi %div3A_361, %sub3A_381 : i32
          %select_n3A_383 = arith.select %and3A_380, %sub3A_382, %div3A_361 : i32
          %jit3A_384 = arith.constant 2 : i32
          %eq3A_385 = arith.constant 0 : i32
          %eq3A_386 = arith.cmpi eq, %jit3A_384, %eq3A_385 : i32
          %jit3A_387 = arith.constant 1 : i32
          %select_n3A_388 = arith.select %eq3A_386, %jit3A_387, %jit3A_384 : i32
          %rem3A_389 = arith.remsi %select_n3A_383, %select_n3A_388 : i32
          %ne3A_390 = arith.constant 0 : i32
          %ne3A_391 = arith.cmpi ne, %rem3A_389, %ne3A_390 : i32
          %lt3A_392 = arith.constant 0 : i32
          %lt3A_393 = arith.cmpi slt, %rem3A_389, %lt3A_392 : i32
          %lt3A_394 = arith.constant 0 : i32
          %lt3A_395 = arith.cmpi slt, %select_n3A_388, %lt3A_394 : i32
          %ne3A_396 = arith.xori %lt3A_393, %lt3A_395 : i1
          %and3A_397 = arith.andi %ne3A_396, %ne3A_391 : i1
          %add3A_398 = arith.addi %rem3A_389, %select_n3A_388 : i32
          %select_n3A_399 = arith.select %and3A_397, %add3A_398, %rem3A_389 : i32
          %mul3A_400 = arith.constant 8 : i32
          %mul3A_401 = arith.muli %select_n3A_399, %mul3A_400 : i32
          %mul3A_402 = arith.constant 8 : i32
          %mul3A_403 = arith.muli %select_n3A_383, %mul3A_402 : i32
          %add3A_404 = arith.addi %mul3A_4, %mul3A_403 : i32
          "tpu.region"() ({
            %run_scoped3A = tpu.sem_alloc : memref<!tpu.dma_semaphore, #tpu.memory_space<semaphore_mem>>
            %dma_start3A_408 = arith.constant 0 : i32
            %dma_start3A_409 = tpu.memref_slice %arg10[%mul3A_401, %dma_start3A_408] : memref<16x128xi32, #tpu.memory_space<vmem>> -> memref<8x128xi32, #tpu.memory_space<vmem>>
            %dma_start3A_410 = arith.constant 0 : i32
            %dma_start3A_411 = tpu.memref_slice %arg4[%add3A_404, %dma_start3A_410] : memref<25088x128xi32, #tpu.memory_space<hbm>> -> memref<8x128xi32, #tpu.memory_space<hbm>>
            %dma_start3A_412 = arith.constant 0 : i32
            %dma_start3A_413 = tpu.memref_slice %arg10[%mul3A_401, %dma_start3A_412] : memref<16x128xi32, #tpu.memory_space<vmem>> -> memref<8x128xi32, #tpu.memory_space<vmem>>
            %dma_start3A_414 = arith.constant 0 : i32
            %dma_start3A_415 = tpu.memref_slice %arg4[%add3A_404, %dma_start3A_414] : memref<25088x128xi32, #tpu.memory_space<hbm>> -> memref<8x128xi32, #tpu.memory_space<hbm>>
            tpu.enqueue_dma source(%dma_start3A_415 : memref<8x128xi32, #tpu.memory_space<hbm>>) target(%dma_start3A_413 : memref<8x128xi32, #tpu.memory_space<vmem>>) target_semaphore(%run_scoped3A : memref<!tpu.dma_semaphore, #tpu.memory_space<semaphore_mem>>)
            %dma_wait3A_416 = arith.constant 0 : i32
            %dma_wait3A_417 = tpu.memref_slice %arg10[%mul3A_401, %dma_wait3A_416] : memref<16x128xi32, #tpu.memory_space<vmem>> -> memref<8x128xi32, #tpu.memory_space<vmem>>
            %dma_wait3A_418 = arith.constant 0 : i32
            %dma_wait3A_419 = tpu.memref_slice %arg4[%add3A_404, %dma_wait3A_418] : memref<25088x128xi32, #tpu.memory_space<hbm>> -> memref<8x128xi32, #tpu.memory_space<hbm>>
            %dma_wait3A_420 = arith.constant 0 : i32
            %dma_wait3A_421 = tpu.memref_slice %arg10[%mul3A_401, %dma_wait3A_420] : memref<16x128xi32, #tpu.memory_space<vmem>> -> memref<8x128xi32, #tpu.memory_space<vmem>>
            %dma_wait3A_422 = arith.constant 0 : i32
            %dma_wait3A_423 = tpu.memref_slice %arg4[%add3A_404, %dma_wait3A_422] : memref<25088x128xi32, #tpu.memory_space<hbm>> -> memref<8x128xi32, #tpu.memory_space<hbm>>
            tpu.wait_dma2 semaphore(%run_scoped3A : memref<!tpu.dma_semaphore, #tpu.memory_space<semaphore_mem>>) src(%dma_wait3A_423 : memref<8x128xi32, #tpu.memory_space<hbm>>) dst(%dma_wait3A_421 : memref<8x128xi32, #tpu.memory_space<vmem>>)
            tpu.yield
          }) : () -> ()
          %mul3A_405 = arith.constant 8 : i32
          %mul3A_406 = arith.muli %select_n3A_383, %mul3A_405 : i32
          %add3A_407 = arith.addi %mul3A_4, %mul3A_406 : i32
          "tpu.region"() ({
            %run_scoped3A = tpu.sem_alloc : memref<!tpu.dma_semaphore, #tpu.memory_space<semaphore_mem>>
            %dma_start3A_408 = arith.constant 0 : i32
            %dma_start3A_409 = tpu.memref_slice %arg11[%mul3A_401, %dma_start3A_408] : memref<16x128xi32, #tpu.memory_space<vmem>> -> memref<8x128xi32, #tpu.memory_space<vmem>>
            %dma_start3A_410 = arith.constant 0 : i32
            %dma_start3A_411 = tpu.memref_slice %arg5[%add3A_407, %dma_start3A_410] : memref<25088x128xi32, #tpu.memory_space<hbm>> -> memref<8x128xi32, #tpu.memory_space<hbm>>
            %dma_start3A_412 = arith.constant 0 : i32
            %dma_start3A_413 = tpu.memref_slice %arg11[%mul3A_401, %dma_start3A_412] : memref<16x128xi32, #tpu.memory_space<vmem>> -> memref<8x128xi32, #tpu.memory_space<vmem>>
            %dma_start3A_414 = arith.constant 0 : i32
            %dma_start3A_415 = tpu.memref_slice %arg5[%add3A_407, %dma_start3A_414] : memref<25088x128xi32, #tpu.memory_space<hbm>> -> memref<8x128xi32, #tpu.memory_space<hbm>>
            tpu.enqueue_dma source(%dma_start3A_415 : memref<8x128xi32, #tpu.memory_space<hbm>>) target(%dma_start3A_413 : memref<8x128xi32, #tpu.memory_space<vmem>>) target_semaphore(%run_scoped3A : memref<!tpu.dma_semaphore, #tpu.memory_space<semaphore_mem>>)
            %dma_wait3A_416 = arith.constant 0 : i32
            %dma_wait3A_417 = tpu.memref_slice %arg11[%mul3A_401, %dma_wait3A_416] : memref<16x128xi32, #tpu.memory_space<vmem>> -> memref<8x128xi32, #tpu.memory_space<vmem>>
            %dma_wait3A_418 = arith.constant 0 : i32
            %dma_wait3A_419 = tpu.memref_slice %arg5[%add3A_407, %dma_wait3A_418] : memref<25088x128xi32, #tpu.memory_space<hbm>> -> memref<8x128xi32, #tpu.memory_space<hbm>>
            %dma_wait3A_420 = arith.constant 0 : i32
            %dma_wait3A_421 = tpu.memref_slice %arg11[%mul3A_401, %dma_wait3A_420] : memref<16x128xi32, #tpu.memory_space<vmem>> -> memref<8x128xi32, #tpu.memory_space<vmem>>
            %dma_wait3A_422 = arith.constant 0 : i32
            %dma_wait3A_423 = tpu.memref_slice %arg5[%add3A_407, %dma_wait3A_422] : memref<25088x128xi32, #tpu.memory_space<hbm>> -> memref<8x128xi32, #tpu.memory_space<hbm>>
            tpu.wait_dma2 semaphore(%run_scoped3A : memref<!tpu.dma_semaphore, #tpu.memory_space<semaphore_mem>>) src(%dma_wait3A_423 : memref<8x128xi32, #tpu.memory_space<hbm>>) dst(%dma_wait3A_421 : memref<8x128xi32, #tpu.memory_space<vmem>>)
            tpu.yield
          }) : () -> ()
        } else {
        }
        %jit3A_289 = arith.constant 8 : i32
        %eq3A_290 = arith.constant 0 : i32
        %eq3A_291 = arith.cmpi eq, %jit3A_289, %eq3A_290 : i32
        %jit3A_292 = arith.constant 1 : i32
        %select_n3A_293 = arith.select %eq3A_291, %jit3A_292, %jit3A_289 : i32
        %rem3A_294 = arith.remsi %add3A_157, %select_n3A_293 : i32
        %ne3A_295 = arith.constant 0 : i32
        %ne3A_296 = arith.cmpi ne, %rem3A_294, %ne3A_295 : i32
        %lt3A_297 = arith.constant 0 : i32
        %lt3A_298 = arith.cmpi slt, %rem3A_294, %lt3A_297 : i32
        %lt3A_299 = arith.constant 0 : i32
        %lt3A_300 = arith.cmpi slt, %select_n3A_293, %lt3A_299 : i32
        %ne3A_301 = arith.xori %lt3A_298, %lt3A_300 : i1
        %and3A_302 = arith.andi %ne3A_301, %ne3A_296 : i1
        %add3A_303 = arith.addi %rem3A_294, %select_n3A_293 : i32
        %select_n3A_304 = arith.select %and3A_302, %add3A_303, %rem3A_294 : i32
        %jit3A_305 = arith.constant 8 : i32
        %div3A_306 = arith.divsi %add3A_157, %jit3A_305 : i32
        %sign3A_307 = arith.constant 0 : i32
        %sign3A_308 = arith.cmpi sgt, %add3A_157, %sign3A_307 : i32
        %sign3A_309 = arith.extui %sign3A_308 : i1 to i32
        %sign3A_310 = arith.constant 0 : i32
        %sign3A_311 = arith.cmpi slt, %add3A_157, %sign3A_310 : i32
        %sign3A_312 = arith.extui %sign3A_311 : i1 to i32
        %sign3A_313 = arith.subi %sign3A_309, %sign3A_312 : i32
        %sign3A_314 = arith.constant 0 : i32
        %sign3A_315 = arith.cmpi sgt, %jit3A_305, %sign3A_314 : i32
        %sign3A_316 = arith.extui %sign3A_315 : i1 to i32
        %sign3A_317 = arith.constant 0 : i32
        %sign3A_318 = arith.cmpi slt, %jit3A_305, %sign3A_317 : i32
        %sign3A_319 = arith.extui %sign3A_318 : i1 to i32
        %sign3A_320 = arith.subi %sign3A_316, %sign3A_319 : i32
        %ne3A_321 = arith.cmpi ne, %sign3A_313, %sign3A_320 : i32
        %rem3A_322 = arith.remsi %add3A_157, %jit3A_305 : i32
        %ne3A_323 = arith.constant 0 : i32
        %ne3A_324 = arith.cmpi ne, %rem3A_322, %ne3A_323 : i32
        %and3A_325 = arith.andi %ne3A_321, %ne3A_324 : i1
        %sub3A_326 = arith.constant 1 : i32
        %sub3A_327 = arith.subi %div3A_306, %sub3A_326 : i32
        %select_n3A_328 = arith.select %and3A_325, %sub3A_327, %div3A_306 : i32
        %jit3A_329 = arith.constant 2 : i32
        %eq3A_330 = arith.constant 0 : i32
        %eq3A_331 = arith.cmpi eq, %jit3A_329, %eq3A_330 : i32
        %jit3A_332 = arith.constant 1 : i32
        %select_n3A_333 = arith.select %eq3A_331, %jit3A_332, %jit3A_329 : i32
        %rem3A_334 = arith.remsi %select_n3A_328, %select_n3A_333 : i32
        %ne3A_335 = arith.constant 0 : i32
        %ne3A_336 = arith.cmpi ne, %rem3A_334, %ne3A_335 : i32
        %lt3A_337 = arith.constant 0 : i32
        %lt3A_338 = arith.cmpi slt, %rem3A_334, %lt3A_337 : i32
        %lt3A_339 = arith.constant 0 : i32
        %lt3A_340 = arith.cmpi slt, %select_n3A_333, %lt3A_339 : i32
        %ne3A_341 = arith.xori %lt3A_338, %lt3A_340 : i1
        %and3A_342 = arith.andi %ne3A_341, %ne3A_336 : i1
        %add3A_343 = arith.addi %rem3A_334, %select_n3A_333 : i32
        %select_n3A_344 = arith.select %and3A_342, %add3A_343, %rem3A_334 : i32
        %mul3A_345 = arith.constant 8 : i32
        %mul3A_346 = arith.muli %select_n3A_344, %mul3A_345 : i32
        %add3A_347 = arith.addi %select_n3A_304, %mul3A_346 : i32
        %dma_start3A_348 = arith.constant 0 : i32
        %dma_start3A_349 = tpu.memref_slice %arg10[%add3A_347, %dma_start3A_348] : memref<16x128xi32, #tpu.memory_space<vmem>> -> memref<1x128xi32, #tpu.memory_space<vmem>>
        %dma_start3A_350 = tpu.memref_squeeze %dma_start3A_349 : memref<1x128xi32, #tpu.memory_space<vmem>> -> memref<128xi32, #tpu.memory_space<vmem>>
        %dma_start3A_351 = arith.constant 0 : i32
        %dma_start3A_352 = arith.constant 0 : i32
        %dma_start3A_353 = tpu.memref_slice %arg2[%dma_start3A_351, %dma_start3A_352] : memref<102400x32xf32, #tpu.memory_space<hbm>> -> memref<102400x32xf32, #tpu.memory_space<hbm>>
        tpu.enqueue_indirect_dma source(%dma_start3A_353 : memref<102400x32xf32, #tpu.memory_space<hbm>>) target(%arg12 : memref<128x32xf32, #tpu.memory_space<vmem>>) offsets(%dma_start3A_350 : memref<128xi32, #tpu.memory_space<vmem>>) semaphore(%arg22 : memref<!tpu.dma_semaphore, #tpu.memory_space<semaphore_mem>>)
        %dma_start3A_354 = arith.constant 0 : i32
        %dma_start3A_355 = tpu.memref_slice %arg11[%add3A_347, %dma_start3A_354] : memref<16x128xi32, #tpu.memory_space<vmem>> -> memref<1x128xi32, #tpu.memory_space<vmem>>
        %dma_start3A_356 = tpu.memref_squeeze %dma_start3A_355 : memref<1x128xi32, #tpu.memory_space<vmem>> -> memref<128xi32, #tpu.memory_space<vmem>>
        %dma_start3A_357 = arith.constant 0 : i32
        %dma_start3A_358 = arith.constant 0 : i32
        %dma_start3A_359 = tpu.memref_slice %arg3[%dma_start3A_357, %dma_start3A_358] : memref<102400x16xf32, #tpu.memory_space<hbm>> -> memref<102400x16xf32, #tpu.memory_space<hbm>>
        tpu.enqueue_indirect_dma source(%dma_start3A_359 : memref<102400x16xf32, #tpu.memory_space<hbm>>) target(%arg14 : memref<128x16xf32, #tpu.memory_space<vmem>>) offsets(%dma_start3A_356 : memref<128xi32, #tpu.memory_space<vmem>>) semaphore(%arg22 : memref<!tpu.dma_semaphore, #tpu.memory_space<semaphore_mem>>)
      } else {
      }
      %mul3A_163 = arith.constant 2 : i32
      %mul3A_164 = arith.muli %add3A_70, %mul3A_163 : i32
      %add3A_165 = arith.constant 1 : i32
      %add3A_166 = arith.addi %mul3A_164, %add3A_165 : i32
      %dma_wait3A_167 = arith.constant 0 : i32
      %dma_wait3A_168 = arith.constant 0 : i32
      %dma_wait3A_169 = tpu.memref_slice %arg10[%dma_wait3A_167, %dma_wait3A_168] : memref<16x128xi32, #tpu.memory_space<vmem>> -> memref<1x128xi32, #tpu.memory_space<vmem>>
      %dma_wait3A_170 = tpu.memref_squeeze %dma_wait3A_169 : memref<1x128xi32, #tpu.memory_space<vmem>> -> memref<128xi32, #tpu.memory_space<vmem>>
      %dma_wait3A_171 = arith.constant 0 : i32
      %dma_wait3A_172 = arith.constant 0 : i32
      %dma_wait3A_173 = tpu.memref_slice %arg2[%dma_wait3A_171, %dma_wait3A_172] : memref<102400x32xf32, #tpu.memory_space<hbm>> -> memref<102400x32xf32, #tpu.memory_space<hbm>>
      tpu.wait_indirect_dma semaphore(%arg23 : memref<!tpu.dma_semaphore, #tpu.memory_space<semaphore_mem>>) src(%dma_wait3A_173 : memref<102400x32xf32, #tpu.memory_space<hbm>>) dst(%arg13 : memref<128x32xf32, #tpu.memory_space<vmem>>)
      %dma_wait3A_174 = arith.constant 0 : i32
      %dma_wait3A_175 = arith.constant 0 : i32
      %dma_wait3A_176 = tpu.memref_slice %arg11[%dma_wait3A_174, %dma_wait3A_175] : memref<16x128xi32, #tpu.memory_space<vmem>> -> memref<1x128xi32, #tpu.memory_space<vmem>>
      %dma_wait3A_177 = tpu.memref_squeeze %dma_wait3A_176 : memref<1x128xi32, #tpu.memory_space<vmem>> -> memref<128xi32, #tpu.memory_space<vmem>>
      %dma_wait3A_178 = arith.constant 0 : i32
      %dma_wait3A_179 = arith.constant 0 : i32
      %dma_wait3A_180 = tpu.memref_slice %arg3[%dma_wait3A_178, %dma_wait3A_179] : memref<102400x16xf32, #tpu.memory_space<hbm>> -> memref<102400x16xf32, #tpu.memory_space<hbm>>
      tpu.wait_indirect_dma semaphore(%arg23 : memref<!tpu.dma_semaphore, #tpu.memory_space<semaphore_mem>>) src(%dma_wait3A_180 : memref<102400x16xf32, #tpu.memory_space<hbm>>) dst(%arg15 : memref<128x16xf32, #tpu.memory_space<vmem>>)
      %gt3A_181 = arith.constant 0 : i32
      %gt3A_182 = arith.cmpi sgt, %add3A_70, %gt3A_181 : i32
      %convert_element_type3A_183 = arith.extui %gt3A_182 : i1 to i32
      %cond3A_184 = arith.constant 0 : i32
      %cond3A_185 = arith.cmpi ne, %convert_element_type3A_183, %cond3A_184 : i32
      scf.if %cond3A_185 {
        %dma_wait3A_268 = arith.constant 0 : i32
        %dma_wait3A_269 = arith.constant 0 : i32
        %dma_wait3A_270 = tpu.memref_slice %arg11[%dma_wait3A_268, %dma_wait3A_269] : memref<16x128xi32, #tpu.memory_space<vmem>> -> memref<1x128xi32, #tpu.memory_space<vmem>>
        %dma_wait3A_271 = tpu.memref_squeeze %dma_wait3A_270 : memref<1x128xi32, #tpu.memory_space<vmem>> -> memref<128xi32, #tpu.memory_space<vmem>>
        %dma_wait3A_272 = arith.constant 0 : i32
        %dma_wait3A_273 = arith.constant 0 : i32
        %dma_wait3A_274 = tpu.memref_slice %arg20[%dma_wait3A_272, %dma_wait3A_273] : memref<100352x16xf32, #tpu.memory_space<vmem_shared>> -> memref<100352x16xf32, #tpu.memory_space<vmem_shared>>
        tpu.wait_indirect_dma semaphore(%arg25 : memref<!tpu.dma_semaphore, #tpu.memory_space<semaphore_mem>>) src(%arg17 : memref<128x16xf32, #tpu.memory_space<vmem>>) dst(%dma_wait3A_274 : memref<100352x16xf32, #tpu.memory_space<vmem_shared>>)
        %dma_wait3A_275 = arith.constant 0 : i32
        %dma_wait3A_276 = arith.constant 0 : i32
        %dma_wait3A_277 = tpu.memref_slice %arg11[%dma_wait3A_275, %dma_wait3A_276] : memref<16x128xi32, #tpu.memory_space<vmem>> -> memref<1x128xi32, #tpu.memory_space<vmem>>
        %dma_wait3A_278 = tpu.memref_squeeze %dma_wait3A_277 : memref<1x128xi32, #tpu.memory_space<vmem>> -> memref<128xi32, #tpu.memory_space<vmem>>
        %dma_wait3A_279 = arith.constant 0 : i32
        %dma_wait3A_280 = tpu.memref_slice %arg21[%dma_wait3A_279] : memref<100352xf32, #tpu.memory_space<vmem_shared>> -> memref<100352xf32, #tpu.memory_space<vmem_shared>>
        tpu.wait_indirect_dma semaphore(%arg25 : memref<!tpu.dma_semaphore, #tpu.memory_space<semaphore_mem>>) src(%arg19 : memref<128xf32, #tpu.memory_space<vmem>>) dst(%dma_wait3A_280 : memref<100352xf32, #tpu.memory_space<vmem_shared>>)
      } else {
      }
      %scan3A_186 = arith.constant 0 : i32
      %scan3A_187 = arith.constant 8 : i32
      %scan3A_188 = arith.addi %scan3A_186, %scan3A_187 : i32
      %scan3A_189 = arith.constant 1 : i32
      scf.for %scan3A_268 = %scan3A_186 to %scan3A_188 step %scan3A_189  : i32 {
        %mul3A_269 = arith.constant 1 : i32
        %mul3A_270 = arith.muli %scan3A_268, %mul3A_269 : i32
        %add3A_271 = arith.constant 0 : i32
        %add3A_272 = arith.addi %add3A_271, %mul3A_270 : i32
        %mul3A_273 = arith.constant 16 : i32
        %mul3A_274 = arith.muli %add3A_272, %mul3A_273 : i32
        %add3A_275 = vector.broadcast %mul3A_274 : i32 to vector<16xi32>
        %add3A_276 = arith.addi %add3A_275, %iota3A : vector<16xi32>
        %broadcast_in_dim3A = arith.constant 0.000000e+00 : f32
        %broadcast_in_dim3A_277 = vector.broadcast %broadcast_in_dim3A : f32 to vector<16xf32>
        %broadcast_in_dim3A_278 = arith.constant 0 : i32
        %broadcast_in_dim3A_279 = vector.broadcast %broadcast_in_dim3A_278 : i32 to vector<16xi32>
        %gather3A = tpu.vector_load_idx %arg13[%add3A_276, %broadcast_in_dim3A_279] : memref<128x32xf32, #tpu.memory_space<vmem>>[vector<16xi32>, vector<16xi32>], vector<16xf32>,
        %gather3A_280 = tpu.vector_load_idx %arg15[%add3A_276, %broadcast_in_dim3A_279] : memref<128x16xf32, #tpu.memory_space<vmem>>[vector<16xi32>, vector<16xi32>], vector<16xf32>,
        %mul3A_281 = arith.mulf %gather3A, %gather3A_280 : vector<16xf32>
        %add3A_282 = arith.addf %broadcast_in_dim3A_277, %mul3A_281 : vector<16xf32>
        %broadcast_in_dim3A_283 = arith.constant 1 : i32
        %broadcast_in_dim3A_284 = vector.broadcast %broadcast_in_dim3A_283 : i32 to vector<16xi32>
        %gather3A_285 = tpu.vector_load_idx %arg13[%add3A_276, %broadcast_in_dim3A_284] : memref<128x32xf32, #tpu.memory_space<vmem>>[vector<16xi32>, vector<16xi32>], vector<16xf32>,
        %gather3A_286 = tpu.vector_load_idx %arg15[%add3A_276, %broadcast_in_dim3A_284] : memref<128x16xf32, #tpu.memory_space<vmem>>[vector<16xi32>, vector<16xi32>], vector<16xf32>,
        %mul3A_287 = arith.mulf %gather3A_285, %gather3A_286 : vector<16xf32>
        %add3A_288 = arith.addf %add3A_282, %mul3A_287 : vector<16xf32>
        %broadcast_in_dim3A_289 = arith.constant 2 : i32
        %broadcast_in_dim3A_290 = vector.broadcast %broadcast_in_dim3A_289 : i32 to vector<16xi32>
        %gather3A_291 = tpu.vector_load_idx %arg13[%add3A_276, %broadcast_in_dim3A_290] : memref<128x32xf32, #tpu.memory_space<vmem>>[vector<16xi32>, vector<16xi32>], vector<16xf32>,
        %gather3A_292 = tpu.vector_load_idx %arg15[%add3A_276, %broadcast_in_dim3A_290] : memref<128x16xf32, #tpu.memory_space<vmem>>[vector<16xi32>, vector<16xi32>], vector<16xf32>,
        %mul3A_293 = arith.mulf %gather3A_291, %gather3A_292 : vector<16xf32>
        %add3A_294 = arith.addf %add3A_288, %mul3A_293 : vector<16xf32>
        %broadcast_in_dim3A_295 = arith.constant 3 : i32
        %broadcast_in_dim3A_296 = vector.broadcast %broadcast_in_dim3A_295 : i32 to vector<16xi32>
        %gather3A_297 = tpu.vector_load_idx %arg13[%add3A_276, %broadcast_in_dim3A_296] : memref<128x32xf32, #tpu.memory_space<vmem>>[vector<16xi32>, vector<16xi32>], vector<16xf32>,
        %gather3A_298 = tpu.vector_load_idx %arg15[%add3A_276, %broadcast_in_dim3A_296] : memref<128x16xf32, #tpu.memory_space<vmem>>[vector<16xi32>, vector<16xi32>], vector<16xf32>,
        %mul3A_299 = arith.mulf %gather3A_297, %gather3A_298 : vector<16xf32>
        %add3A_300 = arith.addf %add3A_294, %mul3A_299 : vector<16xf32>
        %broadcast_in_dim3A_301 = arith.constant 4 : i32
        %broadcast_in_dim3A_302 = vector.broadcast %broadcast_in_dim3A_301 : i32 to vector<16xi32>
        %gather3A_303 = tpu.vector_load_idx %arg13[%add3A_276, %broadcast_in_dim3A_302] : memref<128x32xf32, #tpu.memory_space<vmem>>[vector<16xi32>, vector<16xi32>], vector<16xf32>,
        %gather3A_304 = tpu.vector_load_idx %arg15[%add3A_276, %broadcast_in_dim3A_302] : memref<128x16xf32, #tpu.memory_space<vmem>>[vector<16xi32>, vector<16xi32>], vector<16xf32>,
        %mul3A_305 = arith.mulf %gather3A_303, %gather3A_304 : vector<16xf32>
        %add3A_306 = arith.addf %add3A_300, %mul3A_305 : vector<16xf32>
        %broadcast_in_dim3A_307 = arith.constant 5 : i32
        %broadcast_in_dim3A_308 = vector.broadcast %broadcast_in_dim3A_307 : i32 to vector<16xi32>
        %gather3A_309 = tpu.vector_load_idx %arg13[%add3A_276, %broadcast_in_dim3A_308] : memref<128x32xf32, #tpu.memory_space<vmem>>[vector<16xi32>, vector<16xi32>], vector<16xf32>,
        %gather3A_310 = tpu.vector_load_idx %arg15[%add3A_276, %broadcast_in_dim3A_308] : memref<128x16xf32, #tpu.memory_space<vmem>>[vector<16xi32>, vector<16xi32>], vector<16xf32>,
        %mul3A_311 = arith.mulf %gather3A_309, %gather3A_310 : vector<16xf32>
        %add3A_312 = arith.addf %add3A_306, %mul3A_311 : vector<16xf32>
        %broadcast_in_dim3A_313 = arith.constant 6 : i32
        %broadcast_in_dim3A_314 = vector.broadcast %broadcast_in_dim3A_313 : i32 to vector<16xi32>
        %gather3A_315 = tpu.vector_load_idx %arg13[%add3A_276, %broadcast_in_dim3A_314] : memref<128x32xf32, #tpu.memory_space<vmem>>[vector<16xi32>, vector<16xi32>], vector<16xf32>,
        %gather3A_316 = tpu.vector_load_idx %arg15[%add3A_276, %broadcast_in_dim3A_314] : memref<128x16xf32, #tpu.memory_space<vmem>>[vector<16xi32>, vector<16xi32>], vector<16xf32>,
        %mul3A_317 = arith.mulf %gather3A_315, %gather3A_316 : vector<16xf32>
        %add3A_318 = arith.addf %add3A_312, %mul3A_317 : vector<16xf32>
        %broadcast_in_dim3A_319 = arith.constant 7 : i32
        %broadcast_in_dim3A_320 = vector.broadcast %broadcast_in_dim3A_319 : i32 to vector<16xi32>
        %gather3A_321 = tpu.vector_load_idx %arg13[%add3A_276, %broadcast_in_dim3A_320] : memref<128x32xf32, #tpu.memory_space<vmem>>[vector<16xi32>, vector<16xi32>], vector<16xf32>,
        %gather3A_322 = tpu.vector_load_idx %arg15[%add3A_276, %broadcast_in_dim3A_320] : memref<128x16xf32, #tpu.memory_space<vmem>>[vector<16xi32>, vector<16xi32>], vector<16xf32>,
        %mul3A_323 = arith.mulf %gather3A_321, %gather3A_322 : vector<16xf32>
        %add3A_324 = arith.addf %add3A_318, %mul3A_323 : vector<16xf32>
        %broadcast_in_dim3A_325 = arith.constant 8 : i32
        %broadcast_in_dim3A_326 = vector.broadcast %broadcast_in_dim3A_325 : i32 to vector<16xi32>
        %gather3A_327 = tpu.vector_load_idx %arg13[%add3A_276, %broadcast_in_dim3A_326] : memref<128x32xf32, #tpu.memory_space<vmem>>[vector<16xi32>, vector<16xi32>], vector<16xf32>,
        %gather3A_328 = tpu.vector_load_idx %arg15[%add3A_276, %broadcast_in_dim3A_326] : memref<128x16xf32, #tpu.memory_space<vmem>>[vector<16xi32>, vector<16xi32>], vector<16xf32>,
        %mul3A_329 = arith.mulf %gather3A_327, %gather3A_328 : vector<16xf32>
        %add3A_330 = arith.addf %add3A_324, %mul3A_329 : vector<16xf32>
        %broadcast_in_dim3A_331 = arith.constant 9 : i32
        %broadcast_in_dim3A_332 = vector.broadcast %broadcast_in_dim3A_331 : i32 to vector<16xi32>
        %gather3A_333 = tpu.vector_load_idx %arg13[%add3A_276, %broadcast_in_dim3A_332] : memref<128x32xf32, #tpu.memory_space<vmem>>[vector<16xi32>, vector<16xi32>], vector<16xf32>,
        %gather3A_334 = tpu.vector_load_idx %arg15[%add3A_276, %broadcast_in_dim3A_332] : memref<128x16xf32, #tpu.memory_space<vmem>>[vector<16xi32>, vector<16xi32>], vector<16xf32>,
        %mul3A_335 = arith.mulf %gather3A_333, %gather3A_334 : vector<16xf32>
        %add3A_336 = arith.addf %add3A_330, %mul3A_335 : vector<16xf32>
        %broadcast_in_dim3A_337 = arith.constant 10 : i32
        %broadcast_in_dim3A_338 = vector.broadcast %broadcast_in_dim3A_337 : i32 to vector<16xi32>
        %gather3A_339 = tpu.vector_load_idx %arg13[%add3A_276, %broadcast_in_dim3A_338] : memref<128x32xf32, #tpu.memory_space<vmem>>[vector<16xi32>, vector<16xi32>], vector<16xf32>,
        %gather3A_340 = tpu.vector_load_idx %arg15[%add3A_276, %broadcast_in_dim3A_338] : memref<128x16xf32, #tpu.memory_space<vmem>>[vector<16xi32>, vector<16xi32>], vector<16xf32>,
        %mul3A_341 = arith.mulf %gather3A_339, %gather3A_340 : vector<16xf32>
        %add3A_342 = arith.addf %add3A_336, %mul3A_341 : vector<16xf32>
        %broadcast_in_dim3A_343 = arith.constant 11 : i32
        %broadcast_in_dim3A_344 = vector.broadcast %broadcast_in_dim3A_343 : i32 to vector<16xi32>
        %gather3A_345 = tpu.vector_load_idx %arg13[%add3A_276, %broadcast_in_dim3A_344] : memref<128x32xf32, #tpu.memory_space<vmem>>[vector<16xi32>, vector<16xi32>], vector<16xf32>,
        %gather3A_346 = tpu.vector_load_idx %arg15[%add3A_276, %broadcast_in_dim3A_344] : memref<128x16xf32, #tpu.memory_space<vmem>>[vector<16xi32>, vector<16xi32>], vector<16xf32>,
        %mul3A_347 = arith.mulf %gather3A_345, %gather3A_346 : vector<16xf32>
        %add3A_348 = arith.addf %add3A_342, %mul3A_347 : vector<16xf32>
        %broadcast_in_dim3A_349 = arith.constant 12 : i32
        %broadcast_in_dim3A_350 = vector.broadcast %broadcast_in_dim3A_349 : i32 to vector<16xi32>
        %gather3A_351 = tpu.vector_load_idx %arg13[%add3A_276, %broadcast_in_dim3A_350] : memref<128x32xf32, #tpu.memory_space<vmem>>[vector<16xi32>, vector<16xi32>], vector<16xf32>,
        %gather3A_352 = tpu.vector_load_idx %arg15[%add3A_276, %broadcast_in_dim3A_350] : memref<128x16xf32, #tpu.memory_space<vmem>>[vector<16xi32>, vector<16xi32>], vector<16xf32>,
        %mul3A_353 = arith.mulf %gather3A_351, %gather3A_352 : vector<16xf32>
        %add3A_354 = arith.addf %add3A_348, %mul3A_353 : vector<16xf32>
        %broadcast_in_dim3A_355 = arith.constant 13 : i32
        %broadcast_in_dim3A_356 = vector.broadcast %broadcast_in_dim3A_355 : i32 to vector<16xi32>
        %gather3A_357 = tpu.vector_load_idx %arg13[%add3A_276, %broadcast_in_dim3A_356] : memref<128x32xf32, #tpu.memory_space<vmem>>[vector<16xi32>, vector<16xi32>], vector<16xf32>,
        %gather3A_358 = tpu.vector_load_idx %arg15[%add3A_276, %broadcast_in_dim3A_356] : memref<128x16xf32, #tpu.memory_space<vmem>>[vector<16xi32>, vector<16xi32>], vector<16xf32>,
        %mul3A_359 = arith.mulf %gather3A_357, %gather3A_358 : vector<16xf32>
        %add3A_360 = arith.addf %add3A_354, %mul3A_359 : vector<16xf32>
        %broadcast_in_dim3A_361 = arith.constant 14 : i32
        %broadcast_in_dim3A_362 = vector.broadcast %broadcast_in_dim3A_361 : i32 to vector<16xi32>
        %gather3A_363 = tpu.vector_load_idx %arg13[%add3A_276, %broadcast_in_dim3A_362] : memref<128x32xf32, #tpu.memory_space<vmem>>[vector<16xi32>, vector<16xi32>], vector<16xf32>,
        %gather3A_364 = tpu.vector_load_idx %arg15[%add3A_276, %broadcast_in_dim3A_362] : memref<128x16xf32, #tpu.memory_space<vmem>>[vector<16xi32>, vector<16xi32>], vector<16xf32>,
        %mul3A_365 = arith.mulf %gather3A_363, %gather3A_364 : vector<16xf32>
        %add3A_366 = arith.addf %add3A_360, %mul3A_365 : vector<16xf32>
        %broadcast_in_dim3A_367 = arith.constant 15 : i32
        %broadcast_in_dim3A_368 = vector.broadcast %broadcast_in_dim3A_367 : i32 to vector<16xi32>
        %gather3A_369 = tpu.vector_load_idx %arg13[%add3A_276, %broadcast_in_dim3A_368] : memref<128x32xf32, #tpu.memory_space<vmem>>[vector<16xi32>, vector<16xi32>], vector<16xf32>,
        %gather3A_370 = tpu.vector_load_idx %arg15[%add3A_276, %broadcast_in_dim3A_368] : memref<128x16xf32, #tpu.memory_space<vmem>>[vector<16xi32>, vector<16xi32>], vector<16xf32>,
        %mul3A_371 = arith.mulf %gather3A_369, %gather3A_370 : vector<16xf32>
        %add3A_372 = arith.addf %add3A_366, %mul3A_371 : vector<16xf32>
        %exp3A = math.exp %add3A_372 : vector<16xf32>
        tpu.vector_store_idx %arg19[%add3A_276], %exp3A : memref<128xf32, #tpu.memory_space<vmem>>[vector<16xi32>], vector<16xf32>,
        %broadcast_in_dim3A_373 = arith.constant 0 : i32
        %broadcast_in_dim3A_374 = vector.broadcast %broadcast_in_dim3A_373 : i32 to vector<16xi32>
        %broadcast_in_dim3A_375 = arith.constant 16 : i32
        %broadcast_in_dim3A_376 = vector.broadcast %broadcast_in_dim3A_375 : i32 to vector<16xi32>
        %gather3A_377 = tpu.vector_load_idx %arg13[%add3A_276, %broadcast_in_dim3A_376] : memref<128x32xf32, #tpu.memory_space<vmem>>[vector<16xi32>, vector<16xi32>], vector<16xf32>,
        %mul3A_378 = arith.mulf %exp3A, %gather3A_377 : vector<16xf32>
        tpu.vector_store_idx %arg17[%add3A_276, %broadcast_in_dim3A_374], %mul3A_378 : memref<128x16xf32, #tpu.memory_space<vmem>>[vector<16xi32>, vector<16xi32>], vector<16xf32>,
        %broadcast_in_dim3A_379 = arith.constant 1 : i32
        %broadcast_in_dim3A_380 = vector.broadcast %broadcast_in_dim3A_379 : i32 to vector<16xi32>
        %broadcast_in_dim3A_381 = arith.constant 17 : i32
        %broadcast_in_dim3A_382 = vector.broadcast %broadcast_in_dim3A_381 : i32 to vector<16xi32>
        %gather3A_383 = tpu.vector_load_idx %arg13[%add3A_276, %broadcast_in_dim3A_382] : memref<128x32xf32, #tpu.memory_space<vmem>>[vector<16xi32>, vector<16xi32>], vector<16xf32>,
        %mul3A_384 = arith.mulf %exp3A, %gather3A_383 : vector<16xf32>
        tpu.vector_store_idx %arg17[%add3A_276, %broadcast_in_dim3A_380], %mul3A_384 : memref<128x16xf32, #tpu.memory_space<vmem>>[vector<16xi32>, vector<16xi32>], vector<16xf32>,
        %broadcast_in_dim3A_385 = arith.constant 2 : i32
        %broadcast_in_dim3A_386 = vector.broadcast %broadcast_in_dim3A_385 : i32 to vector<16xi32>
        %broadcast_in_dim3A_387 = arith.constant 18 : i32
        %broadcast_in_dim3A_388 = vector.broadcast %broadcast_in_dim3A_387 : i32 to vector<16xi32>
        %gather3A_389 = tpu.vector_load_idx %arg13[%add3A_276, %broadcast_in_dim3A_388] : memref<128x32xf32, #tpu.memory_space<vmem>>[vector<16xi32>, vector<16xi32>], vector<16xf32>,
        %mul3A_390 = arith.mulf %exp3A, %gather3A_389 : vector<16xf32>
        tpu.vector_store_idx %arg17[%add3A_276, %broadcast_in_dim3A_386], %mul3A_390 : memref<128x16xf32, #tpu.memory_space<vmem>>[vector<16xi32>, vector<16xi32>], vector<16xf32>,
        %broadcast_in_dim3A_391 = arith.constant 3 : i32
        %broadcast_in_dim3A_392 = vector.broadcast %broadcast_in_dim3A_391 : i32 to vector<16xi32>
        %broadcast_in_dim3A_393 = arith.constant 19 : i32
        %broadcast_in_dim3A_394 = vector.broadcast %broadcast_in_dim3A_393 : i32 to vector<16xi32>
        %gather3A_395 = tpu.vector_load_idx %arg13[%add3A_276, %broadcast_in_dim3A_394] : memref<128x32xf32, #tpu.memory_space<vmem>>[vector<16xi32>, vector<16xi32>], vector<16xf32>,
        %mul3A_396 = arith.mulf %exp3A, %gather3A_395 : vector<16xf32>
        tpu.vector_store_idx %arg17[%add3A_276, %broadcast_in_dim3A_392], %mul3A_396 : memref<128x16xf32, #tpu.memory_space<vmem>>[vector<16xi32>, vector<16xi32>], vector<16xf32>,
        %broadcast_in_dim3A_397 = arith.constant 4 : i32
        %broadcast_in_dim3A_398 = vector.broadcast %broadcast_in_dim3A_397 : i32 to vector<16xi32>
        %broadcast_in_dim3A_399 = arith.constant 20 : i32
        %broadcast_in_dim3A_400 = vector.broadcast %broadcast_in_dim3A_399 : i32 to vector<16xi32>
        %gather3A_401 = tpu.vector_load_idx %arg13[%add3A_276, %broadcast_in_dim3A_400] : memref<128x32xf32, #tpu.memory_space<vmem>>[vector<16xi32>, vector<16xi32>], vector<16xf32>,
        %mul3A_402 = arith.mulf %exp3A, %gather3A_401 : vector<16xf32>
        tpu.vector_store_idx %arg17[%add3A_276, %broadcast_in_dim3A_398], %mul3A_402 : memref<128x16xf32, #tpu.memory_space<vmem>>[vector<16xi32>, vector<16xi32>], vector<16xf32>,
        %broadcast_in_dim3A_403 = arith.constant 5 : i32
        %broadcast_in_dim3A_404 = vector.broadcast %broadcast_in_dim3A_403 : i32 to vector<16xi32>
        %broadcast_in_dim3A_405 = arith.constant 21 : i32
        %broadcast_in_dim3A_406 = vector.broadcast %broadcast_in_dim3A_405 : i32 to vector<16xi32>
        %gather3A_407 = tpu.vector_load_idx %arg13[%add3A_276, %broadcast_in_dim3A_406] : memref<128x32xf32, #tpu.memory_space<vmem>>[vector<16xi32>, vector<16xi32>], vector<16xf32>,
        %mul3A_408 = arith.mulf %exp3A, %gather3A_407 : vector<16xf32>
        tpu.vector_store_idx %arg17[%add3A_276, %broadcast_in_dim3A_404], %mul3A_408 : memref<128x16xf32, #tpu.memory_space<vmem>>[vector<16xi32>, vector<16xi32>], vector<16xf32>,
        %broadcast_in_dim3A_409 = arith.constant 6 : i32
        %broadcast_in_dim3A_410 = vector.broadcast %broadcast_in_dim3A_409 : i32 to vector<16xi32>
        %broadcast_in_dim3A_411 = arith.constant 22 : i32
        %broadcast_in_dim3A_412 = vector.broadcast %broadcast_in_dim3A_411 : i32 to vector<16xi32>
        %gather3A_413 = tpu.vector_load_idx %arg13[%add3A_276, %broadcast_in_dim3A_412] : memref<128x32xf32, #tpu.memory_space<vmem>>[vector<16xi32>, vector<16xi32>], vector<16xf32>,
        %mul3A_414 = arith.mulf %exp3A, %gather3A_413 : vector<16xf32>
        tpu.vector_store_idx %arg17[%add3A_276, %broadcast_in_dim3A_410], %mul3A_414 : memref<128x16xf32, #tpu.memory_space<vmem>>[vector<16xi32>, vector<16xi32>], vector<16xf32>,
        %broadcast_in_dim3A_415 = arith.constant 7 : i32
        %broadcast_in_dim3A_416 = vector.broadcast %broadcast_in_dim3A_415 : i32 to vector<16xi32>
        %broadcast_in_dim3A_417 = arith.constant 23 : i32
        %broadcast_in_dim3A_418 = vector.broadcast %broadcast_in_dim3A_417 : i32 to vector<16xi32>
        %gather3A_419 = tpu.vector_load_idx %arg13[%add3A_276, %broadcast_in_dim3A_418] : memref<128x32xf32, #tpu.memory_space<vmem>>[vector<16xi32>, vector<16xi32>], vector<16xf32>,
        %mul3A_420 = arith.mulf %exp3A, %gather3A_419 : vector<16xf32>
        tpu.vector_store_idx %arg17[%add3A_276, %broadcast_in_dim3A_416], %mul3A_420 : memref<128x16xf32, #tpu.memory_space<vmem>>[vector<16xi32>, vector<16xi32>], vector<16xf32>,
        %broadcast_in_dim3A_421 = arith.constant 8 : i32
        %broadcast_in_dim3A_422 = vector.broadcast %broadcast_in_dim3A_421 : i32 to vector<16xi32>
        %broadcast_in_dim3A_423 = arith.constant 24 : i32
        %broadcast_in_dim3A_424 = vector.broadcast %broadcast_in_dim3A_423 : i32 to vector<16xi32>
        %gather3A_425 = tpu.vector_load_idx %arg13[%add3A_276, %broadcast_in_dim3A_424] : memref<128x32xf32, #tpu.memory_space<vmem>>[vector<16xi32>, vector<16xi32>], vector<16xf32>,
        %mul3A_426 = arith.mulf %exp3A, %gather3A_425 : vector<16xf32>
        tpu.vector_store_idx %arg17[%add3A_276, %broadcast_in_dim3A_422], %mul3A_426 : memref<128x16xf32, #tpu.memory_space<vmem>>[vector<16xi32>, vector<16xi32>], vector<16xf32>,
        %broadcast_in_dim3A_427 = arith.constant 9 : i32
        %broadcast_in_dim3A_428 = vector.broadcast %broadcast_in_dim3A_427 : i32 to vector<16xi32>
        %broadcast_in_dim3A_429 = arith.constant 25 : i32
        %broadcast_in_dim3A_430 = vector.broadcast %broadcast_in_dim3A_429 : i32 to vector<16xi32>
        %gather3A_431 = tpu.vector_load_idx %arg13[%add3A_276, %broadcast_in_dim3A_430] : memref<128x32xf32, #tpu.memory_space<vmem>>[vector<16xi32>, vector<16xi32>], vector<16xf32>,
        %mul3A_432 = arith.mulf %exp3A, %gather3A_431 : vector<16xf32>
        tpu.vector_store_idx %arg17[%add3A_276, %broadcast_in_dim3A_428], %mul3A_432 : memref<128x16xf32, #tpu.memory_space<vmem>>[vector<16xi32>, vector<16xi32>], vector<16xf32>,
        %broadcast_in_dim3A_433 = arith.constant 10 : i32
        %broadcast_in_dim3A_434 = vector.broadcast %broadcast_in_dim3A_433 : i32 to vector<16xi32>
        %broadcast_in_dim3A_435 = arith.constant 26 : i32
        %broadcast_in_dim3A_436 = vector.broadcast %broadcast_in_dim3A_435 : i32 to vector<16xi32>
        %gather3A_437 = tpu.vector_load_idx %arg13[%add3A_276, %broadcast_in_dim3A_436] : memref<128x32xf32, #tpu.memory_space<vmem>>[vector<16xi32>, vector<16xi32>], vector<16xf32>,
        %mul3A_438 = arith.mulf %exp3A, %gather3A_437 : vector<16xf32>
        tpu.vector_store_idx %arg17[%add3A_276, %broadcast_in_dim3A_434], %mul3A_438 : memref<128x16xf32, #tpu.memory_space<vmem>>[vector<16xi32>, vector<16xi32>], vector<16xf32>,
        %broadcast_in_dim3A_439 = arith.constant 11 : i32
        %broadcast_in_dim3A_440 = vector.broadcast %broadcast_in_dim3A_439 : i32 to vector<16xi32>
        %broadcast_in_dim3A_441 = arith.constant 27 : i32
        %broadcast_in_dim3A_442 = vector.broadcast %broadcast_in_dim3A_441 : i32 to vector<16xi32>
        %gather3A_443 = tpu.vector_load_idx %arg13[%add3A_276, %broadcast_in_dim3A_442] : memref<128x32xf32, #tpu.memory_space<vmem>>[vector<16xi32>, vector<16xi32>], vector<16xf32>,
        %mul3A_444 = arith.mulf %exp3A, %gather3A_443 : vector<16xf32>
        tpu.vector_store_idx %arg17[%add3A_276, %broadcast_in_dim3A_440], %mul3A_444 : memref<128x16xf32, #tpu.memory_space<vmem>>[vector<16xi32>, vector<16xi32>], vector<16xf32>,
        %broadcast_in_dim3A_445 = arith.constant 12 : i32
        %broadcast_in_dim3A_446 = vector.broadcast %broadcast_in_dim3A_445 : i32 to vector<16xi32>
        %broadcast_in_dim3A_447 = arith.constant 28 : i32
        %broadcast_in_dim3A_448 = vector.broadcast %broadcast_in_dim3A_447 : i32 to vector<16xi32>
        %gather3A_449 = tpu.vector_load_idx %arg13[%add3A_276, %broadcast_in_dim3A_448] : memref<128x32xf32, #tpu.memory_space<vmem>>[vector<16xi32>, vector<16xi32>], vector<16xf32>,
        %mul3A_450 = arith.mulf %exp3A, %gather3A_449 : vector<16xf32>
        tpu.vector_store_idx %arg17[%add3A_276, %broadcast_in_dim3A_446], %mul3A_450 : memref<128x16xf32, #tpu.memory_space<vmem>>[vector<16xi32>, vector<16xi32>], vector<16xf32>,
        %broadcast_in_dim3A_451 = arith.constant 13 : i32
        %broadcast_in_dim3A_452 = vector.broadcast %broadcast_in_dim3A_451 : i32 to vector<16xi32>
        %broadcast_in_dim3A_453 = arith.constant 29 : i32
        %broadcast_in_dim3A_454 = vector.broadcast %broadcast_in_dim3A_453 : i32 to vector<16xi32>
        %gather3A_455 = tpu.vector_load_idx %arg13[%add3A_276, %broadcast_in_dim3A_454] : memref<128x32xf32, #tpu.memory_space<vmem>>[vector<16xi32>, vector<16xi32>], vector<16xf32>,
        %mul3A_456 = arith.mulf %exp3A, %gather3A_455 : vector<16xf32>
        tpu.vector_store_idx %arg17[%add3A_276, %broadcast_in_dim3A_452], %mul3A_456 : memref<128x16xf32, #tpu.memory_space<vmem>>[vector<16xi32>, vector<16xi32>], vector<16xf32>,
        %broadcast_in_dim3A_457 = arith.constant 14 : i32
        %broadcast_in_dim3A_458 = vector.broadcast %broadcast_in_dim3A_457 : i32 to vector<16xi32>
        %broadcast_in_dim3A_459 = arith.constant 30 : i32
        %broadcast_in_dim3A_460 = vector.broadcast %broadcast_in_dim3A_459 : i32 to vector<16xi32>
        %gather3A_461 = tpu.vector_load_idx %arg13[%add3A_276, %broadcast_in_dim3A_460] : memref<128x32xf32, #tpu.memory_space<vmem>>[vector<16xi32>, vector<16xi32>], vector<16xf32>,
        %mul3A_462 = arith.mulf %exp3A, %gather3A_461 : vector<16xf32>
        tpu.vector_store_idx %arg17[%add3A_276, %broadcast_in_dim3A_458], %mul3A_462 : memref<128x16xf32, #tpu.memory_space<vmem>>[vector<16xi32>, vector<16xi32>], vector<16xf32>,
        %broadcast_in_dim3A_463 = arith.constant 15 : i32
        %broadcast_in_dim3A_464 = vector.broadcast %broadcast_in_dim3A_463 : i32 to vector<16xi32>
        %broadcast_in_dim3A_465 = arith.constant 31 : i32
        %broadcast_in_dim3A_466 = vector.broadcast %broadcast_in_dim3A_465 : i32 to vector<16xi32>
        %gather3A_467 = tpu.vector_load_idx %arg13[%add3A_276, %broadcast_in_dim3A_466] : memref<128x32xf32, #tpu.memory_space<vmem>>[vector<16xi32>, vector<16xi32>], vector<16xf32>,
        %mul3A_468 = arith.mulf %exp3A, %gather3A_467 : vector<16xf32>
        tpu.vector_store_idx %arg17[%add3A_276, %broadcast_in_dim3A_464], %mul3A_468 : memref<128x16xf32, #tpu.memory_space<vmem>>[vector<16xi32>, vector<16xi32>], vector<16xf32>,
      }
      %scan3A_190 = arith.constant 8 : i32
      %jit3A_191 = arith.constant 8 : i32
      %eq3A_192 = arith.constant 0 : i32
      %eq3A_193 = arith.cmpi eq, %jit3A_191, %eq3A_192 : i32
      %jit3A_194 = arith.constant 1 : i32
      %select_n3A_195 = arith.select %eq3A_193, %jit3A_194, %jit3A_191 : i32
      %rem3A_196 = arith.remsi %add3A_166, %select_n3A_195 : i32
      %ne3A_197 = arith.constant 0 : i32
      %ne3A_198 = arith.cmpi ne, %rem3A_196, %ne3A_197 : i32
      %lt3A_199 = arith.constant 0 : i32
      %lt3A_200 = arith.cmpi slt, %rem3A_196, %lt3A_199 : i32
      %lt3A_201 = arith.constant 0 : i32
      %lt3A_202 = arith.cmpi slt, %select_n3A_195, %lt3A_201 : i32
      %ne3A_203 = arith.xori %lt3A_200, %lt3A_202 : i1
      %and3A_204 = arith.andi %ne3A_203, %ne3A_198 : i1
      %add3A_205 = arith.addi %rem3A_196, %select_n3A_195 : i32
      %select_n3A_206 = arith.select %and3A_204, %add3A_205, %rem3A_196 : i32
      %jit3A_207 = arith.constant 8 : i32
      %div3A_208 = arith.divsi %add3A_166, %jit3A_207 : i32
      %sign3A_209 = arith.constant 0 : i32
      %sign3A_210 = arith.cmpi sgt, %add3A_166, %sign3A_209 : i32
      %sign3A_211 = arith.extui %sign3A_210 : i1 to i32
      %sign3A_212 = arith.constant 0 : i32
      %sign3A_213 = arith.cmpi slt, %add3A_166, %sign3A_212 : i32
      %sign3A_214 = arith.extui %sign3A_213 : i1 to i32
      %sign3A_215 = arith.subi %sign3A_211, %sign3A_214 : i32
      %sign3A_216 = arith.constant 0 : i32
      %sign3A_217 = arith.cmpi sgt, %jit3A_207, %sign3A_216 : i32
      %sign3A_218 = arith.extui %sign3A_217 : i1 to i32
      %sign3A_219 = arith.constant 0 : i32
      %sign3A_220 = arith.cmpi slt, %jit3A_207, %sign3A_219 : i32
      %sign3A_221 = arith.extui %sign3A_220 : i1 to i32
      %sign3A_222 = arith.subi %sign3A_218, %sign3A_221 : i32
      %ne3A_223 = arith.cmpi ne, %sign3A_215, %sign3A_222 : i32
      %rem3A_224 = arith.remsi %add3A_166, %jit3A_207 : i32
      %ne3A_225 = arith.constant 0 : i32
      %ne3A_226 = arith.cmpi ne, %rem3A_224, %ne3A_225 : i32
      %and3A_227 = arith.andi %ne3A_223, %ne3A_226 : i1
      %sub3A_228 = arith.constant 1 : i32
      %sub3A_229 = arith.subi %div3A_208, %sub3A_228 : i32
      %select_n3A_230 = arith.select %and3A_227, %sub3A_229, %div3A_208 : i32
      %jit3A_231 = arith.constant 2 : i32
      %eq3A_232 = arith.constant 0 : i32
      %eq3A_233 = arith.cmpi eq, %jit3A_231, %eq3A_232 : i32
      %jit3A_234 = arith.constant 1 : i32
      %select_n3A_235 = arith.select %eq3A_233, %jit3A_234, %jit3A_231 : i32
      %rem3A_236 = arith.remsi %select_n3A_230, %select_n3A_235 : i32
      %ne3A_237 = arith.constant 0 : i32
      %ne3A_238 = arith.cmpi ne, %rem3A_236, %ne3A_237 : i32
      %lt3A_239 = arith.constant 0 : i32
      %lt3A_240 = arith.cmpi slt, %rem3A_236, %lt3A_239 : i32
      %lt3A_241 = arith.constant 0 : i32
      %lt3A_242 = arith.cmpi slt, %select_n3A_235, %lt3A_241 : i32
      %ne3A_243 = arith.xori %lt3A_240, %lt3A_242 : i1
      %and3A_244 = arith.andi %ne3A_243, %ne3A_238 : i1
      %add3A_245 = arith.addi %rem3A_236, %select_n3A_235 : i32
      %select_n3A_246 = arith.select %and3A_244, %add3A_245, %rem3A_236 : i32
      %mul3A_247 = arith.constant 8 : i32
      %mul3A_248 = arith.muli %select_n3A_246, %mul3A_247 : i32
      %add3A_249 = arith.addi %select_n3A_206, %mul3A_248 : i32
      %dma_start3A_250 = arith.constant 0 : i32
      %dma_start3A_251 = tpu.memref_slice %arg11[%add3A_249, %dma_start3A_250] : memref<16x128xi32, #tpu.memory_space<vmem>> -> memref<1x128xi32, #tpu.memory_space<vmem>>
      %dma_start3A_252 = tpu.memref_squeeze %dma_start3A_251 : memref<1x128xi32, #tpu.memory_space<vmem>> -> memref<128xi32, #tpu.memory_space<vmem>>
      %dma_start3A_253 = arith.constant 0 : i32
      %dma_start3A_254 = arith.constant 0 : i32
      %dma_start3A_255 = tpu.memref_slice %arg20[%dma_start3A_253, %dma_start3A_254] : memref<100352x16xf32, #tpu.memory_space<vmem_shared>> -> memref<100352x16xf32, #tpu.memory_space<vmem_shared>>
      tpu.enqueue_indirect_dma source(%arg17 : memref<128x16xf32, #tpu.memory_space<vmem>>) target(%dma_start3A_255 : memref<100352x16xf32, #tpu.memory_space<vmem_shared>>) offsets(%dma_start3A_252 : memref<128xi32, #tpu.memory_space<vmem>>) semaphore(%arg25 : memref<!tpu.dma_semaphore, #tpu.memory_space<semaphore_mem>>) {add = true}
      %dma_start3A_256 = arith.constant 0 : i32
      %dma_start3A_257 = tpu.memref_slice %arg11[%add3A_249, %dma_start3A_256] : memref<16x128xi32, #tpu.memory_space<vmem>> -> memref<1x128xi32, #tpu.memory_space<vmem>>
      %dma_start3A_258 = tpu.memref_squeeze %dma_start3A_257 : memref<1x128xi32, #tpu.memory_space<vmem>> -> memref<128xi32, #tpu.memory_space<vmem>>
      %dma_start3A_259 = arith.constant 0 : i32
      %dma_start3A_260 = tpu.memref_slice %arg21[%dma_start3A_259] : memref<100352xf32, #tpu.memory_space<vmem_shared>> -> memref<100352xf32, #tpu.memory_space<vmem_shared>>
      tpu.enqueue_indirect_dma source(%arg19 : memref<128xf32, #tpu.memory_space<vmem>>) target(%dma_start3A_260 : memref<100352xf32, #tpu.memory_space<vmem_shared>>) offsets(%dma_start3A_258 : memref<128xi32, #tpu.memory_space<vmem>>) semaphore(%arg25 : memref<!tpu.dma_semaphore, #tpu.memory_space<semaphore_mem>>) {add = true}
      %add3A_261 = arith.constant 2 : i32
      %add3A_262 = arith.addi %add3A_166, %add3A_261 : i32
      %lt3A_263 = arith.constant 784 : i32
      %lt3A_264 = arith.cmpi slt, %add3A_262, %lt3A_263 : i32
      %convert_element_type3A_265 = arith.extui %lt3A_264 : i1 to i32
      %cond3A_266 = arith.constant 0 : i32
      %cond3A_267 = arith.cmpi ne, %convert_element_type3A_265, %cond3A_266 : i32
      scf.if %cond3A_267 {
        %jit3A_268 = arith.constant 8 : i32
        %eq3A_269 = arith.constant 0 : i32
        %eq3A_270 = arith.cmpi eq, %jit3A_268, %eq3A_269 : i32
        %jit3A_271 = arith.constant 1 : i32
        %select_n3A_272 = arith.select %eq3A_270, %jit3A_271, %jit3A_268 : i32
        %rem3A_273 = arith.remsi %add3A_262, %select_n3A_272 : i32
        %ne3A_274 = arith.constant 0 : i32
        %ne3A_275 = arith.cmpi ne, %rem3A_273, %ne3A_274 : i32
        %lt3A_276 = arith.constant 0 : i32
        %lt3A_277 = arith.cmpi slt, %rem3A_273, %lt3A_276 : i32
        %lt3A_278 = arith.constant 0 : i32
        %lt3A_279 = arith.cmpi slt, %select_n3A_272, %lt3A_278 : i32
        %ne3A_280 = arith.xori %lt3A_277, %lt3A_279 : i1
        %and3A_281 = arith.andi %ne3A_280, %ne3A_275 : i1
        %add3A_282 = arith.addi %rem3A_273, %select_n3A_272 : i32
        %select_n3A_283 = arith.select %and3A_281, %add3A_282, %rem3A_273 : i32
        %eq3A_284 = arith.constant 0 : i32
        %eq3A_285 = arith.cmpi eq, %select_n3A_283, %eq3A_284 : i32
        %convert_element_type3A_286 = arith.extui %eq3A_285 : i1 to i32
        %cond3A_287 = arith.constant 0 : i32
        %cond3A_288 = arith.cmpi ne, %convert_element_type3A_286, %cond3A_287 : i32
        scf.if %cond3A_288 {
          %jit3A_360 = arith.constant 8 : i32
          %div3A_361 = arith.divsi %add3A_262, %jit3A_360 : i32
          %sign3A_362 = arith.constant 0 : i32
          %sign3A_363 = arith.cmpi sgt, %add3A_262, %sign3A_362 : i32
          %sign3A_364 = arith.extui %sign3A_363 : i1 to i32
          %sign3A_365 = arith.constant 0 : i32
          %sign3A_366 = arith.cmpi slt, %add3A_262, %sign3A_365 : i32
          %sign3A_367 = arith.extui %sign3A_366 : i1 to i32
          %sign3A_368 = arith.subi %sign3A_364, %sign3A_367 : i32
          %sign3A_369 = arith.constant 0 : i32
          %sign3A_370 = arith.cmpi sgt, %jit3A_360, %sign3A_369 : i32
          %sign3A_371 = arith.extui %sign3A_370 : i1 to i32
          %sign3A_372 = arith.constant 0 : i32
          %sign3A_373 = arith.cmpi slt, %jit3A_360, %sign3A_372 : i32
          %sign3A_374 = arith.extui %sign3A_373 : i1 to i32
          %sign3A_375 = arith.subi %sign3A_371, %sign3A_374 : i32
          %ne3A_376 = arith.cmpi ne, %sign3A_368, %sign3A_375 : i32
          %rem3A_377 = arith.remsi %add3A_262, %jit3A_360 : i32
          %ne3A_378 = arith.constant 0 : i32
          %ne3A_379 = arith.cmpi ne, %rem3A_377, %ne3A_378 : i32
          %and3A_380 = arith.andi %ne3A_376, %ne3A_379 : i1
          %sub3A_381 = arith.constant 1 : i32
          %sub3A_382 = arith.subi %div3A_361, %sub3A_381 : i32
          %select_n3A_383 = arith.select %and3A_380, %sub3A_382, %div3A_361 : i32
          %jit3A_384 = arith.constant 2 : i32
          %eq3A_385 = arith.constant 0 : i32
          %eq3A_386 = arith.cmpi eq, %jit3A_384, %eq3A_385 : i32
          %jit3A_387 = arith.constant 1 : i32
          %select_n3A_388 = arith.select %eq3A_386, %jit3A_387, %jit3A_384 : i32
          %rem3A_389 = arith.remsi %select_n3A_383, %select_n3A_388 : i32
          %ne3A_390 = arith.constant 0 : i32
          %ne3A_391 = arith.cmpi ne, %rem3A_389, %ne3A_390 : i32
          %lt3A_392 = arith.constant 0 : i32
          %lt3A_393 = arith.cmpi slt, %rem3A_389, %lt3A_392 : i32
          %lt3A_394 = arith.constant 0 : i32
          %lt3A_395 = arith.cmpi slt, %select_n3A_388, %lt3A_394 : i32
          %ne3A_396 = arith.xori %lt3A_393, %lt3A_395 : i1
          %and3A_397 = arith.andi %ne3A_396, %ne3A_391 : i1
          %add3A_398 = arith.addi %rem3A_389, %select_n3A_388 : i32
          %select_n3A_399 = arith.select %and3A_397, %add3A_398, %rem3A_389 : i32
          %mul3A_400 = arith.constant 8 : i32
          %mul3A_401 = arith.muli %select_n3A_399, %mul3A_400 : i32
          %mul3A_402 = arith.constant 8 : i32
          %mul3A_403 = arith.muli %select_n3A_383, %mul3A_402 : i32
          %add3A_404 = arith.addi %mul3A_4, %mul3A_403 : i32
          "tpu.region"() ({
            %run_scoped3A = tpu.sem_alloc : memref<!tpu.dma_semaphore, #tpu.memory_space<semaphore_mem>>
            %dma_start3A_408 = arith.constant 0 : i32
            %dma_start3A_409 = tpu.memref_slice %arg10[%mul3A_401, %dma_start3A_408] : memref<16x128xi32, #tpu.memory_space<vmem>> -> memref<8x128xi32, #tpu.memory_space<vmem>>
            %dma_start3A_410 = arith.constant 0 : i32
            %dma_start3A_411 = tpu.memref_slice %arg4[%add3A_404, %dma_start3A_410] : memref<25088x128xi32, #tpu.memory_space<hbm>> -> memref<8x128xi32, #tpu.memory_space<hbm>>
            %dma_start3A_412 = arith.constant 0 : i32
            %dma_start3A_413 = tpu.memref_slice %arg10[%mul3A_401, %dma_start3A_412] : memref<16x128xi32, #tpu.memory_space<vmem>> -> memref<8x128xi32, #tpu.memory_space<vmem>>
            %dma_start3A_414 = arith.constant 0 : i32
            %dma_start3A_415 = tpu.memref_slice %arg4[%add3A_404, %dma_start3A_414] : memref<25088x128xi32, #tpu.memory_space<hbm>> -> memref<8x128xi32, #tpu.memory_space<hbm>>
            tpu.enqueue_dma source(%dma_start3A_415 : memref<8x128xi32, #tpu.memory_space<hbm>>) target(%dma_start3A_413 : memref<8x128xi32, #tpu.memory_space<vmem>>) target_semaphore(%run_scoped3A : memref<!tpu.dma_semaphore, #tpu.memory_space<semaphore_mem>>)
            %dma_wait3A_416 = arith.constant 0 : i32
            %dma_wait3A_417 = tpu.memref_slice %arg10[%mul3A_401, %dma_wait3A_416] : memref<16x128xi32, #tpu.memory_space<vmem>> -> memref<8x128xi32, #tpu.memory_space<vmem>>
            %dma_wait3A_418 = arith.constant 0 : i32
            %dma_wait3A_419 = tpu.memref_slice %arg4[%add3A_404, %dma_wait3A_418] : memref<25088x128xi32, #tpu.memory_space<hbm>> -> memref<8x128xi32, #tpu.memory_space<hbm>>
            %dma_wait3A_420 = arith.constant 0 : i32
            %dma_wait3A_421 = tpu.memref_slice %arg10[%mul3A_401, %dma_wait3A_420] : memref<16x128xi32, #tpu.memory_space<vmem>> -> memref<8x128xi32, #tpu.memory_space<vmem>>
            %dma_wait3A_422 = arith.constant 0 : i32
            %dma_wait3A_423 = tpu.memref_slice %arg4[%add3A_404, %dma_wait3A_422] : memref<25088x128xi32, #tpu.memory_space<hbm>> -> memref<8x128xi32, #tpu.memory_space<hbm>>
            tpu.wait_dma2 semaphore(%run_scoped3A : memref<!tpu.dma_semaphore, #tpu.memory_space<semaphore_mem>>) src(%dma_wait3A_423 : memref<8x128xi32, #tpu.memory_space<hbm>>) dst(%dma_wait3A_421 : memref<8x128xi32, #tpu.memory_space<vmem>>)
            tpu.yield
          }) : () -> ()
          %mul3A_405 = arith.constant 8 : i32
          %mul3A_406 = arith.muli %select_n3A_383, %mul3A_405 : i32
          %add3A_407 = arith.addi %mul3A_4, %mul3A_406 : i32
          "tpu.region"() ({
            %run_scoped3A = tpu.sem_alloc : memref<!tpu.dma_semaphore, #tpu.memory_space<semaphore_mem>>
            %dma_start3A_408 = arith.constant 0 : i32
            %dma_start3A_409 = tpu.memref_slice %arg11[%mul3A_401, %dma_start3A_408] : memref<16x128xi32, #tpu.memory_space<vmem>> -> memref<8x128xi32, #tpu.memory_space<vmem>>
            %dma_start3A_410 = arith.constant 0 : i32
            %dma_start3A_411 = tpu.memref_slice %arg5[%add3A_407, %dma_start3A_410] : memref<25088x128xi32, #tpu.memory_space<hbm>> -> memref<8x128xi32, #tpu.memory_space<hbm>>
            %dma_start3A_412 = arith.constant 0 : i32
            %dma_start3A_413 = tpu.memref_slice %arg11[%mul3A_401, %dma_start3A_412] : memref<16x128xi32, #tpu.memory_space<vmem>> -> memref<8x128xi32, #tpu.memory_space<vmem>>
            %dma_start3A_414 = arith.constant 0 : i32
            %dma_start3A_415 = tpu.memref_slice %arg5[%add3A_407, %dma_start3A_414] : memref<25088x128xi32, #tpu.memory_space<hbm>> -> memref<8x128xi32, #tpu.memory_space<hbm>>
            tpu.enqueue_dma source(%dma_start3A_415 : memref<8x128xi32, #tpu.memory_space<hbm>>) target(%dma_start3A_413 : memref<8x128xi32, #tpu.memory_space<vmem>>) target_semaphore(%run_scoped3A : memref<!tpu.dma_semaphore, #tpu.memory_space<semaphore_mem>>)
            %dma_wait3A_416 = arith.constant 0 : i32
            %dma_wait3A_417 = tpu.memref_slice %arg11[%mul3A_401, %dma_wait3A_416] : memref<16x128xi32, #tpu.memory_space<vmem>> -> memref<8x128xi32, #tpu.memory_space<vmem>>
            %dma_wait3A_418 = arith.constant 0 : i32
            %dma_wait3A_419 = tpu.memref_slice %arg5[%add3A_407, %dma_wait3A_418] : memref<25088x128xi32, #tpu.memory_space<hbm>> -> memref<8x128xi32, #tpu.memory_space<hbm>>
            %dma_wait3A_420 = arith.constant 0 : i32
            %dma_wait3A_421 = tpu.memref_slice %arg11[%mul3A_401, %dma_wait3A_420] : memref<16x128xi32, #tpu.memory_space<vmem>> -> memref<8x128xi32, #tpu.memory_space<vmem>>
            %dma_wait3A_422 = arith.constant 0 : i32
            %dma_wait3A_423 = tpu.memref_slice %arg5[%add3A_407, %dma_wait3A_422] : memref<25088x128xi32, #tpu.memory_space<hbm>> -> memref<8x128xi32, #tpu.memory_space<hbm>>
            tpu.wait_dma2 semaphore(%run_scoped3A : memref<!tpu.dma_semaphore, #tpu.memory_space<semaphore_mem>>) src(%dma_wait3A_423 : memref<8x128xi32, #tpu.memory_space<hbm>>) dst(%dma_wait3A_421 : memref<8x128xi32, #tpu.memory_space<vmem>>)
            tpu.yield
          }) : () -> ()
        } else {
        }
        %jit3A_289 = arith.constant 8 : i32
        %eq3A_290 = arith.constant 0 : i32
        %eq3A_291 = arith.cmpi eq, %jit3A_289, %eq3A_290 : i32
        %jit3A_292 = arith.constant 1 : i32
        %select_n3A_293 = arith.select %eq3A_291, %jit3A_292, %jit3A_289 : i32
        %rem3A_294 = arith.remsi %add3A_262, %select_n3A_293 : i32
        %ne3A_295 = arith.constant 0 : i32
        %ne3A_296 = arith.cmpi ne, %rem3A_294, %ne3A_295 : i32
        %lt3A_297 = arith.constant 0 : i32
        %lt3A_298 = arith.cmpi slt, %rem3A_294, %lt3A_297 : i32
        %lt3A_299 = arith.constant 0 : i32
        %lt3A_300 = arith.cmpi slt, %select_n3A_293, %lt3A_299 : i32
        %ne3A_301 = arith.xori %lt3A_298, %lt3A_300 : i1
        %and3A_302 = arith.andi %ne3A_301, %ne3A_296 : i1
        %add3A_303 = arith.addi %rem3A_294, %select_n3A_293 : i32
        %select_n3A_304 = arith.select %and3A_302, %add3A_303, %rem3A_294 : i32
        %jit3A_305 = arith.constant 8 : i32
        %div3A_306 = arith.divsi %add3A_262, %jit3A_305 : i32
        %sign3A_307 = arith.constant 0 : i32
        %sign3A_308 = arith.cmpi sgt, %add3A_262, %sign3A_307 : i32
        %sign3A_309 = arith.extui %sign3A_308 : i1 to i32
        %sign3A_310 = arith.constant 0 : i32
        %sign3A_311 = arith.cmpi slt, %add3A_262, %sign3A_310 : i32
        %sign3A_312 = arith.extui %sign3A_311 : i1 to i32
        %sign3A_313 = arith.subi %sign3A_309, %sign3A_312 : i32
        %sign3A_314 = arith.constant 0 : i32
        %sign3A_315 = arith.cmpi sgt, %jit3A_305, %sign3A_314 : i32
        %sign3A_316 = arith.extui %sign3A_315 : i1 to i32
        %sign3A_317 = arith.constant 0 : i32
        %sign3A_318 = arith.cmpi slt, %jit3A_305, %sign3A_317 : i32
        %sign3A_319 = arith.extui %sign3A_318 : i1 to i32
        %sign3A_320 = arith.subi %sign3A_316, %sign3A_319 : i32
        %ne3A_321 = arith.cmpi ne, %sign3A_313, %sign3A_320 : i32
        %rem3A_322 = arith.remsi %add3A_262, %jit3A_305 : i32
        %ne3A_323 = arith.constant 0 : i32
        %ne3A_324 = arith.cmpi ne, %rem3A_322, %ne3A_323 : i32
        %and3A_325 = arith.andi %ne3A_321, %ne3A_324 : i1
        %sub3A_326 = arith.constant 1 : i32
        %sub3A_327 = arith.subi %div3A_306, %sub3A_326 : i32
        %select_n3A_328 = arith.select %and3A_325, %sub3A_327, %div3A_306 : i32
        %jit3A_329 = arith.constant 2 : i32
        %eq3A_330 = arith.constant 0 : i32
        %eq3A_331 = arith.cmpi eq, %jit3A_329, %eq3A_330 : i32
        %jit3A_332 = arith.constant 1 : i32
        %select_n3A_333 = arith.select %eq3A_331, %jit3A_332, %jit3A_329 : i32
        %rem3A_334 = arith.remsi %select_n3A_328, %select_n3A_333 : i32
        %ne3A_335 = arith.constant 0 : i32
        %ne3A_336 = arith.cmpi ne, %rem3A_334, %ne3A_335 : i32
        %lt3A_337 = arith.constant 0 : i32
        %lt3A_338 = arith.cmpi slt, %rem3A_334, %lt3A_337 : i32
        %lt3A_339 = arith.constant 0 : i32
        %lt3A_340 = arith.cmpi slt, %select_n3A_333, %lt3A_339 : i32
        %ne3A_341 = arith.xori %lt3A_338, %lt3A_340 : i1
        %and3A_342 = arith.andi %ne3A_341, %ne3A_336 : i1
        %add3A_343 = arith.addi %rem3A_334, %select_n3A_333 : i32
        %select_n3A_344 = arith.select %and3A_342, %add3A_343, %rem3A_334 : i32
        %mul3A_345 = arith.constant 8 : i32
        %mul3A_346 = arith.muli %select_n3A_344, %mul3A_345 : i32
        %add3A_347 = arith.addi %select_n3A_304, %mul3A_346 : i32
        %dma_start3A_348 = arith.constant 0 : i32
        %dma_start3A_349 = tpu.memref_slice %arg10[%add3A_347, %dma_start3A_348] : memref<16x128xi32, #tpu.memory_space<vmem>> -> memref<1x128xi32, #tpu.memory_space<vmem>>
        %dma_start3A_350 = tpu.memref_squeeze %dma_start3A_349 : memref<1x128xi32, #tpu.memory_space<vmem>> -> memref<128xi32, #tpu.memory_space<vmem>>
        %dma_start3A_351 = arith.constant 0 : i32
        %dma_start3A_352 = arith.constant 0 : i32
        %dma_start3A_353 = tpu.memref_slice %arg2[%dma_start3A_351, %dma_start3A_352] : memref<102400x32xf32, #tpu.memory_space<hbm>> -> memref<102400x32xf32, #tpu.memory_space<hbm>>
        tpu.enqueue_indirect_dma source(%dma_start3A_353 : memref<102400x32xf32, #tpu.memory_space<hbm>>) target(%arg13 : memref<128x32xf32, #tpu.memory_space<vmem>>) offsets(%dma_start3A_350 : memref<128xi32, #tpu.memory_space<vmem>>) semaphore(%arg23 : memref<!tpu.dma_semaphore, #tpu.memory_space<semaphore_mem>>)
        %dma_start3A_354 = arith.constant 0 : i32
        %dma_start3A_355 = tpu.memref_slice %arg11[%add3A_347, %dma_start3A_354] : memref<16x128xi32, #tpu.memory_space<vmem>> -> memref<1x128xi32, #tpu.memory_space<vmem>>
        %dma_start3A_356 = tpu.memref_squeeze %dma_start3A_355 : memref<1x128xi32, #tpu.memory_space<vmem>> -> memref<128xi32, #tpu.memory_space<vmem>>
        %dma_start3A_357 = arith.constant 0 : i32
        %dma_start3A_358 = arith.constant 0 : i32
        %dma_start3A_359 = tpu.memref_slice %arg3[%dma_start3A_357, %dma_start3A_358] : memref<102400x16xf32, #tpu.memory_space<hbm>> -> memref<102400x16xf32, #tpu.memory_space<hbm>>
        tpu.enqueue_indirect_dma source(%dma_start3A_359 : memref<102400x16xf32, #tpu.memory_space<hbm>>) target(%arg15 : memref<128x16xf32, #tpu.memory_space<vmem>>) offsets(%dma_start3A_356 : memref<128xi32, #tpu.memory_space<vmem>>) semaphore(%arg23 : memref<!tpu.dma_semaphore, #tpu.memory_space<semaphore_mem>>)
      } else {
      }
    }
    %scan3A_39 = arith.constant 392 : i32
    %dma_wait3A = arith.constant 0 : i32
    %dma_wait3A_40 = arith.constant 0 : i32
    %dma_wait3A_41 = tpu.memref_slice %arg11[%dma_wait3A, %dma_wait3A_40] : memref<16x128xi32, #tpu.memory_space<vmem>> -> memref<1x128xi32, #tpu.memory_space<vmem>>
    %dma_wait3A_42 = tpu.memref_squeeze %dma_wait3A_41 : memref<1x128xi32, #tpu.memory_space<vmem>> -> memref<128xi32, #tpu.memory_space<vmem>>
    %dma_wait3A_43 = arith.constant 0 : i32
    %dma_wait3A_44 = arith.constant 0 : i32
    %dma_wait3A_45 = tpu.memref_slice %arg20[%dma_wait3A_43, %dma_wait3A_44] : memref<100352x16xf32, #tpu.memory_space<vmem_shared>> -> memref<100352x16xf32, #tpu.memory_space<vmem_shared>>
    tpu.wait_indirect_dma semaphore(%arg24 : memref<!tpu.dma_semaphore, #tpu.memory_space<semaphore_mem>>) src(%arg16 : memref<128x16xf32, #tpu.memory_space<vmem>>) dst(%dma_wait3A_45 : memref<100352x16xf32, #tpu.memory_space<vmem_shared>>)
    %dma_wait3A_46 = arith.constant 0 : i32
    %dma_wait3A_47 = arith.constant 0 : i32
    %dma_wait3A_48 = tpu.memref_slice %arg11[%dma_wait3A_46, %dma_wait3A_47] : memref<16x128xi32, #tpu.memory_space<vmem>> -> memref<1x128xi32, #tpu.memory_space<vmem>>
    %dma_wait3A_49 = tpu.memref_squeeze %dma_wait3A_48 : memref<1x128xi32, #tpu.memory_space<vmem>> -> memref<128xi32, #tpu.memory_space<vmem>>
    %dma_wait3A_50 = arith.constant 0 : i32
    %dma_wait3A_51 = tpu.memref_slice %arg21[%dma_wait3A_50] : memref<100352xf32, #tpu.memory_space<vmem_shared>> -> memref<100352xf32, #tpu.memory_space<vmem_shared>>
    tpu.wait_indirect_dma semaphore(%arg24 : memref<!tpu.dma_semaphore, #tpu.memory_space<semaphore_mem>>) src(%arg18 : memref<128xf32, #tpu.memory_space<vmem>>) dst(%dma_wait3A_51 : memref<100352xf32, #tpu.memory_space<vmem_shared>>)
    %dma_wait3A_52 = arith.constant 0 : i32
    %dma_wait3A_53 = arith.constant 0 : i32
    %dma_wait3A_54 = tpu.memref_slice %arg11[%dma_wait3A_52, %dma_wait3A_53] : memref<16x128xi32, #tpu.memory_space<vmem>> -> memref<1x128xi32, #tpu.memory_space<vmem>>
    %dma_wait3A_55 = tpu.memref_squeeze %dma_wait3A_54 : memref<1x128xi32, #tpu.memory_space<vmem>> -> memref<128xi32, #tpu.memory_space<vmem>>
    %dma_wait3A_56 = arith.constant 0 : i32
    %dma_wait3A_57 = arith.constant 0 : i32
    %dma_wait3A_58 = tpu.memref_slice %arg20[%dma_wait3A_56, %dma_wait3A_57] : memref<100352x16xf32, #tpu.memory_space<vmem_shared>> -> memref<100352x16xf32, #tpu.memory_space<vmem_shared>>
    tpu.wait_indirect_dma semaphore(%arg25 : memref<!tpu.dma_semaphore, #tpu.memory_space<semaphore_mem>>) src(%arg17 : memref<128x16xf32, #tpu.memory_space<vmem>>) dst(%dma_wait3A_58 : memref<100352x16xf32, #tpu.memory_space<vmem_shared>>)
    %dma_wait3A_59 = arith.constant 0 : i32
    %dma_wait3A_60 = arith.constant 0 : i32
    %dma_wait3A_61 = tpu.memref_slice %arg11[%dma_wait3A_59, %dma_wait3A_60] : memref<16x128xi32, #tpu.memory_space<vmem>> -> memref<1x128xi32, #tpu.memory_space<vmem>>
    %dma_wait3A_62 = tpu.memref_squeeze %dma_wait3A_61 : memref<1x128xi32, #tpu.memory_space<vmem>> -> memref<128xi32, #tpu.memory_space<vmem>>
    %dma_wait3A_63 = arith.constant 0 : i32
    %dma_wait3A_64 = tpu.memref_slice %arg21[%dma_wait3A_63] : memref<100352xf32, #tpu.memory_space<vmem_shared>> -> memref<100352xf32, #tpu.memory_space<vmem_shared>>
    tpu.wait_indirect_dma semaphore(%arg25 : memref<!tpu.dma_semaphore, #tpu.memory_space<semaphore_mem>>) src(%arg19 : memref<128xf32, #tpu.memory_space<vmem>>) dst(%dma_wait3A_64 : memref<100352xf32, #tpu.memory_space<vmem_shared>>)
    %barrier3A_65 = arith.constant 0 : index
    tpu.barrier barrier_id(%barrier3A_65)
    "tpu.region"() ({
      %run_scoped3A = tpu.sem_alloc : memref<!tpu.dma_semaphore, #tpu.memory_space<semaphore_mem>>
      %dma_start3A_66 = arith.constant 0 : i32
      %dma_start3A_67 = tpu.memref_slice %arg8[%arg0, %mul3A_2, %dma_start3A_66] : memref<2x100352x16xf32, #tpu.memory_space<hbm>> -> memref<1x6272x16xf32, #tpu.memory_space<hbm>>
      %dma_start3A_68 = tpu.memref_squeeze %dma_start3A_67 : memref<1x6272x16xf32, #tpu.memory_space<hbm>> -> memref<6272x16xf32, #tpu.memory_space<hbm>>
      %dma_start3A_69 = arith.constant 0 : i32
      %dma_start3A_70 = tpu.memref_slice %arg20[%mul3A_2, %dma_start3A_69] : memref<100352x16xf32, #tpu.memory_space<vmem_shared>> -> memref<6272x16xf32, #tpu.memory_space<vmem_shared>>
      tpu.enqueue_dma source(%dma_start3A_70 : memref<6272x16xf32, #tpu.memory_space<vmem_shared>>) target(%dma_start3A_68 : memref<6272x16xf32, #tpu.memory_space<hbm>>) target_semaphore(%run_scoped3A : memref<!tpu.dma_semaphore, #tpu.memory_space<semaphore_mem>>)
      %dma_wait3A_71 = arith.constant 0 : i32
      %dma_wait3A_72 = tpu.memref_slice %arg8[%arg0, %mul3A_2, %dma_wait3A_71] : memref<2x100352x16xf32, #tpu.memory_space<hbm>> -> memref<1x6272x16xf32, #tpu.memory_space<hbm>>
      %dma_wait3A_73 = tpu.memref_squeeze %dma_wait3A_72 : memref<1x6272x16xf32, #tpu.memory_space<hbm>> -> memref<6272x16xf32, #tpu.memory_space<hbm>>
      %dma_wait3A_74 = arith.constant 0 : i32
      %dma_wait3A_75 = tpu.memref_slice %arg20[%mul3A_2, %dma_wait3A_74] : memref<100352x16xf32, #tpu.memory_space<vmem_shared>> -> memref<6272x16xf32, #tpu.memory_space<vmem_shared>>
      tpu.wait_dma2 semaphore(%run_scoped3A : memref<!tpu.dma_semaphore, #tpu.memory_space<semaphore_mem>>) src(%dma_wait3A_75 : memref<6272x16xf32, #tpu.memory_space<vmem_shared>>) dst(%dma_wait3A_73 : memref<6272x16xf32, #tpu.memory_space<hbm>>)
      tpu.yield
    }) : () -> ()
    "tpu.region"() ({
      %run_scoped3A = tpu.sem_alloc : memref<!tpu.dma_semaphore, #tpu.memory_space<semaphore_mem>>
      %dma_start3A_66 = tpu.memref_slice %arg9[%arg0, %mul3A_2] : memref<2x100352xf32, #tpu.memory_space<hbm>> -> memref<1x6272xf32, #tpu.memory_space<hbm>>
      %dma_start3A_67 = tpu.memref_squeeze %dma_start3A_66 : memref<1x6272xf32, #tpu.memory_space<hbm>> -> memref<6272xf32, #tpu.memory_space<hbm>>
      %dma_start3A_68 = tpu.memref_slice %arg21[%mul3A_2] : memref<100352xf32, #tpu.memory_space<vmem_shared>> -> memref<6272xf32, #tpu.memory_space<vmem_shared>>
      tpu.enqueue_dma source(%dma_start3A_68 : memref<6272xf32, #tpu.memory_space<vmem_shared>>) target(%dma_start3A_67 : memref<6272xf32, #tpu.memory_space<hbm>>) target_semaphore(%run_scoped3A : memref<!tpu.dma_semaphore, #tpu.memory_space<semaphore_mem>>)
      %dma_wait3A_69 = tpu.memref_slice %arg9[%arg0, %mul3A_2] : memref<2x100352xf32, #tpu.memory_space<hbm>> -> memref<1x6272xf32, #tpu.memory_space<hbm>>
      %dma_wait3A_70 = tpu.memref_squeeze %dma_wait3A_69 : memref<1x6272xf32, #tpu.memory_space<hbm>> -> memref<6272xf32, #tpu.memory_space<hbm>>
      %dma_wait3A_71 = tpu.memref_slice %arg21[%mul3A_2] : memref<100352xf32, #tpu.memory_space<vmem_shared>> -> memref<6272xf32, #tpu.memory_space<vmem_shared>>
      tpu.wait_dma2 semaphore(%run_scoped3A : memref<!tpu.dma_semaphore, #tpu.memory_space<semaphore_mem>>) src(%dma_wait3A_71 : memref<6272xf32, #tpu.memory_space<vmem_shared>>) dst(%dma_wait3A_70 : memref<6272xf32, #tpu.memory_space<hbm>>)
      tpu.yield
    }) : () -> ()
    return
  }
}

#map = affine_map<(d0, d1) -> (0, 0)>
#map1 = affine_map<(d0, d1) -> (0)>
module attributes {stable_mosaic.version = 14 : i64} {
  func.func @gk(%arg0: i32, %arg1: i32, %arg2: memref<100000x16xf32, #tpu.memory_space<hbm>>, %arg3: memref<102400xi32, #tpu.memory_space<hbm>>, %arg4: memref<102400x16xf32, #tpu.memory_space<hbm>>, %arg5: memref<2x128xi32, #tpu.memory_space<vmem>>, %arg6: memref<128x16xf32, #tpu.memory_space<vmem>>, %arg7: memref<128x16xf32, #tpu.memory_space<vmem>>, %arg8: memref<!tpu.dma_semaphore, #tpu.memory_space<semaphore_mem>>, %arg9: memref<!tpu.dma_semaphore, #tpu.memory_space<semaphore_mem>>) attributes {dimension_semantics = [#tpu.dimension_semantics<core_parallel>, #tpu.dimension_semantics<subcore_parallel>], iteration_bounds = array<i64: 2, 16>, scalar_prefetch = 0 : i64, scratch_operands = 5 : i64, tpu.core_type = #tpu.core_type<sc_vector_subcore>, window_params = [{transform_indices = #map}, {transform_indices = #map1}, {transform_indices = #map}]} {
    %mul3A = arith.constant 2 : i32
    %mul3A_0 = arith.muli %arg1, %mul3A : i32
    %add3A = arith.addi %mul3A_0, %arg0 : i32
    %mul3A_1 = arith.constant 3200 : i32
    %mul3A_2 = arith.muli %add3A, %mul3A_1 : i32
    %add3A_3 = arith.constant 0 : i32
    %add3A_4 = arith.addi %mul3A_2, %add3A_3 : i32
    %run_scoped3A = arith.constant 0 : i32
    "tpu.region"() ({
      %run_scoped3A_15 = tpu.sem_alloc : memref<!tpu.dma_semaphore, #tpu.memory_space<semaphore_mem>>
      %dma_start3A_16 = arith.constant 0 : i32
      %dma_start3A_17 = tpu.memref_slice %arg5[%run_scoped3A, %dma_start3A_16] : memref<2x128xi32, #tpu.memory_space<vmem>> -> memref<1x128xi32, #tpu.memory_space<vmem>>
      %dma_start3A_18 = tpu.memref_squeeze %dma_start3A_17 : memref<1x128xi32, #tpu.memory_space<vmem>> -> memref<128xi32, #tpu.memory_space<vmem>>
      %dma_start3A_19 = tpu.memref_slice %arg3[%add3A_4] : memref<102400xi32, #tpu.memory_space<hbm>> -> memref<128xi32, #tpu.memory_space<hbm>>
      %dma_start3A_20 = arith.constant 0 : i32
      %dma_start3A_21 = tpu.memref_slice %arg5[%run_scoped3A, %dma_start3A_20] : memref<2x128xi32, #tpu.memory_space<vmem>> -> memref<1x128xi32, #tpu.memory_space<vmem>>
      %dma_start3A_22 = tpu.memref_squeeze %dma_start3A_21 : memref<1x128xi32, #tpu.memory_space<vmem>> -> memref<128xi32, #tpu.memory_space<vmem>>
      %dma_start3A_23 = tpu.memref_slice %arg3[%add3A_4] : memref<102400xi32, #tpu.memory_space<hbm>> -> memref<128xi32, #tpu.memory_space<hbm>>
      tpu.enqueue_dma source(%dma_start3A_23 : memref<128xi32, #tpu.memory_space<hbm>>) target(%dma_start3A_22 : memref<128xi32, #tpu.memory_space<vmem>>) target_semaphore(%run_scoped3A_15 : memref<!tpu.dma_semaphore, #tpu.memory_space<semaphore_mem>>)
      %dma_wait3A = arith.constant 0 : i32
      %dma_wait3A_24 = tpu.memref_slice %arg5[%run_scoped3A, %dma_wait3A] : memref<2x128xi32, #tpu.memory_space<vmem>> -> memref<1x128xi32, #tpu.memory_space<vmem>>
      %dma_wait3A_25 = tpu.memref_squeeze %dma_wait3A_24 : memref<1x128xi32, #tpu.memory_space<vmem>> -> memref<128xi32, #tpu.memory_space<vmem>>
      %dma_wait3A_26 = tpu.memref_slice %arg3[%add3A_4] : memref<102400xi32, #tpu.memory_space<hbm>> -> memref<128xi32, #tpu.memory_space<hbm>>
      %dma_wait3A_27 = arith.constant 0 : i32
      %dma_wait3A_28 = tpu.memref_slice %arg5[%run_scoped3A, %dma_wait3A_27] : memref<2x128xi32, #tpu.memory_space<vmem>> -> memref<1x128xi32, #tpu.memory_space<vmem>>
      %dma_wait3A_29 = tpu.memref_squeeze %dma_wait3A_28 : memref<1x128xi32, #tpu.memory_space<vmem>> -> memref<128xi32, #tpu.memory_space<vmem>>
      %dma_wait3A_30 = tpu.memref_slice %arg3[%add3A_4] : memref<102400xi32, #tpu.memory_space<hbm>> -> memref<128xi32, #tpu.memory_space<hbm>>
      tpu.wait_dma2 semaphore(%run_scoped3A_15 : memref<!tpu.dma_semaphore, #tpu.memory_space<semaphore_mem>>) src(%dma_wait3A_30 : memref<128xi32, #tpu.memory_space<hbm>>) dst(%dma_wait3A_29 : memref<128xi32, #tpu.memory_space<vmem>>)
      tpu.yield
    }) : () -> ()
    %dma_start3A = arith.constant 0 : i32
    %dma_start3A_5 = arith.constant 0 : i32
    %dma_start3A_6 = tpu.memref_slice %arg5[%dma_start3A, %dma_start3A_5] : memref<2x128xi32, #tpu.memory_space<vmem>> -> memref<1x128xi32, #tpu.memory_space<vmem>>
    %dma_start3A_7 = tpu.memref_squeeze %dma_start3A_6 : memref<1x128xi32, #tpu.memory_space<vmem>> -> memref<128xi32, #tpu.memory_space<vmem>>
    %dma_start3A_8 = arith.constant 0 : i32
    %dma_start3A_9 = arith.constant 0 : i32
    %dma_start3A_10 = tpu.memref_slice %arg2[%dma_start3A_8, %dma_start3A_9] : memref<100000x16xf32, #tpu.memory_space<hbm>> -> memref<100000x16xf32, #tpu.memory_space<hbm>>
    tpu.enqueue_indirect_dma source(%dma_start3A_10 : memref<100000x16xf32, #tpu.memory_space<hbm>>) target(%arg6 : memref<128x16xf32, #tpu.memory_space<vmem>>) offsets(%dma_start3A_7 : memref<128xi32, #tpu.memory_space<vmem>>) semaphore(%arg8 : memref<!tpu.dma_semaphore, #tpu.memory_space<semaphore_mem>>)
    %scan3A = arith.constant 0 : i32
    %scan3A_11 = arith.constant 25 : i32
    %scan3A_12 = arith.addi %scan3A, %scan3A_11 : i32
    %scan3A_13 = arith.constant 1 : i32
    scf.for %scan3A_15 = %scan3A to %scan3A_12 step %scan3A_13  : i32 {
      %mul3A_16 = arith.constant 1 : i32
      %mul3A_17 = arith.muli %scan3A_15, %mul3A_16 : i32
      %add3A_18 = arith.constant 0 : i32
      %add3A_19 = arith.addi %add3A_18, %mul3A_17 : i32
      %jit3A = arith.constant 2 : i32
      %eq3A = arith.constant 0 : i32
      %eq3A_20 = arith.cmpi eq, %jit3A, %eq3A : i32
      %jit3A_21 = arith.constant 1 : i32
      %select_n3A = arith.select %eq3A_20, %jit3A_21, %jit3A : i32
      %rem3A = arith.remsi %add3A_19, %select_n3A : i32
      %ne3A = arith.constant 0 : i32
      %ne3A_22 = arith.cmpi ne, %rem3A, %ne3A : i32
      %lt3A = arith.constant 0 : i32
      %lt3A_23 = arith.cmpi slt, %rem3A, %lt3A : i32
      %lt3A_24 = arith.constant 0 : i32
      %lt3A_25 = arith.cmpi slt, %select_n3A, %lt3A_24 : i32
      %ne3A_26 = arith.xori %lt3A_23, %lt3A_25 : i1
      %and3A = arith.andi %ne3A_26, %ne3A_22 : i1
      %add3A_27 = arith.addi %rem3A, %select_n3A : i32
      %select_n3A_28 = arith.select %and3A, %add3A_27, %rem3A : i32
      %eq3A_29 = arith.constant 0 : i32
      %eq3A_30 = arith.cmpi eq, %select_n3A_28, %eq3A_29 : i32
      %convert_element_type3A = arith.extui %eq3A_30 : i1 to i32
      %cond3A = arith.constant 0 : i32
      %cond3A_31 = arith.cmpi ne, %convert_element_type3A, %cond3A : i32
      scf.if %cond3A_31 {
        %add3A_53 = arith.constant 1 : i32
        %add3A_54 = arith.addi %add3A_19, %add3A_53 : i32
        %lt3A_55 = arith.constant 25 : i32
        %lt3A_56 = arith.cmpi slt, %add3A_54, %lt3A_55 : i32
        %convert_element_type3A_57 = arith.extui %lt3A_56 : i1 to i32
        %cond3A_58 = arith.constant 0 : i32
        %cond3A_59 = arith.cmpi ne, %convert_element_type3A_57, %cond3A_58 : i32
        scf.if %cond3A_59 {
          %mul3A_69 = arith.constant 128 : i32
          %mul3A_70 = arith.muli %add3A_54, %mul3A_69 : i32
          %add3A_71 = arith.addi %mul3A_2, %mul3A_70 : i32
          %run_scoped3A_72 = arith.constant 1 : i32
          "tpu.region"() ({
            %run_scoped3A_80 = tpu.sem_alloc : memref<!tpu.dma_semaphore, #tpu.memory_space<semaphore_mem>>
            %dma_start3A_81 = arith.constant 0 : i32
            %dma_start3A_82 = tpu.memref_slice %arg5[%run_scoped3A_72, %dma_start3A_81] : memref<2x128xi32, #tpu.memory_space<vmem>> -> memref<1x128xi32, #tpu.memory_space<vmem>>
            %dma_start3A_83 = tpu.memref_squeeze %dma_start3A_82 : memref<1x128xi32, #tpu.memory_space<vmem>> -> memref<128xi32, #tpu.memory_space<vmem>>
            %dma_start3A_84 = tpu.memref_slice %arg3[%add3A_71] : memref<102400xi32, #tpu.memory_space<hbm>> -> memref<128xi32, #tpu.memory_space<hbm>>
            %dma_start3A_85 = arith.constant 0 : i32
            %dma_start3A_86 = tpu.memref_slice %arg5[%run_scoped3A_72, %dma_start3A_85] : memref<2x128xi32, #tpu.memory_space<vmem>> -> memref<1x128xi32, #tpu.memory_space<vmem>>
            %dma_start3A_87 = tpu.memref_squeeze %dma_start3A_86 : memref<1x128xi32, #tpu.memory_space<vmem>> -> memref<128xi32, #tpu.memory_space<vmem>>
            %dma_start3A_88 = tpu.memref_slice %arg3[%add3A_71] : memref<102400xi32, #tpu.memory_space<hbm>> -> memref<128xi32, #tpu.memory_space<hbm>>
            tpu.enqueue_dma source(%dma_start3A_88 : memref<128xi32, #tpu.memory_space<hbm>>) target(%dma_start3A_87 : memref<128xi32, #tpu.memory_space<vmem>>) target_semaphore(%run_scoped3A_80 : memref<!tpu.dma_semaphore, #tpu.memory_space<semaphore_mem>>)
            %dma_wait3A_89 = arith.constant 0 : i32
            %dma_wait3A_90 = tpu.memref_slice %arg5[%run_scoped3A_72, %dma_wait3A_89] : memref<2x128xi32, #tpu.memory_space<vmem>> -> memref<1x128xi32, #tpu.memory_space<vmem>>
            %dma_wait3A_91 = tpu.memref_squeeze %dma_wait3A_90 : memref<1x128xi32, #tpu.memory_space<vmem>> -> memref<128xi32, #tpu.memory_space<vmem>>
            %dma_wait3A_92 = tpu.memref_slice %arg3[%add3A_71] : memref<102400xi32, #tpu.memory_space<hbm>> -> memref<128xi32, #tpu.memory_space<hbm>>
            %dma_wait3A_93 = arith.constant 0 : i32
            %dma_wait3A_94 = tpu.memref_slice %arg5[%run_scoped3A_72, %dma_wait3A_93] : memref<2x128xi32, #tpu.memory_space<vmem>> -> memref<1x128xi32, #tpu.memory_space<vmem>>
            %dma_wait3A_95 = tpu.memref_squeeze %dma_wait3A_94 : memref<1x128xi32, #tpu.memory_space<vmem>> -> memref<128xi32, #tpu.memory_space<vmem>>
            %dma_wait3A_96 = tpu.memref_slice %arg3[%add3A_71] : memref<102400xi32, #tpu.memory_space<hbm>> -> memref<128xi32, #tpu.memory_space<hbm>>
            tpu.wait_dma2 semaphore(%run_scoped3A_80 : memref<!tpu.dma_semaphore, #tpu.memory_space<semaphore_mem>>) src(%dma_wait3A_96 : memref<128xi32, #tpu.memory_space<hbm>>) dst(%dma_wait3A_95 : memref<128xi32, #tpu.memory_space<vmem>>)
            tpu.yield
          }) : () -> ()
          %dma_start3A_73 = arith.constant 1 : i32
          %dma_start3A_74 = arith.constant 0 : i32
          %dma_start3A_75 = tpu.memref_slice %arg5[%dma_start3A_73, %dma_start3A_74] : memref<2x128xi32, #tpu.memory_space<vmem>> -> memref<1x128xi32, #tpu.memory_space<vmem>>
          %dma_start3A_76 = tpu.memref_squeeze %dma_start3A_75 : memref<1x128xi32, #tpu.memory_space<vmem>> -> memref<128xi32, #tpu.memory_space<vmem>>
          %dma_start3A_77 = arith.constant 0 : i32
          %dma_start3A_78 = arith.constant 0 : i32
          %dma_start3A_79 = tpu.memref_slice %arg2[%dma_start3A_77, %dma_start3A_78] : memref<100000x16xf32, #tpu.memory_space<hbm>> -> memref<100000x16xf32, #tpu.memory_space<hbm>>
          tpu.enqueue_indirect_dma source(%dma_start3A_79 : memref<100000x16xf32, #tpu.memory_space<hbm>>) target(%arg7 : memref<128x16xf32, #tpu.memory_space<vmem>>) offsets(%dma_start3A_76 : memref<128xi32, #tpu.memory_space<vmem>>) semaphore(%arg9 : memref<!tpu.dma_semaphore, #tpu.memory_space<semaphore_mem>>)
        } else {
        }
        %dma_wait3A = arith.constant 0 : i32
        %dma_wait3A_60 = arith.constant 0 : i32
        %dma_wait3A_61 = tpu.memref_slice %arg5[%dma_wait3A, %dma_wait3A_60] : memref<2x128xi32, #tpu.memory_space<vmem>> -> memref<1x128xi32, #tpu.memory_space<vmem>>
        %dma_wait3A_62 = tpu.memref_squeeze %dma_wait3A_61 : memref<1x128xi32, #tpu.memory_space<vmem>> -> memref<128xi32, #tpu.memory_space<vmem>>
        %dma_wait3A_63 = arith.constant 0 : i32
        %dma_wait3A_64 = arith.constant 0 : i32
        %dma_wait3A_65 = tpu.memref_slice %arg2[%dma_wait3A_63, %dma_wait3A_64] : memref<100000x16xf32, #tpu.memory_space<hbm>> -> memref<100000x16xf32, #tpu.memory_space<hbm>>
        tpu.wait_indirect_dma semaphore(%arg8 : memref<!tpu.dma_semaphore, #tpu.memory_space<semaphore_mem>>) src(%dma_wait3A_65 : memref<100000x16xf32, #tpu.memory_space<hbm>>) dst(%arg6 : memref<128x16xf32, #tpu.memory_space<vmem>>)
        %mul3A_66 = arith.constant 128 : i32
        %mul3A_67 = arith.muli %add3A_19, %mul3A_66 : i32
        %add3A_68 = arith.addi %mul3A_2, %mul3A_67 : i32
        "tpu.region"() ({
          %run_scoped3A_69 = tpu.sem_alloc : memref<!tpu.dma_semaphore, #tpu.memory_space<semaphore_mem>>
          %dma_start3A_70 = arith.constant 0 : i32
          %dma_start3A_71 = tpu.memref_slice %arg4[%add3A_68, %dma_start3A_70] : memref<102400x16xf32, #tpu.memory_space<hbm>> -> memref<128x16xf32, #tpu.memory_space<hbm>>
          %dma_start3A_72 = arith.constant 0 : i32
          %dma_start3A_73 = tpu.memref_slice %arg4[%add3A_68, %dma_start3A_72] : memref<102400x16xf32, #tpu.memory_space<hbm>> -> memref<128x16xf32, #tpu.memory_space<hbm>>
          tpu.enqueue_dma source(%arg6 : memref<128x16xf32, #tpu.memory_space<vmem>>) target(%dma_start3A_73 : memref<128x16xf32, #tpu.memory_space<hbm>>) target_semaphore(%run_scoped3A_69 : memref<!tpu.dma_semaphore, #tpu.memory_space<semaphore_mem>>)
          %dma_wait3A_74 = arith.constant 0 : i32
          %dma_wait3A_75 = tpu.memref_slice %arg4[%add3A_68, %dma_wait3A_74] : memref<102400x16xf32, #tpu.memory_space<hbm>> -> memref<128x16xf32, #tpu.memory_space<hbm>>
          %dma_wait3A_76 = arith.constant 0 : i32
          %dma_wait3A_77 = tpu.memref_slice %arg4[%add3A_68, %dma_wait3A_76] : memref<102400x16xf32, #tpu.memory_space<hbm>> -> memref<128x16xf32, #tpu.memory_space<hbm>>
          tpu.wait_dma2 semaphore(%run_scoped3A_69 : memref<!tpu.dma_semaphore, #tpu.memory_space<semaphore_mem>>) src(%arg6 : memref<128x16xf32, #tpu.memory_space<vmem>>) dst(%dma_wait3A_77 : memref<128x16xf32, #tpu.memory_space<hbm>>)
          tpu.yield
        }) : () -> ()
      } else {
      }
      %jit3A_32 = arith.constant 2 : i32
      %eq3A_33 = arith.constant 0 : i32
      %eq3A_34 = arith.cmpi eq, %jit3A_32, %eq3A_33 : i32
      %jit3A_35 = arith.constant 1 : i32
      %select_n3A_36 = arith.select %eq3A_34, %jit3A_35, %jit3A_32 : i32
      %rem3A_37 = arith.remsi %add3A_19, %select_n3A_36 : i32
      %ne3A_38 = arith.constant 0 : i32
      %ne3A_39 = arith.cmpi ne, %rem3A_37, %ne3A_38 : i32
      %lt3A_40 = arith.constant 0 : i32
      %lt3A_41 = arith.cmpi slt, %rem3A_37, %lt3A_40 : i32
      %lt3A_42 = arith.constant 0 : i32
      %lt3A_43 = arith.cmpi slt, %select_n3A_36, %lt3A_42 : i32
      %ne3A_44 = arith.xori %lt3A_41, %lt3A_43 : i1
      %and3A_45 = arith.andi %ne3A_44, %ne3A_39 : i1
      %add3A_46 = arith.addi %rem3A_37, %select_n3A_36 : i32
      %select_n3A_47 = arith.select %and3A_45, %add3A_46, %rem3A_37 : i32
      %eq3A_48 = arith.constant 1 : i32
      %eq3A_49 = arith.cmpi eq, %select_n3A_47, %eq3A_48 : i32
      %convert_element_type3A_50 = arith.extui %eq3A_49 : i1 to i32
      %cond3A_51 = arith.constant 0 : i32
      %cond3A_52 = arith.cmpi ne, %convert_element_type3A_50, %cond3A_51 : i32
      scf.if %cond3A_52 {
        %add3A_53 = arith.constant 1 : i32
        %add3A_54 = arith.addi %add3A_19, %add3A_53 : i32
        %lt3A_55 = arith.constant 25 : i32
        %lt3A_56 = arith.cmpi slt, %add3A_54, %lt3A_55 : i32
        %convert_element_type3A_57 = arith.extui %lt3A_56 : i1 to i32
        %cond3A_58 = arith.constant 0 : i32
        %cond3A_59 = arith.cmpi ne, %convert_element_type3A_57, %cond3A_58 : i32
        scf.if %cond3A_59 {
          %mul3A_69 = arith.constant 128 : i32
          %mul3A_70 = arith.muli %add3A_54, %mul3A_69 : i32
          %add3A_71 = arith.addi %mul3A_2, %mul3A_70 : i32
          %run_scoped3A_72 = arith.constant 0 : i32
          "tpu.region"() ({
            %run_scoped3A_80 = tpu.sem_alloc : memref<!tpu.dma_semaphore, #tpu.memory_space<semaphore_mem>>
            %dma_start3A_81 = arith.constant 0 : i32
            %dma_start3A_82 = tpu.memref_slice %arg5[%run_scoped3A_72, %dma_start3A_81] : memref<2x128xi32, #tpu.memory_space<vmem>> -> memref<1x128xi32, #tpu.memory_space<vmem>>
            %dma_start3A_83 = tpu.memref_squeeze %dma_start3A_82 : memref<1x128xi32, #tpu.memory_space<vmem>> -> memref<128xi32, #tpu.memory_space<vmem>>
            %dma_start3A_84 = tpu.memref_slice %arg3[%add3A_71] : memref<102400xi32, #tpu.memory_space<hbm>> -> memref<128xi32, #tpu.memory_space<hbm>>
            %dma_start3A_85 = arith.constant 0 : i32
            %dma_start3A_86 = tpu.memref_slice %arg5[%run_scoped3A_72, %dma_start3A_85] : memref<2x128xi32, #tpu.memory_space<vmem>> -> memref<1x128xi32, #tpu.memory_space<vmem>>
            %dma_start3A_87 = tpu.memref_squeeze %dma_start3A_86 : memref<1x128xi32, #tpu.memory_space<vmem>> -> memref<128xi32, #tpu.memory_space<vmem>>
            %dma_start3A_88 = tpu.memref_slice %arg3[%add3A_71] : memref<102400xi32, #tpu.memory_space<hbm>> -> memref<128xi32, #tpu.memory_space<hbm>>
            tpu.enqueue_dma source(%dma_start3A_88 : memref<128xi32, #tpu.memory_space<hbm>>) target(%dma_start3A_87 : memref<128xi32, #tpu.memory_space<vmem>>) target_semaphore(%run_scoped3A_80 : memref<!tpu.dma_semaphore, #tpu.memory_space<semaphore_mem>>)
            %dma_wait3A_89 = arith.constant 0 : i32
            %dma_wait3A_90 = tpu.memref_slice %arg5[%run_scoped3A_72, %dma_wait3A_89] : memref<2x128xi32, #tpu.memory_space<vmem>> -> memref<1x128xi32, #tpu.memory_space<vmem>>
            %dma_wait3A_91 = tpu.memref_squeeze %dma_wait3A_90 : memref<1x128xi32, #tpu.memory_space<vmem>> -> memref<128xi32, #tpu.memory_space<vmem>>
            %dma_wait3A_92 = tpu.memref_slice %arg3[%add3A_71] : memref<102400xi32, #tpu.memory_space<hbm>> -> memref<128xi32, #tpu.memory_space<hbm>>
            %dma_wait3A_93 = arith.constant 0 : i32
            %dma_wait3A_94 = tpu.memref_slice %arg5[%run_scoped3A_72, %dma_wait3A_93] : memref<2x128xi32, #tpu.memory_space<vmem>> -> memref<1x128xi32, #tpu.memory_space<vmem>>
            %dma_wait3A_95 = tpu.memref_squeeze %dma_wait3A_94 : memref<1x128xi32, #tpu.memory_space<vmem>> -> memref<128xi32, #tpu.memory_space<vmem>>
            %dma_wait3A_96 = tpu.memref_slice %arg3[%add3A_71] : memref<102400xi32, #tpu.memory_space<hbm>> -> memref<128xi32, #tpu.memory_space<hbm>>
            tpu.wait_dma2 semaphore(%run_scoped3A_80 : memref<!tpu.dma_semaphore, #tpu.memory_space<semaphore_mem>>) src(%dma_wait3A_96 : memref<128xi32, #tpu.memory_space<hbm>>) dst(%dma_wait3A_95 : memref<128xi32, #tpu.memory_space<vmem>>)
            tpu.yield
          }) : () -> ()
          %dma_start3A_73 = arith.constant 0 : i32
          %dma_start3A_74 = arith.constant 0 : i32
          %dma_start3A_75 = tpu.memref_slice %arg5[%dma_start3A_73, %dma_start3A_74] : memref<2x128xi32, #tpu.memory_space<vmem>> -> memref<1x128xi32, #tpu.memory_space<vmem>>
          %dma_start3A_76 = tpu.memref_squeeze %dma_start3A_75 : memref<1x128xi32, #tpu.memory_space<vmem>> -> memref<128xi32, #tpu.memory_space<vmem>>
          %dma_start3A_77 = arith.constant 0 : i32
          %dma_start3A_78 = arith.constant 0 : i32
          %dma_start3A_79 = tpu.memref_slice %arg2[%dma_start3A_77, %dma_start3A_78] : memref<100000x16xf32, #tpu.memory_space<hbm>> -> memref<100000x16xf32, #tpu.memory_space<hbm>>
          tpu.enqueue_indirect_dma source(%dma_start3A_79 : memref<100000x16xf32, #tpu.memory_space<hbm>>) target(%arg6 : memref<128x16xf32, #tpu.memory_space<vmem>>) offsets(%dma_start3A_76 : memref<128xi32, #tpu.memory_space<vmem>>) semaphore(%arg8 : memref<!tpu.dma_semaphore, #tpu.memory_space<semaphore_mem>>)
        } else {
        }
        %dma_wait3A = arith.constant 1 : i32
        %dma_wait3A_60 = arith.constant 0 : i32
        %dma_wait3A_61 = tpu.memref_slice %arg5[%dma_wait3A, %dma_wait3A_60] : memref<2x128xi32, #tpu.memory_space<vmem>> -> memref<1x128xi32, #tpu.memory_space<vmem>>
        %dma_wait3A_62 = tpu.memref_squeeze %dma_wait3A_61 : memref<1x128xi32, #tpu.memory_space<vmem>> -> memref<128xi32, #tpu.memory_space<vmem>>
        %dma_wait3A_63 = arith.constant 0 : i32
        %dma_wait3A_64 = arith.constant 0 : i32
        %dma_wait3A_65 = tpu.memref_slice %arg2[%dma_wait3A_63, %dma_wait3A_64] : memref<100000x16xf32, #tpu.memory_space<hbm>> -> memref<100000x16xf32, #tpu.memory_space<hbm>>
        tpu.wait_indirect_dma semaphore(%arg9 : memref<!tpu.dma_semaphore, #tpu.memory_space<semaphore_mem>>) src(%dma_wait3A_65 : memref<100000x16xf32, #tpu.memory_space<hbm>>) dst(%arg7 : memref<128x16xf32, #tpu.memory_space<vmem>>)
        %mul3A_66 = arith.constant 128 : i32
        %mul3A_67 = arith.muli %add3A_19, %mul3A_66 : i32
        %add3A_68 = arith.addi %mul3A_2, %mul3A_67 : i32
        "tpu.region"() ({
          %run_scoped3A_69 = tpu.sem_alloc : memref<!tpu.dma_semaphore, #tpu.memory_space<semaphore_mem>>
          %dma_start3A_70 = arith.constant 0 : i32
          %dma_start3A_71 = tpu.memref_slice %arg4[%add3A_68, %dma_start3A_70] : memref<102400x16xf32, #tpu.memory_space<hbm>> -> memref<128x16xf32, #tpu.memory_space<hbm>>
          %dma_start3A_72 = arith.constant 0 : i32
          %dma_start3A_73 = tpu.memref_slice %arg4[%add3A_68, %dma_start3A_72] : memref<102400x16xf32, #tpu.memory_space<hbm>> -> memref<128x16xf32, #tpu.memory_space<hbm>>
          tpu.enqueue_dma source(%arg7 : memref<128x16xf32, #tpu.memory_space<vmem>>) target(%dma_start3A_73 : memref<128x16xf32, #tpu.memory_space<hbm>>) target_semaphore(%run_scoped3A_69 : memref<!tpu.dma_semaphore, #tpu.memory_space<semaphore_mem>>)
          %dma_wait3A_74 = arith.constant 0 : i32
          %dma_wait3A_75 = tpu.memref_slice %arg4[%add3A_68, %dma_wait3A_74] : memref<102400x16xf32, #tpu.memory_space<hbm>> -> memref<128x16xf32, #tpu.memory_space<hbm>>
          %dma_wait3A_76 = arith.constant 0 : i32
          %dma_wait3A_77 = tpu.memref_slice %arg4[%add3A_68, %dma_wait3A_76] : memref<102400x16xf32, #tpu.memory_space<hbm>> -> memref<128x16xf32, #tpu.memory_space<hbm>>
          tpu.wait_dma2 semaphore(%run_scoped3A_69 : memref<!tpu.dma_semaphore, #tpu.memory_space<semaphore_mem>>) src(%arg7 : memref<128x16xf32, #tpu.memory_space<vmem>>) dst(%dma_wait3A_77 : memref<128x16xf32, #tpu.memory_space<hbm>>)
          tpu.yield
        }) : () -> ()
      } else {
      }
    }
    %scan3A_14 = arith.constant 25 : i32
    return
  }
}

module attributes {stable_mosaic.version = 14 : i64} {
  func.func @_encode_body(%arg0: i32, %arg1: memref<2000x128xf32, #tpu.memory_space<vmem>>, %arg2: memref<128x16xf32, #tpu.memory_space<vmem>>, %arg3: memref<1x16xf32, #tpu.memory_space<vmem>>, %arg4: memref<2000x16xf32, #tpu.memory_space<vmem>>) attributes {dimension_semantics = [#tpu.dimension_semantics<arbitrary>], iteration_bounds = array<i64: 50>, scalar_prefetch = 0 : i64, scratch_operands = 0 : i64, tpu.core_type = #tpu.core_type<tc>, window_params = [{transform_indices = @transform_0, window_bounds = array<i64: 2000, 128>}, {pipeline_mode = #tpu.pipeline_mode<synchronous>, transform_indices = @transform_1, window_bounds = array<i64: 128, 16>}, {pipeline_mode = #tpu.pipeline_mode<synchronous>, transform_indices = @transform_2, window_bounds = array<i64: 1, 16>}, {transform_indices = @transform_3, window_bounds = array<i64: 2000, 16>}]} {
    %get3A = arith.constant 0 : index
    %get3A_0 = arith.constant 0 : index
    %get3A_1 = vector.load %arg1[%get3A, %get3A_0] : memref<2000x128xf32, #tpu.memory_space<vmem>>, vector<2000x128xf32>
    %get3A_2 = arith.constant 0 : index
    %get3A_3 = arith.constant 0 : index
    %get3A_4 = vector.load %arg2[%get3A_2, %get3A_3] : memref<128x16xf32, #tpu.memory_space<vmem>>, vector<128x16xf32>
    %dot_general3A = arith.constant dense<0.000000e+00> : vector<2000x16xf32>
    %dot_general3A_5 = tpu.matmul %get3A_1, %get3A_4, %dot_general3A {dimension_numbers = #tpu.dot_dimension_numbers<[1], [0], [0], [1], [0, 0, 1, 1], [], []>, transpose_lhs_hint = false} : vector<2000x128xf32>, vector<128x16xf32>, vector<2000x16xf32> -> vector<2000x16xf32>
    %get3A_6 = arith.constant 0 : index
    %get3A_7 = arith.constant 0 : index
    %get3A_8 = vector.load %arg3[%get3A_6, %get3A_7] : memref<1x16xf32, #tpu.memory_space<vmem>>, vector<1x16xf32>
    %add3A = vector.broadcast %get3A_8 : vector<1x16xf32> to vector<2000x16xf32>
    %add3A_9 = arith.addf %dot_general3A_5, %add3A : vector<2000x16xf32>
    %max3A = arith.constant 0.000000e+00 : f32
    %max3A_10 = vector.broadcast %max3A : f32 to vector<2000x16xf32>
    %max3A_11 = arith.maximumf %add3A_9, %max3A_10 : vector<2000x16xf32>
    %swap3A = arith.constant 0 : index
    %swap3A_12 = arith.constant 0 : index
    %swap3A_13 = vector.load %arg4[%swap3A, %swap3A_12] : memref<2000x16xf32, #tpu.memory_space<vmem>>, vector<2000x16xf32>
    tpu.vector_store %arg4[%swap3A, %swap3A_12], %max3A_11 {strides = array<i32>} : memref<2000x16xf32, #tpu.memory_space<vmem>>, vector<2000x16xf32>,
    return
  }
  func.func @transform_0(%arg0: i32) -> (i32, i32) {
    %c0_i32 = arith.constant 0 : i32
    %c0_i32_0 = arith.constant 0 : i32
    return %arg0, %c0_i32 : i32, i32
  }
  func.func @transform_1(%arg0: i32) -> (i32, i32) {
    %c0_i32 = arith.constant 0 : i32
    %c0_i32_0 = arith.constant 0 : i32
    %c0_i32_1 = arith.constant 0 : i32
    return %c0_i32, %c0_i32_0 : i32, i32
  }
  func.func @transform_2(%arg0: i32) -> (i32, i32) {
    %c0_i32 = arith.constant 0 : i32
    %c0_i32_0 = arith.constant 0 : i32
    %c0_i32_1 = arith.constant 0 : i32
    return %c0_i32, %c0_i32_0 : i32, i32
  }
  func.func @transform_3(%arg0: i32) -> (i32, i32) {
    %c0_i32 = arith.constant 0 : i32
    %c0_i32_0 = arith.constant 0 : i32
    return %arg0, %c0_i32 : i32, i32
  }
}

module attributes {stable_mosaic.version = 14 : i64} {
  func.func @_prep_body(%arg0: i32, %arg1: memref<1xf32, #tpu.memory_space<smem>>, %arg2: memref<1024x16xf32, #tpu.memory_space<vmem>>, %arg3: memref<1024x32xf32, #tpu.memory_space<vmem>>, %arg4: memref<1024x16xf32, #tpu.memory_space<vmem>>) attributes {dimension_semantics = [#tpu.dimension_semantics<arbitrary>], iteration_bounds = array<i64: 100>, scalar_prefetch = 0 : i64, scratch_operands = 0 : i64, tpu.core_type = #tpu.core_type<tc>, window_params = [{transform_indices = @transform_0, window_bounds = array<i64: 1>}, {transform_indices = @transform_1, window_bounds = array<i64: 1024, 16>}, {transform_indices = @transform_2, window_bounds = array<i64: 1024, 32>}, {transform_indices = @transform_3, window_bounds = array<i64: 1024, 16>}]} {
    %get3A = arith.constant 0 : index
    %get3A_0 = arith.constant 0 : index
    %get3A_1 = vector.load %arg2[%get3A, %get3A_0] : memref<1024x16xf32, #tpu.memory_space<vmem>>, vector<1024x16xf32>
    %mul3A = arith.mulf %get3A_1, %get3A_1 : vector<1024x16xf32>
    %reduce_sum3A = arith.constant dense<0.000000e+00> : vector<1024xf32>
    %reduce_sum3A_2 = vector.multi_reduction <add>, %mul3A, %reduce_sum3A [1] : vector<1024x16xf32> to vector<1024xf32>
    %broadcast_in_dim3A = vector.shape_cast %reduce_sum3A_2 : vector<1024xf32> to vector<1024x1xf32>
    %sqrt3A = math.sqrt %broadcast_in_dim3A : vector<1024x1xf32>
    %max3A = arith.constant 9.99999996E-13 : f32
    %max3A_3 = vector.broadcast %max3A : f32 to vector<1024x1xf32>
    %max3A_4 = arith.maximumf %sqrt3A, %max3A_3 : vector<1024x1xf32>
    %div3A = vector.broadcast %max3A_4 : vector<1024x1xf32> to vector<1024x16xf32>
    %div3A_5 = arith.divf %get3A_1, %div3A : vector<1024x16xf32>
    %get3A_6 = arith.constant 0 : index
    %get3A_7 = memref.load %arg1[%get3A_6] : memref<1xf32, #tpu.memory_space<smem>>
    %mul3A_8 = vector.broadcast %get3A_7 : f32 to vector<1024x16xf32>
    %mul3A_9 = arith.mulf %mul3A_8, %div3A_5 : vector<1024x16xf32>
    %concatenate3A = tpu.concatenate %mul3A_9, %get3A_1 in 1 : vector<1024x16xf32>, vector<1024x16xf32> -> vector<1024x32xf32>
    %swap3A = arith.constant 0 : index
    %swap3A_10 = arith.constant 0 : index
    %swap3A_11 = vector.load %arg3[%swap3A, %swap3A_10] : memref<1024x32xf32, #tpu.memory_space<vmem>>, vector<1024x32xf32>
    tpu.vector_store %arg3[%swap3A, %swap3A_10], %concatenate3A {strides = array<i32>} : memref<1024x32xf32, #tpu.memory_space<vmem>>, vector<1024x32xf32>,
    %swap3A_12 = arith.constant 0 : index
    %swap3A_13 = arith.constant 0 : index
    %swap3A_14 = vector.load %arg4[%swap3A_12, %swap3A_13] : memref<1024x16xf32, #tpu.memory_space<vmem>>, vector<1024x16xf32>
    tpu.vector_store %arg4[%swap3A_12, %swap3A_13], %div3A_5 {strides = array<i32>} : memref<1024x16xf32, #tpu.memory_space<vmem>>, vector<1024x16xf32>,
    return
  }
  func.func @transform_0(%arg0: i32) -> i32 {
    %c0_i32 = arith.constant 0 : i32
    %c0_i32_0 = arith.constant 0 : i32
    return %c0_i32 : i32
  }
  func.func @transform_1(%arg0: i32) -> (i32, i32) {
    %c0_i32 = arith.constant 0 : i32
    %c0_i32_0 = arith.constant 0 : i32
    return %arg0, %c0_i32 : i32, i32
  }
  func.func @transform_2(%arg0: i32) -> (i32, i32) {
    %c0_i32 = arith.constant 0 : i32
    %c0_i32_0 = arith.constant 0 : i32
    return %arg0, %c0_i32 : i32, i32
  }
  func.func @transform_3(%arg0: i32) -> (i32, i32) {
    %c0_i32 = arith.constant 0 : i32
    %c0_i32_0 = arith.constant 0 : i32
    return %arg0, %c0_i32 : i32, i32
  }
}

module attributes {stable_mosaic.version = 14 : i64} {
  func.func @_fin_prep_body(%arg0: i32, %arg1: memref<2xf32, #tpu.memory_space<smem>>, %arg2: memref<1024x32xf32, #tpu.memory_space<vmem>>, %arg3: memref<2x1024x16xf32, #tpu.memory_space<vmem>>, %arg4: memref<2x1024xf32, #tpu.memory_space<vmem>>, %arg5: memref<1024x16xf32, #tpu.memory_space<vmem>>, %arg6: memref<1024x32xf32, #tpu.memory_space<vmem>>, %arg7: memref<1024x16xf32, #tpu.memory_space<vmem>>) attributes {dimension_semantics = [#tpu.dimension_semantics<arbitrary>], iteration_bounds = array<i64: 98>, scalar_prefetch = 0 : i64, scratch_operands = 0 : i64, tpu.core_type = #tpu.core_type<tc>, window_params = [{transform_indices = @transform_0, window_bounds = array<i64: 2>}, {transform_indices = @transform_1, window_bounds = array<i64: 1024, 32>}, {transform_indices = @transform_2, window_bounds = array<i64: 2, 1024, 16>}, {transform_indices = @transform_3, window_bounds = array<i64: 2, 1024>}, {transform_indices = @transform_4, window_bounds = array<i64: 1024, 16>}, {transform_indices = @transform_5, window_bounds = array<i64: 1024, 32>}, {transform_indices = @transform_6, window_bounds = array<i64: 1024, 16>}]} {
    %get3A = arith.constant 0 : index
    %get3A_0 = arith.constant 16 : index
    %get3A_1 = vector.load %arg2[%get3A, %get3A_0] : memref<1024x32xf32, #tpu.memory_space<vmem>>, vector<1024x16xf32>
    %get3A_2 = arith.constant 0 : index
    %get3A_3 = arith.constant 0 : index
    %get3A_4 = arith.constant 0 : index
    %get3A_5 = vector.load %arg3[%get3A_2, %get3A_3, %get3A_4] : memref<2x1024x16xf32, #tpu.memory_space<vmem>>, vector<2x1024x16xf32>
    %get3A_6 = arith.constant 0 : index
    %get3A_7 = arith.constant 0 : index
    %get3A_8 = vector.load %arg4[%get3A_6, %get3A_7] : memref<2x1024xf32, #tpu.memory_space<vmem>>, vector<2x1024xf32>
    %get3A_9 = arith.constant 0 : index
    %get3A_10 = memref.load %arg1[%get3A_9] : memref<2xf32, #tpu.memory_space<smem>>
    %mul3A = arith.mulf %get3A_1, %get3A_1 : vector<1024x16xf32>
    %reduce_sum3A = arith.constant dense<0.000000e+00> : vector<1024xf32>
    %reduce_sum3A_11 = vector.multi_reduction <add>, %mul3A, %reduce_sum3A [1] : vector<1024x16xf32> to vector<1024xf32>
    %broadcast_in_dim3A = vector.shape_cast %reduce_sum3A_11 : vector<1024xf32> to vector<1024x1xf32>
    %sqrt3A = math.sqrt %broadcast_in_dim3A : vector<1024x1xf32>
    %max3A = arith.constant 9.99999996E-13 : f32
    %max3A_12 = vector.broadcast %max3A : f32 to vector<1024x1xf32>
    %max3A_13 = arith.maximumf %sqrt3A, %max3A_12 : vector<1024x1xf32>
    %div3A = arith.constant 1.000000e+00 : f32
    %div3A_14 = vector.broadcast %div3A : f32 to vector<1024x1xf32>
    %div3A_15 = arith.divf %div3A_14, %max3A_13 : vector<1024x1xf32>
    %mul3A_16 = arith.mulf %broadcast_in_dim3A, %div3A_15 : vector<1024x1xf32>
    %mul3A_17 = arith.mulf %mul3A_16, %div3A_15 : vector<1024x1xf32>
    %mul3A_18 = vector.broadcast %get3A_10 : f32 to vector<1024x1xf32>
    %mul3A_19 = arith.mulf %mul3A_18, %mul3A_17 : vector<1024x1xf32>
    %exp3A = math.exp %mul3A_19 : vector<1024x1xf32>
    %slice3A = vector.extract_strided_slice %get3A_5 {offsets = [0, 0, 0], sizes = [1, 1024, 16], strides = [1, 1, 1]} : vector<2x1024x16xf32> to vector<1x1024x16xf32>
    %squeeze3A = vector.shape_cast %slice3A : vector<1x1024x16xf32> to vector<1024x16xf32>
    %slice3A_20 = vector.extract_strided_slice %get3A_5 {offsets = [1, 0, 0], sizes = [1, 1024, 16], strides = [1, 1, 1]} : vector<2x1024x16xf32> to vector<1x1024x16xf32>
    %squeeze3A_21 = vector.shape_cast %slice3A_20 : vector<1x1024x16xf32> to vector<1024x16xf32>
    %add3A = arith.addf %squeeze3A, %squeeze3A_21 : vector<1024x16xf32>
    %mul3A_22 = vector.broadcast %exp3A : vector<1024x1xf32> to vector<1024x16xf32>
    %mul3A_23 = arith.mulf %mul3A_22, %get3A_1 : vector<1024x16xf32>
    %add3A_24 = arith.addf %add3A, %mul3A_23 : vector<1024x16xf32>
    %slice3A_25 = vector.extract_strided_slice %get3A_8 {offsets = [0, 0], sizes = [1, 1024], strides = [1, 1]} : vector<2x1024xf32> to vector<1x1024xf32>
    %squeeze3A_26 = vector.shape_cast %slice3A_25 : vector<1x1024xf32> to vector<1024xf32>
    %slice3A_27 = vector.extract_strided_slice %get3A_8 {offsets = [1, 0], sizes = [1, 1024], strides = [1, 1]} : vector<2x1024xf32> to vector<1x1024xf32>
    %squeeze3A_28 = vector.shape_cast %slice3A_27 : vector<1x1024xf32> to vector<1024xf32>
    %add3A_29 = arith.addf %squeeze3A_26, %squeeze3A_28 : vector<1024xf32>
    %broadcast_in_dim3A_30 = vector.shape_cast %add3A_29 : vector<1024xf32> to vector<1024x1xf32>
    %add3A_31 = arith.addf %broadcast_in_dim3A_30, %exp3A : vector<1024x1xf32>
    %max3A_32 = arith.constant 1.000000e-16 : f32
    %max3A_33 = vector.broadcast %max3A_32 : f32 to vector<1024x1xf32>
    %max3A_34 = arith.maximumf %add3A_31, %max3A_33 : vector<1024x1xf32>
    %div3A_35 = vector.broadcast %max3A_34 : vector<1024x1xf32> to vector<1024x16xf32>
    %div3A_36 = arith.divf %add3A_24, %div3A_35 : vector<1024x16xf32>
    %swap3A = arith.constant 0 : index
    %swap3A_37 = arith.constant 0 : index
    %swap3A_38 = vector.load %arg5[%swap3A, %swap3A_37] : memref<1024x16xf32, #tpu.memory_space<vmem>>, vector<1024x16xf32>
    tpu.vector_store %arg5[%swap3A, %swap3A_37], %div3A_36 {strides = array<i32>} : memref<1024x16xf32, #tpu.memory_space<vmem>>, vector<1024x16xf32>,
    %mul3A_39 = arith.mulf %div3A_36, %div3A_36 : vector<1024x16xf32>
    %reduce_sum3A_40 = arith.constant dense<0.000000e+00> : vector<1024xf32>
    %reduce_sum3A_41 = vector.multi_reduction <add>, %mul3A_39, %reduce_sum3A_40 [1] : vector<1024x16xf32> to vector<1024xf32>
    %broadcast_in_dim3A_42 = vector.shape_cast %reduce_sum3A_41 : vector<1024xf32> to vector<1024x1xf32>
    %sqrt3A_43 = math.sqrt %broadcast_in_dim3A_42 : vector<1024x1xf32>
    %max3A_44 = arith.constant 9.99999996E-13 : f32
    %max3A_45 = vector.broadcast %max3A_44 : f32 to vector<1024x1xf32>
    %max3A_46 = arith.maximumf %sqrt3A_43, %max3A_45 : vector<1024x1xf32>
    %div3A_47 = vector.broadcast %max3A_46 : vector<1024x1xf32> to vector<1024x16xf32>
    %div3A_48 = arith.divf %div3A_36, %div3A_47 : vector<1024x16xf32>
    %get3A_49 = arith.constant 1 : index
    %get3A_50 = memref.load %arg1[%get3A_49] : memref<2xf32, #tpu.memory_space<smem>>
    %mul3A_51 = vector.broadcast %get3A_50 : f32 to vector<1024x16xf32>
    %mul3A_52 = arith.mulf %mul3A_51, %div3A_48 : vector<1024x16xf32>
    %concatenate3A = tpu.concatenate %mul3A_52, %div3A_36 in 1 : vector<1024x16xf32>, vector<1024x16xf32> -> vector<1024x32xf32>
    %swap3A_53 = arith.constant 0 : index
    %swap3A_54 = arith.constant 0 : index
    %swap3A_55 = vector.load %arg6[%swap3A_53, %swap3A_54] : memref<1024x32xf32, #tpu.memory_space<vmem>>, vector<1024x32xf32>
    tpu.vector_store %arg6[%swap3A_53, %swap3A_54], %concatenate3A {strides = array<i32>} : memref<1024x32xf32, #tpu.memory_space<vmem>>, vector<1024x32xf32>,
    %swap3A_56 = arith.constant 0 : index
    %swap3A_57 = arith.constant 0 : index
    %swap3A_58 = vector.load %arg7[%swap3A_56, %swap3A_57] : memref<1024x16xf32, #tpu.memory_space<vmem>>, vector<1024x16xf32>
    tpu.vector_store %arg7[%swap3A_56, %swap3A_57], %div3A_48 {strides = array<i32>} : memref<1024x16xf32, #tpu.memory_space<vmem>>, vector<1024x16xf32>,
    return
  }
  func.func @transform_0(%arg0: i32) -> i32 {
    %c0_i32 = arith.constant 0 : i32
    %c0_i32_0 = arith.constant 0 : i32
    return %c0_i32 : i32
  }
  func.func @transform_1(%arg0: i32) -> (i32, i32) {
    %c0_i32 = arith.constant 0 : i32
    %c0_i32_0 = arith.constant 0 : i32
    return %arg0, %c0_i32 : i32, i32
  }
  func.func @transform_2(%arg0: i32) -> (i32, i32, i32) {
    %c0_i32 = arith.constant 0 : i32
    %c0_i32_0 = arith.constant 0 : i32
    %c0_i32_1 = arith.constant 0 : i32
    return %c0_i32, %arg0, %c0_i32_0 : i32, i32, i32
  }
  func.func @transform_3(%arg0: i32) -> (i32, i32) {
    %c0_i32 = arith.constant 0 : i32
    %c0_i32_0 = arith.constant 0 : i32
    return %c0_i32, %arg0 : i32, i32
  }
  func.func @transform_4(%arg0: i32) -> (i32, i32) {
    %c0_i32 = arith.constant 0 : i32
    %c0_i32_0 = arith.constant 0 : i32
    return %arg0, %c0_i32 : i32, i32
  }
  func.func @transform_5(%arg0: i32) -> (i32, i32) {
    %c0_i32 = arith.constant 0 : i32
    %c0_i32_0 = arith.constant 0 : i32
    return %arg0, %c0_i32 : i32, i32
  }
  func.func @transform_6(%arg0: i32) -> (i32, i32) {
    %c0_i32 = arith.constant 0 : i32
    %c0_i32_0 = arith.constant 0 : i32
    return %arg0, %c0_i32 : i32, i32
  }
}

module attributes {stable_mosaic.version = 14 : i64} {
  func.func @_fin_head_body(%arg0: i32, %arg1: memref<1xf32, #tpu.memory_space<smem>>, %arg2: memref<1024x16xf32, #tpu.memory_space<vmem>>, %arg3: memref<2x1024x16xf32, #tpu.memory_space<vmem>>, %arg4: memref<2x1024xf32, #tpu.memory_space<vmem>>, %arg5: memref<16x16xf32, #tpu.memory_space<vmem>>, %arg6: memref<1x16xf32, #tpu.memory_space<vmem>>, %arg7: memref<1024x16xf32, #tpu.memory_space<vmem>>) attributes {dimension_semantics = [#tpu.dimension_semantics<arbitrary>], iteration_bounds = array<i64: 98>, scalar_prefetch = 0 : i64, scratch_operands = 0 : i64, tpu.core_type = #tpu.core_type<tc>, window_params = [{transform_indices = @transform_0, window_bounds = array<i64: 1>}, {transform_indices = @transform_1, window_bounds = array<i64: 1024, 16>}, {transform_indices = @transform_2, window_bounds = array<i64: 2, 1024, 16>}, {transform_indices = @transform_3, window_bounds = array<i64: 2, 1024>}, {pipeline_mode = #tpu.pipeline_mode<synchronous>, transform_indices = @transform_4, window_bounds = array<i64: 16, 16>}, {pipeline_mode = #tpu.pipeline_mode<synchronous>, transform_indices = @transform_5, window_bounds = array<i64: 1, 16>}, {transform_indices = @transform_6, window_bounds = array<i64: 1024, 16>}]} {
    %get3A = arith.constant 0 : index
    %get3A_0 = arith.constant 0 : index
    %get3A_1 = vector.load %arg2[%get3A, %get3A_0] : memref<1024x16xf32, #tpu.memory_space<vmem>>, vector<1024x16xf32>
    %get3A_2 = arith.constant 0 : index
    %get3A_3 = arith.constant 0 : index
    %get3A_4 = arith.constant 0 : index
    %get3A_5 = vector.load %arg3[%get3A_2, %get3A_3, %get3A_4] : memref<2x1024x16xf32, #tpu.memory_space<vmem>>, vector<2x1024x16xf32>
    %get3A_6 = arith.constant 0 : index
    %get3A_7 = arith.constant 0 : index
    %get3A_8 = vector.load %arg4[%get3A_6, %get3A_7] : memref<2x1024xf32, #tpu.memory_space<vmem>>, vector<2x1024xf32>
    %get3A_9 = arith.constant 0 : index
    %get3A_10 = memref.load %arg1[%get3A_9] : memref<1xf32, #tpu.memory_space<smem>>
    %mul3A = arith.mulf %get3A_1, %get3A_1 : vector<1024x16xf32>
    %reduce_sum3A = arith.constant dense<0.000000e+00> : vector<1024xf32>
    %reduce_sum3A_11 = vector.multi_reduction <add>, %mul3A, %reduce_sum3A [1] : vector<1024x16xf32> to vector<1024xf32>
    %broadcast_in_dim3A = vector.shape_cast %reduce_sum3A_11 : vector<1024xf32> to vector<1024x1xf32>
    %sqrt3A = math.sqrt %broadcast_in_dim3A : vector<1024x1xf32>
    %max3A = arith.constant 9.99999996E-13 : f32
    %max3A_12 = vector.broadcast %max3A : f32 to vector<1024x1xf32>
    %max3A_13 = arith.maximumf %sqrt3A, %max3A_12 : vector<1024x1xf32>
    %div3A = arith.constant 1.000000e+00 : f32
    %div3A_14 = vector.broadcast %div3A : f32 to vector<1024x1xf32>
    %div3A_15 = arith.divf %div3A_14, %max3A_13 : vector<1024x1xf32>
    %mul3A_16 = arith.mulf %broadcast_in_dim3A, %div3A_15 : vector<1024x1xf32>
    %mul3A_17 = arith.mulf %mul3A_16, %div3A_15 : vector<1024x1xf32>
    %mul3A_18 = vector.broadcast %get3A_10 : f32 to vector<1024x1xf32>
    %mul3A_19 = arith.mulf %mul3A_18, %mul3A_17 : vector<1024x1xf32>
    %exp3A = math.exp %mul3A_19 : vector<1024x1xf32>
    %slice3A = vector.extract_strided_slice %get3A_5 {offsets = [0, 0, 0], sizes = [1, 1024, 16], strides = [1, 1, 1]} : vector<2x1024x16xf32> to vector<1x1024x16xf32>
    %squeeze3A = vector.shape_cast %slice3A : vector<1x1024x16xf32> to vector<1024x16xf32>
    %slice3A_20 = vector.extract_strided_slice %get3A_5 {offsets = [1, 0, 0], sizes = [1, 1024, 16], strides = [1, 1, 1]} : vector<2x1024x16xf32> to vector<1x1024x16xf32>
    %squeeze3A_21 = vector.shape_cast %slice3A_20 : vector<1x1024x16xf32> to vector<1024x16xf32>
    %add3A = arith.addf %squeeze3A, %squeeze3A_21 : vector<1024x16xf32>
    %mul3A_22 = vector.broadcast %exp3A : vector<1024x1xf32> to vector<1024x16xf32>
    %mul3A_23 = arith.mulf %mul3A_22, %get3A_1 : vector<1024x16xf32>
    %add3A_24 = arith.addf %add3A, %mul3A_23 : vector<1024x16xf32>
    %slice3A_25 = vector.extract_strided_slice %get3A_8 {offsets = [0, 0], sizes = [1, 1024], strides = [1, 1]} : vector<2x1024xf32> to vector<1x1024xf32>
    %squeeze3A_26 = vector.shape_cast %slice3A_25 : vector<1x1024xf32> to vector<1024xf32>
    %slice3A_27 = vector.extract_strided_slice %get3A_8 {offsets = [1, 0], sizes = [1, 1024], strides = [1, 1]} : vector<2x1024xf32> to vector<1x1024xf32>
    %squeeze3A_28 = vector.shape_cast %slice3A_27 : vector<1x1024xf32> to vector<1024xf32>
    %add3A_29 = arith.addf %squeeze3A_26, %squeeze3A_28 : vector<1024xf32>
    %broadcast_in_dim3A_30 = vector.shape_cast %add3A_29 : vector<1024xf32> to vector<1024x1xf32>
    %add3A_31 = arith.addf %broadcast_in_dim3A_30, %exp3A : vector<1024x1xf32>
    %max3A_32 = arith.constant 1.000000e-16 : f32
    %max3A_33 = vector.broadcast %max3A_32 : f32 to vector<1024x1xf32>
    %max3A_34 = arith.maximumf %add3A_31, %max3A_33 : vector<1024x1xf32>
    %div3A_35 = vector.broadcast %max3A_34 : vector<1024x1xf32> to vector<1024x16xf32>
    %div3A_36 = arith.divf %add3A_24, %div3A_35 : vector<1024x16xf32>
    %get3A_37 = arith.constant 0 : index
    %get3A_38 = arith.constant 0 : index
    %get3A_39 = vector.load %arg5[%get3A_37, %get3A_38] : memref<16x16xf32, #tpu.memory_space<vmem>>, vector<16x16xf32>
    %dot_general3A = arith.constant dense<0.000000e+00> : vector<1024x16xf32>
    %dot_general3A_40 = tpu.matmul %div3A_36, %get3A_39, %dot_general3A {dimension_numbers = #tpu.dot_dimension_numbers<[1], [0], [0], [1], [0, 0, 1, 1], [], []>, transpose_lhs_hint = false} : vector<1024x16xf32>, vector<16x16xf32>, vector<1024x16xf32> -> vector<1024x16xf32>
    %get3A_41 = arith.constant 0 : index
    %get3A_42 = arith.constant 0 : index
    %get3A_43 = vector.load %arg6[%get3A_41, %get3A_42] : memref<1x16xf32, #tpu.memory_space<vmem>>, vector<1x16xf32>
    %add3A_44 = vector.broadcast %get3A_43 : vector<1x16xf32> to vector<1024x16xf32>
    %add3A_45 = arith.addf %dot_general3A_40, %add3A_44 : vector<1024x16xf32>
    %reduce_max3A = arith.constant dense<0xFF800000> : vector<1024xf32>
    %reduce_max3A_46 = vector.multi_reduction <maximumf>, %add3A_45, %reduce_max3A [1] : vector<1024x16xf32> to vector<1024xf32>
    %broadcast_in_dim3A_47 = vector.shape_cast %reduce_max3A_46 : vector<1024xf32> to vector<1024x1xf32>
    %sub3A = vector.broadcast %broadcast_in_dim3A_47 : vector<1024x1xf32> to vector<1024x16xf32>
    %sub3A_48 = arith.subf %add3A_45, %sub3A : vector<1024x16xf32>
    %exp3A_49 = math.exp %sub3A_48 : vector<1024x16xf32>
    %reduce_sum3A_50 = arith.constant dense<0.000000e+00> : vector<1024xf32>
    %reduce_sum3A_51 = vector.multi_reduction <add>, %exp3A_49, %reduce_sum3A_50 [1] : vector<1024x16xf32> to vector<1024xf32>
    %broadcast_in_dim3A_52 = vector.shape_cast %reduce_sum3A_51 : vector<1024xf32> to vector<1024x1xf32>
    %log3A = math.log %broadcast_in_dim3A_52 : vector<1024x1xf32>
    %add3A_53 = arith.addf %log3A, %broadcast_in_dim3A_47 : vector<1024x1xf32>
    %sub3A_54 = vector.broadcast %add3A_53 : vector<1024x1xf32> to vector<1024x16xf32>
    %sub3A_55 = arith.subf %add3A_45, %sub3A_54 : vector<1024x16xf32>
    %swap3A = arith.constant 0 : index
    %swap3A_56 = arith.constant 0 : index
    %swap3A_57 = vector.load %arg7[%swap3A, %swap3A_56] : memref<1024x16xf32, #tpu.memory_space<vmem>>, vector<1024x16xf32>
    tpu.vector_store %arg7[%swap3A, %swap3A_56], %sub3A_55 {strides = array<i32>} : memref<1024x16xf32, #tpu.memory_space<vmem>>, vector<1024x16xf32>,
    return
  }
  func.func @transform_0(%arg0: i32) -> i32 {
    %c0_i32 = arith.constant 0 : i32
    %c0_i32_0 = arith.constant 0 : i32
    return %c0_i32 : i32
  }
  func.func @transform_1(%arg0: i32) -> (i32, i32) {
    %c0_i32 = arith.constant 0 : i32
    %c0_i32_0 = arith.constant 0 : i32
    return %arg0, %c0_i32 : i32, i32
  }
  func.func @transform_2(%arg0: i32) -> (i32, i32, i32) {
    %c0_i32 = arith.constant 0 : i32
    %c0_i32_0 = arith.constant 0 : i32
    %c0_i32_1 = arith.constant 0 : i32
    return %c0_i32, %arg0, %c0_i32_0 : i32, i32, i32
  }
  func.func @transform_3(%arg0: i32) -> (i32, i32) {
    %c0_i32 = arith.constant 0 : i32
    %c0_i32_0 = arith.constant 0 : i32
    return %c0_i32, %arg0 : i32, i32
  }
  func.func @transform_4(%arg0: i32) -> (i32, i32) {
    %c0_i32 = arith.constant 0 : i32
    %c0_i32_0 = arith.constant 0 : i32
    %c0_i32_1 = arith.constant 0 : i32
    return %c0_i32, %c0_i32_0 : i32, i32
  }
  func.func @transform_5(%arg0: i32) -> (i32, i32) {
    %c0_i32 = arith.constant 0 : i32
    %c0_i32_0 = arith.constant 0 : i32
    %c0_i32_1 = arith.constant 0 : i32
    return %c0_i32, %c0_i32_0 : i32, i32
  }
  func.func @transform_6(%arg0: i32) -> (i32, i32) {
    %c0_i32 = arith.constant 0 : i32
    %c0_i32_0 = arith.constant 0 : i32
    return %arg0, %c0_i32 : i32, i32
  }
}

</mosaic_0001>

<sc_bundles>
// kernel: kernel.12.cloned.1.call-start
scs
__scs_entry_jumppad:
0x0: {  	(pc) =	sbr.rel $0x88, $3  }
0x1: {  	(tag) =	ssettag $0x0;
	lr =	simm.s32 $0x1  }
0x2: {  	[smem:$0x3F99] =	sst lr;
	_ =	strace $0xD0000000  }
0x3: {  	_ = 	snop  }
0x4: {  	_ = 	snop  }
0x5: {  	_ = 	snop  }
0x6: {  	_ = 	snop  }
0x7: {  	_ = 	snop  }
__scs_overlays_trampoline_lowered:
0x8: {  	[smem:$0x3FA8] =	sst s0  }
0x9: {  	[smem:$0x3FA9] =	sst s1  }
0xa: {  	[smem:$0x3FAA] =	sst s2  }
0xb: {  	[smem:$0x3FAB] =	sst s3  }
0xc: {  	[smem:$0x3FAC] =	sst s4  }
0xd: {  	[smem:$0x3FAD] =	sst s5  }
0xe: {  	[smem:$0x3FAE] =	sst s6  }
0xf: {  	[smem:$0x3FAF] =	sst s7  }
0x10: {  	[smem:$0x3FB0] =	sst s8  }
0x11: {  	[smem:$0x3FB1] =	sst s9;
	s0 =	simm.s32 @!p0 $0x0  }
0x12: {  	s1 =	sld [smem:$0x3F97];
	s0 =	simm.s32 @p0 $0x1  }
0x13: {  	[smem:$0x3FB2] =	sst s0;
	s0 =	simm.s32 @!p1 $0x0  }
0x14: {  	s2 =	sld [smem:$0x3F96];
	s0 =	simm.s32 @p1 $0x1  }
0x15: {  	[smem:$0x3FB3] =	sst s0;
	s0 =	simm.s32 @!p2 $0x0  }
0x16: {  	s3 =	sld [smem:$0x3FDB];
	s0 =	simm.s32 @p2 $0x1  }
0x17: {  	s4 =	simm.s32 $0x1BF5;
	[smem:$0x3FB5] =	sst s0  }
0x18: {  	s0 =	sld [smem:$0x3F98];
	_ =	swait.ge [sflag:s4], $0x0  }
0x19: {  	s7 =	sld [smem:$0x3F99]  }
0x1a: {  	s8 =	sadd.s32 $0xFFFFE003, lr  }
0x1b: {  	s9 =	sadd.s32 $0xFFFFFEF7, lr;
	s5 =	simm.s32 $0xFFFFFFFF;
	p2 =	slt.u32 s8, $0xFFFFF086  }
0x1c: {  	p1 =	slt.u32 s9, $0xF7A;
	s5 =	simm.s32 @!p2 $0x0  }
0x1d: {  	s5 =	simm.s32 @p1 $0x1;
	p0 =	seq.s32 s7, s2  }
0x1e: {  	s7 =	smul.u32 @!p0 $0xF7A, s2;
	p2 =	seq.s32 @!p0 s5, $0x0  }
0x1f: {  	s9 =	smul.u32 $0xF7A, s1;
	s8 =	simm.s32 @!p0 $0x1BF5;
	p2 =	por !p2, p0  }
0x20: {  	[sflag:s8] =	ssyncset.s32 @!p0 $0xFFFFF086;
	s6 =	sadd.s32 @!p0 s3, s7;
	s7 =	simm.s32 @!p0 $0x108  }
0x21: {  	s3 =	sadd.s32 s3, s9;
	s6 =	sadd.s32 @!p0 $0x88, s6;
	s7 =	simm.s32 @p2 $0x1082  }
0x22: {  	[simem:s7], [sflag:s8] =	dma.local @!p0 [hbm:s6], $0xF7A  }
0x23: {  	s9 =	sor.u32 $0xD0000000, s2;
	s6 =	simm.s32 $0x108;
	_ =	swait.ge @!p0 [sflag:s8], $0x0  }
0x24: {  	s3 =	sadd.s32 $0x88, s3;
	s6 =	simm.s32 @!p1 $0x1082;
	[sflag:s4] =	ssyncset.s32 $0xFFFFF086  }
0x25: {  	[simem:s6], [sflag:s4] =	dma.local [hbm:s3], $0xF7A  }
0x26: {  	[smem:$0x3F99] =	sst s1;
	(tag) =	ssettag s2;
	_ =	strace s9  }
0x27: {  	s1 =	sld [smem:$0x3FA9]  }
0x28: {  	s2 =	sld [smem:$0x3FAA]  }
0x29: {  	s4 =	sld [smem:$0x3FAC]  }
0x2a: {  	p0 =	seq.s32 s5, $0x0;
	s5 =	sld [smem:$0x3FAD]  }
0x2b: {  	s6 =	sld [smem:$0x3FAE]  }
0x2c: {  	s7 =	sld [smem:$0x3FAF]  }
0x2d: {  	s3 =	simm.s32 $0x108;
	s8 =	sld [smem:$0x3FB0]  }
0x2e: {  	s3 =	simm.s32 @!p0 $0x1082;
	s9 =	sld [smem:$0x3FB1]  }
0x2f: {  	lr =	sadd.s32 s0, s3;
	s0 =	sld [smem:$0x3FA8]  }
0x30: {  	s3 =	sld [smem:$0x3FAB]  }
0x31: {  	[smem:$0x3FB4] =	sst s10  }
0x32: {  	s10 =	sld [smem:$0x3FB2];
	_ =	sdelay $0x3  }
0x33: {  	p0 =	seq.s32 s10, $0x1;
	s10 =	sld [smem:$0x3FB4];
	_ =	sdelay $0x3  }
0x34: {  	[smem:$0x3FB4] =	sst s10  }
0x35: {  	s10 =	sld [smem:$0x3FB3];
	_ =	sdelay $0x3  }
0x36: {  	p1 =	seq.s32 s10, $0x1;
	s10 =	sld [smem:$0x3FB4];
	_ =	sdelay $0x3  }
0x37: {  	[smem:$0x3FB4] =	sst s10  }
0x38: {  	s10 =	sld [smem:$0x3FB5]  }
0x39: {  	_ = 	snop;
	(pc) =	sbr.ind lr, $3  }
0x3a: {  	_ = 	snop  }
0x3b: {  	_ = 	snop  }
0x3c: {  	p2 =	seq.s32 s10, $0x1;
	s10 =	sld [smem:$0x3FB4]  }
0x3d: {  	_ =	shalt  }
0x3e: {  	_ =	shalt  }
0x3f: {  	_ =	shalt  }
0x40: {  	_ =	shalt  }
0x41: {  	_ =	shalt  }
0x42: {  	_ =	shalt  }
0x43: {  	_ =	shalt  }
0x44: {  	_ =	shalt  }
0x45: {  	_ =	shalt  }
0x46: {  	_ =	shalt  }
0x47: {  	_ =	shalt  }
0x48: {  	_ =	shalt  }
0x49: {  	_ =	shalt  }
0x4a: {  	_ =	shalt  }
0x4b: {  	_ =	shalt  }
0x4c: {  	_ =	shalt  }
0x4d: {  	_ =	shalt  }
0x4e: {  	_ =	shalt  }
0x4f: {  	_ =	shalt  }
0x50: {  	_ =	shalt  }
0x51: {  	_ =	shalt  }
0x52: {  	_ =	shalt  }
0x53: {  	_ =	shalt  }
0x54: {  	_ =	shalt  }
0x55: {  	_ =	shalt  }
0x56: {  	_ =	shalt  }
0x57: {  	_ =	shalt  }
0x58: {  	_ =	shalt  }
0x59: {  	_ =	shalt  }
0x5a: {  	_ =	shalt  }
0x5b: {  	_ =	shalt  }
0x5c: {  	_ =	shalt  }
0x5d: {  	_ =	shalt  }
0x5e: {  	_ =	shalt  }
0x5f: {  	_ =	shalt  }
0x60: {  	_ =	shalt  }
0x61: {  	_ =	shalt  }
0x62: {  	_ =	shalt  }
0x63: {  	_ =	shalt  }
0x64: {  	_ =	shalt  }
0x65: {  	_ =	shalt  }
0x66: {  	_ =	shalt  }
0x67: {  	_ =	shalt  }
0x68: {  	_ =	shalt  }
0x69: {  	_ =	shalt  }
0x6a: {  	_ =	shalt  }
0x6b: {  	_ =	shalt  }
0x6c: {  	_ =	shalt  }
0x6d: {  	_ =	shalt  }
0x6e: {  	_ =	shalt  }
0x6f: {  	_ =	shalt  }
0x70: {  	_ =	shalt  }
0x71: {  	_ =	shalt  }
0x72: {  	_ =	shalt  }
0x73: {  	_ =	shalt  }
0x74: {  	_ =	shalt  }
0x75: {  	_ =	shalt  }
0x76: {  	_ =	shalt  }
0x77: {  	_ =	shalt  }
0x78: {  	_ =	shalt  }
0x79: {  	_ =	shalt  }
0x7a: {  	_ =	shalt  }
0x7b: {  	_ =	shalt  }
0x7c: {  	_ =	shalt  }
0x7d: {  	_ =	shalt  }
0x7e: {  	_ =	shalt  }
0x7f: {  	_ =	shalt  }
0x80: {  	_ =	shalt  }
0x81: {  	_ =	shalt  }
0x82: {  	_ =	shalt  }
0x83: {  	_ =	shalt  }
0x84: {  	_ =	shalt  }
0x85: {  	_ =	shalt  }
0x86: {  	_ =	shalt  }
0x87: {  	_ =	shalt  }
.Lfunc_end0:
.L_simem_size_0:
called_computation.1_lowered:
.L_overlay_start_0:
0x88: {  	s2 =	sld [smem:$0x3FD9]  }
0x89: {  	s3 =	sld [smem:$0x3FFE];
	_ =	sdelay $0x1  }
0x8a: {  	s1 =	srdreg.scid  }
0x8b: {  	s0 =	sand.u32 $0x1, s1  }
0x8c: {  	s17 =	sshll.u32 s0, $0xA;
	s2 =	sadd.s32 s3, s2  }
0x8d: {  	s2 =	sadd.s32 s2, s17  }
0x8e: {  	[smem:$0x3FC0] =	sst s2  }
0x8f: {  	_ = 	snop  }
0x90: {  	s2 =	sld [smem:$0x3FD0];
	(tm) =	ssettm $0x1  }
0x91: {  	s18 =	sld [smem:$0x3FFB];
	_ =	sdelay $0x3  }
0x92: {  	_ =	strace s18  }
0x93: {  	s3 =	sld [smem:$0x3FFC];
	_ =	sdelay $0x3  }
0x94: {  	_ =	strace s3  }
0x95: {  	s3 =	sld [smem:$0x3FFD];
	_ =	sdelay $0x3  }
0x96: {  	_ =	strace s3  }
0x97: {  	_ =	strace $0x8FFFFFFF  }
0x98: {  	s19 =	sld [smem:$0x3FDB];
	_ =	sdelay $0x1  }
0x99: {  	s4 =	simm.s32 $_scs_section_size  }
0x9a: {  	s5 =	simm.s32 $_size__tile_overlayer_lowered;
	s6 =	simm.s32 $_tile_overlayer_lowered  }
0x9b: {  	s22 =	simm.s32 $0x1BFF;
	s21 =	sshll.u32 s6, $0x1;
	s3 =	sadd.s32 s4, s19  }
0x9c: {  	s7 =	simm.s32 $0x0;
	s20 =	sshll.u32 s5, $0x1;
	s5 =	sadd.s32 s21, s3  }
0x9d: {  	[timem:s7], [sflag:s22] =	dma.local [hbm:s5], s20  }
0x9e: {  	_ =	swait.ge [sflag:s22], s20  }
0x9f: {  	s4 =	ssub.s32 $0x0, s20;
	[sflag:s22] =	ssyncset.done $0x0  }
0xa0: {  	[sflag:s22] =	ssyncadd.s32 s4;
	_ =	sdelay $0x1  }
0xa1: {  	s23 =	simm.s32 $0x1B8B  }
0xa2: {  	_ =	swait.ge [sflag:s23], $0x1  }
0xa3: {  	[sflag:s23] =	ssyncset.done $0x0  }
0xa4: {  	s25 =	simm.s32 $0x1B8E;
	s24 =	sld [smem:$0x3FFE];
	[sflag:s23] =	ssyncadd.s32 $0xFFFFFFFF  }
0xa5: {  	s26 =	simm.s32 $execute0_lowered;
	[smem:$0x3FD2] =	sst s25  }
0xa6: {  	s5 =	sshll.u32 s26, $0x1;
	_ =	strace $0x80000049;
	[dreg:$0x1] =	wrdreg $0xFFFFFFFF  }
0xa7: {  	s28 =	simm.s32 $_size_execute0_lowered;
	s3 =	sadd.s32 s3, s5;
	[dreg:$0x0] =	wrdreg $0x0  }
0xa8: {  	s5 =	sshll.u32 s28, $0x1;
	[dreg:$0x2] =	wrdreg s3  }
0xa9: {  	[dreg:$0x3] =	wrdreg s5  }
0xaa: {  	[dreg:$0x4] =	wrdreg $0xC0  }
0xab: {  	_ =	task [dreg:s7], $0x5FFFF  }
0xac: {  	[dreg:$0x1] =	wrdreg $0xFFFFFFFF  }
0xad: {  	[dreg:$0x0] =	wrdreg $0x60  }
0xae: {  	[dreg:$0x2] =	wrdreg s24  }
0xaf: {  	[dreg:$0x3] =	wrdreg s2  }
0xb0: {  	[dreg:$0x4] =	wrdreg $0x51000  }
0xb1: {  	[dreg:$0x5] =	wrdreg $0x1D9000  }
0xb2: {  	[dreg:$0x6] =	wrdreg $0x9  }
0xb3: {  	_ =	task.clear_ibuf [dreg:s7], $0x7FFFF;
	_ =	strace $0x90000049  }
0xb4: {  	s29 =	simm.s32 $0x9;
	_ =	strace $0x8000004B  }
0xb5: {  	_ =	swait.ge [sflag:s29], $0x1  }
0xb6: {  	[sflag:s29] =	ssyncadd.s32 $0xFFFFFFFF  }
0xb7: {  	_ =	strace $0x9000004B  }
0xb8: {  	_ =	sfence  }
0xb9: {  	s30 =	sld [smem:$0x0];
	_ =	sdelay $0x2  }
0xba: {  	s31 =	sshll.u32 s1, $0xD;
	s1 =	sshrl.u32 s1, $0x2  }
0xbb: {  	s3 =	sand.u32 $0x4000, s31;
	s1 =	sadd.s32 s1, s30  }
0xbc: {  	s0 =	sor.u32 s3, s0;
	s1 =	sshll.u32 s1, $0x11  }
0xbd: {  	s0 =	sor.u32 s1, s0  }
0xbe: {  	s0 =	sadd.s32 $0x8F2B, s0  }
0xbf: {  	[sflag:s0] =	ssyncadd.remote.s32 $0x1  }
0xc0: {  	_ =	sfence.sel $0xFFFF  }
0xc1: {  	[dreg:$0x0] =	wrdreg $0xFFFFFFFF;
	(pc) =	sbr.abs _section_cstart, $3  }
0xc2: {  	[dreg:$0x1] =	wrdreg $0xFFFFFFFF  }
0xc3: {  	_ =	task.clear_ibuf [dreg:s7], $0x2FFFF;
	_ =	strace $0x9FFFFFFF  }
0xc4: {  	(tm) =	ssettm $0x7FFFFFFF  }
0xc5: {  	_ =	shalt  }
tec
execute0_lowered:
.L_overlay_start_1:
0x0: {  	(tag) =	ssettag $0x1  }
0x1: {  	s0 =	rddreg [dreg:$0x0]  }
0x2: {  	s2 =	rddreg [dreg:$0x1]  }
0x3: {  	s1 =	rddreg [dreg:$0x2]  }
0x4: {  	s3 =	rddreg [dreg:$0x3];
	s4 =	simm.s32 $0x0;
	s17 =	stileid.u32  }
0x5: {  	s6 =	srdreg.scid;
	s28 =	simm.s32 $0x3800;
	s29 =	simm.s32 $0x1  }
0x6: {  	s30 =	simm.s32 $0x5000;
	s31 =	simm.s32 $0x4000;
	s9 =	smul.u32 $0x18800, s17  }
0x7: {  	[smem:$0x7FF] =	sst s4;
	s5 =	sadd.s32 $0xFAE00, s0;
	s11 =	smul.u32 $0x1880, s17  }
0x8: {  	s10 =	sand.u32 $0x1, s6;
	s6 =	sadd.s32 $0x1C00, s0;
	s7 =	sadd.s32 $0x36E00, s0  }
0x9: {  	s8 =	sadd.s32 $0x98E00, s0;
	s16 =	sshll.u32 s17, $0x1;
	s20 =	sshll.u32 s17, $0x6  }
0xa: {  	_ =	strace $0x8000004A;
	s12 =	smul.u32 $0x188000, s10;
	s15 =	ssub.s32 $0x2, s10  }
0xb: {  	s16 =	sor.u32 s10, s16;
	s17 =	smul.u32 $0x18800, s10;
	s10 =	sor.u32 $0x1C05, s20  }
0xc: {  	s13 =	sshrl.u32 s9, $0x3;
	s14 =	sshrl.u32 s11, $0x3;
	s18 =	sshrl.u32 s15, $0x1  }
0xd: {  	s19 =	smul.u32 $0x3100, s16;
	s21 =	sadd.s32 s11, s3;
	s13 =	sadd.s32 s13, s0  }
0xe: {  	s14 =	sadd.s32 s14, s0;
	s12 =	sadd.s32 s9, s12;
	s9 =	sadd.s32 s9, s1  }
0xf: {  	s11 =	sadd.s32 s11, s17;
	s12 =	sshrl.u32 s12, $0x3;
	s13 =	sadd.s32 $0x15EE00, s13  }
0x10: {  	s22 =	sadd.s32 $0x33C00, s14;
	s23 =	sadd.s32 s7, s19;
	s24 =	sadd.s32 s8, s19  }
0x11: {  	s14 =	smul.u32 $0x18800, s16;
	s25 =	sshrl.u32 s11, $0x3;
	[dreg:$0x5] =	wrdreg s13  }
0x12: {  	s19 =	simm.s32 $0x5;
	s11 =	simm.s32 $0x0;
	[dreg:$0x6] =	wrdreg s22  }
0x13: {  	s0 =	sadd.s32 s12, s0;
	s12 =	ssub.s32 s15, s18;
	[dreg:$0x7] =	wrdreg s23  }
0x14: {  	[dreg:$0x8] =	wrdreg s24;
	s13 =	sshrl.u32 s21, $0x3;
	s22 =	simm.s32 $0x80  }
0x15: {  	s23 =	simm.s32 $0x1000;
	s24 =	simm.s32 $0x3000;
	s21 =	simm.s32 $0x3  }
.Ltmp0:
0x16: {  	s0 =	sadd.s32 $0x18FE00, s0;
	[dreg:$0xd] =	wrdreg s13;
	(pc) =	sbr.rel .LBB2_1-.Ltmp0, $4  }
0x17: {  	s26 =	smax.u32 s12, $0x1;
	s12 =	sshrl.u32 s9, $0x3;
	[dreg:$0x9] =	wrdreg s0  }
0x18: {  	s9 =	simm.s32 $0x4;
	s0 =	sadd.s32 s2, s25;
	[dreg:$0xb] =	wrdreg s26  }
0x19: {  	v0 =	vlaneseq.u32;
	s25 =	simm.s32 $0x2000;
	s2 =	simm.s32 $0x5080;
	[dreg:$0xc] =	wrdreg s12  }
0x1a: {  	v1 =	vor.u32 $0xFFFFFFF8, v0;
	s26 =	simm.s32 $0x4800;
	[dreg:$0xa] =	wrdreg s0;
	s0 =	simm.s32 $0x2  }
.LBB2_8:
0x1b: {  	_ =	swait.ge [sflag:s21], $0x800  }
0x1c: {  	[sflag:s21] =	ssyncset.done $0x0  }
0x1d: {  	[sflag:s21] =	ssyncadd.s32 $0xFFFFF800  }
0x1e: {  	_ =	swait.ge [sflag:s21], $0x80  }
0x1f: {  	[sflag:s21] =	ssyncset.done $0x0  }
0x20: {  	[sflag:s21] =	ssyncadd.s32 $0xFFFFFF80  }
0x21: {  	_ =	swait.ge [sflag:s9], $0x800  }
0x22: {  	[sflag:s9] =	ssyncset.done $0x0  }
0x23: {  	[sflag:s9] =	ssyncadd.s32 $0xFFFFF800  }
0x24: {  	_ =	swait.ge [sflag:s9], $0x80  }
0x25: {  	[sflag:s9] =	ssyncset.done $0x0  }
0x26: {  	[sflag:s9] =	ssyncadd.s32 $0xFFFFFF80  }
0x27: {  	[bflag:$0x0] =	sbarrier.arrive $0xFFFF  }
0x28: {  	s4 =	rddreg [dreg:$0x9]  }
0x29: {  	s12 =	rddreg [dreg:$0xc]  }
0x2a: {  	[hbm:s4], [sflag:s10] =	dma.local [spmem:s12], $0x3100  }
0x2b: {  	_ =	swait.ge [sflag:s19], $0x3100  }
0x2c: {  	[sflag:s19] =	ssyncset.done $0x0;
	s18 =	rddreg [dreg:$0xa]  }
0x2d: {  	s13 =	rddreg [dreg:$0xd];
	[sflag:s19] =	ssyncadd.s32 $0xFFFFCF00  }
0x2e: {  	[hbm:s18], [sflag:s10] =	dma.local [spmem:s13], $0x310  }
0x2f: {  	_ =	swait.ge [sflag:s19], $0x310  }
0x30: {  	s11 =	sadd.s32 $0x1, s11;
	s20 =	rddreg [dreg:$0xb]  }
0x31: {  	p0 =	sne.s32 s11, s20  }
.Ltmp1:
0x32: {  	_ = 	snop;
	(pc) =	sbr.rel @!p0 .LBB2_9-.Ltmp1, $3  }
0x33: {  	_ =	sdelay $0x1  }
0x34: {  	[sflag:s19] =	ssyncset.done $0x0  }
0x35: {  	[sflag:s19] =	ssyncadd.s32 $0xFFFFFCF0  }
.LBB2_1:
0x36: {  	s4 =	rddreg [dreg:$0x5]  }
0x37: {  	[spmem:s12], [sflag:s10] =	dma.local [hbm:s4], $0x3100  }
0x38: {  	_ =	swait.ge [sflag:s19], $0x3100  }
0x39: {  	[sflag:s19] =	ssyncset.done $0x0  }
0x3a: {  	s12 =	rddreg [dreg:$0x6];
	[sflag:s19] =	ssyncadd.s32 $0xFFFFCF00  }
0x3b: {  	[spmem:s13], [sflag:s10] =	dma.local [hbm:s12], $0x310  }
0x3c: {  	_ =	swait.ge [sflag:s19], $0x310  }
0x3d: {  	[sflag:s19] =	ssyncset.done $0x0  }
0x3e: {  	[sflag:s19] =	ssyncadd.s32 $0xFFFFFCF0  }
0x3f: {  	[bflag:$0x0] =	sbarrier.arrive $0xFFFF  }
0x40: {  	s15 =	simm.s32 $0x0;
	s16 =	rddreg [dreg:$0x7]  }
0x41: {  	[tilespmem:s15], [sflag:$0x5] =	stream.linear.gather [hbm4b:s16+s15], $0x400, $0x38;
	[tilespmem:$0x1F180] =	vst v63  }
0x42: {  	_ =	swait.ge [sflag:s19], $0x400  }
0x43: {  	[sflag:s19] =	ssyncset.done $0x0  }
0x44: {  	s18 =	simm.s32 $0x800;
	s17 =	rddreg [dreg:$0x8];
	[sflag:s19] =	ssyncadd.s32 $0xFFFFFC00  }
0x45: {  	[tilespmem:s18], [sflag:$0x5] =	stream.linear.gather [hbm4b:s17+s15], $0x400, $0x38;
	[tilespmem:$0x1F180] =	vst v63  }
0x46: {  	_ =	swait.ge [sflag:s19], $0x400  }
0x47: {  	[sflag:s19] =	ssyncset.done $0x0  }
0x48: {  	[sflag:s19] =	ssyncadd.s32 $0xFFFFFC00  }
0x49: {  	[tilespmem:s23], [sflag:$0x1] =	stream.indirect.gather [hbm4b:s5+s22], $0x20, s15, s22, $0xb8;
	[tilespmem:$0x1F180] =	vst v63  }
0x4a: {  	_ = 	snop  }
0x4b: {  	[tilespmem:s24], [sflag:$0x1] =	stream.indirect.gather [hbm4b:s6+s22], $0x10, s18, s22, $0xb8;
	[tilespmem:$0x1F180] =	vst v63  }
0x4c: {  	_ = 	snop  }
0x4d: {  	[tilespmem:s25], [sflag:$0x2] =	stream.indirect.gather [hbm4b:s5+s22], $0x20, s22, s22, $0xb8;
	[tilespmem:$0x1F180] =	vst v63  }
0x4e: {  	s20 =	simm.s32 $0x880;
	s12 =	simm.s32 $0x0  }
0x4f: {  	[tilespmem:s28], [sflag:$0x2] =	stream.indirect.gather [hbm4b:s6+s22], $0x10, s20, s22, $0xb8;
	[tilespmem:$0x1F180] =	vst v63  }
.LBB2_2:
0x50: {  	_ =	swait.ge [sflag:s29], $0x1000  }
0x51: {  	[sflag:s29] =	ssyncset.done $0x0  }
0x52: {  	[sflag:s29] =	ssyncadd.s32 $0xFFFFF000  }
0x53: {  	_ =	swait.ge [sflag:s29], $0x800  }
0x54: {  	p0 =	seq.s32 s12, $0x0;
	[sflag:s29] =	ssyncset.done $0x0  }
0x55: {  	s15 =	simm.s32 $0x0;
	s13 =	simm.s32 @!p0 $0x3;
	[sflag:s29] =	ssyncadd.s32 $0xFFFFF800  }
0x56: {  	v4 =	vor.u32 s15, v0;
	_ =	swait.ge @!p0 [sflag:s13], $0x800  }
0x57: {  	v2 =	vshll.u32 v4, $0x5;
	[sflag:s13] =	ssyncset.done @!p0 $0x0  }
0x58: {  	v6 =	vshll.u32 v4, $0x4;
	[sflag:s13] =	ssyncadd.s32 @!p0 $0xFFFFF800  }
0x59: {  	v7 =	vor.u32 $0x1, v6;
	_ =	swait.ge @!p0 [sflag:s13], $0x80  }
0x5a: {  	v3 =	vor.u32 $0x1, v2;
	[sflag:s13] =	ssyncset.done @!p0 $0x0  }
0x5b: {  	v5 =	vor.u32 $0x2, v2;
	[sflag:s13] =	ssyncadd.s32 @!p0 $0xFFFFFF80  }
0x5c: {  	v9 =	vor.u32 $0x2, v6;
	v8 =	vld.idx.msk [tilespmem:v2+s23+$0x0], $0xffff  }
0x5d: {  	v10 =	vor.u32 $0x3, v2;
	v11 =	vld.idx.msk [tilespmem:v6+s24+$0x0], $0xffff  }
0x5e: {  	v13 =	vor.u32 $0x3, v6;
	v12 =	vld.idx.msk [tilespmem:v7+s24+$0x0], $0xffff  }
0x5f: {  	v14 =	vor.u32 $0x4, v2;
	v3 =	vld.idx.msk [tilespmem:v3+s23+$0x0], $0xffff  }
0x60: {  	v15 =	vor.u32 $0x4, v6;
	v5 =	vld.idx.msk [tilespmem:v5+s23+$0x0], $0xffff  }
0x61: {  	v16 =	vor.u32 $0x5, v2;
	v17 =	vld.idx.msk [tilespmem:v9+s24+$0x0], $0xffff  }
0x62: {  	v18 =	vor.u32 $0x5, v6;
	v10 =	vld.idx.msk [tilespmem:v10+s23+$0x0], $0xffff;
	v8 =	vmul.f32 v11, v8  }
0x63: {  	v20 =	vor.u32 $0x6, v6;
	v19 =	vld.idx.msk [tilespmem:v13+s24+$0x0], $0xffff  }
0x64: {  	v14 =	vld.idx.msk [tilespmem:v14+s23+$0x0], $0xffff;
	v11 =	vor.u32 $0x6, v2;
	v3 =	vmul.f32 v12, v3;
	v8 =	vadd.f32 $0.0e+00, v8  }
0x65: {  	v22 =	vor.u32 $0x7, v6;
	v21 =	vld.idx.msk [tilespmem:v15+s24+$0x0], $0xffff  }
0x66: {  	v50 =	vor.u32 $0x7, v2;
	v16 =	vld.idx.msk [tilespmem:v16+s23+$0x0], $0xffff;
	v5 =	vmul.f32 v17, v5;
	v3 =	vadd.f32 v3, v8  }
0x67: {  	v23 =	vor.u32 $0x8, v6;
	v51 =	vld.idx.msk [tilespmem:v18+s24+$0x0], $0xffff  }
0x68: {  	v52 =	vld.idx.msk [tilespmem:v20+s24+$0x0], $0xffff;
	v10 =	vmul.f32 v19, v10;
	v8 =	vor.u32 $0x8, v2;
	v3 =	vadd.f32 v5, v3  }
0x69: {  	v24 =	vor.u32 $0x9, v6;
	v11 =	vld.idx.msk [tilespmem:v11+s23+$0x0], $0xffff  }
0x6a: {  	v53 =	vld.idx.msk [tilespmem:v22+s24+$0x0], $0xffff;
	v14 =	vmul.f32 v21, v14;
	v5 =	vor.u32 $0x9, v2;
	v3 =	vadd.f32 v10, v3  }
0x6b: {  	v25 =	vor.u32 $0xA, v6;
	v12 =	vld.idx.msk [tilespmem:v50+s23+$0x0], $0xffff  }
0x6c: {  	v55 =	vld.idx.msk [tilespmem:v23+s24+$0x0], $0xffff;
	v16 =	vmul.f32 v51, v16;
	v10 =	vor.u32 $0xA, v2;
	v3 =	vadd.f32 v14, v3  }
0x6d: {  	v26 =	vor.u32 $0xB, v6;
	v8 =	vld.idx.msk [tilespmem:v8+s23+$0x0], $0xffff  }
0x6e: {  	v54 =	vor.u32 $0xB, v2;
	v57 =	vld.idx.msk [tilespmem:v24+s24+$0x0], $0xffff;
	v11 =	vmul.f32 v52, v11;
	v3 =	vadd.f32 v16, v3  }
0x6f: {  	v27 =	vor.u32 $0xC, v6;
	v5 =	vld.idx.msk [tilespmem:v5+s23+$0x0], $0xffff  }
0x70: {  	v56 =	vor.u32 $0xC, v2;
	v58 =	vld.idx.msk [tilespmem:v25+s24+$0x0], $0xffff;
	v12 =	vmul.f32 v53, v12;
	v3 =	vadd.f32 v11, v3  }
0x71: {  	v10 =	vld.idx.msk [tilespmem:v10+s23+$0x0], $0xffff;
	v11 =	vor.u32 $0xD, v2  }
0x72: {  	v28 =	vor.u32 $0xD, v6;
	v60 =	vld.idx.msk [tilespmem:v26+s24+$0x0], $0xffff;
	v8 =	vmul.f32 v55, v8;
	v3 =	vadd.f32 v12, v3  }
0x73: {  	v59 =	vor.u32 $0xE, v2;
	v14 =	vld.idx.msk [tilespmem:v54+s23+$0x0], $0xffff  }
0x74: {  	v29 =	vor.u32 $0xE, v6;
	v30 =	vld.idx.msk [tilespmem:v27+s24+$0x0], $0xffff;
	v5 =	vmul.f32 v57, v5;
	v8 =	vadd.f32 v8, v3  }
0x75: {  	v61 =	vor.u32 $0xF, v2;
	v16 =	vld.idx.msk [tilespmem:v56+s23+$0x0], $0xffff  }
0x76: {  	v3 =	vor.u32 $0xF, v6;
	v10 =	vmul.f32 v58, v10;
	v11 =	vld.idx.msk [tilespmem:v11+s23+$0x0], $0xffff;
	v5 =	vadd.f32 v5, v8  }
0x77: {  	v8 =	vld.idx.msk [tilespmem:v28+s24+$0x0], $0xffff  }
0x78: {  	v14 =	vmul.f32 v60, v14;
	v12 =	vld.idx.msk [tilespmem:v59+s23+$0x0], $0xffff;
	v5 =	vadd.f32 v10, v5  }
0x79: {  	v10 =	vld.idx.msk [tilespmem:v29+s24+$0x0], $0xffff  }
0x7a: {  	v62 =	vld.idx.msk [tilespmem:v61+s23+$0x0], $0xffff;
	v16 =	vmul.f32 v30, v16;
	v5 =	vadd.f32 v14, v5  }
0x7b: {  	v63 =	vld.idx.msk [tilespmem:v3+s24+$0x0], $0xffff  }
0x7c: {  	v8 =	vmul.f32 v8, v11;
	v5 =	vadd.f32 v16, v5;
	_ =	sdelay $0x1  }
0x7d: {  	v10 =	vmul.f32 v10, v12;
	v5 =	vadd.f32 v8, v5;
	_ =	sdelay $0x1  }
0x7e: {  	v8 =	vmul.f32 v63, v62;
	v5 =	vadd.f32 v10, v5;
	_ =	sdelay $0x1  }
0x7f: {  	v5 =	vadd.f32 v8, v5;
	_ =	sdelay $0x1  }
0x80: {  	v5 =	vmul.f32 $1.442695020e+00, v5;
	_ =	sdelay $0x1  }
0x81: {  	(erf) = vpow2.f32 v5;
	_ =	sdelay $0x4  }
0x82: {  	v4 =	vand.u32 v1, v4  }
0x83: {  	v8 =	vor.u32 $0x10, v2;
	_ =	sdelay $0x2  }
0x84: {  	v5 =	vpop (erf)  }
0x85: {  	[tilespmem:v4+s30+$0x0] =	vst.idx.msk $0xffff, v5  }
0x86: {  	v4 =	vld.idx.msk [tilespmem:v8+s23+$0x0], $0xffff;
	_ =	sdelay $0x2  }
0x87: {  	v8 =	vor.u32 $0x11, v2;
	_ =	sdelay $0x1  }
0x88: {  	v4 =	vmul.f32 v5, v4;
	_ =	sdelay $0x1  }
0x89: {  	[tilespmem:v6+s31+$0x0] =	vst.idx.msk $0xffff, v4  }
0x8a: {  	v4 =	vld.idx.msk [tilespmem:v8+s23+$0x0], $0xffff;
	_ =	sdelay $0x2  }
0x8b: {  	v6 =	vor.u32 $0x12, v2;
	_ =	sdelay $0x1  }
0x8c: {  	v4 =	vmul.f32 v4, v5;
	_ =	sdelay $0x1  }
0x8d: {  	[tilespmem:v7+s31+$0x0] =	vst.idx.msk $0xffff, v4  }
0x8e: {  	v4 =	vld.idx.msk [tilespmem:v6+s23+$0x0], $0xffff;
	_ =	sdelay $0x2  }
0x8f: {  	v6 =	vor.u32 $0x13, v2;
	_ =	sdelay $0x1  }
0x90: {  	v4 =	vmul.f32 v4, v5;
	_ =	sdelay $0x1  }
0x91: {  	[tilespmem:v9+s31+$0x0] =	vst.idx.msk $0xffff, v4  }
0x92: {  	v4 =	vld.idx.msk [tilespmem:v6+s23+$0x0], $0xffff;
	_ =	sdelay $0x2  }
0x93: {  	v6 =	vor.u32 $0x14, v2;
	_ =	sdelay $0x1  }
0x94: {  	v4 =	vmul.f32 v4, v5;
	_ =	sdelay $0x1  }
0x95: {  	[tilespmem:v13+s31+$0x0] =	vst.idx.msk $0xffff, v4  }
0x96: {  	v4 =	vld.idx.msk [tilespmem:v6+s23+$0x0], $0xffff;
	_ =	sdelay $0x2  }
0x97: {  	v6 =	vor.u32 $0x15, v2;
	_ =	sdelay $0x1  }
0x98: {  	v4 =	vmul.f32 v4, v5;
	_ =	sdelay $0x1  }
0x99: {  	[tilespmem:v15+s31+$0x0] =	vst.idx.msk $0xffff, v4  }
0x9a: {  	v4 =	vld.idx.msk [tilespmem:v6+s23+$0x0], $0xffff;
	_ =	sdelay $0x2  }
0x9b: {  	v6 =	vor.u32 $0x16, v2;
	_ =	sdelay $0x1  }
0x9c: {  	v4 =	vmul.f32 v4, v5;
	_ =	sdelay $0x1  }
0x9d: {  	[tilespmem:v18+s31+$0x0] =	vst.idx.msk $0xffff, v4  }
0x9e: {  	v4 =	vld.idx.msk [tilespmem:v6+s23+$0x0], $0xffff;
	_ =	sdelay $0x2  }
0x9f: {  	v6 =	vor.u32 $0x17, v2;
	_ =	sdelay $0x1  }
0xa0: {  	v4 =	vmul.f32 v4, v5;
	_ =	sdelay $0x1  }
0xa1: {  	[tilespmem:v20+s31+$0x0] =	vst.idx.msk $0xffff, v4  }
0xa2: {  	v4 =	vld.idx.msk [tilespmem:v6+s23+$0x0], $0xffff;
	_ =	sdelay $0x2  }
0xa3: {  	v6 =	vor.u32 $0x18, v2;
	_ =	sdelay $0x1  }
0xa4: {  	v4 =	vmul.f32 v4, v5;
	_ =	sdelay $0x1  }
0xa5: {  	[tilespmem:v22+s31+$0x0] =	vst.idx.msk $0xffff, v4  }
0xa6: {  	v4 =	vld.idx.msk [tilespmem:v6+s23+$0x0], $0xffff;
	_ =	sdelay $0x2  }
0xa7: {  	v6 =	vor.u32 $0x19, v2;
	_ =	sdelay $0x1  }
0xa8: {  	v4 =	vmul.f32 v4, v5;
	_ =	sdelay $0x1  }
0xa9: {  	[tilespmem:v23+s31+$0x0] =	vst.idx.msk $0xffff, v4  }
0xaa: {  	v4 =	vld.idx.msk [tilespmem:v6+s23+$0x0], $0xffff;
	_ =	sdelay $0x2  }
0xab: {  	v6 =	vor.u32 $0x1A, v2;
	_ =	sdelay $0x1  }
0xac: {  	v4 =	vmul.f32 v4, v5;
	_ =	sdelay $0x1  }
0xad: {  	[tilespmem:v24+s31+$0x0] =	vst.idx.msk $0xffff, v4  }
0xae: {  	v4 =	vld.idx.msk [tilespmem:v6+s23+$0x0], $0xffff;
	_ =	sdelay $0x2  }
0xaf: {  	v6 =	vor.u32 $0x1B, v2;
	_ =	sdelay $0x1  }
0xb0: {  	v4 =	vmul.f32 v4, v5;
	_ =	sdelay $0x1  }
0xb1: {  	[tilespmem:v25+s31+$0x0] =	vst.idx.msk $0xffff, v4  }
0xb2: {  	v4 =	vld.idx.msk [tilespmem:v6+s23+$0x0], $0xffff;
	_ =	sdelay $0x2  }
0xb3: {  	v6 =	vor.u32 $0x1C, v2;
	_ =	sdelay $0x1  }
0xb4: {  	v4 =	vmul.f32 v4, v5;
	_ =	sdelay $0x1  }
0xb5: {  	[tilespmem:v26+s31+$0x0] =	vst.idx.msk $0xffff, v4  }
0xb6: {  	v4 =	vld.idx.msk [tilespmem:v6+s23+$0x0], $0xffff;
	_ =	sdelay $0x2  }
0xb7: {  	v6 =	vor.u32 $0x1D, v2;
	_ =	sdelay $0x1  }
0xb8: {  	v4 =	vmul.f32 v4, v5;
	_ =	sdelay $0x1  }
0xb9: {  	[tilespmem:v27+s31+$0x0] =	vst.idx.msk $0xffff, v4  }
0xba: {  	v4 =	vld.idx.msk [tilespmem:v6+s23+$0x0], $0xffff;
	_ =	sdelay $0x2  }
0xbb: {  	v6 =	vor.u32 $0x1E, v2;
	_ =	sdelay $0x1  }
0xbc: {  	v4 =	vmul.f32 v4, v5;
	_ =	sdelay $0x1  }
0xbd: {  	[tilespmem:v28+s31+$0x0] =	vst.idx.msk $0xffff, v4  }
0xbe: {  	v4 =	vld.idx.msk [tilespmem:v6+s23+$0x0], $0xffff;
	_ =	sdelay $0x2  }
0xbf: {  	v8 =	vor.u32 $0x1F, v2;
	_ =	sdelay $0x1  }
0xc0: {  	v2 =	vmul.f32 v4, v5;
	_ =	sdelay $0x1  }
0xc1: {  	[tilespmem:v29+s31+$0x0] =	vst.idx.msk $0xffff, v2  }
0xc2: {  	v10 =	vld.idx.msk [tilespmem:v8+s23+$0x0], $0xffff  }
0xc3: {  	s20 =	simm.s32 $0x10  }
0xc4: {  	v7 =	vor.u32 s20, v0  }
0xc5: {  	v6 =	vshll.u32 v7, $0x4;
	v2 =	vshll.u32 v7, $0x5  }
0xc6: {  	s16 =	sshll.u32 s12, $0x1;
	s13 =	simm.s32 $0x20;
	v4 =	vor.u32 $0x1, v6;
	v8 =	vor.u32 $0x1, v2;
	v9 =	vor.u32 $0x2, v2  }
.LBB2_3:
0xc7: {  	p1 =	sne.s32 s13, $0x70;
	v11 =	vor.u32 $0x3, v2;
	v12 =	vor.u32 $0x4, v2;
	v5 =	vmul.f32 v10, v5;
	s15 =	smov.u32 s13;
	s13 =	sadd.s32 $0x10, s13  }
0xc8: {  	v10 =	vor.u32 $0x5, v2;
	v13 =	vor.u32 $0x6, v2;
	v21 =	vor.u32 $0x7, v2  }
0xc9: {  	v22 =	vor.u32 $0x8, v2;
	v23 =	vor.u32 $0x9, v2;
	v24 =	vor.u32 $0xA, v2;
	[tilespmem:v3+s31+$0x0] =	vst.idx.msk $0xffff, v5  }
0xca: {  	v20 =	vor.u32 $0x2, v6;
	v25 =	vor.u32 $0xC, v2;
	v5 =	vor.u32 $0xB, v2;
	v3 =	vld.idx.msk [tilespmem:v2+s23+$0x0], $0xffff  }
0xcb: {  	v26 =	vor.u32 $0xD, v2;
	v27 =	vor.u32 $0xE, v2;
	v28 =	vor.u32 $0xF, v2;
	v14 =	vld.idx.msk [tilespmem:v4+s24+$0x0], $0xffff  }
0xcc: {  	v19 =	vor.u32 $0x3, v6;
	v15 =	vld.idx.msk [tilespmem:v6+s24+$0x0], $0xffff  }
0xcd: {  	v8 =	vld.idx.msk [tilespmem:v8+s23+$0x0], $0xffff  }
0xce: {  	v18 =	vor.u32 $0x4, v6;
	v9 =	vld.idx.msk [tilespmem:v9+s23+$0x0], $0xffff  }
0xcf: {  	v29 =	vld.idx.msk [tilespmem:v20+s24+$0x0], $0xffff  }
0xd0: {  	v17 =	vor.u32 $0x5, v6;
	v11 =	vld.idx.msk [tilespmem:v11+s23+$0x0], $0xffff  }
0xd1: {  	v30 =	vld.idx.msk [tilespmem:v19+s24+$0x0], $0xffff  }
0xd2: {  	v16 =	vor.u32 $0x6, v6;
	v3 =	vmul.f32 v15, v3;
	v12 =	vld.idx.msk [tilespmem:v12+s23+$0x0], $0xffff  }
0xd3: {  	v8 =	vmul.f32 v14, v8;
	v31 =	vld.idx.msk [tilespmem:v18+s24+$0x0], $0xffff  }
0xd4: {  	v15 =	vor.u32 $0x7, v6;
	v3 =	vadd.f32 $0.0e+00, v3;
	v10 =	vld.idx.msk [tilespmem:v10+s23+$0x0], $0xffff  }
0xd5: {  	v9 =	vmul.f32 v29, v9;
	v29 =	vld.idx.msk [tilespmem:v17+s24+$0x0], $0xffff  }
0xd6: {  	v14 =	vor.u32 $0x8, v6;
	v3 =	vadd.f32 v8, v3;
	v8 =	vld.idx.msk [tilespmem:v13+s23+$0x0], $0xffff  }
0xd7: {  	v11 =	vmul.f32 v30, v11;
	v30 =	vld.idx.msk [tilespmem:v16+s24+$0x0], $0xffff  }
0xd8: {  	v13 =	vor.u32 $0x9, v6;
	v3 =	vadd.f32 v9, v3;
	v9 =	vld.idx.msk [tilespmem:v21+s23+$0x0], $0xffff  }
0xd9: {  	v21 =	vmul.f32 v31, v12;
	v31 =	vld.idx.msk [tilespmem:v15+s24+$0x0], $0xffff  }
0xda: {  	v12 =	vor.u32 $0xA, v6;
	v3 =	vadd.f32 v11, v3;
	v22 =	vld.idx.msk [tilespmem:v22+s23+$0x0], $0xffff  }
0xdb: {  	v10 =	vmul.f32 v29, v10;
	v29 =	vld.idx.msk [tilespmem:v14+s24+$0x0], $0xffff  }
0xdc: {  	v11 =	vor.u32 $0xB, v6;
	v3 =	vadd.f32 v21, v3;
	v21 =	vld.idx.msk [tilespmem:v23+s23+$0x0], $0xffff  }
0xdd: {  	v8 =	vmul.f32 v30, v8;
	v23 =	vld.idx.msk [tilespmem:v13+s24+$0x0], $0xffff  }
0xde: {  	v3 =	vadd.f32 v10, v3;
	v10 =	vor.u32 $0xC, v6;
	v24 =	vld.idx.msk [tilespmem:v24+s23+$0x0], $0xffff  }
0xdf: {  	v30 =	vmul.f32 v31, v9;
	v31 =	vld.idx.msk [tilespmem:v12+s24+$0x0], $0xffff  }
0xe0: {  	v9 =	vor.u32 $0xD, v6;
	v3 =	vadd.f32 v8, v3;
	v5 =	vld.idx.msk [tilespmem:v5+s23+$0x0], $0xffff  }
0xe1: {  	v22 =	vmul.f32 v29, v22;
	v29 =	vld.idx.msk [tilespmem:v11+s24+$0x0], $0xffff  }
0xe2: {  	v8 =	vor.u32 $0xE, v6;
	v3 =	vadd.f32 v30, v3;
	v25 =	vld.idx.msk [tilespmem:v25+s23+$0x0], $0xffff  }
0xe3: {  	v21 =	vmul.f32 v23, v21;
	v23 =	vld.idx.msk [tilespmem:v10+s24+$0x0], $0xffff  }
0xe4: {  	v22 =	vadd.f32 v22, v3;
	v3 =	vor.u32 $0xF, v6;
	v26 =	vld.idx.msk [tilespmem:v26+s23+$0x0], $0xffff  }
0xe5: {  	v24 =	vmul.f32 v31, v24;
	v30 =	vld.idx.msk [tilespmem:v9+s24+$0x0], $0xffff  }
0xe6: {  	v21 =	vadd.f32 v21, v22;
	v22 =	vld.idx.msk [tilespmem:v27+s23+$0x0], $0xffff  }
0xe7: {  	v5 =	vmul.f32 v29, v5;
	v27 =	vld.idx.msk [tilespmem:v8+s24+$0x0], $0xffff  }
0xe8: {  	v21 =	vadd.f32 v24, v21;
	v24 =	vld.idx.msk [tilespmem:v28+s23+$0x0], $0xffff  }
0xe9: {  	v23 =	vmul.f32 v23, v25;
	v25 =	vld.idx.msk [tilespmem:v3+s24+$0x0], $0xffff  }
0xea: {  	v5 =	vadd.f32 v5, v21  }
0xeb: {  	v21 =	vmul.f32 v30, v26  }
0xec: {  	v5 =	vadd.f32 v23, v5  }
0xed: {  	v22 =	vmul.f32 v27, v22  }
0xee: {  	v5 =	vadd.f32 v21, v5  }
0xef: {  	v21 =	vmul.f32 v25, v24  }
0xf0: {  	v5 =	vadd.f32 v22, v5;
	_ =	sdelay $0x1  }
0xf1: {  	v5 =	vadd.f32 v21, v5;
	_ =	sdelay $0x1  }
0xf2: {  	v5 =	vmul.f32 $1.442695020e+00, v5;
	_ =	sdelay $0x1  }
0xf3: {  	(erf) = vpow2.f32 v5;
	_ =	sdelay $0x3  }
0xf4: {  	v7 =	vand.u32 v1, v7  }
0xf5: {  	v21 =	vor.u32 $0x10, v2;
	_ =	sdelay $0x3  }
0xf6: {  	v5 =	vpop (erf)  }
0xf7: {  	[tilespmem:v7+s30+$0x0] =	vst.idx.msk $0xffff, v5  }
0xf8: {  	v7 =	vld.idx.msk [tilespmem:v21+s23+$0x0], $0xffff;
	_ =	sdelay $0x2  }
0xf9: {  	v21 =	vor.u32 $0x11, v2;
	_ =	sdelay $0x2  }
0xfa: {  	v7 =	vmul.f32 v5, v7;
	_ =	sdelay $0x1  }
0xfb: {  	[tilespmem:v6+s31+$0x0] =	vst.idx.msk $0xffff, v7  }
0xfc: {  	v6 =	vld.idx.msk [tilespmem:v21+s23+$0x0], $0xffff;
	_ =	sdelay $0x2  }
0xfd: {  	v7 =	vor.u32 $0x12, v2;
	_ =	sdelay $0x2  }
0xfe: {  	v6 =	vmul.f32 v6, v5;
	_ =	sdelay $0x1  }
0xff: {  	[tilespmem:v4+s31+$0x0] =	vst.idx.msk $0xffff, v6  }
0x100: {  	v4 =	vld.idx.msk [tilespmem:v7+s23+$0x0], $0xffff;
	_ =	sdelay $0x2  }
0x101: {  	v6 =	vor.u32 $0x13, v2;
	_ =	sdelay $0x2  }
0x102: {  	v4 =	vmul.f32 v4, v5;
	_ =	sdelay $0x1  }
0x103: {  	[tilespmem:v20+s31+$0x0] =	vst.idx.msk $0xffff, v4  }
0x104: {  	v4 =	vld.idx.msk [tilespmem:v6+s23+$0x0], $0xffff;
	_ =	sdelay $0x2  }
0x105: {  	v6 =	vor.u32 $0x14, v2;
	_ =	sdelay $0x2  }
0x106: {  	v4 =	vmul.f32 v4, v5;
	_ =	sdelay $0x1  }
0x107: {  	[tilespmem:v19+s31+$0x0] =	vst.idx.msk $0xffff, v4  }
0x108: {  	v4 =	vld.idx.msk [tilespmem:v6+s23+$0x0], $0xffff;
	_ =	sdelay $0x2  }
0x109: {  	v6 =	vor.u32 $0x15, v2;
	_ =	sdelay $0x2  }
0x10a: {  	v4 =	vmul.f32 v4, v5;
	_ =	sdelay $0x1  }
0x10b: {  	[tilespmem:v18+s31+$0x0] =	vst.idx.msk $0xffff, v4  }
0x10c: {  	v4 =	vld.idx.msk [tilespmem:v6+s23+$0x0], $0xffff;
	_ =	sdelay $0x2  }
0x10d: {  	v6 =	vor.u32 $0x16, v2;
	_ =	sdelay $0x2  }
0x10e: {  	v4 =	vmul.f32 v4, v5;
	_ =	sdelay $0x1  }
0x10f: {  	[tilespmem:v17+s31+$0x0] =	vst.idx.msk $0xffff, v4  }
0x110: {  	v4 =	vld.idx.msk [tilespmem:v6+s23+$0x0], $0xffff;
	_ =	sdelay $0x2  }
0x111: {  	v6 =	vor.u32 $0x17, v2;
	_ =	sdelay $0x2  }
0x112: {  	v4 =	vmul.f32 v4, v5;
	_ =	sdelay $0x1  }
0x113: {  	[tilespmem:v16+s31+$0x0] =	vst.idx.msk $0xffff, v4  }
0x114: {  	v4 =	vld.idx.msk [tilespmem:v6+s23+$0x0], $0xffff;
	_ =	sdelay $0x2  }
0x115: {  	v6 =	vor.u32 $0x18, v2;
	_ =	sdelay $0x2  }
0x116: {  	v4 =	vmul.f32 v4, v5;
	_ =	sdelay $0x1  }
0x117: {  	[tilespmem:v15+s31+$0x0] =	vst.idx.msk $0xffff, v4  }
0x118: {  	v4 =	vld.idx.msk [tilespmem:v6+s23+$0x0], $0xffff;
	_ =	sdelay $0x2  }
0x119: {  	v6 =	vor.u32 $0x19, v2;
	_ =	sdelay $0x2  }
0x11a: {  	v4 =	vmul.f32 v4, v5;
	_ =	sdelay $0x1  }
0x11b: {  	[tilespmem:v14+s31+$0x0] =	vst.idx.msk $0xffff, v4  }
0x11c: {  	v4 =	vld.idx.msk [tilespmem:v6+s23+$0x0], $0xffff;
	_ =	sdelay $0x2  }
0x11d: {  	v6 =	vor.u32 $0x1A, v2;
	_ =	sdelay $0x2  }
0x11e: {  	v4 =	vmul.f32 v4, v5;
	_ =	sdelay $0x1  }
0x11f: {  	[tilespmem:v13+s31+$0x0] =	vst.idx.msk $0xffff, v4  }
0x120: {  	v4 =	vld.idx.msk [tilespmem:v6+s23+$0x0], $0xffff;
	_ =	sdelay $0x2  }
0x121: {  	v6 =	vor.u32 $0x1B, v2;
	_ =	sdelay $0x2  }
0x122: {  	v4 =	vmul.f32 v4, v5;
	_ =	sdelay $0x1  }
0x123: {  	[tilespmem:v12+s31+$0x0] =	vst.idx.msk $0xffff, v4  }
0x124: {  	v4 =	vld.idx.msk [tilespmem:v6+s23+$0x0], $0xffff;
	_ =	sdelay $0x2  }
0x125: {  	v6 =	vor.u32 $0x1C, v2;
	_ =	sdelay $0x2  }
0x126: {  	v4 =	vmul.f32 v4, v5;
	_ =	sdelay $0x1  }
0x127: {  	[tilespmem:v11+s31+$0x0] =	vst.idx.msk $0xffff, v4  }
0x128: {  	v4 =	vld.idx.msk [tilespmem:v6+s23+$0x0], $0xffff;
	_ =	sdelay $0x2  }
0x129: {  	v6 =	vor.u32 $0x1D, v2;
	_ =	sdelay $0x2  }
0x12a: {  	v4 =	vmul.f32 v4, v5;
	_ =	sdelay $0x1  }
0x12b: {  	[tilespmem:v10+s31+$0x0] =	vst.idx.msk $0xffff, v4  }
0x12c: {  	v4 =	vld.idx.msk [tilespmem:v6+s23+$0x0], $0xffff;
	_ =	sdelay $0x2  }
0x12d: {  	v6 =	vor.u32 $0x1E, v2;
	_ =	sdelay $0x2  }
0x12e: {  	v4 =	vmul.f32 v4, v5;
	_ =	sdelay $0x1  }
0x12f: {  	[tilespmem:v9+s31+$0x0] =	vst.idx.msk $0xffff, v4  }
0x130: {  	v4 =	vld.idx.msk [tilespmem:v6+s23+$0x0], $0xffff;
	_ =	sdelay $0x2  }
0x131: {  	v2 =	vor.u32 $0x1F, v2;
	_ =	sdelay $0x2  }
0x132: {  	v4 =	vmul.f32 v4, v5;
	_ =	sdelay $0x1  }
0x133: {  	[tilespmem:v8+s31+$0x0] =	vst.idx.msk $0xffff, v4  }
0x134: {  	v10 =	vld.idx.msk [tilespmem:v2+s23+$0x0], $0xffff  }
.Ltmp2:
0x135: {  	(pc) =	sbr.rel @p1 .LBB2_3-.Ltmp2, $4  }
0x136: {  	_ = 	snop  }
0x137: {  	v7 =	vor.u32 s15, v0  }
0x138: {  	v6 =	vshll.u32 v7, $0x4;
	v2 =	vshll.u32 v7, $0x5  }
0x139: {  	v4 =	vor.u32 $0x1, v6;
	v8 =	vor.u32 $0x1, v2;
	v9 =	vor.u32 $0x2, v2  }
0x13a: {  	_ =	sdelay $0x1  }
0x13b: {  	v5 =	vmul.f32 v10, v5;
	_ =	sdelay $0x1  }
0x13c: {  	[tilespmem:v3+s31+$0x0] =	vst.idx.msk $0xffff, v5  }
0x13d: {  	v5 =	vor.u32 $0x2, v6;
	v3 =	vld.idx.msk [tilespmem:v2+s23+$0x0], $0xffff  }
0x13e: {  	v10 =	vor.u32 $0x3, v2;
	v11 =	vld.idx.msk [tilespmem:v6+s24+$0x0], $0xffff  }
0x13f: {  	v13 =	vor.u32 $0x3, v6;
	v12 =	vld.idx.msk [tilespmem:v4+s24+$0x0], $0xffff  }
0x140: {  	v14 =	vor.u32 $0x4, v2;
	v8 =	vld.idx.msk [tilespmem:v8+s23+$0x0], $0xffff  }
0x141: {  	v15 =	vor.u32 $0x4, v6;
	v9 =	vld.idx.msk [tilespmem:v9+s23+$0x0], $0xffff  }
0x142: {  	v16 =	vor.u32 $0x5, v2;
	v17 =	vld.idx.msk [tilespmem:v5+s24+$0x0], $0xffff  }
0x143: {  	v18 =	vor.u32 $0x5, v6;
	v10 =	vld.idx.msk [tilespmem:v10+s23+$0x0], $0xffff;
	v3 =	vmul.f32 v11, v3  }
0x144: {  	v20 =	vor.u32 $0x6, v6;
	v19 =	vld.idx.msk [tilespmem:v13+s24+$0x0], $0xffff  }
0x145: {  	v14 =	vld.idx.msk [tilespmem:v14+s23+$0x0], $0xffff;
	v11 =	vor.u32 $0x6, v2;
	v8 =	vmul.f32 v12, v8;
	v3 =	vadd.f32 $0.0e+00, v3  }
0x146: {  	v22 =	vor.u32 $0x7, v6;
	v21 =	vld.idx.msk [tilespmem:v15+s24+$0x0], $0xffff  }
0x147: {  	v52 =	vor.u32 $0x7, v2;
	v16 =	vld.idx.msk [tilespmem:v16+s23+$0x0], $0xffff;
	v9 =	vmul.f32 v17, v9;
	v3 =	vadd.f32 v8, v3  }
0x148: {  	v23 =	vor.u32 $0x8, v6;
	v53 =	vld.idx.msk [tilespmem:v18+s24+$0x0], $0xffff  }
0x149: {  	v54 =	vld.idx.msk [tilespmem:v20+s24+$0x0], $0xffff;
	v10 =	vmul.f32 v19, v10;
	v8 =	vor.u32 $0x8, v2;
	v3 =	vadd.f32 v9, v3  }
0x14a: {  	v24 =	vor.u32 $0x9, v6;
	v11 =	vld.idx.msk [tilespmem:v11+s23+$0x0], $0xffff  }
0x14b: {  	v55 =	vld.idx.msk [tilespmem:v22+s24+$0x0], $0xffff;
	v14 =	vmul.f32 v21, v14;
	v9 =	vor.u32 $0x9, v2;
	v3 =	vadd.f32 v10, v3  }
0x14c: {  	v25 =	vor.u32 $0xA, v6;
	v12 =	vld.idx.msk [tilespmem:v52+s23+$0x0], $0xffff  }
0x14d: {  	v57 =	vld.idx.msk [tilespmem:v23+s24+$0x0], $0xffff;
	v16 =	vmul.f32 v53, v16;
	v10 =	vor.u32 $0xA, v2;
	v3 =	vadd.f32 v14, v3  }
0x14e: {  	v26 =	vor.u32 $0xB, v6;
	v8 =	vld.idx.msk [tilespmem:v8+s23+$0x0], $0xffff  }
0x14f: {  	v56 =	vor.u32 $0xB, v2;
	v59 =	vld.idx.msk [tilespmem:v24+s24+$0x0], $0xffff;
	v11 =	vmul.f32 v54, v11;
	v3 =	vadd.f32 v16, v3  }
0x150: {  	v27 =	vor.u32 $0xC, v6;
	v9 =	vld.idx.msk [tilespmem:v9+s23+$0x0], $0xffff  }
0x151: {  	v58 =	vor.u32 $0xC, v2;
	v60 =	vld.idx.msk [tilespmem:v25+s24+$0x0], $0xffff;
	v12 =	vmul.f32 v55, v12;
	v3 =	vadd.f32 v11, v3  }
0x152: {  	v10 =	vld.idx.msk [tilespmem:v10+s23+$0x0], $0xffff;
	v11 =	vor.u32 $0xD, v2  }
0x153: {  	v28 =	vor.u32 $0xD, v6;
	v62 =	vld.idx.msk [tilespmem:v26+s24+$0x0], $0xffff;
	v8 =	vmul.f32 v57, v8;
	v3 =	vadd.f32 v12, v3  }
0x154: {  	v61 =	vor.u32 $0xE, v2;
	v14 =	vld.idx.msk [tilespmem:v56+s23+$0x0], $0xffff  }
0x155: {  	v29 =	vor.u32 $0xE, v6;
	v63 =	vld.idx.msk [tilespmem:v27+s24+$0x0], $0xffff;
	v9 =	vmul.f32 v59, v9;
	v3 =	vadd.f32 v8, v3  }
0x156: {  	v30 =	vor.u32 $0xF, v6;
	v16 =	vld.idx.msk [tilespmem:v58+s23+$0x0], $0xffff  }
0x157: {  	v8 =	vor.u32 $0xF, v2;
	v10 =	vmul.f32 v60, v10;
	v11 =	vld.idx.msk [tilespmem:v11+s23+$0x0], $0xffff;
	v3 =	vadd.f32 v9, v3  }
0x158: {  	v9 =	vld.idx.msk [tilespmem:v28+s24+$0x0], $0xffff  }
0x159: {  	v14 =	vmul.f32 v62, v14;
	v12 =	vld.idx.msk [tilespmem:v61+s23+$0x0], $0xffff;
	v3 =	vadd.f32 v10, v3  }
0x15a: {  	v10 =	vld.idx.msk [tilespmem:v29+s24+$0x0], $0xffff  }
0x15b: {  	v31 =	vld.idx.msk [tilespmem:v30+s24+$0x0], $0xffff;
	v16 =	vmul.f32 v63, v16;
	v3 =	vadd.f32 v14, v3  }
0x15c: {  	v8 =	vld.idx.msk [tilespmem:v8+s23+$0x0], $0xffff  }
0x15d: {  	v9 =	vmul.f32 v9, v11;
	v3 =	vadd.f32 v16, v3;
	_ =	sdelay $0x1  }
0x15e: {  	v10 =	vmul.f32 v10, v12;
	v3 =	vadd.f32 v9, v3;
	_ =	sdelay $0x1  }
0x15f: {  	v8 =	vmul.f32 v31, v8;
	v3 =	vadd.f32 v10, v3;
	_ =	sdelay $0x1  }
0x160: {  	v3 =	vadd.f32 v8, v3;
	_ =	sdelay $0x1  }
0x161: {  	v3 =	vmul.f32 $1.442695020e+00, v3;
	_ =	sdelay $0x1  }
0x162: {  	(erf) = vpow2.f32 v3;
	_ =	sdelay $0x4  }
0x163: {  	v3 =	vand.u32 v1, v7  }
0x164: {  	v7 =	vor.u32 $0x10, v2;
	_ =	sdelay $0x2  }
0x165: {  	v8 =	vpop (erf)  }
0x166: {  	[tilespmem:v3+s30+$0x0] =	vst.idx.msk $0xffff, v8  }
0x167: {  	v3 =	vld.idx.msk [tilespmem:v7+s23+$0x0], $0xffff;
	_ =	sdelay $0x2  }
0x168: {  	v7 =	vor.u32 $0x11, v2;
	_ =	sdelay $0x1  }
0x169: {  	v3 =	vmul.f32 v8, v3;
	_ =	sdelay $0x1  }
0x16a: {  	[tilespmem:v6+s31+$0x0] =	vst.idx.msk $0xffff, v3  }
0x16b: {  	v3 =	vld.idx.msk [tilespmem:v7+s23+$0x0], $0xffff;
	_ =	sdelay $0x2  }
0x16c: {  	v6 =	vor.u32 $0x12, v2;
	_ =	sdelay $0x1  }
0x16d: {  	v3 =	vmul.f32 v3, v8;
	_ =	sdelay $0x1  }
0x16e: {  	[tilespmem:v4+s31+$0x0] =	vst.idx.msk $0xffff, v3  }
0x16f: {  	v3 =	vld.idx.msk [tilespmem:v6+s23+$0x0], $0xffff;
	_ =	sdelay $0x2  }
0x170: {  	v4 =	vor.u32 $0x13, v2;
	_ =	sdelay $0x1  }
0x171: {  	v3 =	vmul.f32 v3, v8;
	_ =	sdelay $0x1  }
0x172: {  	[tilespmem:v5+s31+$0x0] =	vst.idx.msk $0xffff, v3  }
0x173: {  	v3 =	vld.idx.msk [tilespmem:v4+s23+$0x0], $0xffff;
	_ =	sdelay $0x2  }
0x174: {  	v4 =	vor.u32 $0x14, v2;
	_ =	sdelay $0x1  }
0x175: {  	v3 =	vmul.f32 v3, v8;
	_ =	sdelay $0x1  }
0x176: {  	[tilespmem:v13+s31+$0x0] =	vst.idx.msk $0xffff, v3  }
0x177: {  	v3 =	vld.idx.msk [tilespmem:v4+s23+$0x0], $0xffff;
	_ =	sdelay $0x2  }
0x178: {  	v4 =	vor.u32 $0x15, v2;
	_ =	sdelay $0x1  }
0x179: {  	v3 =	vmul.f32 v3, v8;
	_ =	sdelay $0x1  }
0x17a: {  	[tilespmem:v15+s31+$0x0] =	vst.idx.msk $0xffff, v3  }
0x17b: {  	v3 =	vld.idx.msk [tilespmem:v4+s23+$0x0], $0xffff;
	_ =	sdelay $0x2  }
0x17c: {  	v4 =	vor.u32 $0x16, v2;
	_ =	sdelay $0x1  }
0x17d: {  	v3 =	vmul.f32 v3, v8;
	_ =	sdelay $0x1  }
0x17e: {  	[tilespmem:v18+s31+$0x0] =	vst.idx.msk $0xffff, v3  }
0x17f: {  	v3 =	vld.idx.msk [tilespmem:v4+s23+$0x0], $0xffff;
	_ =	sdelay $0x2  }
0x180: {  	v4 =	vor.u32 $0x17, v2;
	_ =	sdelay $0x1  }
0x181: {  	v3 =	vmul.f32 v3, v8;
	_ =	sdelay $0x1  }
0x182: {  	[tilespmem:v20+s31+$0x0] =	vst.idx.msk $0xffff, v3  }
0x183: {  	v3 =	vld.idx.msk [tilespmem:v4+s23+$0x0], $0xffff;
	_ =	sdelay $0x2  }
0x184: {  	v4 =	vor.u32 $0x18, v2;
	_ =	sdelay $0x1  }
0x185: {  	v3 =	vmul.f32 v3, v8;
	_ =	sdelay $0x1  }
0x186: {  	[tilespmem:v22+s31+$0x0] =	vst.idx.msk $0xffff, v3  }
0x187: {  	v3 =	vld.idx.msk [tilespmem:v4+s23+$0x0], $0xffff;
	_ =	sdelay $0x2  }
0x188: {  	v4 =	vor.u32 $0x19, v2;
	_ =	sdelay $0x1  }
0x189: {  	v3 =	vmul.f32 v3, v8;
	_ =	sdelay $0x1  }
0x18a: {  	[tilespmem:v23+s31+$0x0] =	vst.idx.msk $0xffff, v3  }
0x18b: {  	v3 =	vld.idx.msk [tilespmem:v4+s23+$0x0], $0xffff;
	_ =	sdelay $0x2  }
0x18c: {  	v4 =	vor.u32 $0x1A, v2;
	_ =	sdelay $0x1  }
0x18d: {  	v3 =	vmul.f32 v3, v8;
	_ =	sdelay $0x1  }
0x18e: {  	[tilespmem:v24+s31+$0x0] =	vst.idx.msk $0xffff, v3  }
0x18f: {  	v3 =	vld.idx.msk [tilespmem:v4+s23+$0x0], $0xffff;
	_ =	sdelay $0x2  }
0x190: {  	v4 =	vor.u32 $0x1B, v2;
	_ =	sdelay $0x1  }
0x191: {  	v3 =	vmul.f32 v3, v8;
	_ =	sdelay $0x1  }
0x192: {  	[tilespmem:v25+s31+$0x0] =	vst.idx.msk $0xffff, v3  }
0x193: {  	v3 =	vld.idx.msk [tilespmem:v4+s23+$0x0], $0xffff;
	_ =	sdelay $0x2  }
0x194: {  	v4 =	vor.u32 $0x1C, v2;
	_ =	sdelay $0x1  }
0x195: {  	v3 =	vmul.f32 v3, v8;
	_ =	sdelay $0x1  }
0x196: {  	[tilespmem:v26+s31+$0x0] =	vst.idx.msk $0xffff, v3  }
0x197: {  	v3 =	vld.idx.msk [tilespmem:v4+s23+$0x0], $0xffff;
	_ =	sdelay $0x2  }
0x198: {  	v4 =	vor.u32 $0x1D, v2;
	_ =	sdelay $0x1  }
0x199: {  	v3 =	vmul.f32 v3, v8;
	_ =	sdelay $0x1  }
0x19a: {  	[tilespmem:v27+s31+$0x0] =	vst.idx.msk $0xffff, v3  }
0x19b: {  	v3 =	vld.idx.msk [tilespmem:v4+s23+$0x0], $0xffff;
	_ =	sdelay $0x2  }
0x19c: {  	v4 =	vor.u32 $0x1E, v2;
	_ =	sdelay $0x1  }
0x19d: {  	v3 =	vmul.f32 v3, v8;
	_ =	sdelay $0x1  }
0x19e: {  	[tilespmem:v28+s31+$0x0] =	vst.idx.msk $0xffff, v3  }
0x19f: {  	v3 =	vld.idx.msk [tilespmem:v4+s23+$0x0], $0xffff;
	_ =	sdelay $0x2  }
0x1a0: {  	v2 =	vor.u32 $0x1F, v2;
	_ =	sdelay $0x1  }
0x1a1: {  	v3 =	vmul.f32 v3, v8;
	_ =	sdelay $0x1  }
0x1a2: {  	[tilespmem:v29+s31+$0x0] =	vst.idx.msk $0xffff, v3  }
0x1a3: {  	v2 =	vld.idx.msk [tilespmem:v2+s23+$0x0], $0xffff;
	_ =	sdelay $0x4  }
0x1a4: {  	s13 =	sshll.u32 s12, $0x8;
	v2 =	vmul.f32 v2, v8  }
0x1a5: {  	s15 =	sand.u32 $0x700, s13  }
0x1a6: {  	p1 =	seq.s32 s12, $0x187;
	s17 =	sor.u32 $0x800, s15;
	[tilespmem:v30+s31+$0x0] =	vst.idx.msk $0xffff, v2  }
0x1a7: {  	[spmem:s1] =	stream.indirect.scatter.add.f32 [tilespmem:s31], [sflag:$0x3], $0x10, s17, s22, $0xb8;
	[tilespmem:$0x1F180] =	vst v63  }
0x1a8: {  	s16 =	sadd.s32 @!p1 $0x2, s16  }
0x1a9: {  	[spmem:s3] =	stream.indirect.scatter.add.f32 [tilespmem:s30], [sflag:$0x3], $0x1, s17, s22, $0xb8;
	[tilespmem:$0x1F180] =	vst v63  }
0x1aa: {  	s17 =	sand.u32 @!p1 $0x6, s16  }
0x1ab: {  	p2 =	sne.s32 @!p1 s17, $0x0  }
0x1ac: {  	s16 =	sshll.u32 @!p1 s16, $0x7;
	p2 =	por p2, p1  }
0x1ad: {  	s17 =	sadd.s32 @!p2 s14, s16  }
0x1ae: {  	s17 =	sshrl.u32 @!p2 s17, $0x3  }
0x1af: {  	s4 =	sand.u32 @!p2 $0x400, s16;
	s20 =	simm.s32 @!p2 $0x0;
	s18 =	sadd.s32 @!p2 s7, s17  }
0x1b0: {  	[tilespmem:s4], [sflag:$0x5] =	stream.linear.gather @!p2 [hbm4b:s18+s20], $0x400, $0x38;
	[tilespmem:$0x1F180] =	vst v63  }
0x1b1: {  	s18 =	simm.s32 @!p2 $0x5  }
0x1b2: {  	_ =	swait.ge @!p2 [sflag:s18], $0x400  }
0x1b3: {  	[sflag:s18] =	ssyncset.done @!p2 $0x0  }
0x1b4: {  	s17 =	sadd.s32 @!p2 s8, s17;
	s4 =	sor.u32 @!p2 $0x800, s4;
	[sflag:s18] =	ssyncadd.s32 @!p2 $0xFFFFFC00  }
0x1b5: {  	[tilespmem:s4], [sflag:$0x5] =	stream.linear.gather @!p2 [hbm4b:s17+s20], $0x400, $0x38;
	[tilespmem:$0x1F180] =	vst v63  }
0x1b6: {  	_ =	swait.ge @!p2 [sflag:s18], $0x400  }
0x1b7: {  	s4 =	sand.u32 @!p1 $0x700, s16;
	[sflag:s18] =	ssyncset.done @!p2 $0x0  }
0x1b8: {  	s16 =	simm.s32 @!p1 $0x80;
	s17 =	simm.s32 @!p1 $0x1000;
	[sflag:s18] =	ssyncadd.s32 @!p2 $0xFFFFFC00  }
0x1b9: {  	[tilespmem:s17], [sflag:$0x1] =	stream.indirect.gather @!p1 [hbm4b:s5+s16], $0x20, s4, s16, $0xb8;
	[tilespmem:$0x1F180] =	vst v63  }
0x1ba: {  	s4 =	sor.u32 @!p1 $0x800, s4;
	s17 =	simm.s32 @!p1 $0x3000  }
0x1bb: {  	[tilespmem:s17], [sflag:$0x1] =	stream.indirect.gather @!p1 [hbm4b:s6+s16], $0x10, s4, s16, $0xb8;
	[tilespmem:$0x1F180] =	vst v63  }
0x1bc: {  	_ =	swait.ge [sflag:s0], $0x1000  }
0x1bd: {  	[sflag:s0] =	ssyncset.done $0x0  }
0x1be: {  	[sflag:s0] =	ssyncadd.s32 $0xFFFFF000  }
0x1bf: {  	_ =	swait.ge [sflag:s0], $0x800  }
0x1c0: {  	[sflag:s0] =	ssyncset.done $0x0  }
0x1c1: {  	s18 =	simm.s32 $0x0;
	s4 =	simm.s32 @!p0 $0x4;
	[sflag:s0] =	ssyncadd.s32 $0xFFFFF800  }
0x1c2: {  	v4 =	vor.u32 s18, v0;
	_ =	swait.ge @!p0 [sflag:s4], $0x800  }
0x1c3: {  	v2 =	vshll.u32 v4, $0x5;
	[sflag:s4] =	ssyncset.done @!p0 $0x0  }
0x1c4: {  	v6 =	vshll.u32 v4, $0x4;
	[sflag:s4] =	ssyncadd.s32 @!p0 $0xFFFFF800  }
0x1c5: {  	v7 =	vor.u32 $0x1, v6;
	_ =	swait.ge @!p0 [sflag:s4], $0x80  }
0x1c6: {  	v3 =	vor.u32 $0x1, v2;
	[sflag:s4] =	ssyncset.done @!p0 $0x0  }
0x1c7: {  	v5 =	vor.u32 $0x2, v2;
	[sflag:s4] =	ssyncadd.s32 @!p0 $0xFFFFFF80  }
0x1c8: {  	v9 =	vor.u32 $0x2, v6;
	v8 =	vld.idx.msk [tilespmem:v2+s25+$0x0], $0xffff  }
0x1c9: {  	v10 =	vor.u32 $0x3, v2;
	v11 =	vld.idx.msk [tilespmem:v6+s28+$0x0], $0xffff  }
0x1ca: {  	v13 =	vor.u32 $0x3, v6;
	v32 =	vld.idx.msk [tilespmem:v7+s28+$0x0], $0xffff  }
0x1cb: {  	v33 =	vor.u32 $0x4, v2;
	v3 =	vld.idx.msk [tilespmem:v3+s25+$0x0], $0xffff  }
0x1cc: {  	v34 =	vor.u32 $0x4, v6;
	v5 =	vld.idx.msk [tilespmem:v5+s25+$0x0], $0xffff  }
0x1cd: {  	v35 =	vor.u32 $0x5, v2;
	v36 =	vld.idx.msk [tilespmem:v9+s28+$0x0], $0xffff  }
0x1ce: {  	v37 =	vor.u32 $0x5, v6;
	v10 =	vld.idx.msk [tilespmem:v10+s25+$0x0], $0xffff;
	v8 =	vmul.f32 v11, v8  }
0x1cf: {  	v39 =	vor.u32 $0x6, v6;
	v38 =	vld.idx.msk [tilespmem:v13+s28+$0x0], $0xffff  }
0x1d0: {  	v14 =	vld.idx.msk [tilespmem:v33+s25+$0x0], $0xffff;
	v11 =	vor.u32 $0x6, v2;
	v3 =	vmul.f32 v32, v3;
	v8 =	vadd.f32 $0.0e+00, v8  }
0x1d1: {  	v40 =	vor.u32 $0x7, v2;
	v41 =	vld.idx.msk [tilespmem:v34+s28+$0x0], $0xffff  }
0x1d2: {  	v42 =	vor.u32 $0x7, v6;
	v16 =	vld.idx.msk [tilespmem:v35+s25+$0x0], $0xffff;
	v5 =	vmul.f32 v36, v5;
	v3 =	vadd.f32 v3, v8  }
0x1d3: {  	v44 =	vor.u32 $0x8, v6;
	v43 =	vld.idx.msk [tilespmem:v37+s28+$0x0], $0xffff  }
0x1d4: {  	v45 =	vld.idx.msk [tilespmem:v39+s28+$0x0], $0xffff;
	v10 =	vmul.f32 v38, v10;
	v8 =	vor.u32 $0x8, v2;
	v3 =	vadd.f32 v5, v3  }
0x1d5: {  	v46 =	vor.u32 $0x9, v6;
	v11 =	vld.idx.msk [tilespmem:v11+s25+$0x0], $0xffff  }
0x1d6: {  	v12 =	vld.idx.msk [tilespmem:v40+s25+$0x0], $0xffff;
	v14 =	vmul.f32 v41, v14;
	v5 =	vor.u32 $0x9, v2;
	v3 =	vadd.f32 v10, v3  }
0x1d7: {  	v48 =	vor.u32 $0xA, v6;
	v47 =	vld.idx.msk [tilespmem:v42+s28+$0x0], $0xffff  }
0x1d8: {  	v50 =	vld.idx.msk [tilespmem:v44+s28+$0x0], $0xffff;
	v16 =	vmul.f32 v43, v16;
	v10 =	vor.u32 $0xA, v2;
	v3 =	vadd.f32 v14, v3  }
0x1d9: {  	v51 =	vor.u32 $0xB, v6;
	v8 =	vld.idx.msk [tilespmem:v8+s25+$0x0], $0xffff  }
0x1da: {  	v49 =	vor.u32 $0xB, v2;
	v53 =	vld.idx.msk [tilespmem:v46+s28+$0x0], $0xffff;
	v11 =	vmul.f32 v45, v11;
	v3 =	vadd.f32 v16, v3  }
0x1db: {  	v54 =	vor.u32 $0xC, v6;
	v5 =	vld.idx.msk [tilespmem:v5+s25+$0x0], $0xffff  }
0x1dc: {  	v52 =	vor.u32 $0xC, v2;
	v55 =	vld.idx.msk [tilespmem:v48+s28+$0x0], $0xffff;
	v12 =	vmul.f32 v47, v12;
	v3 =	vadd.f32 v11, v3  }
0x1dd: {  	v10 =	vld.idx.msk [tilespmem:v10+s25+$0x0], $0xffff;
	v11 =	vor.u32 $0xD, v2  }
0x1de: {  	v56 =	vor.u32 $0xD, v6;
	v58 =	vld.idx.msk [tilespmem:v51+s28+$0x0], $0xffff;
	v8 =	vmul.f32 v50, v8;
	v3 =	vadd.f32 v12, v3  }
0x1df: {  	v57 =	vor.u32 $0xE, v2;
	v14 =	vld.idx.msk [tilespmem:v49+s25+$0x0], $0xffff  }
0x1e0: {  	v59 =	vor.u32 $0xE, v6;
	v61 =	vld.idx.msk [tilespmem:v54+s28+$0x0], $0xffff;
	v5 =	vmul.f32 v53, v5;
	v8 =	vadd.f32 v8, v3  }
0x1e1: {  	v60 =	vor.u32 $0xF, v2;
	v16 =	vld.idx.msk [tilespmem:v52+s25+$0x0], $0xffff  }
0x1e2: {  	v3 =	vor.u32 $0xF, v6;
	v10 =	vmul.f32 v55, v10;
	v11 =	vld.idx.msk [tilespmem:v11+s25+$0x0], $0xffff;
	v5 =	vadd.f32 v5, v8  }
0x1e3: {  	v8 =	vld.idx.msk [tilespmem:v56+s28+$0x0], $0xffff  }
0x1e4: {  	v14 =	vmul.f32 v58, v14;
	v12 =	vld.idx.msk [tilespmem:v57+s25+$0x0], $0xffff;
	v5 =	vadd.f32 v10, v5  }
0x1e5: {  	v10 =	vld.idx.msk [tilespmem:v59+s28+$0x0], $0xffff  }
0x1e6: {  	v62 =	vld.idx.msk [tilespmem:v60+s25+$0x0], $0xffff;
	v16 =	vmul.f32 v61, v16;
	v5 =	vadd.f32 v14, v5  }
0x1e7: {  	v63 =	vld.idx.msk [tilespmem:v3+s28+$0x0], $0xffff  }
0x1e8: {  	v8 =	vmul.f32 v8, v11;
	v5 =	vadd.f32 v16, v5;
	_ =	sdelay $0x1  }
0x1e9: {  	v10 =	vmul.f32 v10, v12;
	v5 =	vadd.f32 v8, v5;
	_ =	sdelay $0x1  }
0x1ea: {  	v8 =	vmul.f32 v63, v62;
	v5 =	vadd.f32 v10, v5;
	_ =	sdelay $0x1  }
0x1eb: {  	v5 =	vadd.f32 v8, v5;
	_ =	sdelay $0x1  }
0x1ec: {  	v5 =	vmul.f32 $1.442695020e+00, v5;
	_ =	sdelay $0x1  }
0x1ed: {  	(erf) = vpow2.f32 v5;
	_ =	sdelay $0x4  }
0x1ee: {  	v4 =	vand.u32 v1, v4  }
0x1ef: {  	v8 =	vor.u32 $0x10, v2;
	_ =	sdelay $0x2  }
0x1f0: {  	v5 =	vpop (erf)  }
0x1f1: {  	[tilespmem:v4+s2+$0x0] =	vst.idx.msk $0xffff, v5  }
0x1f2: {  	v4 =	vld.idx.msk [tilespmem:v8+s25+$0x0], $0xffff;
	_ =	sdelay $0x2  }
0x1f3: {  	v8 =	vor.u32 $0x11, v2;
	_ =	sdelay $0x1  }
0x1f4: {  	v4 =	vmul.f32 v5, v4;
	_ =	sdelay $0x1  }
0x1f5: {  	[tilespmem:v6+s26+$0x0] =	vst.idx.msk $0xffff, v4  }
0x1f6: {  	v4 =	vld.idx.msk [tilespmem:v8+s25+$0x0], $0xffff;
	_ =	sdelay $0x2  }
0x1f7: {  	v6 =	vor.u32 $0x12, v2;
	_ =	sdelay $0x1  }
0x1f8: {  	v4 =	vmul.f32 v4, v5;
	_ =	sdelay $0x1  }
0x1f9: {  	[tilespmem:v7+s26+$0x0] =	vst.idx.msk $0xffff, v4  }
0x1fa: {  	v4 =	vld.idx.msk [tilespmem:v6+s25+$0x0], $0xffff;
	_ =	sdelay $0x2  }
0x1fb: {  	v6 =	vor.u32 $0x13, v2;
	_ =	sdelay $0x1  }
0x1fc: {  	v4 =	vmul.f32 v4, v5;
	_ =	sdelay $0x1  }
0x1fd: {  	[tilespmem:v9+s26+$0x0] =	vst.idx.msk $0xffff, v4  }
0x1fe: {  	v4 =	vld.idx.msk [tilespmem:v6+s25+$0x0], $0xffff;
	_ =	sdelay $0x2  }
0x1ff: {  	v6 =	vor.u32 $0x14, v2;
	_ =	sdelay $0x1  }
0x200: {  	v4 =	vmul.f32 v4, v5;
	_ =	sdelay $0x1  }
0x201: {  	[tilespmem:v13+s26+$0x0] =	vst.idx.msk $0xffff, v4  }
0x202: {  	v4 =	vld.idx.msk [tilespmem:v6+s25+$0x0], $0xffff;
	_ =	sdelay $0x2  }
0x203: {  	v6 =	vor.u32 $0x15, v2;
	_ =	sdelay $0x1  }
0x204: {  	v4 =	vmul.f32 v4, v5;
	_ =	sdelay $0x1  }
0x205: {  	[tilespmem:v34+s26+$0x0] =	vst.idx.msk $0xffff, v4  }
0x206: {  	v4 =	vld.idx.msk [tilespmem:v6+s25+$0x0], $0xffff;
	_ =	sdelay $0x2  }
0x207: {  	v6 =	vor.u32 $0x16, v2;
	_ =	sdelay $0x1  }
0x208: {  	v4 =	vmul.f32 v4, v5;
	_ =	sdelay $0x1  }
0x209: {  	[tilespmem:v37+s26+$0x0] =	vst.idx.msk $0xffff, v4  }
0x20a: {  	v4 =	vld.idx.msk [tilespmem:v6+s25+$0x0], $0xffff;
	_ =	sdelay $0x2  }
0x20b: {  	v6 =	vor.u32 $0x17, v2;
	_ =	sdelay $0x1  }
0x20c: {  	v4 =	vmul.f32 v4, v5;
	_ =	sdelay $0x1  }
0x20d: {  	[tilespmem:v39+s26+$0x0] =	vst.idx.msk $0xffff, v4  }
0x20e: {  	v4 =	vld.idx.msk [tilespmem:v6+s25+$0x0], $0xffff;
	_ =	sdelay $0x2  }
0x20f: {  	v6 =	vor.u32 $0x18, v2;
	_ =	sdelay $0x1  }
0x210: {  	v4 =	vmul.f32 v4, v5;
	_ =	sdelay $0x1  }
0x211: {  	[tilespmem:v42+s26+$0x0] =	vst.idx.msk $0xffff, v4  }
0x212: {  	v4 =	vld.idx.msk [tilespmem:v6+s25+$0x0], $0xffff;
	_ =	sdelay $0x2  }
0x213: {  	v6 =	vor.u32 $0x19, v2;
	_ =	sdelay $0x1  }
0x214: {  	v4 =	vmul.f32 v4, v5;
	_ =	sdelay $0x1  }
0x215: {  	[tilespmem:v44+s26+$0x0] =	vst.idx.msk $0xffff, v4  }
0x216: {  	v4 =	vld.idx.msk [tilespmem:v6+s25+$0x0], $0xffff;
	_ =	sdelay $0x2  }
0x217: {  	v6 =	vor.u32 $0x1A, v2;
	_ =	sdelay $0x1  }
0x218: {  	v4 =	vmul.f32 v4, v5;
	_ =	sdelay $0x1  }
0x219: {  	[tilespmem:v46+s26+$0x0] =	vst.idx.msk $0xffff, v4  }
0x21a: {  	v4 =	vld.idx.msk [tilespmem:v6+s25+$0x0], $0xffff;
	_ =	sdelay $0x2  }
0x21b: {  	v6 =	vor.u32 $0x1B, v2;
	_ =	sdelay $0x1  }
0x21c: {  	v4 =	vmul.f32 v4, v5;
	_ =	sdelay $0x1  }
0x21d: {  	[tilespmem:v48+s26+$0x0] =	vst.idx.msk $0xffff, v4  }
0x21e: {  	v4 =	vld.idx.msk [tilespmem:v6+s25+$0x0], $0xffff;
	_ =	sdelay $0x2  }
0x21f: {  	v6 =	vor.u32 $0x1C, v2;
	_ =	sdelay $0x1  }
0x220: {  	v4 =	vmul.f32 v4, v5;
	_ =	sdelay $0x1  }
0x221: {  	[tilespmem:v51+s26+$0x0] =	vst.idx.msk $0xffff, v4  }
0x222: {  	v4 =	vld.idx.msk [tilespmem:v6+s25+$0x0], $0xffff;
	_ =	sdelay $0x2  }
0x223: {  	v6 =	vor.u32 $0x1D, v2;
	_ =	sdelay $0x1  }
0x224: {  	v4 =	vmul.f32 v4, v5;
	_ =	sdelay $0x1  }
0x225: {  	[tilespmem:v54+s26+$0x0] =	vst.idx.msk $0xffff, v4  }
0x226: {  	v4 =	vld.idx.msk [tilespmem:v6+s25+$0x0], $0xffff;
	_ =	sdelay $0x2  }
0x227: {  	v6 =	vor.u32 $0x1E, v2;
	_ =	sdelay $0x1  }
0x228: {  	v4 =	vmul.f32 v4, v5;
	_ =	sdelay $0x1  }
0x229: {  	[tilespmem:v56+s26+$0x0] =	vst.idx.msk $0xffff, v4  }
0x22a: {  	v4 =	vld.idx.msk [tilespmem:v6+s25+$0x0], $0xffff;
	_ =	sdelay $0x2  }
0x22b: {  	v8 =	vor.u32 $0x1F, v2;
	_ =	sdelay $0x1  }
0x22c: {  	v2 =	vmul.f32 v4, v5;
	_ =	sdelay $0x1  }
0x22d: {  	[tilespmem:v59+s26+$0x0] =	vst.idx.msk $0xffff, v2  }
0x22e: {  	v10 =	vld.idx.msk [tilespmem:v8+s25+$0x0], $0xffff  }
0x22f: {  	s20 =	simm.s32 $0x10  }
0x230: {  	v7 =	vor.u32 s20, v0  }
0x231: {  	v6 =	vshll.u32 v7, $0x4;
	v2 =	vshll.u32 v7, $0x5  }
0x232: {  	s16 =	simm.s32 $0x20;
	v4 =	vor.u32 $0x1, v6;
	v8 =	vor.u32 $0x1, v2;
	v9 =	vor.u32 $0x2, v2  }
.LBB2_5:
0x233: {  	p0 =	sne.s32 s16, $0x70;
	v11 =	vor.u32 $0x3, v2;
	v12 =	vor.u32 $0x4, v2;
	v5 =	vmul.f32 v10, v5;
	s17 =	smov.u32 s16;
	s16 =	sadd.s32 $0x10, s16  }
0x234: {  	v10 =	vor.u32 $0x5, v2;
	v13 =	vor.u32 $0x6, v2;
	v21 =	vor.u32 $0x7, v2  }
0x235: {  	v22 =	vor.u32 $0x8, v2;
	v23 =	vor.u32 $0x9, v2;
	v24 =	vor.u32 $0xA, v2;
	[tilespmem:v3+s26+$0x0] =	vst.idx.msk $0xffff, v5  }
0x236: {  	v20 =	vor.u32 $0x2, v6;
	v25 =	vor.u32 $0xC, v2;
	v5 =	vor.u32 $0xB, v2;
	v3 =	vld.idx.msk [tilespmem:v2+s25+$0x0], $0xffff  }
0x237: {  	v26 =	vor.u32 $0xD, v2;
	v27 =	vor.u32 $0xE, v2;
	v28 =	vor.u32 $0xF, v2;
	v14 =	vld.idx.msk [tilespmem:v4+s28+$0x0], $0xffff  }
0x238: {  	v19 =	vor.u32 $0x3, v6;
	v15 =	vld.idx.msk [tilespmem:v6+s28+$0x0], $0xffff  }
0x239: {  	v8 =	vld.idx.msk [tilespmem:v8+s25+$0x0], $0xffff  }
0x23a: {  	v18 =	vor.u32 $0x4, v6;
	v9 =	vld.idx.msk [tilespmem:v9+s25+$0x0], $0xffff  }
0x23b: {  	v29 =	vld.idx.msk [tilespmem:v20+s28+$0x0], $0xffff  }
0x23c: {  	v17 =	vor.u32 $0x5, v6;
	v11 =	vld.idx.msk [tilespmem:v11+s25+$0x0], $0xffff  }
0x23d: {  	v30 =	vld.idx.msk [tilespmem:v19+s28+$0x0], $0xffff  }
0x23e: {  	v16 =	vor.u32 $0x6, v6;
	v3 =	vmul.f32 v15, v3;
	v12 =	vld.idx.msk [tilespmem:v12+s25+$0x0], $0xffff  }
0x23f: {  	v8 =	vmul.f32 v14, v8;
	v31 =	vld.idx.msk [tilespmem:v18+s28+$0x0], $0xffff  }
0x240: {  	v15 =	vor.u32 $0x7, v6;
	v3 =	vadd.f32 $0.0e+00, v3;
	v10 =	vld.idx.msk [tilespmem:v10+s25+$0x0], $0xffff  }
0x241: {  	v9 =	vmul.f32 v29, v9;
	v29 =	vld.idx.msk [tilespmem:v17+s28+$0x0], $0xffff  }
0x242: {  	v14 =	vor.u32 $0x8, v6;
	v3 =	vadd.f32 v8, v3;
	v8 =	vld.idx.msk [tilespmem:v13+s25+$0x0], $0xffff  }
0x243: {  	v11 =	vmul.f32 v30, v11;
	v30 =	vld.idx.msk [tilespmem:v16+s28+$0x0], $0xffff  }
0x244: {  	v13 =	vor.u32 $0x9, v6;
	v3 =	vadd.f32 v9, v3;
	v9 =	vld.idx.msk [tilespmem:v21+s25+$0x0], $0xffff  }
0x245: {  	v21 =	vmul.f32 v31, v12;
	v31 =	vld.idx.msk [tilespmem:v15+s28+$0x0], $0xffff  }
0x246: {  	v12 =	vor.u32 $0xA, v6;
	v3 =	vadd.f32 v11, v3;
	v22 =	vld.idx.msk [tilespmem:v22+s25+$0x0], $0xffff  }
0x247: {  	v10 =	vmul.f32 v29, v10;
	v29 =	vld.idx.msk [tilespmem:v14+s28+$0x0], $0xffff  }
0x248: {  	v11 =	vor.u32 $0xB, v6;
	v3 =	vadd.f32 v21, v3;
	v21 =	vld.idx.msk [tilespmem:v23+s25+$0x0], $0xffff  }
0x249: {  	v8 =	vmul.f32 v30, v8;
	v23 =	vld.idx.msk [tilespmem:v13+s28+$0x0], $0xffff  }
0x24a: {  	v3 =	vadd.f32 v10, v3;
	v10 =	vor.u32 $0xC, v6;
	v24 =	vld.idx.msk [tilespmem:v24+s25+$0x0], $0xffff  }
0x24b: {  	v30 =	vmul.f32 v31, v9;
	v31 =	vld.idx.msk [tilespmem:v12+s28+$0x0], $0xffff  }
0x24c: {  	v9 =	vor.u32 $0xD, v6;
	v3 =	vadd.f32 v8, v3;
	v5 =	vld.idx.msk [tilespmem:v5+s25+$0x0], $0xffff  }
0x24d: {  	v22 =	vmul.f32 v29, v22;
	v29 =	vld.idx.msk [tilespmem:v11+s28+$0x0], $0xffff  }
0x24e: {  	v8 =	vor.u32 $0xE, v6;
	v3 =	vadd.f32 v30, v3;
	v25 =	vld.idx.msk [tilespmem:v25+s25+$0x0], $0xffff  }
0x24f: {  	v21 =	vmul.f32 v23, v21;
	v23 =	vld.idx.msk [tilespmem:v10+s28+$0x0], $0xffff  }
0x250: {  	v22 =	vadd.f32 v22, v3;
	v3 =	vor.u32 $0xF, v6;
	v26 =	vld.idx.msk [tilespmem:v26+s25+$0x0], $0xffff  }
0x251: {  	v24 =	vmul.f32 v31, v24;
	v30 =	vld.idx.msk [tilespmem:v9+s28+$0x0], $0xffff  }
0x252: {  	v21 =	vadd.f32 v21, v22;
	v22 =	vld.idx.msk [tilespmem:v27+s25+$0x0], $0xffff  }
0x253: {  	v5 =	vmul.f32 v29, v5;
	v27 =	vld.idx.msk [tilespmem:v8+s28+$0x0], $0xffff  }
0x254: {  	v21 =	vadd.f32 v24, v21;
	v24 =	vld.idx.msk [tilespmem:v28+s25+$0x0], $0xffff  }
0x255: {  	v23 =	vmul.f32 v23, v25;
	v25 =	vld.idx.msk [tilespmem:v3+s28+$0x0], $0xffff  }
0x256: {  	v5 =	vadd.f32 v5, v21  }
0x257: {  	v21 =	vmul.f32 v30, v26  }
0x258: {  	v5 =	vadd.f32 v23, v5  }
0x259: {  	v22 =	vmul.f32 v27, v22  }
0x25a: {  	v5 =	vadd.f32 v21, v5  }
0x25b: {  	v21 =	vmul.f32 v25, v24  }
0x25c: {  	v5 =	vadd.f32 v22, v5;
	_ =	sdelay $0x1  }
0x25d: {  	v5 =	vadd.f32 v21, v5;
	_ =	sdelay $0x1  }
0x25e: {  	v5 =	vmul.f32 $1.442695020e+00, v5;
	_ =	sdelay $0x1  }
0x25f: {  	(erf) = vpow2.f32 v5;
	_ =	sdelay $0x3  }
0x260: {  	v7 =	vand.u32 v1, v7  }
0x261: {  	v21 =	vor.u32 $0x10, v2;
	_ =	sdelay $0x3  }
0x262: {  	v5 =	vpop (erf)  }
0x263: {  	[tilespmem:v7+s2+$0x0] =	vst.idx.msk $0xffff, v5  }
0x264: {  	v7 =	vld.idx.msk [tilespmem:v21+s25+$0x0], $0xffff;
	_ =	sdelay $0x2  }
0x265: {  	v21 =	vor.u32 $0x11, v2;
	_ =	sdelay $0x2  }
0x266: {  	v7 =	vmul.f32 v5, v7;
	_ =	sdelay $0x1  }
0x267: {  	[tilespmem:v6+s26+$0x0] =	vst.idx.msk $0xffff, v7  }
0x268: {  	v6 =	vld.idx.msk [tilespmem:v21+s25+$0x0], $0xffff;
	_ =	sdelay $0x2  }
0x269: {  	v7 =	vor.u32 $0x12, v2;
	_ =	sdelay $0x2  }
0x26a: {  	v6 =	vmul.f32 v6, v5;
	_ =	sdelay $0x1  }
0x26b: {  	[tilespmem:v4+s26+$0x0] =	vst.idx.msk $0xffff, v6  }
0x26c: {  	v4 =	vld.idx.msk [tilespmem:v7+s25+$0x0], $0xffff;
	_ =	sdelay $0x2  }
0x26d: {  	v6 =	vor.u32 $0x13, v2;
	_ =	sdelay $0x2  }
0x26e: {  	v4 =	vmul.f32 v4, v5;
	_ =	sdelay $0x1  }
0x26f: {  	[tilespmem:v20+s26+$0x0] =	vst.idx.msk $0xffff, v4  }
0x270: {  	v4 =	vld.idx.msk [tilespmem:v6+s25+$0x0], $0xffff;
	_ =	sdelay $0x2  }
0x271: {  	v6 =	vor.u32 $0x14, v2;
	_ =	sdelay $0x2  }
0x272: {  	v4 =	vmul.f32 v4, v5;
	_ =	sdelay $0x1  }
0x273: {  	[tilespmem:v19+s26+$0x0] =	vst.idx.msk $0xffff, v4  }
0x274: {  	v4 =	vld.idx.msk [tilespmem:v6+s25+$0x0], $0xffff;
	_ =	sdelay $0x2  }
0x275: {  	v6 =	vor.u32 $0x15, v2;
	_ =	sdelay $0x2  }
0x276: {  	v4 =	vmul.f32 v4, v5;
	_ =	sdelay $0x1  }
0x277: {  	[tilespmem:v18+s26+$0x0] =	vst.idx.msk $0xffff, v4  }
0x278: {  	v4 =	vld.idx.msk [tilespmem:v6+s25+$0x0], $0xffff;
	_ =	sdelay $0x2  }
0x279: {  	v6 =	vor.u32 $0x16, v2;
	_ =	sdelay $0x2  }
0x27a: {  	v4 =	vmul.f32 v4, v5;
	_ =	sdelay $0x1  }
0x27b: {  	[tilespmem:v17+s26+$0x0] =	vst.idx.msk $0xffff, v4  }
0x27c: {  	v4 =	vld.idx.msk [tilespmem:v6+s25+$0x0], $0xffff;
	_ =	sdelay $0x2  }
0x27d: {  	v6 =	vor.u32 $0x17, v2;
	_ =	sdelay $0x2  }
0x27e: {  	v4 =	vmul.f32 v4, v5;
	_ =	sdelay $0x1  }
0x27f: {  	[tilespmem:v16+s26+$0x0] =	vst.idx.msk $0xffff, v4  }
0x280: {  	v4 =	vld.idx.msk [tilespmem:v6+s25+$0x0], $0xffff;
	_ =	sdelay $0x2  }
0x281: {  	v6 =	vor.u32 $0x18, v2;
	_ =	sdelay $0x2  }
0x282: {  	v4 =	vmul.f32 v4, v5;
	_ =	sdelay $0x1  }
0x283: {  	[tilespmem:v15+s26+$0x0] =	vst.idx.msk $0xffff, v4  }
0x284: {  	v4 =	vld.idx.msk [tilespmem:v6+s25+$0x0], $0xffff;
	_ =	sdelay $0x2  }
0x285: {  	v6 =	vor.u32 $0x19, v2;
	_ =	sdelay $0x2  }
0x286: {  	v4 =	vmul.f32 v4, v5;
	_ =	sdelay $0x1  }
0x287: {  	[tilespmem:v14+s26+$0x0] =	vst.idx.msk $0xffff, v4  }
0x288: {  	v4 =	vld.idx.msk [tilespmem:v6+s25+$0x0], $0xffff;
	_ =	sdelay $0x2  }
0x289: {  	v6 =	vor.u32 $0x1A, v2;
	_ =	sdelay $0x2  }
0x28a: {  	v4 =	vmul.f32 v4, v5;
	_ =	sdelay $0x1  }
0x28b: {  	[tilespmem:v13+s26+$0x0] =	vst.idx.msk $0xffff, v4  }
0x28c: {  	v4 =	vld.idx.msk [tilespmem:v6+s25+$0x0], $0xffff;
	_ =	sdelay $0x2  }
0x28d: {  	v6 =	vor.u32 $0x1B, v2;
	_ =	sdelay $0x2  }
0x28e: {  	v4 =	vmul.f32 v4, v5;
	_ =	sdelay $0x1  }
0x28f: {  	[tilespmem:v12+s26+$0x0] =	vst.idx.msk $0xffff, v4  }
0x290: {  	v4 =	vld.idx.msk [tilespmem:v6+s25+$0x0], $0xffff;
	_ =	sdelay $0x2  }
0x291: {  	v6 =	vor.u32 $0x1C, v2;
	_ =	sdelay $0x2  }
0x292: {  	v4 =	vmul.f32 v4, v5;
	_ =	sdelay $0x1  }
0x293: {  	[tilespmem:v11+s26+$0x0] =	vst.idx.msk $0xffff, v4  }
0x294: {  	v4 =	vld.idx.msk [tilespmem:v6+s25+$0x0], $0xffff;
	_ =	sdelay $0x2  }
0x295: {  	v6 =	vor.u32 $0x1D, v2;
	_ =	sdelay $0x2  }
0x296: {  	v4 =	vmul.f32 v4, v5;
	_ =	sdelay $0x1  }
0x297: {  	[tilespmem:v10+s26+$0x0] =	vst.idx.msk $0xffff, v4  }
0x298: {  	v4 =	vld.idx.msk [tilespmem:v6+s25+$0x0], $0xffff;
	_ =	sdelay $0x2  }
0x299: {  	v6 =	vor.u32 $0x1E, v2;
	_ =	sdelay $0x2  }
0x29a: {  	v4 =	vmul.f32 v4, v5;
	_ =	sdelay $0x1  }
0x29b: {  	[tilespmem:v9+s26+$0x0] =	vst.idx.msk $0xffff, v4  }
0x29c: {  	v4 =	vld.idx.msk [tilespmem:v6+s25+$0x0], $0xffff;
	_ =	sdelay $0x2  }
0x29d: {  	v2 =	vor.u32 $0x1F, v2;
	_ =	sdelay $0x2  }
0x29e: {  	v4 =	vmul.f32 v4, v5;
	_ =	sdelay $0x1  }
0x29f: {  	[tilespmem:v8+s26+$0x0] =	vst.idx.msk $0xffff, v4  }
0x2a0: {  	v10 =	vld.idx.msk [tilespmem:v2+s25+$0x0], $0xffff  }
.Ltmp3:
0x2a1: {  	(pc) =	sbr.rel @p0 .LBB2_5-.Ltmp3, $4  }
0x2a2: {  	_ = 	snop  }
0x2a3: {  	v7 =	vor.u32 s17, v0  }
0x2a4: {  	v6 =	vshll.u32 v7, $0x4;
	v2 =	vshll.u32 v7, $0x5  }
0x2a5: {  	v4 =	vor.u32 $0x1, v6;
	v8 =	vor.u32 $0x1, v2;
	v9 =	vor.u32 $0x2, v2  }
0x2a6: {  	_ =	sdelay $0x1  }
0x2a7: {  	v5 =	vmul.f32 v10, v5;
	_ =	sdelay $0x1  }
0x2a8: {  	[tilespmem:v3+s26+$0x0] =	vst.idx.msk $0xffff, v5  }
0x2a9: {  	v63 =	vor.u32 $0x2, v6;
	v3 =	vld.idx.msk [tilespmem:v2+s25+$0x0], $0xffff  }
0x2aa: {  	v26 =	vor.u32 $0x3, v2;
	v11 =	vld.idx.msk [tilespmem:v6+s28+$0x0], $0xffff  }
0x2ab: {  	v13 =	vor.u32 $0x3, v6;
	v12 =	vld.idx.msk [tilespmem:v4+s28+$0x0], $0xffff  }
0x2ac: {  	v14 =	vor.u32 $0x4, v2;
	v8 =	vld.idx.msk [tilespmem:v8+s25+$0x0], $0xffff  }
0x2ad: {  	v15 =	vor.u32 $0x4, v6;
	v9 =	vld.idx.msk [tilespmem:v9+s25+$0x0], $0xffff  }
0x2ae: {  	v16 =	vor.u32 $0x5, v2;
	v17 =	vld.idx.msk [tilespmem:v63+s28+$0x0], $0xffff  }
0x2af: {  	v18 =	vor.u32 $0x5, v6;
	v10 =	vld.idx.msk [tilespmem:v26+s25+$0x0], $0xffff;
	v3 =	vmul.f32 v11, v3  }
0x2b0: {  	v20 =	vor.u32 $0x6, v6;
	v19 =	vld.idx.msk [tilespmem:v13+s28+$0x0], $0xffff  }
0x2b1: {  	v27 =	vor.u32 $0x6, v2;
	v14 =	vld.idx.msk [tilespmem:v14+s25+$0x0], $0xffff;
	v8 =	vmul.f32 v12, v8;
	v3 =	vadd.f32 $0.0e+00, v3  }
0x2b2: {  	v22 =	vor.u32 $0x7, v6;
	v21 =	vld.idx.msk [tilespmem:v15+s28+$0x0], $0xffff  }
0x2b3: {  	v28 =	vor.u32 $0x7, v2;
	v16 =	vld.idx.msk [tilespmem:v16+s25+$0x0], $0xffff;
	v9 =	vmul.f32 v17, v9;
	v3 =	vadd.f32 v8, v3  }
0x2b4: {  	v23 =	vor.u32 $0x8, v6;
	v30 =	vld.idx.msk [tilespmem:v18+s28+$0x0], $0xffff  }
0x2b5: {  	v29 =	vor.u32 $0x8, v2;
	v32 =	vld.idx.msk [tilespmem:v20+s28+$0x0], $0xffff;
	v10 =	vmul.f32 v19, v10;
	v3 =	vadd.f32 v9, v3  }
0x2b6: {  	v24 =	vor.u32 $0x9, v6;
	v11 =	vld.idx.msk [tilespmem:v27+s25+$0x0], $0xffff  }
0x2b7: {  	v31 =	vor.u32 $0x9, v2;
	v34 =	vld.idx.msk [tilespmem:v22+s28+$0x0], $0xffff;
	v14 =	vmul.f32 v21, v14;
	v3 =	vadd.f32 v10, v3  }
0x2b8: {  	v25 =	vor.u32 $0xA, v6;
	v12 =	vld.idx.msk [tilespmem:v28+s25+$0x0], $0xffff  }
0x2b9: {  	v33 =	vor.u32 $0xA, v2;
	v36 =	vld.idx.msk [tilespmem:v23+s28+$0x0], $0xffff;
	v16 =	vmul.f32 v30, v16;
	v3 =	vadd.f32 v14, v3  }
0x2ba: {  	v26 =	vor.u32 $0xB, v6;
	v8 =	vld.idx.msk [tilespmem:v29+s25+$0x0], $0xffff  }
0x2bb: {  	v35 =	vor.u32 $0xB, v2;
	v38 =	vld.idx.msk [tilespmem:v24+s28+$0x0], $0xffff;
	v11 =	vmul.f32 v32, v11;
	v3 =	vadd.f32 v16, v3  }
0x2bc: {  	v27 =	vor.u32 $0xC, v6;
	v9 =	vld.idx.msk [tilespmem:v31+s25+$0x0], $0xffff  }
0x2bd: {  	v37 =	vor.u32 $0xC, v2;
	v40 =	vld.idx.msk [tilespmem:v25+s28+$0x0], $0xffff;
	v12 =	vmul.f32 v34, v12;
	v3 =	vadd.f32 v11, v3  }
0x2be: {  	v28 =	vor.u32 $0xD, v6;
	v10 =	vld.idx.msk [tilespmem:v33+s25+$0x0], $0xffff  }
0x2bf: {  	v39 =	vor.u32 $0xD, v2;
	v42 =	vld.idx.msk [tilespmem:v26+s28+$0x0], $0xffff;
	v8 =	vmul.f32 v36, v8;
	v3 =	vadd.f32 v12, v3  }
0x2c0: {  	v29 =	vor.u32 $0xE, v6;
	v14 =	vld.idx.msk [tilespmem:v35+s25+$0x0], $0xffff  }
0x2c1: {  	v41 =	vor.u32 $0xE, v2;
	v44 =	vld.idx.msk [tilespmem:v27+s28+$0x0], $0xffff;
	v9 =	vmul.f32 v38, v9;
	v3 =	vadd.f32 v8, v3  }
0x2c2: {  	v30 =	vor.u32 $0xF, v6;
	v16 =	vld.idx.msk [tilespmem:v37+s25+$0x0], $0xffff  }
0x2c3: {  	v43 =	vor.u32 $0xF, v2;
	v45 =	vld.idx.msk [tilespmem:v28+s28+$0x0], $0xffff;
	v10 =	vmul.f32 v40, v10;
	v3 =	vadd.f32 v9, v3  }
0x2c4: {  	v11 =	vld.idx.msk [tilespmem:v39+s25+$0x0], $0xffff  }
0x2c5: {  	v46 =	vld.idx.msk [tilespmem:v29+s28+$0x0], $0xffff;
	v14 =	vmul.f32 v42, v14;
	v3 =	vadd.f32 v10, v3  }
0x2c6: {  	v12 =	vld.idx.msk [tilespmem:v41+s25+$0x0], $0xffff  }
0x2c7: {  	v47 =	vld.idx.msk [tilespmem:v30+s28+$0x0], $0xffff;
	v16 =	vmul.f32 v44, v16;
	v3 =	vadd.f32 v14, v3  }
0x2c8: {  	v8 =	vld.idx.msk [tilespmem:v43+s25+$0x0], $0xffff  }
0x2c9: {  	v9 =	vmul.f32 v45, v11;
	v3 =	vadd.f32 v16, v3;
	_ =	sdelay $0x1  }
0x2ca: {  	v10 =	vmul.f32 v46, v12;
	v3 =	vadd.f32 v9, v3;
	_ =	sdelay $0x1  }
0x2cb: {  	v8 =	vmul.f32 v47, v8;
	v3 =	vadd.f32 v10, v3;
	_ =	sdelay $0x1  }
0x2cc: {  	v3 =	vadd.f32 v8, v3;
	_ =	sdelay $0x1  }
0x2cd: {  	v3 =	vmul.f32 $1.442695020e+00, v3;
	_ =	sdelay $0x1  }
0x2ce: {  	(erf) = vpow2.f32 v3;
	_ =	sdelay $0x4  }
0x2cf: {  	v3 =	vand.u32 v1, v7  }
0x2d0: {  	v48 =	vor.u32 $0x10, v2;
	_ =	sdelay $0x2  }
0x2d1: {  	v49 =	vpop (erf)  }
0x2d2: {  	[tilespmem:v3+s2+$0x0] =	vst.idx.msk $0xffff, v49  }
0x2d3: {  	v3 =	vld.idx.msk [tilespmem:v48+s25+$0x0], $0xffff;
	_ =	sdelay $0x2  }
0x2d4: {  	v50 =	vor.u32 $0x11, v2;
	_ =	sdelay $0x1  }
0x2d5: {  	v3 =	vmul.f32 v49, v3;
	_ =	sdelay $0x1  }
0x2d6: {  	[tilespmem:v6+s26+$0x0] =	vst.idx.msk $0xffff, v3  }
0x2d7: {  	v3 =	vld.idx.msk [tilespmem:v50+s25+$0x0], $0xffff;
	_ =	sdelay $0x2  }
0x2d8: {  	v51 =	vor.u32 $0x12, v2;
	_ =	sdelay $0x1  }
0x2d9: {  	v3 =	vmul.f32 v3, v49;
	_ =	sdelay $0x1  }
0x2da: {  	[tilespmem:v4+s26+$0x0] =	vst.idx.msk $0xffff, v3  }
0x2db: {  	v3 =	vld.idx.msk [tilespmem:v51+s25+$0x0], $0xffff;
	_ =	sdelay $0x2  }
0x2dc: {  	v52 =	vor.u32 $0x13, v2;
	_ =	sdelay $0x1  }
0x2dd: {  	v3 =	vmul.f32 v3, v49;
	_ =	sdelay $0x1  }
0x2de: {  	[tilespmem:v63+s26+$0x0] =	vst.idx.msk $0xffff, v3  }
0x2df: {  	v3 =	vld.idx.msk [tilespmem:v52+s25+$0x0], $0xffff;
	_ =	sdelay $0x2  }
0x2e0: {  	v53 =	vor.u32 $0x14, v2;
	_ =	sdelay $0x1  }
0x2e1: {  	v3 =	vmul.f32 v3, v49;
	_ =	sdelay $0x1  }
0x2e2: {  	[tilespmem:v13+s26+$0x0] =	vst.idx.msk $0xffff, v3  }
0x2e3: {  	v3 =	vld.idx.msk [tilespmem:v53+s25+$0x0], $0xffff;
	_ =	sdelay $0x2  }
0x2e4: {  	v54 =	vor.u32 $0x15, v2;
	_ =	sdelay $0x1  }
0x2e5: {  	v3 =	vmul.f32 v3, v49;
	_ =	sdelay $0x1  }
0x2e6: {  	[tilespmem:v15+s26+$0x0] =	vst.idx.msk $0xffff, v3  }
0x2e7: {  	v3 =	vld.idx.msk [tilespmem:v54+s25+$0x0], $0xffff;
	_ =	sdelay $0x2  }
0x2e8: {  	v55 =	vor.u32 $0x16, v2;
	_ =	sdelay $0x1  }
0x2e9: {  	v3 =	vmul.f32 v3, v49;
	_ =	sdelay $0x1  }
0x2ea: {  	[tilespmem:v18+s26+$0x0] =	vst.idx.msk $0xffff, v3  }
0x2eb: {  	v3 =	vld.idx.msk [tilespmem:v55+s25+$0x0], $0xffff;
	_ =	sdelay $0x2  }
0x2ec: {  	v56 =	vor.u32 $0x17, v2;
	_ =	sdelay $0x1  }
0x2ed: {  	v3 =	vmul.f32 v3, v49;
	_ =	sdelay $0x1  }
0x2ee: {  	[tilespmem:v20+s26+$0x0] =	vst.idx.msk $0xffff, v3  }
0x2ef: {  	v3 =	vld.idx.msk [tilespmem:v56+s25+$0x0], $0xffff;
	_ =	sdelay $0x2  }
0x2f0: {  	v57 =	vor.u32 $0x18, v2;
	_ =	sdelay $0x1  }
0x2f1: {  	v3 =	vmul.f32 v3, v49;
	_ =	sdelay $0x1  }
0x2f2: {  	[tilespmem:v22+s26+$0x0] =	vst.idx.msk $0xffff, v3  }
0x2f3: {  	v3 =	vld.idx.msk [tilespmem:v57+s25+$0x0], $0xffff;
	_ =	sdelay $0x2  }
0x2f4: {  	v58 =	vor.u32 $0x19, v2;
	_ =	sdelay $0x1  }
0x2f5: {  	v3 =	vmul.f32 v3, v49;
	_ =	sdelay $0x1  }
0x2f6: {  	[tilespmem:v23+s26+$0x0] =	vst.idx.msk $0xffff, v3  }
0x2f7: {  	v3 =	vld.idx.msk [tilespmem:v58+s25+$0x0], $0xffff;
	_ =	sdelay $0x2  }
0x2f8: {  	v59 =	vor.u32 $0x1A, v2;
	_ =	sdelay $0x1  }
0x2f9: {  	v3 =	vmul.f32 v3, v49;
	_ =	sdelay $0x1  }
0x2fa: {  	[tilespmem:v24+s26+$0x0] =	vst.idx.msk $0xffff, v3  }
0x2fb: {  	v3 =	vld.idx.msk [tilespmem:v59+s25+$0x0], $0xffff;
	_ =	sdelay $0x2  }
0x2fc: {  	v60 =	vor.u32 $0x1B, v2;
	_ =	sdelay $0x1  }
0x2fd: {  	v3 =	vmul.f32 v3, v49;
	_ =	sdelay $0x1  }
0x2fe: {  	[tilespmem:v25+s26+$0x0] =	vst.idx.msk $0xffff, v3  }
0x2ff: {  	v3 =	vld.idx.msk [tilespmem:v60+s25+$0x0], $0xffff;
	_ =	sdelay $0x2  }
0x300: {  	v61 =	vor.u32 $0x1C, v2;
	_ =	sdelay $0x1  }
0x301: {  	v3 =	vmul.f32 v3, v49;
	_ =	sdelay $0x1  }
0x302: {  	[tilespmem:v26+s26+$0x0] =	vst.idx.msk $0xffff, v3  }
0x303: {  	v3 =	vld.idx.msk [tilespmem:v61+s25+$0x0], $0xffff;
	_ =	sdelay $0x2  }
0x304: {  	v62 =	vor.u32 $0x1D, v2;
	_ =	sdelay $0x1  }
0x305: {  	v3 =	vmul.f32 v3, v49;
	_ =	sdelay $0x1  }
0x306: {  	[tilespmem:v27+s26+$0x0] =	vst.idx.msk $0xffff, v3  }
0x307: {  	v3 =	vld.idx.msk [tilespmem:v62+s25+$0x0], $0xffff;
	_ =	sdelay $0x2  }
0x308: {  	v63 =	vor.u32 $0x1E, v2;
	_ =	sdelay $0x1  }
0x309: {  	v3 =	vmul.f32 v3, v49;
	_ =	sdelay $0x1  }
0x30a: {  	[tilespmem:v28+s26+$0x0] =	vst.idx.msk $0xffff, v3  }
0x30b: {  	v3 =	vld.idx.msk [tilespmem:v63+s25+$0x0], $0xffff;
	_ =	sdelay $0x2  }
0x30c: {  	v2 =	vor.u32 $0x1F, v2;
	_ =	sdelay $0x1  }
0x30d: {  	v3 =	vmul.f32 v3, v49;
	_ =	sdelay $0x1  }
0x30e: {  	[tilespmem:v29+s26+$0x0] =	vst.idx.msk $0xffff, v3  }
0x30f: {  	v2 =	vld.idx.msk [tilespmem:v2+s25+$0x0], $0xffff;
	_ =	sdelay $0x4  }
0x310: {  	v2 =	vmul.f32 v2, v49  }
.Ltmp4:
0x311: {  	_ = 	snop;
	(pc) =	sbr.rel @p1 .LBB2_8-.Ltmp4, $4  }
0x312: {  	s4 =	sadd.s32 $0x880, s15;
	[tilespmem:v30+s26+$0x0] =	vst.idx.msk $0xffff, v2  }
0x313: {  	[spmem:s1] =	stream.indirect.scatter.add.f32 [tilespmem:s26], [sflag:$0x4], $0x10, s4, s22, $0xb8;
	[tilespmem:$0x1F180] =	vst v63  }
0x314: {  	_ = 	snop  }
0x315: {  	[spmem:s3] =	stream.indirect.scatter.add.f32 [tilespmem:s2], [sflag:$0x4], $0x1, s4, s22, $0xb8;
	[tilespmem:$0x1F180] =	vst v63  }
.Ltmp5:
0x316: {  	s4 =	sadd.s32 $0x180, s13;
	(pc) =	sbr.rel .LBB2_2-.Ltmp5, $4  }
0x317: {  	s4 =	sand.u32 $0x780, s4  }
0x318: {  	[tilespmem:s25], [sflag:$0x2] =	stream.indirect.gather [hbm4b:s5+s22], $0x20, s4, s22, $0xb8;
	[tilespmem:$0x1F180] =	vst v63  }
0x319: {  	s12 =	sadd.s32 $0x1, s12;
	s4 =	sor.u32 $0x800, s4  }
0x31a: {  	[tilespmem:s28], [sflag:$0x2] =	stream.indirect.gather [hbm4b:s6+s22], $0x10, s4, s22, $0xb8;
	[tilespmem:$0x1F180] =	vst v63  }
.LBB2_9:
0x31b: {  	_ =	sfence.sel $0x180000  }
0x31c: {  	[bflag:$0x0] =	sbarrier.arrive $0xFFFF  }
0x31d: {  	_ =	strace $0x9000004A  }
0x31e: {  	s0 =	stileid.u32;
	[bflag:$0x2] =	sbarrier.arrive $0xFFFF  }
0x31f: {  	p0 =	sne.s32 s0, $0x0;
	s0 =	rddreg [dreg:$0x4]  }
0x320: {  	s0 =	sadd.s32 @!p0 $0x100000, s0  }
0x321: {  	[sflag:s0] =	ssyncadd.tile.s32 @!p0 $0x1;
	_ =	shalt  }
.Lfunc_end2:
_tile_overlayer_lowered:
.L_overlay_start_2:
0x322: {  	(tag) =	ssettag $0x2  }
0x323: {  	s0 =	rddreg [dreg:$0x0];
	s2 =	stileid.u32  }
0x324: {  	s1 =	rddreg [dreg:$0x1];
	p0 =	sne.s32 s2, $0x0  }
0x325: {  	s3 =	rddreg [dreg:$0x2];
	[bflag:$0x3] =	sbarrier.arrive $0xFFFF;
	s2 =	simm.s32 @!p0 $0x1C05  }
0x326: {  	[timem:s3], [sflag:s2] =	dma.local @!p0 [hbm:s0], s1  }
0x327: {  	s0 =	simm.s32 @!p0 $0x5  }
0x328: {  	_ =	swait.ge @!p0 [sflag:s0], s1  }
0x329: {  	s1 =	ssub.s32 @!p0 $0x0, s1;
	[sflag:s0] =	ssyncset.done @!p0 $0x0  }
0x32a: {  	[sflag:s0] =	ssyncadd.s32 @!p0 s1  }
0x32b: {  	[bflag:$0x3] =	sbarrier.arrive $0xFFFF  }
0x32c: {  	_ =	shalt  }

// kernel: kernel.15.cloned.1.call-start
scs
__scs_entry_jumppad:
0x0: {  	(pc) =	sbr.rel $0x88, $3  }
0x1: {  	(tag) =	ssettag $0x0;
	lr =	simm.s32 $0x1  }
0x2: {  	[smem:$0x3F99] =	sst lr;
	_ =	strace $0xD0000000  }
0x3: {  	_ = 	snop  }
0x4: {  	_ = 	snop  }
0x5: {  	_ = 	snop  }
0x6: {  	_ = 	snop  }
0x7: {  	_ = 	snop  }
__scs_overlays_trampoline_lowered:
0x8: {  	[smem:$0x3FA8] =	sst s0  }
0x9: {  	[smem:$0x3FA9] =	sst s1  }
0xa: {  	[smem:$0x3FAA] =	sst s2  }
0xb: {  	[smem:$0x3FAB] =	sst s3  }
0xc: {  	[smem:$0x3FAC] =	sst s4  }
0xd: {  	[smem:$0x3FAD] =	sst s5  }
0xe: {  	[smem:$0x3FAE] =	sst s6  }
0xf: {  	[smem:$0x3FAF] =	sst s7  }
0x10: {  	[smem:$0x3FB0] =	sst s8  }
0x11: {  	[smem:$0x3FB1] =	sst s9;
	s0 =	simm.s32 @!p0 $0x0  }
0x12: {  	s1 =	sld [smem:$0x3F97];
	s0 =	simm.s32 @p0 $0x1  }
0x13: {  	[smem:$0x3FB2] =	sst s0;
	s0 =	simm.s32 @!p1 $0x0  }
0x14: {  	s2 =	sld [smem:$0x3F96];
	s0 =	simm.s32 @p1 $0x1  }
0x15: {  	[smem:$0x3FB3] =	sst s0;
	s0 =	simm.s32 @!p2 $0x0  }
0x16: {  	s3 =	sld [smem:$0x3FDB];
	s0 =	simm.s32 @p2 $0x1  }
0x17: {  	s4 =	simm.s32 $0x1BF5;
	[smem:$0x3FB5] =	sst s0  }
0x18: {  	s0 =	sld [smem:$0x3F98];
	_ =	swait.ge [sflag:s4], $0x0  }
0x19: {  	s7 =	sld [smem:$0x3F99]  }
0x1a: {  	s8 =	sadd.s32 $0xFFFFE003, lr  }
0x1b: {  	s9 =	sadd.s32 $0xFFFFFEF7, lr;
	s5 =	simm.s32 $0xFFFFFFFF;
	p2 =	slt.u32 s8, $0xFFFFF086  }
0x1c: {  	p1 =	slt.u32 s9, $0xF7A;
	s5 =	simm.s32 @!p2 $0x0  }
0x1d: {  	s5 =	simm.s32 @p1 $0x1;
	p0 =	seq.s32 s7, s2  }
0x1e: {  	s7 =	smul.u32 @!p0 $0xF7A, s2;
	p2 =	seq.s32 @!p0 s5, $0x0  }
0x1f: {  	s9 =	smul.u32 $0xF7A, s1;
	s8 =	simm.s32 @!p0 $0x1BF5;
	p2 =	por !p2, p0  }
0x20: {  	[sflag:s8] =	ssyncset.s32 @!p0 $0xFFFFF086;
	s6 =	sadd.s32 @!p0 s3, s7;
	s7 =	simm.s32 @!p0 $0x108  }
0x21: {  	s3 =	sadd.s32 s3, s9;
	s6 =	sadd.s32 @!p0 $0x88, s6;
	s7 =	simm.s32 @p2 $0x1082  }
0x22: {  	[simem:s7], [sflag:s8] =	dma.local @!p0 [hbm:s6], $0xF7A  }
0x23: {  	s9 =	sor.u32 $0xD0000000, s2;
	s6 =	simm.s32 $0x108;
	_ =	swait.ge @!p0 [sflag:s8], $0x0  }
0x24: {  	s3 =	sadd.s32 $0x88, s3;
	s6 =	simm.s32 @!p1 $0x1082;
	[sflag:s4] =	ssyncset.s32 $0xFFFFF086  }
0x25: {  	[simem:s6], [sflag:s4] =	dma.local [hbm:s3], $0xF7A  }
0x26: {  	[smem:$0x3F99] =	sst s1;
	(tag) =	ssettag s2;
	_ =	strace s9  }
0x27: {  	s1 =	sld [smem:$0x3FA9]  }
0x28: {  	s2 =	sld [smem:$0x3FAA]  }
0x29: {  	s4 =	sld [smem:$0x3FAC]  }
0x2a: {  	p0 =	seq.s32 s5, $0x0;
	s5 =	sld [smem:$0x3FAD]  }
0x2b: {  	s6 =	sld [smem:$0x3FAE]  }
0x2c: {  	s7 =	sld [smem:$0x3FAF]  }
0x2d: {  	s3 =	simm.s32 $0x108;
	s8 =	sld [smem:$0x3FB0]  }
0x2e: {  	s3 =	simm.s32 @!p0 $0x1082;
	s9 =	sld [smem:$0x3FB1]  }
0x2f: {  	lr =	sadd.s32 s0, s3;
	s0 =	sld [smem:$0x3FA8]  }
0x30: {  	s3 =	sld [smem:$0x3FAB]  }
0x31: {  	[smem:$0x3FB4] =	sst s10  }
0x32: {  	s10 =	sld [smem:$0x3FB2];
	_ =	sdelay $0x3  }
0x33: {  	p0 =	seq.s32 s10, $0x1;
	s10 =	sld [smem:$0x3FB4];
	_ =	sdelay $0x3  }
0x34: {  	[smem:$0x3FB4] =	sst s10  }
0x35: {  	s10 =	sld [smem:$0x3FB3];
	_ =	sdelay $0x3  }
0x36: {  	p1 =	seq.s32 s10, $0x1;
	s10 =	sld [smem:$0x3FB4];
	_ =	sdelay $0x3  }
0x37: {  	[smem:$0x3FB4] =	sst s10  }
0x38: {  	s10 =	sld [smem:$0x3FB5]  }
0x39: {  	_ = 	snop;
	(pc) =	sbr.ind lr, $3  }
0x3a: {  	_ = 	snop  }
0x3b: {  	_ = 	snop  }
0x3c: {  	p2 =	seq.s32 s10, $0x1;
	s10 =	sld [smem:$0x3FB4]  }
0x3d: {  	_ =	shalt  }
0x3e: {  	_ =	shalt  }
0x3f: {  	_ =	shalt  }
0x40: {  	_ =	shalt  }
0x41: {  	_ =	shalt  }
0x42: {  	_ =	shalt  }
0x43: {  	_ =	shalt  }
0x44: {  	_ =	shalt  }
0x45: {  	_ =	shalt  }
0x46: {  	_ =	shalt  }
0x47: {  	_ =	shalt  }
0x48: {  	_ =	shalt  }
0x49: {  	_ =	shalt  }
0x4a: {  	_ =	shalt  }
0x4b: {  	_ =	shalt  }
0x4c: {  	_ =	shalt  }
0x4d: {  	_ =	shalt  }
0x4e: {  	_ =	shalt  }
0x4f: {  	_ =	shalt  }
0x50: {  	_ =	shalt  }
0x51: {  	_ =	shalt  }
0x52: {  	_ =	shalt  }
0x53: {  	_ =	shalt  }
0x54: {  	_ =	shalt  }
0x55: {  	_ =	shalt  }
0x56: {  	_ =	shalt  }
0x57: {  	_ =	shalt  }
0x58: {  	_ =	shalt  }
0x59: {  	_ =	shalt  }
0x5a: {  	_ =	shalt  }
0x5b: {  	_ =	shalt  }
0x5c: {  	_ =	shalt  }
0x5d: {  	_ =	shalt  }
0x5e: {  	_ =	shalt  }
0x5f: {  	_ =	shalt  }
0x60: {  	_ =	shalt  }
0x61: {  	_ =	shalt  }
0x62: {  	_ =	shalt  }
0x63: {  	_ =	shalt  }
0x64: {  	_ =	shalt  }
0x65: {  	_ =	shalt  }
0x66: {  	_ =	shalt  }
0x67: {  	_ =	shalt  }
0x68: {  	_ =	shalt  }
0x69: {  	_ =	shalt  }
0x6a: {  	_ =	shalt  }
0x6b: {  	_ =	shalt  }
0x6c: {  	_ =	shalt  }
0x6d: {  	_ =	shalt  }
0x6e: {  	_ =	shalt  }
0x6f: {  	_ =	shalt  }
0x70: {  	_ =	shalt  }
0x71: {  	_ =	shalt  }
0x72: {  	_ =	shalt  }
0x73: {  	_ =	shalt  }
0x74: {  	_ =	shalt  }
0x75: {  	_ =	shalt  }
0x76: {  	_ =	shalt  }
0x77: {  	_ =	shalt  }
0x78: {  	_ =	shalt  }
0x79: {  	_ =	shalt  }
0x7a: {  	_ =	shalt  }
0x7b: {  	_ =	shalt  }
0x7c: {  	_ =	shalt  }
0x7d: {  	_ =	shalt  }
0x7e: {  	_ =	shalt  }
0x7f: {  	_ =	shalt  }
0x80: {  	_ =	shalt  }
0x81: {  	_ =	shalt  }
0x82: {  	_ =	shalt  }
0x83: {  	_ =	shalt  }
0x84: {  	_ =	shalt  }
0x85: {  	_ =	shalt  }
0x86: {  	_ =	shalt  }
0x87: {  	_ =	shalt  }
.Lfunc_end0:
.L_simem_size_0:
called_computation.2_lowered:
.L_overlay_start_0:
0x88: {  	s2 =	sld [smem:$0x3FD9]  }
0x89: {  	s3 =	sld [smem:$0x3FFE];
	_ =	sdelay $0x1  }
0x8a: {  	s1 =	srdreg.scid  }
0x8b: {  	s0 =	sand.u32 $0x1, s1  }
0x8c: {  	s17 =	sshll.u32 s0, $0xA;
	s2 =	sadd.s32 s3, s2  }
0x8d: {  	s2 =	sadd.s32 s2, s17  }
0x8e: {  	[smem:$0x3FC0] =	sst s2  }
0x8f: {  	_ = 	snop  }
0x90: {  	s2 =	sld [smem:$0x3FD0];
	(tm) =	ssettm $0x1  }
0x91: {  	s18 =	sld [smem:$0x3FFB];
	_ =	sdelay $0x3  }
0x92: {  	_ =	strace s18  }
0x93: {  	s3 =	sld [smem:$0x3FFC];
	_ =	sdelay $0x3  }
0x94: {  	_ =	strace s3  }
0x95: {  	s3 =	sld [smem:$0x3FFD];
	_ =	sdelay $0x3  }
0x96: {  	_ =	strace s3  }
0x97: {  	_ =	strace $0x8FFFFFFF  }
0x98: {  	s19 =	sld [smem:$0x3FDB];
	_ =	sdelay $0x1  }
0x99: {  	s4 =	simm.s32 $_scs_section_size  }
0x9a: {  	s5 =	simm.s32 $_size__tile_overlayer_lowered;
	s6 =	simm.s32 $_tile_overlayer_lowered  }
0x9b: {  	s22 =	simm.s32 $0x1BFF;
	s21 =	sshll.u32 s6, $0x1;
	s3 =	sadd.s32 s4, s19  }
0x9c: {  	s7 =	simm.s32 $0x0;
	s20 =	sshll.u32 s5, $0x1;
	s5 =	sadd.s32 s21, s3  }
0x9d: {  	[timem:s7], [sflag:s22] =	dma.local [hbm:s5], s20  }
0x9e: {  	_ =	swait.ge [sflag:s22], s20  }
0x9f: {  	s4 =	ssub.s32 $0x0, s20;
	[sflag:s22] =	ssyncset.done $0x0  }
0xa0: {  	[sflag:s22] =	ssyncadd.s32 s4;
	_ =	sdelay $0x1  }
0xa1: {  	s23 =	simm.s32 $0x1B8B  }
0xa2: {  	_ =	swait.ge [sflag:s23], $0x1  }
0xa3: {  	[sflag:s23] =	ssyncset.done $0x0  }
0xa4: {  	s25 =	simm.s32 $0x1B8E;
	s24 =	sld [smem:$0x3FFE];
	[sflag:s23] =	ssyncadd.s32 $0xFFFFFFFF  }
0xa5: {  	s26 =	simm.s32 $execute0_lowered;
	[smem:$0x3FD2] =	sst s25  }
0xa6: {  	s5 =	sshll.u32 s26, $0x1;
	_ =	strace $0x8000004C;
	[dreg:$0x1] =	wrdreg $0xFFFFFFFF  }
0xa7: {  	s28 =	simm.s32 $_size_execute0_lowered;
	s3 =	sadd.s32 s3, s5;
	[dreg:$0x0] =	wrdreg $0x0  }
0xa8: {  	s5 =	sshll.u32 s28, $0x1;
	[dreg:$0x2] =	wrdreg s3  }
0xa9: {  	[dreg:$0x3] =	wrdreg s5  }
0xaa: {  	[dreg:$0x4] =	wrdreg $0xC0  }
0xab: {  	_ =	task [dreg:s7], $0x5FFFF  }
0xac: {  	[dreg:$0x1] =	wrdreg $0xFFFFFFFF  }
0xad: {  	[dreg:$0x0] =	wrdreg $0x60  }
0xae: {  	[dreg:$0x2] =	wrdreg s24  }
0xaf: {  	[dreg:$0x3] =	wrdreg s2  }
0xb0: {  	[dreg:$0x4] =	wrdreg $0x51000  }
0xb1: {  	[dreg:$0x5] =	wrdreg $0x1D9000  }
0xb2: {  	[dreg:$0x6] =	wrdreg $0x9  }
0xb3: {  	_ =	task.clear_ibuf [dreg:s7], $0x7FFFF;
	_ =	strace $0x9000004C  }
0xb4: {  	s29 =	simm.s32 $0x9;
	_ =	strace $0x8000004E  }
0xb5: {  	_ =	swait.ge [sflag:s29], $0x1  }
0xb6: {  	[sflag:s29] =	ssyncadd.s32 $0xFFFFFFFF  }
0xb7: {  	_ =	strace $0x9000004E  }
0xb8: {  	_ =	sfence  }
0xb9: {  	s30 =	sld [smem:$0x0];
	_ =	sdelay $0x2  }
0xba: {  	s31 =	sshll.u32 s1, $0xD;
	s1 =	sshrl.u32 s1, $0x2  }
0xbb: {  	s3 =	sand.u32 $0x4000, s31;
	s1 =	sadd.s32 s1, s30  }
0xbc: {  	s0 =	sor.u32 s3, s0;
	s1 =	sshll.u32 s1, $0x11  }
0xbd: {  	s0 =	sor.u32 s1, s0  }
0xbe: {  	s0 =	sadd.s32 $0x8F2B, s0  }
0xbf: {  	[sflag:s0] =	ssyncadd.remote.s32 $0x1  }
0xc0: {  	_ =	sfence.sel $0xFFFF  }
0xc1: {  	[dreg:$0x0] =	wrdreg $0xFFFFFFFF;
	(pc) =	sbr.abs _section_cstart, $3  }
0xc2: {  	[dreg:$0x1] =	wrdreg $0xFFFFFFFF  }
0xc3: {  	_ =	task.clear_ibuf [dreg:s7], $0x2FFFF;
	_ =	strace $0x9FFFFFFF  }
0xc4: {  	(tm) =	ssettm $0x7FFFFFFF  }
0xc5: {  	_ =	shalt  }
tec
execute0_lowered:
.L_overlay_start_1:
0x0: {  	(tag) =	ssettag $0x1  }
0x1: {  	s0 =	rddreg [dreg:$0x0]  }
0x2: {  	s2 =	rddreg [dreg:$0x1]  }
0x3: {  	s1 =	rddreg [dreg:$0x2]  }
0x4: {  	s3 =	rddreg [dreg:$0x3];
	s4 =	simm.s32 $0x0;
	s17 =	stileid.u32  }
0x5: {  	s6 =	srdreg.scid;
	s28 =	simm.s32 $0x3800;
	s29 =	simm.s32 $0x1  }
0x6: {  	s30 =	simm.s32 $0x5000;
	s31 =	simm.s32 $0x4000;
	s9 =	smul.u32 $0x18800, s17  }
0x7: {  	[smem:$0x7FF] =	sst s4;
	s5 =	sadd.s32 $0x18FE00, s0;
	s11 =	smul.u32 $0x1880, s17  }
0x8: {  	s10 =	sand.u32 $0x1, s6;
	s6 =	sadd.s32 $0x1C00, s0;
	s7 =	sadd.s32 $0x36E00, s0  }
0x9: {  	s8 =	sadd.s32 $0x98E00, s0;
	s16 =	sshll.u32 s17, $0x1;
	s20 =	sshll.u32 s17, $0x6  }
0xa: {  	_ =	strace $0x8000004D;
	s12 =	smul.u32 $0x188000, s10;
	s15 =	ssub.s32 $0x2, s10  }
0xb: {  	s16 =	sor.u32 s10, s16;
	s17 =	smul.u32 $0x18800, s10;
	s10 =	sor.u32 $0x1C05, s20  }
0xc: {  	s13 =	sshrl.u32 s9, $0x3;
	s14 =	sshrl.u32 s11, $0x3;
	s18 =	sshrl.u32 s15, $0x1  }
0xd: {  	s19 =	smul.u32 $0x3100, s16;
	s21 =	sadd.s32 s11, s3;
	s13 =	sadd.s32 s13, s0  }
0xe: {  	s14 =	sadd.s32 s14, s0;
	s12 =	sadd.s32 s9, s12;
	s9 =	sadd.s32 s9, s1  }
0xf: {  	s11 =	sadd.s32 s11, s17;
	s12 =	sshrl.u32 s12, $0x3;
	s13 =	sadd.s32 $0x15EE00, s13  }
0x10: {  	s22 =	sadd.s32 $0x33C00, s14;
	s23 =	sadd.s32 s7, s19;
	s24 =	sadd.s32 s8, s19  }
0x11: {  	s14 =	smul.u32 $0x18800, s16;
	s25 =	sshrl.u32 s11, $0x3;
	[dreg:$0x5] =	wrdreg s13  }
0x12: {  	s19 =	simm.s32 $0x5;
	s11 =	simm.s32 $0x0;
	[dreg:$0x6] =	wrdreg s22  }
0x13: {  	s0 =	sadd.s32 s12, s0;
	s12 =	ssub.s32 s15, s18;
	[dreg:$0x7] =	wrdreg s23  }
0x14: {  	[dreg:$0x8] =	wrdreg s24;
	s13 =	sshrl.u32 s21, $0x3;
	s22 =	simm.s32 $0x80  }
0x15: {  	s23 =	simm.s32 $0x1000;
	s24 =	simm.s32 $0x3000;
	s21 =	simm.s32 $0x3  }
.Ltmp0:
0x16: {  	s0 =	sadd.s32 $0xFAE00, s0;
	[dreg:$0xd] =	wrdreg s13;
	(pc) =	sbr.rel .LBB2_1-.Ltmp0, $4  }
0x17: {  	s26 =	smax.u32 s12, $0x1;
	s12 =	sshrl.u32 s9, $0x3;
	[dreg:$0x9] =	wrdreg s0  }
0x18: {  	s9 =	simm.s32 $0x4;
	s0 =	sadd.s32 s2, s25;
	[dreg:$0xb] =	wrdreg s26  }
0x19: {  	v0 =	vlaneseq.u32;
	s25 =	simm.s32 $0x2000;
	s2 =	simm.s32 $0x5080;
	[dreg:$0xc] =	wrdreg s12  }
0x1a: {  	v1 =	vor.u32 $0xFFFFFFF8, v0;
	s26 =	simm.s32 $0x4800;
	[dreg:$0xa] =	wrdreg s0;
	s0 =	simm.s32 $0x2  }
.LBB2_8:
0x1b: {  	_ =	swait.ge [sflag:s21], $0x800  }
0x1c: {  	[sflag:s21] =	ssyncset.done $0x0  }
0x1d: {  	[sflag:s21] =	ssyncadd.s32 $0xFFFFF800  }
0x1e: {  	_ =	swait.ge [sflag:s21], $0x80  }
0x1f: {  	[sflag:s21] =	ssyncset.done $0x0  }
0x20: {  	[sflag:s21] =	ssyncadd.s32 $0xFFFFFF80  }
0x21: {  	_ =	swait.ge [sflag:s9], $0x800  }
0x22: {  	[sflag:s9] =	ssyncset.done $0x0  }
0x23: {  	[sflag:s9] =	ssyncadd.s32 $0xFFFFF800  }
0x24: {  	_ =	swait.ge [sflag:s9], $0x80  }
0x25: {  	[sflag:s9] =	ssyncset.done $0x0  }
0x26: {  	[sflag:s9] =	ssyncadd.s32 $0xFFFFFF80  }
0x27: {  	[bflag:$0x0] =	sbarrier.arrive $0xFFFF  }
0x28: {  	s4 =	rddreg [dreg:$0x9]  }
0x29: {  	s12 =	rddreg [dreg:$0xc]  }
0x2a: {  	[hbm:s4], [sflag:s10] =	dma.local [spmem:s12], $0x3100  }
0x2b: {  	_ =	swait.ge [sflag:s19], $0x3100  }
0x2c: {  	[sflag:s19] =	ssyncset.done $0x0;
	s18 =	rddreg [dreg:$0xa]  }
0x2d: {  	s13 =	rddreg [dreg:$0xd];
	[sflag:s19] =	ssyncadd.s32 $0xFFFFCF00  }
0x2e: {  	[hbm:s18], [sflag:s10] =	dma.local [spmem:s13], $0x310  }
0x2f: {  	_ =	swait.ge [sflag:s19], $0x310  }
0x30: {  	s11 =	sadd.s32 $0x1, s11;
	s20 =	rddreg [dreg:$0xb]  }
0x31: {  	p0 =	sne.s32 s11, s20  }
.Ltmp1:
0x32: {  	_ = 	snop;
	(pc) =	sbr.rel @!p0 .LBB2_9-.Ltmp1, $3  }
0x33: {  	_ =	sdelay $0x1  }
0x34: {  	[sflag:s19] =	ssyncset.done $0x0  }
0x35: {  	[sflag:s19] =	ssyncadd.s32 $0xFFFFFCF0  }
.LBB2_1:
0x36: {  	s4 =	rddreg [dreg:$0x5]  }
0x37: {  	[spmem:s12], [sflag:s10] =	dma.local [hbm:s4], $0x3100  }
0x38: {  	_ =	swait.ge [sflag:s19], $0x3100  }
0x39: {  	[sflag:s19] =	ssyncset.done $0x0  }
0x3a: {  	s12 =	rddreg [dreg:$0x6];
	[sflag:s19] =	ssyncadd.s32 $0xFFFFCF00  }
0x3b: {  	[spmem:s13], [sflag:s10] =	dma.local [hbm:s12], $0x310  }
0x3c: {  	_ =	swait.ge [sflag:s19], $0x310  }
0x3d: {  	[sflag:s19] =	ssyncset.done $0x0  }
0x3e: {  	[sflag:s19] =	ssyncadd.s32 $0xFFFFFCF0  }
0x3f: {  	[bflag:$0x0] =	sbarrier.arrive $0xFFFF  }
0x40: {  	s15 =	simm.s32 $0x0;
	s16 =	rddreg [dreg:$0x7]  }
0x41: {  	[tilespmem:s15], [sflag:$0x5] =	stream.linear.gather [hbm4b:s16+s15], $0x400, $0x38;
	[tilespmem:$0x1F180] =	vst v63  }
0x42: {  	_ =	swait.ge [sflag:s19], $0x400  }
0x43: {  	[sflag:s19] =	ssyncset.done $0x0  }
0x44: {  	s18 =	simm.s32 $0x800;
	s17 =	rddreg [dreg:$0x8];
	[sflag:s19] =	ssyncadd.s32 $0xFFFFFC00  }
0x45: {  	[tilespmem:s18], [sflag:$0x5] =	stream.linear.gather [hbm4b:s17+s15], $0x400, $0x38;
	[tilespmem:$0x1F180] =	vst v63  }
0x46: {  	_ =	swait.ge [sflag:s19], $0x400  }
0x47: {  	[sflag:s19] =	ssyncset.done $0x0  }
0x48: {  	[sflag:s19] =	ssyncadd.s32 $0xFFFFFC00  }
0x49: {  	[tilespmem:s23], [sflag:$0x1] =	stream.indirect.gather [hbm4b:s5+s22], $0x20, s15, s22, $0xb8;
	[tilespmem:$0x1F180] =	vst v63  }
0x4a: {  	_ = 	snop  }
0x4b: {  	[tilespmem:s24], [sflag:$0x1] =	stream.indirect.gather [hbm4b:s6+s22], $0x10, s18, s22, $0xb8;
	[tilespmem:$0x1F180] =	vst v63  }
0x4c: {  	_ = 	snop  }
0x4d: {  	[tilespmem:s25], [sflag:$0x2] =	stream.indirect.gather [hbm4b:s5+s22], $0x20, s22, s22, $0xb8;
	[tilespmem:$0x1F180] =	vst v63  }
0x4e: {  	s20 =	simm.s32 $0x880;
	s12 =	simm.s32 $0x0  }
0x4f: {  	[tilespmem:s28], [sflag:$0x2] =	stream.indirect.gather [hbm4b:s6+s22], $0x10, s20, s22, $0xb8;
	[tilespmem:$0x1F180] =	vst v63  }
.LBB2_2:
0x50: {  	_ =	swait.ge [sflag:s29], $0x1000  }
0x51: {  	[sflag:s29] =	ssyncset.done $0x0  }
0x52: {  	[sflag:s29] =	ssyncadd.s32 $0xFFFFF000  }
0x53: {  	_ =	swait.ge [sflag:s29], $0x800  }
0x54: {  	p0 =	seq.s32 s12, $0x0;
	[sflag:s29] =	ssyncset.done $0x0  }
0x55: {  	s15 =	simm.s32 $0x0;
	s13 =	simm.s32 @!p0 $0x3;
	[sflag:s29] =	ssyncadd.s32 $0xFFFFF800  }
0x56: {  	v4 =	vor.u32 s15, v0;
	_ =	swait.ge @!p0 [sflag:s13], $0x800  }
0x57: {  	v2 =	vshll.u32 v4, $0x5;
	[sflag:s13] =	ssyncset.done @!p0 $0x0  }
0x58: {  	v6 =	vshll.u32 v4, $0x4;
	[sflag:s13] =	ssyncadd.s32 @!p0 $0xFFFFF800  }
0x59: {  	v7 =	vor.u32 $0x1, v6;
	_ =	swait.ge @!p0 [sflag:s13], $0x80  }
0x5a: {  	v3 =	vor.u32 $0x1, v2;
	[sflag:s13] =	ssyncset.done @!p0 $0x0  }
0x5b: {  	v5 =	vor.u32 $0x2, v2;
	[sflag:s13] =	ssyncadd.s32 @!p0 $0xFFFFFF80  }
0x5c: {  	v9 =	vor.u32 $0x2, v6;
	v8 =	vld.idx.msk [tilespmem:v2+s23+$0x0], $0xffff  }
0x5d: {  	v10 =	vor.u32 $0x3, v2;
	v11 =	vld.idx.msk [tilespmem:v6+s24+$0x0], $0xffff  }
0x5e: {  	v13 =	vor.u32 $0x3, v6;
	v12 =	vld.idx.msk [tilespmem:v7+s24+$0x0], $0xffff  }
0x5f: {  	v14 =	vor.u32 $0x4, v2;
	v3 =	vld.idx.msk [tilespmem:v3+s23+$0x0], $0xffff  }
0x60: {  	v15 =	vor.u32 $0x4, v6;
	v5 =	vld.idx.msk [tilespmem:v5+s23+$0x0], $0xffff  }
0x61: {  	v16 =	vor.u32 $0x5, v2;
	v17 =	vld.idx.msk [tilespmem:v9+s24+$0x0], $0xffff  }
0x62: {  	v18 =	vor.u32 $0x5, v6;
	v10 =	vld.idx.msk [tilespmem:v10+s23+$0x0], $0xffff;
	v8 =	vmul.f32 v11, v8  }
0x63: {  	v20 =	vor.u32 $0x6, v6;
	v19 =	vld.idx.msk [tilespmem:v13+s24+$0x0], $0xffff  }
0x64: {  	v14 =	vld.idx.msk [tilespmem:v14+s23+$0x0], $0xffff;
	v11 =	vor.u32 $0x6, v2;
	v3 =	vmul.f32 v12, v3;
	v8 =	vadd.f32 $0.0e+00, v8  }
0x65: {  	v22 =	vor.u32 $0x7, v6;
	v21 =	vld.idx.msk [tilespmem:v15+s24+$0x0], $0xffff  }
0x66: {  	v50 =	vor.u32 $0x7, v2;
	v16 =	vld.idx.msk [tilespmem:v16+s23+$0x0], $0xffff;
	v5 =	vmul.f32 v17, v5;
	v3 =	vadd.f32 v3, v8  }
0x67: {  	v23 =	vor.u32 $0x8, v6;
	v51 =	vld.idx.msk [tilespmem:v18+s24+$0x0], $0xffff  }
0x68: {  	v52 =	vld.idx.msk [tilespmem:v20+s24+$0x0], $0xffff;
	v10 =	vmul.f32 v19, v10;
	v8 =	vor.u32 $0x8, v2;
	v3 =	vadd.f32 v5, v3  }
0x69: {  	v24 =	vor.u32 $0x9, v6;
	v11 =	vld.idx.msk [tilespmem:v11+s23+$0x0], $0xffff  }
0x6a: {  	v53 =	vld.idx.msk [tilespmem:v22+s24+$0x0], $0xffff;
	v14 =	vmul.f32 v21, v14;
	v5 =	vor.u32 $0x9, v2;
	v3 =	vadd.f32 v10, v3  }
0x6b: {  	v25 =	vor.u32 $0xA, v6;
	v12 =	vld.idx.msk [tilespmem:v50+s23+$0x0], $0xffff  }
0x6c: {  	v55 =	vld.idx.msk [tilespmem:v23+s24+$0x0], $0xffff;
	v16 =	vmul.f32 v51, v16;
	v10 =	vor.u32 $0xA, v2;
	v3 =	vadd.f32 v14, v3  }
0x6d: {  	v26 =	vor.u32 $0xB, v6;
	v8 =	vld.idx.msk [tilespmem:v8+s23+$0x0], $0xffff  }
0x6e: {  	v54 =	vor.u32 $0xB, v2;
	v57 =	vld.idx.msk [tilespmem:v24+s24+$0x0], $0xffff;
	v11 =	vmul.f32 v52, v11;
	v3 =	vadd.f32 v16, v3  }
0x6f: {  	v27 =	vor.u32 $0xC, v6;
	v5 =	vld.idx.msk [tilespmem:v5+s23+$0x0], $0xffff  }
0x70: {  	v56 =	vor.u32 $0xC, v2;
	v58 =	vld.idx.msk [tilespmem:v25+s24+$0x0], $0xffff;
	v12 =	vmul.f32 v53, v12;
	v3 =	vadd.f32 v11, v3  }
0x71: {  	v10 =	vld.idx.msk [tilespmem:v10+s23+$0x0], $0xffff;
	v11 =	vor.u32 $0xD, v2  }
0x72: {  	v28 =	vor.u32 $0xD, v6;
	v60 =	vld.idx.msk [tilespmem:v26+s24+$0x0], $0xffff;
	v8 =	vmul.f32 v55, v8;
	v3 =	vadd.f32 v12, v3  }
0x73: {  	v59 =	vor.u32 $0xE, v2;
	v14 =	vld.idx.msk [tilespmem:v54+s23+$0x0], $0xffff  }
0x74: {  	v29 =	vor.u32 $0xE, v6;
	v30 =	vld.idx.msk [tilespmem:v27+s24+$0x0], $0xffff;
	v5 =	vmul.f32 v57, v5;
	v8 =	vadd.f32 v8, v3  }
0x75: {  	v61 =	vor.u32 $0xF, v2;
	v16 =	vld.idx.msk [tilespmem:v56+s23+$0x0], $0xffff  }
0x76: {  	v3 =	vor.u32 $0xF, v6;
	v10 =	vmul.f32 v58, v10;
	v11 =	vld.idx.msk [tilespmem:v11+s23+$0x0], $0xffff;
	v5 =	vadd.f32 v5, v8  }
0x77: {  	v8 =	vld.idx.msk [tilespmem:v28+s24+$0x0], $0xffff  }
0x78: {  	v14 =	vmul.f32 v60, v14;
	v12 =	vld.idx.msk [tilespmem:v59+s23+$0x0], $0xffff;
	v5 =	vadd.f32 v10, v5  }
0x79: {  	v10 =	vld.idx.msk [tilespmem:v29+s24+$0x0], $0xffff  }
0x7a: {  	v62 =	vld.idx.msk [tilespmem:v61+s23+$0x0], $0xffff;
	v16 =	vmul.f32 v30, v16;
	v5 =	vadd.f32 v14, v5  }
0x7b: {  	v63 =	vld.idx.msk [tilespmem:v3+s24+$0x0], $0xffff  }
0x7c: {  	v8 =	vmul.f32 v8, v11;
	v5 =	vadd.f32 v16, v5;
	_ =	sdelay $0x1  }
0x7d: {  	v10 =	vmul.f32 v10, v12;
	v5 =	vadd.f32 v8, v5;
	_ =	sdelay $0x1  }
0x7e: {  	v8 =	vmul.f32 v63, v62;
	v5 =	vadd.f32 v10, v5;
	_ =	sdelay $0x1  }
0x7f: {  	v5 =	vadd.f32 v8, v5;
	_ =	sdelay $0x1  }
0x80: {  	v5 =	vmul.f32 $1.442695020e+00, v5;
	_ =	sdelay $0x1  }
0x81: {  	(erf) = vpow2.f32 v5;
	_ =	sdelay $0x4  }
0x82: {  	v4 =	vand.u32 v1, v4  }
0x83: {  	v8 =	vor.u32 $0x10, v2;
	_ =	sdelay $0x2  }
0x84: {  	v5 =	vpop (erf)  }
0x85: {  	[tilespmem:v4+s30+$0x0] =	vst.idx.msk $0xffff, v5  }
0x86: {  	v4 =	vld.idx.msk [tilespmem:v8+s23+$0x0], $0xffff;
	_ =	sdelay $0x2  }
0x87: {  	v8 =	vor.u32 $0x11, v2;
	_ =	sdelay $0x1  }
0x88: {  	v4 =	vmul.f32 v5, v4;
	_ =	sdelay $0x1  }
0x89: {  	[tilespmem:v6+s31+$0x0] =	vst.idx.msk $0xffff, v4  }
0x8a: {  	v4 =	vld.idx.msk [tilespmem:v8+s23+$0x0], $0xffff;
	_ =	sdelay $0x2  }
0x8b: {  	v6 =	vor.u32 $0x12, v2;
	_ =	sdelay $0x1  }
0x8c: {  	v4 =	vmul.f32 v4, v5;
	_ =	sdelay $0x1  }
0x8d: {  	[tilespmem:v7+s31+$0x0] =	vst.idx.msk $0xffff, v4  }
0x8e: {  	v4 =	vld.idx.msk [tilespmem:v6+s23+$0x0], $0xffff;
	_ =	sdelay $0x2  }
0x8f: {  	v6 =	vor.u32 $0x13, v2;
	_ =	sdelay $0x1  }
0x90: {  	v4 =	vmul.f32 v4, v5;
	_ =	sdelay $0x1  }
0x91: {  	[tilespmem:v9+s31+$0x0] =	vst.idx.msk $0xffff, v4  }
0x92: {  	v4 =	vld.idx.msk [tilespmem:v6+s23+$0x0], $0xffff;
	_ =	sdelay $0x2  }
0x93: {  	v6 =	vor.u32 $0x14, v2;
	_ =	sdelay $0x1  }
0x94: {  	v4 =	vmul.f32 v4, v5;
	_ =	sdelay $0x1  }
0x95: {  	[tilespmem:v13+s31+$0x0] =	vst.idx.msk $0xffff, v4  }
0x96: {  	v4 =	vld.idx.msk [tilespmem:v6+s23+$0x0], $0xffff;
	_ =	sdelay $0x2  }
0x97: {  	v6 =	vor.u32 $0x15, v2;
	_ =	sdelay $0x1  }
0x98: {  	v4 =	vmul.f32 v4, v5;
	_ =	sdelay $0x1  }
0x99: {  	[tilespmem:v15+s31+$0x0] =	vst.idx.msk $0xffff, v4  }
0x9a: {  	v4 =	vld.idx.msk [tilespmem:v6+s23+$0x0], $0xffff;
	_ =	sdelay $0x2  }
0x9b: {  	v6 =	vor.u32 $0x16, v2;
	_ =	sdelay $0x1  }
0x9c: {  	v4 =	vmul.f32 v4, v5;
	_ =	sdelay $0x1  }
0x9d: {  	[tilespmem:v18+s31+$0x0] =	vst.idx.msk $0xffff, v4  }
0x9e: {  	v4 =	vld.idx.msk [tilespmem:v6+s23+$0x0], $0xffff;
	_ =	sdelay $0x2  }
0x9f: {  	v6 =	vor.u32 $0x17, v2;
	_ =	sdelay $0x1  }
0xa0: {  	v4 =	vmul.f32 v4, v5;
	_ =	sdelay $0x1  }
0xa1: {  	[tilespmem:v20+s31+$0x0] =	vst.idx.msk $0xffff, v4  }
0xa2: {  	v4 =	vld.idx.msk [tilespmem:v6+s23+$0x0], $0xffff;
	_ =	sdelay $0x2  }
0xa3: {  	v6 =	vor.u32 $0x18, v2;
	_ =	sdelay $0x1  }
0xa4: {  	v4 =	vmul.f32 v4, v5;
	_ =	sdelay $0x1  }
0xa5: {  	[tilespmem:v22+s31+$0x0] =	vst.idx.msk $0xffff, v4  }
0xa6: {  	v4 =	vld.idx.msk [tilespmem:v6+s23+$0x0], $0xffff;
	_ =	sdelay $0x2  }
0xa7: {  	v6 =	vor.u32 $0x19, v2;
	_ =	sdelay $0x1  }
0xa8: {  	v4 =	vmul.f32 v4, v5;
	_ =	sdelay $0x1  }
0xa9: {  	[tilespmem:v23+s31+$0x0] =	vst.idx.msk $0xffff, v4  }
0xaa: {  	v4 =	vld.idx.msk [tilespmem:v6+s23+$0x0], $0xffff;
	_ =	sdelay $0x2  }
0xab: {  	v6 =	vor.u32 $0x1A, v2;
	_ =	sdelay $0x1  }
0xac: {  	v4 =	vmul.f32 v4, v5;
	_ =	sdelay $0x1  }
0xad: {  	[tilespmem:v24+s31+$0x0] =	vst.idx.msk $0xffff, v4  }
0xae: {  	v4 =	vld.idx.msk [tilespmem:v6+s23+$0x0], $0xffff;
	_ =	sdelay $0x2  }
0xaf: {  	v6 =	vor.u32 $0x1B, v2;
	_ =	sdelay $0x1  }
0xb0: {  	v4 =	vmul.f32 v4, v5;
	_ =	sdelay $0x1  }
0xb1: {  	[tilespmem:v25+s31+$0x0] =	vst.idx.msk $0xffff, v4  }
0xb2: {  	v4 =	vld.idx.msk [tilespmem:v6+s23+$0x0], $0xffff;
	_ =	sdelay $0x2  }
0xb3: {  	v6 =	vor.u32 $0x1C, v2;
	_ =	sdelay $0x1  }
0xb4: {  	v4 =	vmul.f32 v4, v5;
	_ =	sdelay $0x1  }
0xb5: {  	[tilespmem:v26+s31+$0x0] =	vst.idx.msk $0xffff, v4  }
0xb6: {  	v4 =	vld.idx.msk [tilespmem:v6+s23+$0x0], $0xffff;
	_ =	sdelay $0x2  }
0xb7: {  	v6 =	vor.u32 $0x1D, v2;
	_ =	sdelay $0x1  }
0xb8: {  	v4 =	vmul.f32 v4, v5;
	_ =	sdelay $0x1  }
0xb9: {  	[tilespmem:v27+s31+$0x0] =	vst.idx.msk $0xffff, v4  }
0xba: {  	v4 =	vld.idx.msk [tilespmem:v6+s23+$0x0], $0xffff;
	_ =	sdelay $0x2  }
0xbb: {  	v6 =	vor.u32 $0x1E, v2;
	_ =	sdelay $0x1  }
0xbc: {  	v4 =	vmul.f32 v4, v5;
	_ =	sdelay $0x1  }
0xbd: {  	[tilespmem:v28+s31+$0x0] =	vst.idx.msk $0xffff, v4  }
0xbe: {  	v4 =	vld.idx.msk [tilespmem:v6+s23+$0x0], $0xffff;
	_ =	sdelay $0x2  }
0xbf: {  	v8 =	vor.u32 $0x1F, v2;
	_ =	sdelay $0x1  }
0xc0: {  	v2 =	vmul.f32 v4, v5;
	_ =	sdelay $0x1  }
0xc1: {  	[tilespmem:v29+s31+$0x0] =	vst.idx.msk $0xffff, v2  }
0xc2: {  	v10 =	vld.idx.msk [tilespmem:v8+s23+$0x0], $0xffff  }
0xc3: {  	s20 =	simm.s32 $0x10  }
0xc4: {  	v7 =	vor.u32 s20, v0  }
0xc5: {  	v6 =	vshll.u32 v7, $0x4;
	v2 =	vshll.u32 v7, $0x5  }
0xc6: {  	s16 =	sshll.u32 s12, $0x1;
	s13 =	simm.s32 $0x20;
	v4 =	vor.u32 $0x1, v6;
	v8 =	vor.u32 $0x1, v2;
	v9 =	vor.u32 $0x2, v2  }
.LBB2_3:
0xc7: {  	p1 =	sne.s32 s13, $0x70;
	v11 =	vor.u32 $0x3, v2;
	v12 =	vor.u32 $0x4, v2;
	v5 =	vmul.f32 v10, v5;
	s15 =	smov.u32 s13;
	s13 =	sadd.s32 $0x10, s13  }
0xc8: {  	v10 =	vor.u32 $0x5, v2;
	v13 =	vor.u32 $0x6, v2;
	v21 =	vor.u32 $0x7, v2  }
0xc9: {  	v22 =	vor.u32 $0x8, v2;
	v23 =	vor.u32 $0x9, v2;
	v24 =	vor.u32 $0xA, v2;
	[tilespmem:v3+s31+$0x0] =	vst.idx.msk $0xffff, v5  }
0xca: {  	v20 =	vor.u32 $0x2, v6;
	v25 =	vor.u32 $0xC, v2;
	v5 =	vor.u32 $0xB, v2;
	v3 =	vld.idx.msk [tilespmem:v2+s23+$0x0], $0xffff  }
0xcb: {  	v26 =	vor.u32 $0xD, v2;
	v27 =	vor.u32 $0xE, v2;
	v28 =	vor.u32 $0xF, v2;
	v14 =	vld.idx.msk [tilespmem:v4+s24+$0x0], $0xffff  }
0xcc: {  	v19 =	vor.u32 $0x3, v6;
	v15 =	vld.idx.msk [tilespmem:v6+s24+$0x0], $0xffff  }
0xcd: {  	v8 =	vld.idx.msk [tilespmem:v8+s23+$0x0], $0xffff  }
0xce: {  	v18 =	vor.u32 $0x4, v6;
	v9 =	vld.idx.msk [tilespmem:v9+s23+$0x0], $0xffff  }
0xcf: {  	v29 =	vld.idx.msk [tilespmem:v20+s24+$0x0], $0xffff  }
0xd0: {  	v17 =	vor.u32 $0x5, v6;
	v11 =	vld.idx.msk [tilespmem:v11+s23+$0x0], $0xffff  }
0xd1: {  	v30 =	vld.idx.msk [tilespmem:v19+s24+$0x0], $0xffff  }
0xd2: {  	v16 =	vor.u32 $0x6, v6;
	v3 =	vmul.f32 v15, v3;
	v12 =	vld.idx.msk [tilespmem:v12+s23+$0x0], $0xffff  }
0xd3: {  	v8 =	vmul.f32 v14, v8;
	v31 =	vld.idx.msk [tilespmem:v18+s24+$0x0], $0xffff  }
0xd4: {  	v15 =	vor.u32 $0x7, v6;
	v3 =	vadd.f32 $0.0e+00, v3;
	v10 =	vld.idx.msk [tilespmem:v10+s23+$0x0], $0xffff  }
0xd5: {  	v9 =	vmul.f32 v29, v9;
	v29 =	vld.idx.msk [tilespmem:v17+s24+$0x0], $0xffff  }
0xd6: {  	v14 =	vor.u32 $0x8, v6;
	v3 =	vadd.f32 v8, v3;
	v8 =	vld.idx.msk [tilespmem:v13+s23+$0x0], $0xffff  }
0xd7: {  	v11 =	vmul.f32 v30, v11;
	v30 =	vld.idx.msk [tilespmem:v16+s24+$0x0], $0xffff  }
0xd8: {  	v13 =	vor.u32 $0x9, v6;
	v3 =	vadd.f32 v9, v3;
	v9 =	vld.idx.msk [tilespmem:v21+s23+$0x0], $0xffff  }
0xd9: {  	v21 =	vmul.f32 v31, v12;
	v31 =	vld.idx.msk [tilespmem:v15+s24+$0x0], $0xffff  }
0xda: {  	v12 =	vor.u32 $0xA, v6;
	v3 =	vadd.f32 v11, v3;
	v22 =	vld.idx.msk [tilespmem:v22+s23+$0x0], $0xffff  }
0xdb: {  	v10 =	vmul.f32 v29, v10;
	v29 =	vld.idx.msk [tilespmem:v14+s24+$0x0], $0xffff  }
0xdc: {  	v11 =	vor.u32 $0xB, v6;
	v3 =	vadd.f32 v21, v3;
	v21 =	vld.idx.msk [tilespmem:v23+s23+$0x0], $0xffff  }
0xdd: {  	v8 =	vmul.f32 v30, v8;
	v23 =	vld.idx.msk [tilespmem:v13+s24+$0x0], $0xffff  }
0xde: {  	v3 =	vadd.f32 v10, v3;
	v10 =	vor.u32 $0xC, v6;
	v24 =	vld.idx.msk [tilespmem:v24+s23+$0x0], $0xffff  }
0xdf: {  	v30 =	vmul.f32 v31, v9;
	v31 =	vld.idx.msk [tilespmem:v12+s24+$0x0], $0xffff  }
0xe0: {  	v9 =	vor.u32 $0xD, v6;
	v3 =	vadd.f32 v8, v3;
	v5 =	vld.idx.msk [tilespmem:v5+s23+$0x0], $0xffff  }
0xe1: {  	v22 =	vmul.f32 v29, v22;
	v29 =	vld.idx.msk [tilespmem:v11+s24+$0x0], $0xffff  }
0xe2: {  	v8 =	vor.u32 $0xE, v6;
	v3 =	vadd.f32 v30, v3;
	v25 =	vld.idx.msk [tilespmem:v25+s23+$0x0], $0xffff  }
0xe3: {  	v21 =	vmul.f32 v23, v21;
	v23 =	vld.idx.msk [tilespmem:v10+s24+$0x0], $0xffff  }
0xe4: {  	v22 =	vadd.f32 v22, v3;
	v3 =	vor.u32 $0xF, v6;
	v26 =	vld.idx.msk [tilespmem:v26+s23+$0x0], $0xffff  }
0xe5: {  	v24 =	vmul.f32 v31, v24;
	v30 =	vld.idx.msk [tilespmem:v9+s24+$0x0], $0xffff  }
0xe6: {  	v21 =	vadd.f32 v21, v22;
	v22 =	vld.idx.msk [tilespmem:v27+s23+$0x0], $0xffff  }
0xe7: {  	v5 =	vmul.f32 v29, v5;
	v27 =	vld.idx.msk [tilespmem:v8+s24+$0x0], $0xffff  }
0xe8: {  	v21 =	vadd.f32 v24, v21;
	v24 =	vld.idx.msk [tilespmem:v28+s23+$0x0], $0xffff  }
0xe9: {  	v23 =	vmul.f32 v23, v25;
	v25 =	vld.idx.msk [tilespmem:v3+s24+$0x0], $0xffff  }
0xea: {  	v5 =	vadd.f32 v5, v21  }
0xeb: {  	v21 =	vmul.f32 v30, v26  }
0xec: {  	v5 =	vadd.f32 v23, v5  }
0xed: {  	v22 =	vmul.f32 v27, v22  }
0xee: {  	v5 =	vadd.f32 v21, v5  }
0xef: {  	v21 =	vmul.f32 v25, v24  }
0xf0: {  	v5 =	vadd.f32 v22, v5;
	_ =	sdelay $0x1  }
0xf1: {  	v5 =	vadd.f32 v21, v5;
	_ =	sdelay $0x1  }
0xf2: {  	v5 =	vmul.f32 $1.442695020e+00, v5;
	_ =	sdelay $0x1  }
0xf3: {  	(erf) = vpow2.f32 v5;
	_ =	sdelay $0x3  }
0xf4: {  	v7 =	vand.u32 v1, v7  }
0xf5: {  	v21 =	vor.u32 $0x10, v2;
	_ =	sdelay $0x3  }
0xf6: {  	v5 =	vpop (erf)  }
0xf7: {  	[tilespmem:v7+s30+$0x0] =	vst.idx.msk $0xffff, v5  }
0xf8: {  	v7 =	vld.idx.msk [tilespmem:v21+s23+$0x0], $0xffff;
	_ =	sdelay $0x2  }
0xf9: {  	v21 =	vor.u32 $0x11, v2;
	_ =	sdelay $0x2  }
0xfa: {  	v7 =	vmul.f32 v5, v7;
	_ =	sdelay $0x1  }
0xfb: {  	[tilespmem:v6+s31+$0x0] =	vst.idx.msk $0xffff, v7  }
0xfc: {  	v6 =	vld.idx.msk [tilespmem:v21+s23+$0x0], $0xffff;
	_ =	sdelay $0x2  }
0xfd: {  	v7 =	vor.u32 $0x12, v2;
	_ =	sdelay $0x2  }
0xfe: {  	v6 =	vmul.f32 v6, v5;
	_ =	sdelay $0x1  }
0xff: {  	[tilespmem:v4+s31+$0x0] =	vst.idx.msk $0xffff, v6  }
0x100: {  	v4 =	vld.idx.msk [tilespmem:v7+s23+$0x0], $0xffff;
	_ =	sdelay $0x2  }
0x101: {  	v6 =	vor.u32 $0x13, v2;
	_ =	sdelay $0x2  }
0x102: {  	v4 =	vmul.f32 v4, v5;
	_ =	sdelay $0x1  }
0x103: {  	[tilespmem:v20+s31+$0x0] =	vst.idx.msk $0xffff, v4  }
0x104: {  	v4 =	vld.idx.msk [tilespmem:v6+s23+$0x0], $0xffff;
	_ =	sdelay $0x2  }
0x105: {  	v6 =	vor.u32 $0x14, v2;
	_ =	sdelay $0x2  }
0x106: {  	v4 =	vmul.f32 v4, v5;
	_ =	sdelay $0x1  }
0x107: {  	[tilespmem:v19+s31+$0x0] =	vst.idx.msk $0xffff, v4  }
0x108: {  	v4 =	vld.idx.msk [tilespmem:v6+s23+$0x0], $0xffff;
	_ =	sdelay $0x2  }
0x109: {  	v6 =	vor.u32 $0x15, v2;
	_ =	sdelay $0x2  }
0x10a: {  	v4 =	vmul.f32 v4, v5;
	_ =	sdelay $0x1  }
0x10b: {  	[tilespmem:v18+s31+$0x0] =	vst.idx.msk $0xffff, v4  }
0x10c: {  	v4 =	vld.idx.msk [tilespmem:v6+s23+$0x0], $0xffff;
	_ =	sdelay $0x2  }
0x10d: {  	v6 =	vor.u32 $0x16, v2;
	_ =	sdelay $0x2  }
0x10e: {  	v4 =	vmul.f32 v4, v5;
	_ =	sdelay $0x1  }
0x10f: {  	[tilespmem:v17+s31+$0x0] =	vst.idx.msk $0xffff, v4  }
0x110: {  	v4 =	vld.idx.msk [tilespmem:v6+s23+$0x0], $0xffff;
	_ =	sdelay $0x2  }
0x111: {  	v6 =	vor.u32 $0x17, v2;
	_ =	sdelay $0x2  }
0x112: {  	v4 =	vmul.f32 v4, v5;
	_ =	sdelay $0x1  }
0x113: {  	[tilespmem:v16+s31+$0x0] =	vst.idx.msk $0xffff, v4  }
0x114: {  	v4 =	vld.idx.msk [tilespmem:v6+s23+$0x0], $0xffff;
	_ =	sdelay $0x2  }
0x115: {  	v6 =	vor.u32 $0x18, v2;
	_ =	sdelay $0x2  }
0x116: {  	v4 =	vmul.f32 v4, v5;
	_ =	sdelay $0x1  }
0x117: {  	[tilespmem:v15+s31+$0x0] =	vst.idx.msk $0xffff, v4  }
0x118: {  	v4 =	vld.idx.msk [tilespmem:v6+s23+$0x0], $0xffff;
	_ =	sdelay $0x2  }
0x119: {  	v6 =	vor.u32 $0x19, v2;
	_ =	sdelay $0x2  }
0x11a: {  	v4 =	vmul.f32 v4, v5;
	_ =	sdelay $0x1  }
0x11b: {  	[tilespmem:v14+s31+$0x0] =	vst.idx.msk $0xffff, v4  }
0x11c: {  	v4 =	vld.idx.msk [tilespmem:v6+s23+$0x0], $0xffff;
	_ =	sdelay $0x2  }
0x11d: {  	v6 =	vor.u32 $0x1A, v2;
	_ =	sdelay $0x2  }
0x11e: {  	v4 =	vmul.f32 v4, v5;
	_ =	sdelay $0x1  }
0x11f: {  	[tilespmem:v13+s31+$0x0] =	vst.idx.msk $0xffff, v4  }
0x120: {  	v4 =	vld.idx.msk [tilespmem:v6+s23+$0x0], $0xffff;
	_ =	sdelay $0x2  }
0x121: {  	v6 =	vor.u32 $0x1B, v2;
	_ =	sdelay $0x2  }
0x122: {  	v4 =	vmul.f32 v4, v5;
	_ =	sdelay $0x1  }
0x123: {  	[tilespmem:v12+s31+$0x0] =	vst.idx.msk $0xffff, v4  }
0x124: {  	v4 =	vld.idx.msk [tilespmem:v6+s23+$0x0], $0xffff;
	_ =	sdelay $0x2  }
0x125: {  	v6 =	vor.u32 $0x1C, v2;
	_ =	sdelay $0x2  }
0x126: {  	v4 =	vmul.f32 v4, v5;
	_ =	sdelay $0x1  }
0x127: {  	[tilespmem:v11+s31+$0x0] =	vst.idx.msk $0xffff, v4  }
0x128: {  	v4 =	vld.idx.msk [tilespmem:v6+s23+$0x0], $0xffff;
	_ =	sdelay $0x2  }
0x129: {  	v6 =	vor.u32 $0x1D, v2;
	_ =	sdelay $0x2  }
0x12a: {  	v4 =	vmul.f32 v4, v5;
	_ =	sdelay $0x1  }
0x12b: {  	[tilespmem:v10+s31+$0x0] =	vst.idx.msk $0xffff, v4  }
0x12c: {  	v4 =	vld.idx.msk [tilespmem:v6+s23+$0x0], $0xffff;
	_ =	sdelay $0x2  }
0x12d: {  	v6 =	vor.u32 $0x1E, v2;
	_ =	sdelay $0x2  }
0x12e: {  	v4 =	vmul.f32 v4, v5;
	_ =	sdelay $0x1  }
0x12f: {  	[tilespmem:v9+s31+$0x0] =	vst.idx.msk $0xffff, v4  }
0x130: {  	v4 =	vld.idx.msk [tilespmem:v6+s23+$0x0], $0xffff;
	_ =	sdelay $0x2  }
0x131: {  	v2 =	vor.u32 $0x1F, v2;
	_ =	sdelay $0x2  }
0x132: {  	v4 =	vmul.f32 v4, v5;
	_ =	sdelay $0x1  }
0x133: {  	[tilespmem:v8+s31+$0x0] =	vst.idx.msk $0xffff, v4  }
0x134: {  	v10 =	vld.idx.msk [tilespmem:v2+s23+$0x0], $0xffff  }
.Ltmp2:
0x135: {  	(pc) =	sbr.rel @p1 .LBB2_3-.Ltmp2, $4  }
0x136: {  	_ = 	snop  }
0x137: {  	v7 =	vor.u32 s15, v0  }
0x138: {  	v6 =	vshll.u32 v7, $0x4;
	v2 =	vshll.u32 v7, $0x5  }
0x139: {  	v4 =	vor.u32 $0x1, v6;
	v8 =	vor.u32 $0x1, v2;
	v9 =	vor.u32 $0x2, v2  }
0x13a: {  	_ =	sdelay $0x1  }
0x13b: {  	v5 =	vmul.f32 v10, v5;
	_ =	sdelay $0x1  }
0x13c: {  	[tilespmem:v3+s31+$0x0] =	vst.idx.msk $0xffff, v5  }
0x13d: {  	v5 =	vor.u32 $0x2, v6;
	v3 =	vld.idx.msk [tilespmem:v2+s23+$0x0], $0xffff  }
0x13e: {  	v10 =	vor.u32 $0x3, v2;
	v11 =	vld.idx.msk [tilespmem:v6+s24+$0x0], $0xffff  }
0x13f: {  	v13 =	vor.u32 $0x3, v6;
	v12 =	vld.idx.msk [tilespmem:v4+s24+$0x0], $0xffff  }
0x140: {  	v14 =	vor.u32 $0x4, v2;
	v8 =	vld.idx.msk [tilespmem:v8+s23+$0x0], $0xffff  }
0x141: {  	v15 =	vor.u32 $0x4, v6;
	v9 =	vld.idx.msk [tilespmem:v9+s23+$0x0], $0xffff  }
0x142: {  	v16 =	vor.u32 $0x5, v2;
	v17 =	vld.idx.msk [tilespmem:v5+s24+$0x0], $0xffff  }
0x143: {  	v18 =	vor.u32 $0x5, v6;
	v10 =	vld.idx.msk [tilespmem:v10+s23+$0x0], $0xffff;
	v3 =	vmul.f32 v11, v3  }
0x144: {  	v20 =	vor.u32 $0x6, v6;
	v19 =	vld.idx.msk [tilespmem:v13+s24+$0x0], $0xffff  }
0x145: {  	v14 =	vld.idx.msk [tilespmem:v14+s23+$0x0], $0xffff;
	v11 =	vor.u32 $0x6, v2;
	v8 =	vmul.f32 v12, v8;
	v3 =	vadd.f32 $0.0e+00, v3  }
0x146: {  	v22 =	vor.u32 $0x7, v6;
	v21 =	vld.idx.msk [tilespmem:v15+s24+$0x0], $0xffff  }
0x147: {  	v52 =	vor.u32 $0x7, v2;
	v16 =	vld.idx.msk [tilespmem:v16+s23+$0x0], $0xffff;
	v9 =	vmul.f32 v17, v9;
	v3 =	vadd.f32 v8, v3  }
0x148: {  	v23 =	vor.u32 $0x8, v6;
	v53 =	vld.idx.msk [tilespmem:v18+s24+$0x0], $0xffff  }
0x149: {  	v54 =	vld.idx.msk [tilespmem:v20+s24+$0x0], $0xffff;
	v10 =	vmul.f32 v19, v10;
	v8 =	vor.u32 $0x8, v2;
	v3 =	vadd.f32 v9, v3  }
0x14a: {  	v24 =	vor.u32 $0x9, v6;
	v11 =	vld.idx.msk [tilespmem:v11+s23+$0x0], $0xffff  }
0x14b: {  	v55 =	vld.idx.msk [tilespmem:v22+s24+$0x0], $0xffff;
	v14 =	vmul.f32 v21, v14;
	v9 =	vor.u32 $0x9, v2;
	v3 =	vadd.f32 v10, v3  }
0x14c: {  	v25 =	vor.u32 $0xA, v6;
	v12 =	vld.idx.msk [tilespmem:v52+s23+$0x0], $0xffff  }
0x14d: {  	v57 =	vld.idx.msk [tilespmem:v23+s24+$0x0], $0xffff;
	v16 =	vmul.f32 v53, v16;
	v10 =	vor.u32 $0xA, v2;
	v3 =	vadd.f32 v14, v3  }
0x14e: {  	v26 =	vor.u32 $0xB, v6;
	v8 =	vld.idx.msk [tilespmem:v8+s23+$0x0], $0xffff  }
0x14f: {  	v56 =	vor.u32 $0xB, v2;
	v59 =	vld.idx.msk [tilespmem:v24+s24+$0x0], $0xffff;
	v11 =	vmul.f32 v54, v11;
	v3 =	vadd.f32 v16, v3  }
0x150: {  	v27 =	vor.u32 $0xC, v6;
	v9 =	vld.idx.msk [tilespmem:v9+s23+$0x0], $0xffff  }
0x151: {  	v58 =	vor.u32 $0xC, v2;
	v60 =	vld.idx.msk [tilespmem:v25+s24+$0x0], $0xffff;
	v12 =	vmul.f32 v55, v12;
	v3 =	vadd.f32 v11, v3  }
0x152: {  	v10 =	vld.idx.msk [tilespmem:v10+s23+$0x0], $0xffff;
	v11 =	vor.u32 $0xD, v2  }
0x153: {  	v28 =	vor.u32 $0xD, v6;
	v62 =	vld.idx.msk [tilespmem:v26+s24+$0x0], $0xffff;
	v8 =	vmul.f32 v57, v8;
	v3 =	vadd.f32 v12, v3  }
0x154: {  	v61 =	vor.u32 $0xE, v2;
	v14 =	vld.idx.msk [tilespmem:v56+s23+$0x0], $0xffff  }
0x155: {  	v29 =	vor.u32 $0xE, v6;
	v63 =	vld.idx.msk [tilespmem:v27+s24+$0x0], $0xffff;
	v9 =	vmul.f32 v59, v9;
	v3 =	vadd.f32 v8, v3  }
0x156: {  	v30 =	vor.u32 $0xF, v6;
	v16 =	vld.idx.msk [tilespmem:v58+s23+$0x0], $0xffff  }
0x157: {  	v8 =	vor.u32 $0xF, v2;
	v10 =	vmul.f32 v60, v10;
	v11 =	vld.idx.msk [tilespmem:v11+s23+$0x0], $0xffff;
	v3 =	vadd.f32 v9, v3  }
0x158: {  	v9 =	vld.idx.msk [tilespmem:v28+s24+$0x0], $0xffff  }
0x159: {  	v14 =	vmul.f32 v62, v14;
	v12 =	vld.idx.msk [tilespmem:v61+s23+$0x0], $0xffff;
	v3 =	vadd.f32 v10, v3  }
0x15a: {  	v10 =	vld.idx.msk [tilespmem:v29+s24+$0x0], $0xffff  }
0x15b: {  	v31 =	vld.idx.msk [tilespmem:v30+s24+$0x0], $0xffff;
	v16 =	vmul.f32 v63, v16;
	v3 =	vadd.f32 v14, v3  }
0x15c: {  	v8 =	vld.idx.msk [tilespmem:v8+s23+$0x0], $0xffff  }
0x15d: {  	v9 =	vmul.f32 v9, v11;
	v3 =	vadd.f32 v16, v3;
	_ =	sdelay $0x1  }
0x15e: {  	v10 =	vmul.f32 v10, v12;
	v3 =	vadd.f32 v9, v3;
	_ =	sdelay $0x1  }
0x15f: {  	v8 =	vmul.f32 v31, v8;
	v3 =	vadd.f32 v10, v3;
	_ =	sdelay $0x1  }
0x160: {  	v3 =	vadd.f32 v8, v3;
	_ =	sdelay $0x1  }
0x161: {  	v3 =	vmul.f32 $1.442695020e+00, v3;
	_ =	sdelay $0x1  }
0x162: {  	(erf) = vpow2.f32 v3;
	_ =	sdelay $0x4  }
0x163: {  	v3 =	vand.u32 v1, v7  }
0x164: {  	v7 =	vor.u32 $0x10, v2;
	_ =	sdelay $0x2  }
0x165: {  	v8 =	vpop (erf)  }
0x166: {  	[tilespmem:v3+s30+$0x0] =	vst.idx.msk $0xffff, v8  }
0x167: {  	v3 =	vld.idx.msk [tilespmem:v7+s23+$0x0], $0xffff;
	_ =	sdelay $0x2  }
0x168: {  	v7 =	vor.u32 $0x11, v2;
	_ =	sdelay $0x1  }
0x169: {  	v3 =	vmul.f32 v8, v3;
	_ =	sdelay $0x1  }
0x16a: {  	[tilespmem:v6+s31+$0x0] =	vst.idx.msk $0xffff, v3  }
0x16b: {  	v3 =	vld.idx.msk [tilespmem:v7+s23+$0x0], $0xffff;
	_ =	sdelay $0x2  }
0x16c: {  	v6 =	vor.u32 $0x12, v2;
	_ =	sdelay $0x1  }
0x16d: {  	v3 =	vmul.f32 v3, v8;
	_ =	sdelay $0x1  }
0x16e: {  	[tilespmem:v4+s31+$0x0] =	vst.idx.msk $0xffff, v3  }
0x16f: {  	v3 =	vld.idx.msk [tilespmem:v6+s23+$0x0], $0xffff;
	_ =	sdelay $0x2  }
0x170: {  	v4 =	vor.u32 $0x13, v2;
	_ =	sdelay $0x1  }
0x171: {  	v3 =	vmul.f32 v3, v8;
	_ =	sdelay $0x1  }
0x172: {  	[tilespmem:v5+s31+$0x0] =	vst.idx.msk $0xffff, v3  }
0x173: {  	v3 =	vld.idx.msk [tilespmem:v4+s23+$0x0], $0xffff;
	_ =	sdelay $0x2  }
0x174: {  	v4 =	vor.u32 $0x14, v2;
	_ =	sdelay $0x1  }
0x175: {  	v3 =	vmul.f32 v3, v8;
	_ =	sdelay $0x1  }
0x176: {  	[tilespmem:v13+s31+$0x0] =	vst.idx.msk $0xffff, v3  }
0x177: {  	v3 =	vld.idx.msk [tilespmem:v4+s23+$0x0], $0xffff;
	_ =	sdelay $0x2  }
0x178: {  	v4 =	vor.u32 $0x15, v2;
	_ =	sdelay $0x1  }
0x179: {  	v3 =	vmul.f32 v3, v8;
	_ =	sdelay $0x1  }
0x17a: {  	[tilespmem:v15+s31+$0x0] =	vst.idx.msk $0xffff, v3  }
0x17b: {  	v3 =	vld.idx.msk [tilespmem:v4+s23+$0x0], $0xffff;
	_ =	sdelay $0x2  }
0x17c: {  	v4 =	vor.u32 $0x16, v2;
	_ =	sdelay $0x1  }
0x17d: {  	v3 =	vmul.f32 v3, v8;
	_ =	sdelay $0x1  }
0x17e: {  	[tilespmem:v18+s31+$0x0] =	vst.idx.msk $0xffff, v3  }
0x17f: {  	v3 =	vld.idx.msk [tilespmem:v4+s23+$0x0], $0xffff;
	_ =	sdelay $0x2  }
0x180: {  	v4 =	vor.u32 $0x17, v2;
	_ =	sdelay $0x1  }
0x181: {  	v3 =	vmul.f32 v3, v8;
	_ =	sdelay $0x1  }
0x182: {  	[tilespmem:v20+s31+$0x0] =	vst.idx.msk $0xffff, v3  }
0x183: {  	v3 =	vld.idx.msk [tilespmem:v4+s23+$0x0], $0xffff;
	_ =	sdelay $0x2  }
0x184: {  	v4 =	vor.u32 $0x18, v2;
	_ =	sdelay $0x1  }
0x185: {  	v3 =	vmul.f32 v3, v8;
	_ =	sdelay $0x1  }
0x186: {  	[tilespmem:v22+s31+$0x0] =	vst.idx.msk $0xffff, v3  }
0x187: {  	v3 =	vld.idx.msk [tilespmem:v4+s23+$0x0], $0xffff;
	_ =	sdelay $0x2  }
0x188: {  	v4 =	vor.u32 $0x19, v2;
	_ =	sdelay $0x1  }
0x189: {  	v3 =	vmul.f32 v3, v8;
	_ =	sdelay $0x1  }
0x18a: {  	[tilespmem:v23+s31+$0x0] =	vst.idx.msk $0xffff, v3  }
0x18b: {  	v3 =	vld.idx.msk [tilespmem:v4+s23+$0x0], $0xffff;
	_ =	sdelay $0x2  }
0x18c: {  	v4 =	vor.u32 $0x1A, v2;
	_ =	sdelay $0x1  }
0x18d: {  	v3 =	vmul.f32 v3, v8;
	_ =	sdelay $0x1  }
0x18e: {  	[tilespmem:v24+s31+$0x0] =	vst.idx.msk $0xffff, v3  }
0x18f: {  	v3 =	vld.idx.msk [tilespmem:v4+s23+$0x0], $0xffff;
	_ =	sdelay $0x2  }
0x190: {  	v4 =	vor.u32 $0x1B, v2;
	_ =	sdelay $0x1  }
0x191: {  	v3 =	vmul.f32 v3, v8;
	_ =	sdelay $0x1  }
0x192: {  	[tilespmem:v25+s31+$0x0] =	vst.idx.msk $0xffff, v3  }
0x193: {  	v3 =	vld.idx.msk [tilespmem:v4+s23+$0x0], $0xffff;
	_ =	sdelay $0x2  }
0x194: {  	v4 =	vor.u32 $0x1C, v2;
	_ =	sdelay $0x1  }
0x195: {  	v3 =	vmul.f32 v3, v8;
	_ =	sdelay $0x1  }
0x196: {  	[tilespmem:v26+s31+$0x0] =	vst.idx.msk $0xffff, v3  }
0x197: {  	v3 =	vld.idx.msk [tilespmem:v4+s23+$0x0], $0xffff;
	_ =	sdelay $0x2  }
0x198: {  	v4 =	vor.u32 $0x1D, v2;
	_ =	sdelay $0x1  }
0x199: {  	v3 =	vmul.f32 v3, v8;
	_ =	sdelay $0x1  }
0x19a: {  	[tilespmem:v27+s31+$0x0] =	vst.idx.msk $0xffff, v3  }
0x19b: {  	v3 =	vld.idx.msk [tilespmem:v4+s23+$0x0], $0xffff;
	_ =	sdelay $0x2  }
0x19c: {  	v4 =	vor.u32 $0x1E, v2;
	_ =	sdelay $0x1  }
0x19d: {  	v3 =	vmul.f32 v3, v8;
	_ =	sdelay $0x1  }
0x19e: {  	[tilespmem:v28+s31+$0x0] =	vst.idx.msk $0xffff, v3  }
0x19f: {  	v3 =	vld.idx.msk [tilespmem:v4+s23+$0x0], $0xffff;
	_ =	sdelay $0x2  }
0x1a0: {  	v2 =	vor.u32 $0x1F, v2;
	_ =	sdelay $0x1  }
0x1a1: {  	v3 =	vmul.f32 v3, v8;
	_ =	sdelay $0x1  }
0x1a2: {  	[tilespmem:v29+s31+$0x0] =	vst.idx.msk $0xffff, v3  }
0x1a3: {  	v2 =	vld.idx.msk [tilespmem:v2+s23+$0x0], $0xffff;
	_ =	sdelay $0x4  }
0x1a4: {  	s13 =	sshll.u32 s12, $0x8;
	v2 =	vmul.f32 v2, v8  }
0x1a5: {  	s15 =	sand.u32 $0x700, s13  }
0x1a6: {  	p1 =	seq.s32 s12, $0x187;
	s17 =	sor.u32 $0x800, s15;
	[tilespmem:v30+s31+$0x0] =	vst.idx.msk $0xffff, v2  }
0x1a7: {  	[spmem:s1] =	stream.indirect.scatter.add.f32 [tilespmem:s31], [sflag:$0x3], $0x10, s17, s22, $0xb8;
	[tilespmem:$0x1F180] =	vst v63  }
0x1a8: {  	s16 =	sadd.s32 @!p1 $0x2, s16  }
0x1a9: {  	[spmem:s3] =	stream.indirect.scatter.add.f32 [tilespmem:s30], [sflag:$0x3], $0x1, s17, s22, $0xb8;
	[tilespmem:$0x1F180] =	vst v63  }
0x1aa: {  	s17 =	sand.u32 @!p1 $0x6, s16  }
0x1ab: {  	p2 =	sne.s32 @!p1 s17, $0x0  }
0x1ac: {  	s16 =	sshll.u32 @!p1 s16, $0x7;
	p2 =	por p2, p1  }
0x1ad: {  	s17 =	sadd.s32 @!p2 s14, s16  }
0x1ae: {  	s17 =	sshrl.u32 @!p2 s17, $0x3  }
0x1af: {  	s4 =	sand.u32 @!p2 $0x400, s16;
	s20 =	simm.s32 @!p2 $0x0;
	s18 =	sadd.s32 @!p2 s7, s17  }
0x1b0: {  	[tilespmem:s4], [sflag:$0x5] =	stream.linear.gather @!p2 [hbm4b:s18+s20], $0x400, $0x38;
	[tilespmem:$0x1F180] =	vst v63  }
0x1b1: {  	s18 =	simm.s32 @!p2 $0x5  }
0x1b2: {  	_ =	swait.ge @!p2 [sflag:s18], $0x400  }
0x1b3: {  	[sflag:s18] =	ssyncset.done @!p2 $0x0  }
0x1b4: {  	s17 =	sadd.s32 @!p2 s8, s17;
	s4 =	sor.u32 @!p2 $0x800, s4;
	[sflag:s18] =	ssyncadd.s32 @!p2 $0xFFFFFC00  }
0x1b5: {  	[tilespmem:s4], [sflag:$0x5] =	stream.linear.gather @!p2 [hbm4b:s17+s20], $0x400, $0x38;
	[tilespmem:$0x1F180] =	vst v63  }
0x1b6: {  	_ =	swait.ge @!p2 [sflag:s18], $0x400  }
0x1b7: {  	s4 =	sand.u32 @!p1 $0x700, s16;
	[sflag:s18] =	ssyncset.done @!p2 $0x0  }
0x1b8: {  	s16 =	simm.s32 @!p1 $0x80;
	s17 =	simm.s32 @!p1 $0x1000;
	[sflag:s18] =	ssyncadd.s32 @!p2 $0xFFFFFC00  }
0x1b9: {  	[tilespmem:s17], [sflag:$0x1] =	stream.indirect.gather @!p1 [hbm4b:s5+s16], $0x20, s4, s16, $0xb8;
	[tilespmem:$0x1F180] =	vst v63  }
0x1ba: {  	s4 =	sor.u32 @!p1 $0x800, s4;
	s17 =	simm.s32 @!p1 $0x3000  }
0x1bb: {  	[tilespmem:s17], [sflag:$0x1] =	stream.indirect.gather @!p1 [hbm4b:s6+s16], $0x10, s4, s16, $0xb8;
	[tilespmem:$0x1F180] =	vst v63  }
0x1bc: {  	_ =	swait.ge [sflag:s0], $0x1000  }
0x1bd: {  	[sflag:s0] =	ssyncset.done $0x0  }
0x1be: {  	[sflag:s0] =	ssyncadd.s32 $0xFFFFF000  }
0x1bf: {  	_ =	swait.ge [sflag:s0], $0x800  }
0x1c0: {  	[sflag:s0] =	ssyncset.done $0x0  }
0x1c1: {  	s18 =	simm.s32 $0x0;
	s4 =	simm.s32 @!p0 $0x4;
	[sflag:s0] =	ssyncadd.s32 $0xFFFFF800  }
0x1c2: {  	v4 =	vor.u32 s18, v0;
	_ =	swait.ge @!p0 [sflag:s4], $0x800  }
0x1c3: {  	v2 =	vshll.u32 v4, $0x5;
	[sflag:s4] =	ssyncset.done @!p0 $0x0  }
0x1c4: {  	v6 =	vshll.u32 v4, $0x4;
	[sflag:s4] =	ssyncadd.s32 @!p0 $0xFFFFF800  }
0x1c5: {  	v7 =	vor.u32 $0x1, v6;
	_ =	swait.ge @!p0 [sflag:s4], $0x80  }
0x1c6: {  	v3 =	vor.u32 $0x1, v2;
	[sflag:s4] =	ssyncset.done @!p0 $0x0  }
0x1c7: {  	v5 =	vor.u32 $0x2, v2;
	[sflag:s4] =	ssyncadd.s32 @!p0 $0xFFFFFF80  }
0x1c8: {  	v9 =	vor.u32 $0x2, v6;
	v8 =	vld.idx.msk [tilespmem:v2+s25+$0x0], $0xffff  }
0x1c9: {  	v10 =	vor.u32 $0x3, v2;
	v11 =	vld.idx.msk [tilespmem:v6+s28+$0x0], $0xffff  }
0x1ca: {  	v13 =	vor.u32 $0x3, v6;
	v32 =	vld.idx.msk [tilespmem:v7+s28+$0x0], $0xffff  }
0x1cb: {  	v33 =	vor.u32 $0x4, v2;
	v3 =	vld.idx.msk [tilespmem:v3+s25+$0x0], $0xffff  }
0x1cc: {  	v34 =	vor.u32 $0x4, v6;
	v5 =	vld.idx.msk [tilespmem:v5+s25+$0x0], $0xffff  }
0x1cd: {  	v35 =	vor.u32 $0x5, v2;
	v36 =	vld.idx.msk [tilespmem:v9+s28+$0x0], $0xffff  }
0x1ce: {  	v37 =	vor.u32 $0x5, v6;
	v10 =	vld.idx.msk [tilespmem:v10+s25+$0x0], $0xffff;
	v8 =	vmul.f32 v11, v8  }
0x1cf: {  	v39 =	vor.u32 $0x6, v6;
	v38 =	vld.idx.msk [tilespmem:v13+s28+$0x0], $0xffff  }
0x1d0: {  	v14 =	vld.idx.msk [tilespmem:v33+s25+$0x0], $0xffff;
	v11 =	vor.u32 $0x6, v2;
	v3 =	vmul.f32 v32, v3;
	v8 =	vadd.f32 $0.0e+00, v8  }
0x1d1: {  	v40 =	vor.u32 $0x7, v2;
	v41 =	vld.idx.msk [tilespmem:v34+s28+$0x0], $0xffff  }
0x1d2: {  	v42 =	vor.u32 $0x7, v6;
	v16 =	vld.idx.msk [tilespmem:v35+s25+$0x0], $0xffff;
	v5 =	vmul.f32 v36, v5;
	v3 =	vadd.f32 v3, v8  }
0x1d3: {  	v44 =	vor.u32 $0x8, v6;
	v43 =	vld.idx.msk [tilespmem:v37+s28+$0x0], $0xffff  }
0x1d4: {  	v45 =	vld.idx.msk [tilespmem:v39+s28+$0x0], $0xffff;
	v10 =	vmul.f32 v38, v10;
	v8 =	vor.u32 $0x8, v2;
	v3 =	vadd.f32 v5, v3  }
0x1d5: {  	v46 =	vor.u32 $0x9, v6;
	v11 =	vld.idx.msk [tilespmem:v11+s25+$0x0], $0xffff  }
0x1d6: {  	v12 =	vld.idx.msk [tilespmem:v40+s25+$0x0], $0xffff;
	v14 =	vmul.f32 v41, v14;
	v5 =	vor.u32 $0x9, v2;
	v3 =	vadd.f32 v10, v3  }
0x1d7: {  	v48 =	vor.u32 $0xA, v6;
	v47 =	vld.idx.msk [tilespmem:v42+s28+$0x0], $0xffff  }
0x1d8: {  	v50 =	vld.idx.msk [tilespmem:v44+s28+$0x0], $0xffff;
	v16 =	vmul.f32 v43, v16;
	v10 =	vor.u32 $0xA, v2;
	v3 =	vadd.f32 v14, v3  }
0x1d9: {  	v51 =	vor.u32 $0xB, v6;
	v8 =	vld.idx.msk [tilespmem:v8+s25+$0x0], $0xffff  }
0x1da: {  	v49 =	vor.u32 $0xB, v2;
	v53 =	vld.idx.msk [tilespmem:v46+s28+$0x0], $0xffff;
	v11 =	vmul.f32 v45, v11;
	v3 =	vadd.f32 v16, v3  }
0x1db: {  	v54 =	vor.u32 $0xC, v6;
	v5 =	vld.idx.msk [tilespmem:v5+s25+$0x0], $0xffff  }
0x1dc: {  	v52 =	vor.u32 $0xC, v2;
	v55 =	vld.idx.msk [tilespmem:v48+s28+$0x0], $0xffff;
	v12 =	vmul.f32 v47, v12;
	v3 =	vadd.f32 v11, v3  }
0x1dd: {  	v10 =	vld.idx.msk [tilespmem:v10+s25+$0x0], $0xffff;
	v11 =	vor.u32 $0xD, v2  }
0x1de: {  	v56 =	vor.u32 $0xD, v6;
	v58 =	vld.idx.msk [tilespmem:v51+s28+$0x0], $0xffff;
	v8 =	vmul.f32 v50, v8;
	v3 =	vadd.f32 v12, v3  }
0x1df: {  	v57 =	vor.u32 $0xE, v2;
	v14 =	vld.idx.msk [tilespmem:v49+s25+$0x0], $0xffff  }
0x1e0: {  	v59 =	vor.u32 $0xE, v6;
	v61 =	vld.idx.msk [tilespmem:v54+s28+$0x0], $0xffff;
	v5 =	vmul.f32 v53, v5;
	v8 =	vadd.f32 v8, v3  }
0x1e1: {  	v60 =	vor.u32 $0xF, v2;
	v16 =	vld.idx.msk [tilespmem:v52+s25+$0x0], $0xffff  }
0x1e2: {  	v3 =	vor.u32 $0xF, v6;
	v10 =	vmul.f32 v55, v10;
	v11 =	vld.idx.msk [tilespmem:v11+s25+$0x0], $0xffff;
	v5 =	vadd.f32 v5, v8  }
0x1e3: {  	v8 =	vld.idx.msk [tilespmem:v56+s28+$0x0], $0xffff  }
0x1e4: {  	v14 =	vmul.f32 v58, v14;
	v12 =	vld.idx.msk [tilespmem:v57+s25+$0x0], $0xffff;
	v5 =	vadd.f32 v10, v5  }
0x1e5: {  	v10 =	vld.idx.msk [tilespmem:v59+s28+$0x0], $0xffff  }
0x1e6: {  	v62 =	vld.idx.msk [tilespmem:v60+s25+$0x0], $0xffff;
	v16 =	vmul.f32 v61, v16;
	v5 =	vadd.f32 v14, v5  }
0x1e7: {  	v63 =	vld.idx.msk [tilespmem:v3+s28+$0x0], $0xffff  }
0x1e8: {  	v8 =	vmul.f32 v8, v11;
	v5 =	vadd.f32 v16, v5;
	_ =	sdelay $0x1  }
0x1e9: {  	v10 =	vmul.f32 v10, v12;
	v5 =	vadd.f32 v8, v5;
	_ =	sdelay $0x1  }
0x1ea: {  	v8 =	vmul.f32 v63, v62;
	v5 =	vadd.f32 v10, v5;
	_ =	sdelay $0x1  }
0x1eb: {  	v5 =	vadd.f32 v8, v5;
	_ =	sdelay $0x1  }
0x1ec: {  	v5 =	vmul.f32 $1.442695020e+00, v5;
	_ =	sdelay $0x1  }
0x1ed: {  	(erf) = vpow2.f32 v5;
	_ =	sdelay $0x4  }
0x1ee: {  	v4 =	vand.u32 v1, v4  }
0x1ef: {  	v8 =	vor.u32 $0x10, v2;
	_ =	sdelay $0x2  }
0x1f0: {  	v5 =	vpop (erf)  }
0x1f1: {  	[tilespmem:v4+s2+$0x0] =	vst.idx.msk $0xffff, v5  }
0x1f2: {  	v4 =	vld.idx.msk [tilespmem:v8+s25+$0x0], $0xffff;
	_ =	sdelay $0x2  }
0x1f3: {  	v8 =	vor.u32 $0x11, v2;
	_ =	sdelay $0x1  }
0x1f4: {  	v4 =	vmul.f32 v5, v4;
	_ =	sdelay $0x1  }
0x1f5: {  	[tilespmem:v6+s26+$0x0] =	vst.idx.msk $0xffff, v4  }
0x1f6: {  	v4 =	vld.idx.msk [tilespmem:v8+s25+$0x0], $0xffff;
	_ =	sdelay $0x2  }
0x1f7: {  	v6 =	vor.u32 $0x12, v2;
	_ =	sdelay $0x1  }
0x1f8: {  	v4 =	vmul.f32 v4, v5;
	_ =	sdelay $0x1  }
0x1f9: {  	[tilespmem:v7+s26+$0x0] =	vst.idx.msk $0xffff, v4  }
0x1fa: {  	v4 =	vld.idx.msk [tilespmem:v6+s25+$0x0], $0xffff;
	_ =	sdelay $0x2  }
0x1fb: {  	v6 =	vor.u32 $0x13, v2;
	_ =	sdelay $0x1  }
0x1fc: {  	v4 =	vmul.f32 v4, v5;
	_ =	sdelay $0x1  }
0x1fd: {  	[tilespmem:v9+s26+$0x0] =	vst.idx.msk $0xffff, v4  }
0x1fe: {  	v4 =	vld.idx.msk [tilespmem:v6+s25+$0x0], $0xffff;
	_ =	sdelay $0x2  }
0x1ff: {  	v6 =	vor.u32 $0x14, v2;
	_ =	sdelay $0x1  }
0x200: {  	v4 =	vmul.f32 v4, v5;
	_ =	sdelay $0x1  }
0x201: {  	[tilespmem:v13+s26+$0x0] =	vst.idx.msk $0xffff, v4  }
0x202: {  	v4 =	vld.idx.msk [tilespmem:v6+s25+$0x0], $0xffff;
	_ =	sdelay $0x2  }
0x203: {  	v6 =	vor.u32 $0x15, v2;
	_ =	sdelay $0x1  }
0x204: {  	v4 =	vmul.f32 v4, v5;
	_ =	sdelay $0x1  }
0x205: {  	[tilespmem:v34+s26+$0x0] =	vst.idx.msk $0xffff, v4  }
0x206: {  	v4 =	vld.idx.msk [tilespmem:v6+s25+$0x0], $0xffff;
	_ =	sdelay $0x2  }
0x207: {  	v6 =	vor.u32 $0x16, v2;
	_ =	sdelay $0x1  }
0x208: {  	v4 =	vmul.f32 v4, v5;
	_ =	sdelay $0x1  }
0x209: {  	[tilespmem:v37+s26+$0x0] =	vst.idx.msk $0xffff, v4  }
0x20a: {  	v4 =	vld.idx.msk [tilespmem:v6+s25+$0x0], $0xffff;
	_ =	sdelay $0x2  }
0x20b: {  	v6 =	vor.u32 $0x17, v2;
	_ =	sdelay $0x1  }
0x20c: {  	v4 =	vmul.f32 v4, v5;
	_ =	sdelay $0x1  }
0x20d: {  	[tilespmem:v39+s26+$0x0] =	vst.idx.msk $0xffff, v4  }
0x20e: {  	v4 =	vld.idx.msk [tilespmem:v6+s25+$0x0], $0xffff;
	_ =	sdelay $0x2  }
0x20f: {  	v6 =	vor.u32 $0x18, v2;
	_ =	sdelay $0x1  }
0x210: {  	v4 =	vmul.f32 v4, v5;
	_ =	sdelay $0x1  }
0x211: {  	[tilespmem:v42+s26+$0x0] =	vst.idx.msk $0xffff, v4  }
0x212: {  	v4 =	vld.idx.msk [tilespmem:v6+s25+$0x0], $0xffff;
	_ =	sdelay $0x2  }
0x213: {  	v6 =	vor.u32 $0x19, v2;
	_ =	sdelay $0x1  }
0x214: {  	v4 =	vmul.f32 v4, v5;
	_ =	sdelay $0x1  }
0x215: {  	[tilespmem:v44+s26+$0x0] =	vst.idx.msk $0xffff, v4  }
0x216: {  	v4 =	vld.idx.msk [tilespmem:v6+s25+$0x0], $0xffff;
	_ =	sdelay $0x2  }
0x217: {  	v6 =	vor.u32 $0x1A, v2;
	_ =	sdelay $0x1  }
0x218: {  	v4 =	vmul.f32 v4, v5;
	_ =	sdelay $0x1  }
0x219: {  	[tilespmem:v46+s26+$0x0] =	vst.idx.msk $0xffff, v4  }
0x21a: {  	v4 =	vld.idx.msk [tilespmem:v6+s25+$0x0], $0xffff;
	_ =	sdelay $0x2  }
0x21b: {  	v6 =	vor.u32 $0x1B, v2;
	_ =	sdelay $0x1  }
0x21c: {  	v4 =	vmul.f32 v4, v5;
	_ =	sdelay $0x1  }
0x21d: {  	[tilespmem:v48+s26+$0x0] =	vst.idx.msk $0xffff, v4  }
0x21e: {  	v4 =	vld.idx.msk [tilespmem:v6+s25+$0x0], $0xffff;
	_ =	sdelay $0x2  }
0x21f: {  	v6 =	vor.u32 $0x1C, v2;
	_ =	sdelay $0x1  }
0x220: {  	v4 =	vmul.f32 v4, v5;
	_ =	sdelay $0x1  }
0x221: {  	[tilespmem:v51+s26+$0x0] =	vst.idx.msk $0xffff, v4  }
0x222: {  	v4 =	vld.idx.msk [tilespmem:v6+s25+$0x0], $0xffff;
	_ =	sdelay $0x2  }
0x223: {  	v6 =	vor.u32 $0x1D, v2;
	_ =	sdelay $0x1  }
0x224: {  	v4 =	vmul.f32 v4, v5;
	_ =	sdelay $0x1  }
0x225: {  	[tilespmem:v54+s26+$0x0] =	vst.idx.msk $0xffff, v4  }
0x226: {  	v4 =	vld.idx.msk [tilespmem:v6+s25+$0x0], $0xffff;
	_ =	sdelay $0x2  }
0x227: {  	v6 =	vor.u32 $0x1E, v2;
	_ =	sdelay $0x1  }
0x228: {  	v4 =	vmul.f32 v4, v5;
	_ =	sdelay $0x1  }
0x229: {  	[tilespmem:v56+s26+$0x0] =	vst.idx.msk $0xffff, v4  }
0x22a: {  	v4 =	vld.idx.msk [tilespmem:v6+s25+$0x0], $0xffff;
	_ =	sdelay $0x2  }
0x22b: {  	v8 =	vor.u32 $0x1F, v2;
	_ =	sdelay $0x1  }
0x22c: {  	v2 =	vmul.f32 v4, v5;
	_ =	sdelay $0x1  }
0x22d: {  	[tilespmem:v59+s26+$0x0] =	vst.idx.msk $0xffff, v2  }
0x22e: {  	v10 =	vld.idx.msk [tilespmem:v8+s25+$0x0], $0xffff  }
0x22f: {  	s20 =	simm.s32 $0x10  }
0x230: {  	v7 =	vor.u32 s20, v0  }
0x231: {  	v6 =	vshll.u32 v7, $0x4;
	v2 =	vshll.u32 v7, $0x5  }
0x232: {  	s16 =	simm.s32 $0x20;
	v4 =	vor.u32 $0x1, v6;
	v8 =	vor.u32 $0x1, v2;
	v9 =	vor.u32 $0x2, v2  }
.LBB2_5:
0x233: {  	p0 =	sne.s32 s16, $0x70;
	v11 =	vor.u32 $0x3, v2;
	v12 =	vor.u32 $0x4, v2;
	v5 =	vmul.f32 v10, v5;
	s17 =	smov.u32 s16;
	s16 =	sadd.s32 $0x10, s16  }
0x234: {  	v10 =	vor.u32 $0x5, v2;
	v13 =	vor.u32 $0x6, v2;
	v21 =	vor.u32 $0x7, v2  }
0x235: {  	v22 =	vor.u32 $0x8, v2;
	v23 =	vor.u32 $0x9, v2;
	v24 =	vor.u32 $0xA, v2;
	[tilespmem:v3+s26+$0x0] =	vst.idx.msk $0xffff, v5  }
0x236: {  	v20 =	vor.u32 $0x2, v6;
	v25 =	vor.u32 $0xC, v2;
	v5 =	vor.u32 $0xB, v2;
	v3 =	vld.idx.msk [tilespmem:v2+s25+$0x0], $0xffff  }
0x237: {  	v26 =	vor.u32 $0xD, v2;
	v27 =	vor.u32 $0xE, v2;
	v28 =	vor.u32 $0xF, v2;
	v14 =	vld.idx.msk [tilespmem:v4+s28+$0x0], $0xffff  }
0x238: {  	v19 =	vor.u32 $0x3, v6;
	v15 =	vld.idx.msk [tilespmem:v6+s28+$0x0], $0xffff  }
0x239: {  	v8 =	vld.idx.msk [tilespmem:v8+s25+$0x0], $0xffff  }
0x23a: {  	v18 =	vor.u32 $0x4, v6;
	v9 =	vld.idx.msk [tilespmem:v9+s25+$0x0], $0xffff  }
0x23b: {  	v29 =	vld.idx.msk [tilespmem:v20+s28+$0x0], $0xffff  }
0x23c: {  	v17 =	vor.u32 $0x5, v6;
	v11 =	vld.idx.msk [tilespmem:v11+s25+$0x0], $0xffff  }
0x23d: {  	v30 =	vld.idx.msk [tilespmem:v19+s28+$0x0], $0xffff  }
0x23e: {  	v16 =	vor.u32 $0x6, v6;
	v3 =	vmul.f32 v15, v3;
	v12 =	vld.idx.msk [tilespmem:v12+s25+$0x0], $0xffff  }
0x23f: {  	v8 =	vmul.f32 v14, v8;
	v31 =	vld.idx.msk [tilespmem:v18+s28+$0x0], $0xffff  }
0x240: {  	v15 =	vor.u32 $0x7, v6;
	v3 =	vadd.f32 $0.0e+00, v3;
	v10 =	vld.idx.msk [tilespmem:v10+s25+$0x0], $0xffff  }
0x241: {  	v9 =	vmul.f32 v29, v9;
	v29 =	vld.idx.msk [tilespmem:v17+s28+$0x0], $0xffff  }
0x242: {  	v14 =	vor.u32 $0x8, v6;
	v3 =	vadd.f32 v8, v3;
	v8 =	vld.idx.msk [tilespmem:v13+s25+$0x0], $0xffff  }
0x243: {  	v11 =	vmul.f32 v30, v11;
	v30 =	vld.idx.msk [tilespmem:v16+s28+$0x0], $0xffff  }
0x244: {  	v13 =	vor.u32 $0x9, v6;
	v3 =	vadd.f32 v9, v3;
	v9 =	vld.idx.msk [tilespmem:v21+s25+$0x0], $0xffff  }
0x245: {  	v21 =	vmul.f32 v31, v12;
	v31 =	vld.idx.msk [tilespmem:v15+s28+$0x0], $0xffff  }
0x246: {  	v12 =	vor.u32 $0xA, v6;
	v3 =	vadd.f32 v11, v3;
	v22 =	vld.idx.msk [tilespmem:v22+s25+$0x0], $0xffff  }
0x247: {  	v10 =	vmul.f32 v29, v10;
	v29 =	vld.idx.msk [tilespmem:v14+s28+$0x0], $0xffff  }
0x248: {  	v11 =	vor.u32 $0xB, v6;
	v3 =	vadd.f32 v21, v3;
	v21 =	vld.idx.msk [tilespmem:v23+s25+$0x0], $0xffff  }
0x249: {  	v8 =	vmul.f32 v30, v8;
	v23 =	vld.idx.msk [tilespmem:v13+s28+$0x0], $0xffff  }
0x24a: {  	v3 =	vadd.f32 v10, v3;
	v10 =	vor.u32 $0xC, v6;
	v24 =	vld.idx.msk [tilespmem:v24+s25+$0x0], $0xffff  }
0x24b: {  	v30 =	vmul.f32 v31, v9;
	v31 =	vld.idx.msk [tilespmem:v12+s28+$0x0], $0xffff  }
0x24c: {  	v9 =	vor.u32 $0xD, v6;
	v3 =	vadd.f32 v8, v3;
	v5 =	vld.idx.msk [tilespmem:v5+s25+$0x0], $0xffff  }
0x24d: {  	v22 =	vmul.f32 v29, v22;
	v29 =	vld.idx.msk [tilespmem:v11+s28+$0x0], $0xffff  }
0x24e: {  	v8 =	vor.u32 $0xE, v6;
	v3 =	vadd.f32 v30, v3;
	v25 =	vld.idx.msk [tilespmem:v25+s25+$0x0], $0xffff  }
0x24f: {  	v21 =	vmul.f32 v23, v21;
	v23 =	vld.idx.msk [tilespmem:v10+s28+$0x0], $0xffff  }
0x250: {  	v22 =	vadd.f32 v22, v3;
	v3 =	vor.u32 $0xF, v6;
	v26 =	vld.idx.msk [tilespmem:v26+s25+$0x0], $0xffff  }
0x251: {  	v24 =	vmul.f32 v31, v24;
	v30 =	vld.idx.msk [tilespmem:v9+s28+$0x0], $0xffff  }
0x252: {  	v21 =	vadd.f32 v21, v22;
	v22 =	vld.idx.msk [tilespmem:v27+s25+$0x0], $0xffff  }
0x253: {  	v5 =	vmul.f32 v29, v5;
	v27 =	vld.idx.msk [tilespmem:v8+s28+$0x0], $0xffff  }
0x254: {  	v21 =	vadd.f32 v24, v21;
	v24 =	vld.idx.msk [tilespmem:v28+s25+$0x0], $0xffff  }
0x255: {  	v23 =	vmul.f32 v23, v25;
	v25 =	vld.idx.msk [tilespmem:v3+s28+$0x0], $0xffff  }
0x256: {  	v5 =	vadd.f32 v5, v21  }
0x257: {  	v21 =	vmul.f32 v30, v26  }
0x258: {  	v5 =	vadd.f32 v23, v5  }
0x259: {  	v22 =	vmul.f32 v27, v22  }
0x25a: {  	v5 =	vadd.f32 v21, v5  }
0x25b: {  	v21 =	vmul.f32 v25, v24  }
0x25c: {  	v5 =	vadd.f32 v22, v5;
	_ =	sdelay $0x1  }
0x25d: {  	v5 =	vadd.f32 v21, v5;
	_ =	sdelay $0x1  }
0x25e: {  	v5 =	vmul.f32 $1.442695020e+00, v5;
	_ =	sdelay $0x1  }
0x25f: {  	(erf) = vpow2.f32 v5;
	_ =	sdelay $0x3  }
0x260: {  	v7 =	vand.u32 v1, v7  }
0x261: {  	v21 =	vor.u32 $0x10, v2;
	_ =	sdelay $0x3  }
0x262: {  	v5 =	vpop (erf)  }
0x263: {  	[tilespmem:v7+s2+$0x0] =	vst.idx.msk $0xffff, v5  }
0x264: {  	v7 =	vld.idx.msk [tilespmem:v21+s25+$0x0], $0xffff;
	_ =	sdelay $0x2  }
0x265: {  	v21 =	vor.u32 $0x11, v2;
	_ =	sdelay $0x2  }
0x266: {  	v7 =	vmul.f32 v5, v7;
	_ =	sdelay $0x1  }
0x267: {  	[tilespmem:v6+s26+$0x0] =	vst.idx.msk $0xffff, v7  }
0x268: {  	v6 =	vld.idx.msk [tilespmem:v21+s25+$0x0], $0xffff;
	_ =	sdelay $0x2  }
0x269: {  	v7 =	vor.u32 $0x12, v2;
	_ =	sdelay $0x2  }
0x26a: {  	v6 =	vmul.f32 v6, v5;
	_ =	sdelay $0x1  }
0x26b: {  	[tilespmem:v4+s26+$0x0] =	vst.idx.msk $0xffff, v6  }
0x26c: {  	v4 =	vld.idx.msk [tilespmem:v7+s25+$0x0], $0xffff;
	_ =	sdelay $0x2  }
0x26d: {  	v6 =	vor.u32 $0x13, v2;
	_ =	sdelay $0x2  }
0x26e: {  	v4 =	vmul.f32 v4, v5;
	_ =	sdelay $0x1  }
0x26f: {  	[tilespmem:v20+s26+$0x0] =	vst.idx.msk $0xffff, v4  }
0x270: {  	v4 =	vld.idx.msk [tilespmem:v6+s25+$0x0], $0xffff;
	_ =	sdelay $0x2  }
0x271: {  	v6 =	vor.u32 $0x14, v2;
	_ =	sdelay $0x2  }
0x272: {  	v4 =	vmul.f32 v4, v5;
	_ =	sdelay $0x1  }
0x273: {  	[tilespmem:v19+s26+$0x0] =	vst.idx.msk $0xffff, v4  }
0x274: {  	v4 =	vld.idx.msk [tilespmem:v6+s25+$0x0], $0xffff;
	_ =	sdelay $0x2  }
0x275: {  	v6 =	vor.u32 $0x15, v2;
	_ =	sdelay $0x2  }
0x276: {  	v4 =	vmul.f32 v4, v5;
	_ =	sdelay $0x1  }
0x277: {  	[tilespmem:v18+s26+$0x0] =	vst.idx.msk $0xffff, v4  }
0x278: {  	v4 =	vld.idx.msk [tilespmem:v6+s25+$0x0], $0xffff;
	_ =	sdelay $0x2  }
0x279: {  	v6 =	vor.u32 $0x16, v2;
	_ =	sdelay $0x2  }
0x27a: {  	v4 =	vmul.f32 v4, v5;
	_ =	sdelay $0x1  }
0x27b: {  	[tilespmem:v17+s26+$0x0] =	vst.idx.msk $0xffff, v4  }
0x27c: {  	v4 =	vld.idx.msk [tilespmem:v6+s25+$0x0], $0xffff;
	_ =	sdelay $0x2  }
0x27d: {  	v6 =	vor.u32 $0x17, v2;
	_ =	sdelay $0x2  }
0x27e: {  	v4 =	vmul.f32 v4, v5;
	_ =	sdelay $0x1  }
0x27f: {  	[tilespmem:v16+s26+$0x0] =	vst.idx.msk $0xffff, v4  }
0x280: {  	v4 =	vld.idx.msk [tilespmem:v6+s25+$0x0], $0xffff;
	_ =	sdelay $0x2  }
0x281: {  	v6 =	vor.u32 $0x18, v2;
	_ =	sdelay $0x2  }
0x282: {  	v4 =	vmul.f32 v4, v5;
	_ =	sdelay $0x1  }
0x283: {  	[tilespmem:v15+s26+$0x0] =	vst.idx.msk $0xffff, v4  }
0x284: {  	v4 =	vld.idx.msk [tilespmem:v6+s25+$0x0], $0xffff;
	_ =	sdelay $0x2  }
0x285: {  	v6 =	vor.u32 $0x19, v2;
	_ =	sdelay $0x2  }
0x286: {  	v4 =	vmul.f32 v4, v5;
	_ =	sdelay $0x1  }
0x287: {  	[tilespmem:v14+s26+$0x0] =	vst.idx.msk $0xffff, v4  }
0x288: {  	v4 =	vld.idx.msk [tilespmem:v6+s25+$0x0], $0xffff;
	_ =	sdelay $0x2  }
0x289: {  	v6 =	vor.u32 $0x1A, v2;
	_ =	sdelay $0x2  }
0x28a: {  	v4 =	vmul.f32 v4, v5;
	_ =	sdelay $0x1  }
0x28b: {  	[tilespmem:v13+s26+$0x0] =	vst.idx.msk $0xffff, v4  }
0x28c: {  	v4 =	vld.idx.msk [tilespmem:v6+s25+$0x0], $0xffff;
	_ =	sdelay $0x2  }
0x28d: {  	v6 =	vor.u32 $0x1B, v2;
	_ =	sdelay $0x2  }
0x28e: {  	v4 =	vmul.f32 v4, v5;
	_ =	sdelay $0x1  }
0x28f: {  	[tilespmem:v12+s26+$0x0] =	vst.idx.msk $0xffff, v4  }
0x290: {  	v4 =	vld.idx.msk [tilespmem:v6+s25+$0x0], $0xffff;
	_ =	sdelay $0x2  }
0x291: {  	v6 =	vor.u32 $0x1C, v2;
	_ =	sdelay $0x2  }
0x292: {  	v4 =	vmul.f32 v4, v5;
	_ =	sdelay $0x1  }
0x293: {  	[tilespmem:v11+s26+$0x0] =	vst.idx.msk $0xffff, v4  }
0x294: {  	v4 =	vld.idx.msk [tilespmem:v6+s25+$0x0], $0xffff;
	_ =	sdelay $0x2  }
0x295: {  	v6 =	vor.u32 $0x1D, v2;
	_ =	sdelay $0x2  }
0x296: {  	v4 =	vmul.f32 v4, v5;
	_ =	sdelay $0x1  }
0x297: {  	[tilespmem:v10+s26+$0x0] =	vst.idx.msk $0xffff, v4  }
0x298: {  	v4 =	vld.idx.msk [tilespmem:v6+s25+$0x0], $0xffff;
	_ =	sdelay $0x2  }
0x299: {  	v6 =	vor.u32 $0x1E, v2;
	_ =	sdelay $0x2  }
0x29a: {  	v4 =	vmul.f32 v4, v5;
	_ =	sdelay $0x1  }
0x29b: {  	[tilespmem:v9+s26+$0x0] =	vst.idx.msk $0xffff, v4  }
0x29c: {  	v4 =	vld.idx.msk [tilespmem:v6+s25+$0x0], $0xffff;
	_ =	sdelay $0x2  }
0x29d: {  	v2 =	vor.u32 $0x1F, v2;
	_ =	sdelay $0x2  }
0x29e: {  	v4 =	vmul.f32 v4, v5;
	_ =	sdelay $0x1  }
0x29f: {  	[tilespmem:v8+s26+$0x0] =	vst.idx.msk $0xffff, v4  }
0x2a0: {  	v10 =	vld.idx.msk [tilespmem:v2+s25+$0x0], $0xffff  }
.Ltmp3:
0x2a1: {  	(pc) =	sbr.rel @p0 .LBB2_5-.Ltmp3, $4  }
0x2a2: {  	_ = 	snop  }
0x2a3: {  	v7 =	vor.u32 s17, v0  }
0x2a4: {  	v6 =	vshll.u32 v7, $0x4;
	v2 =	vshll.u32 v7, $0x5  }
0x2a5: {  	v4 =	vor.u32 $0x1, v6;
	v8 =	vor.u32 $0x1, v2;
	v9 =	vor.u32 $0x2, v2  }
0x2a6: {  	_ =	sdelay $0x1  }
0x2a7: {  	v5 =	vmul.f32 v10, v5;
	_ =	sdelay $0x1  }
0x2a8: {  	[tilespmem:v3+s26+$0x0] =	vst.idx.msk $0xffff, v5  }
0x2a9: {  	v63 =	vor.u32 $0x2, v6;
	v3 =	vld.idx.msk [tilespmem:v2+s25+$0x0], $0xffff  }
0x2aa: {  	v26 =	vor.u32 $0x3, v2;
	v11 =	vld.idx.msk [tilespmem:v6+s28+$0x0], $0xffff  }
0x2ab: {  	v13 =	vor.u32 $0x3, v6;
	v12 =	vld.idx.msk [tilespmem:v4+s28+$0x0], $0xffff  }
0x2ac: {  	v14 =	vor.u32 $0x4, v2;
	v8 =	vld.idx.msk [tilespmem:v8+s25+$0x0], $0xffff  }
0x2ad: {  	v15 =	vor.u32 $0x4, v6;
	v9 =	vld.idx.msk [tilespmem:v9+s25+$0x0], $0xffff  }
0x2ae: {  	v16 =	vor.u32 $0x5, v2;
	v17 =	vld.idx.msk [tilespmem:v63+s28+$0x0], $0xffff  }
0x2af: {  	v18 =	vor.u32 $0x5, v6;
	v10 =	vld.idx.msk [tilespmem:v26+s25+$0x0], $0xffff;
	v3 =	vmul.f32 v11, v3  }
0x2b0: {  	v20 =	vor.u32 $0x6, v6;
	v19 =	vld.idx.msk [tilespmem:v13+s28+$0x0], $0xffff  }
0x2b1: {  	v27 =	vor.u32 $0x6, v2;
	v14 =	vld.idx.msk [tilespmem:v14+s25+$0x0], $0xffff;
	v8 =	vmul.f32 v12, v8;
	v3 =	vadd.f32 $0.0e+00, v3  }
0x2b2: {  	v22 =	vor.u32 $0x7, v6;
	v21 =	vld.idx.msk [tilespmem:v15+s28+$0x0], $0xffff  }
0x2b3: {  	v28 =	vor.u32 $0x7, v2;
	v16 =	vld.idx.msk [tilespmem:v16+s25+$0x0], $0xffff;
	v9 =	vmul.f32 v17, v9;
	v3 =	vadd.f32 v8, v3  }
0x2b4: {  	v23 =	vor.u32 $0x8, v6;
	v30 =	vld.idx.msk [tilespmem:v18+s28+$0x0], $0xffff  }
0x2b5: {  	v29 =	vor.u32 $0x8, v2;
	v32 =	vld.idx.msk [tilespmem:v20+s28+$0x0], $0xffff;
	v10 =	vmul.f32 v19, v10;
	v3 =	vadd.f32 v9, v3  }
0x2b6: {  	v24 =	vor.u32 $0x9, v6;
	v11 =	vld.idx.msk [tilespmem:v27+s25+$0x0], $0xffff  }
0x2b7: {  	v31 =	vor.u32 $0x9, v2;
	v34 =	vld.idx.msk [tilespmem:v22+s28+$0x0], $0xffff;
	v14 =	vmul.f32 v21, v14;
	v3 =	vadd.f32 v10, v3  }
0x2b8: {  	v25 =	vor.u32 $0xA, v6;
	v12 =	vld.idx.msk [tilespmem:v28+s25+$0x0], $0xffff  }
0x2b9: {  	v33 =	vor.u32 $0xA, v2;
	v36 =	vld.idx.msk [tilespmem:v23+s28+$0x0], $0xffff;
	v16 =	vmul.f32 v30, v16;
	v3 =	vadd.f32 v14, v3  }
0x2ba: {  	v26 =	vor.u32 $0xB, v6;
	v8 =	vld.idx.msk [tilespmem:v29+s25+$0x0], $0xffff  }
0x2bb: {  	v35 =	vor.u32 $0xB, v2;
	v38 =	vld.idx.msk [tilespmem:v24+s28+$0x0], $0xffff;
	v11 =	vmul.f32 v32, v11;
	v3 =	vadd.f32 v16, v3  }
0x2bc: {  	v27 =	vor.u32 $0xC, v6;
	v9 =	vld.idx.msk [tilespmem:v31+s25+$0x0], $0xffff  }
0x2bd: {  	v37 =	vor.u32 $0xC, v2;
	v40 =	vld.idx.msk [tilespmem:v25+s28+$0x0], $0xffff;
	v12 =	vmul.f32 v34, v12;
	v3 =	vadd.f32 v11, v3  }
0x2be: {  	v28 =	vor.u32 $0xD, v6;
	v10 =	vld.idx.msk [tilespmem:v33+s25+$0x0], $0xffff  }
0x2bf: {  	v39 =	vor.u32 $0xD, v2;
	v42 =	vld.idx.msk [tilespmem:v26+s28+$0x0], $0xffff;
	v8 =	vmul.f32 v36, v8;
	v3 =	vadd.f32 v12, v3  }
0x2c0: {  	v29 =	vor.u32 $0xE, v6;
	v14 =	vld.idx.msk [tilespmem:v35+s25+$0x0], $0xffff  }
0x2c1: {  	v41 =	vor.u32 $0xE, v2;
	v44 =	vld.idx.msk [tilespmem:v27+s28+$0x0], $0xffff;
	v9 =	vmul.f32 v38, v9;
	v3 =	vadd.f32 v8, v3  }
0x2c2: {  	v30 =	vor.u32 $0xF, v6;
	v16 =	vld.idx.msk [tilespmem:v37+s25+$0x0], $0xffff  }
0x2c3: {  	v43 =	vor.u32 $0xF, v2;
	v45 =	vld.idx.msk [tilespmem:v28+s28+$0x0], $0xffff;
	v10 =	vmul.f32 v40, v10;
	v3 =	vadd.f32 v9, v3  }
0x2c4: {  	v11 =	vld.idx.msk [tilespmem:v39+s25+$0x0], $0xffff  }
0x2c5: {  	v46 =	vld.idx.msk [tilespmem:v29+s28+$0x0], $0xffff;
	v14 =	vmul.f32 v42, v14;
	v3 =	vadd.f32 v10, v3  }
0x2c6: {  	v12 =	vld.idx.msk [tilespmem:v41+s25+$0x0], $0xffff  }
0x2c7: {  	v47 =	vld.idx.msk [tilespmem:v30+s28+$0x0], $0xffff;
	v16 =	vmul.f32 v44, v16;
	v3 =	vadd.f32 v14, v3  }
0x2c8: {  	v8 =	vld.idx.msk [tilespmem:v43+s25+$0x0], $0xffff  }
0x2c9: {  	v9 =	vmul.f32 v45, v11;
	v3 =	vadd.f32 v16, v3;
	_ =	sdelay $0x1  }
0x2ca: {  	v10 =	vmul.f32 v46, v12;
	v3 =	vadd.f32 v9, v3;
	_ =	sdelay $0x1  }
0x2cb: {  	v8 =	vmul.f32 v47, v8;
	v3 =	vadd.f32 v10, v3;
	_ =	sdelay $0x1  }
0x2cc: {  	v3 =	vadd.f32 v8, v3;
	_ =	sdelay $0x1  }
0x2cd: {  	v3 =	vmul.f32 $1.442695020e+00, v3;
	_ =	sdelay $0x1  }
0x2ce: {  	(erf) = vpow2.f32 v3;
	_ =	sdelay $0x4  }
0x2cf: {  	v3 =	vand.u32 v1, v7  }
0x2d0: {  	v48 =	vor.u32 $0x10, v2;
	_ =	sdelay $0x2  }
0x2d1: {  	v49 =	vpop (erf)  }
0x2d2: {  	[tilespmem:v3+s2+$0x0] =	vst.idx.msk $0xffff, v49  }
0x2d3: {  	v3 =	vld.idx.msk [tilespmem:v48+s25+$0x0], $0xffff;
	_ =	sdelay $0x2  }
0x2d4: {  	v50 =	vor.u32 $0x11, v2;
	_ =	sdelay $0x1  }
0x2d5: {  	v3 =	vmul.f32 v49, v3;
	_ =	sdelay $0x1  }
0x2d6: {  	[tilespmem:v6+s26+$0x0] =	vst.idx.msk $0xffff, v3  }
0x2d7: {  	v3 =	vld.idx.msk [tilespmem:v50+s25+$0x0], $0xffff;
	_ =	sdelay $0x2  }
0x2d8: {  	v51 =	vor.u32 $0x12, v2;
	_ =	sdelay $0x1  }
0x2d9: {  	v3 =	vmul.f32 v3, v49;
	_ =	sdelay $0x1  }
0x2da: {  	[tilespmem:v4+s26+$0x0] =	vst.idx.msk $0xffff, v3  }
0x2db: {  	v3 =	vld.idx.msk [tilespmem:v51+s25+$0x0], $0xffff;
	_ =	sdelay $0x2  }
0x2dc: {  	v52 =	vor.u32 $0x13, v2;
	_ =	sdelay $0x1  }
0x2dd: {  	v3 =	vmul.f32 v3, v49;
	_ =	sdelay $0x1  }
0x2de: {  	[tilespmem:v63+s26+$0x0] =	vst.idx.msk $0xffff, v3  }
0x2df: {  	v3 =	vld.idx.msk [tilespmem:v52+s25+$0x0], $0xffff;
	_ =	sdelay $0x2  }
0x2e0: {  	v53 =	vor.u32 $0x14, v2;
	_ =	sdelay $0x1  }
0x2e1: {  	v3 =	vmul.f32 v3, v49;
	_ =	sdelay $0x1  }
0x2e2: {  	[tilespmem:v13+s26+$0x0] =	vst.idx.msk $0xffff, v3  }
0x2e3: {  	v3 =	vld.idx.msk [tilespmem:v53+s25+$0x0], $0xffff;
	_ =	sdelay $0x2  }
0x2e4: {  	v54 =	vor.u32 $0x15, v2;
	_ =	sdelay $0x1  }
0x2e5: {  	v3 =	vmul.f32 v3, v49;
	_ =	sdelay $0x1  }
0x2e6: {  	[tilespmem:v15+s26+$0x0] =	vst.idx.msk $0xffff, v3  }
0x2e7: {  	v3 =	vld.idx.msk [tilespmem:v54+s25+$0x0], $0xffff;
	_ =	sdelay $0x2  }
0x2e8: {  	v55 =	vor.u32 $0x16, v2;
	_ =	sdelay $0x1  }
0x2e9: {  	v3 =	vmul.f32 v3, v49;
	_ =	sdelay $0x1  }
0x2ea: {  	[tilespmem:v18+s26+$0x0] =	vst.idx.msk $0xffff, v3  }
0x2eb: {  	v3 =	vld.idx.msk [tilespmem:v55+s25+$0x0], $0xffff;
	_ =	sdelay $0x2  }
0x2ec: {  	v56 =	vor.u32 $0x17, v2;
	_ =	sdelay $0x1  }
0x2ed: {  	v3 =	vmul.f32 v3, v49;
	_ =	sdelay $0x1  }
0x2ee: {  	[tilespmem:v20+s26+$0x0] =	vst.idx.msk $0xffff, v3  }
0x2ef: {  	v3 =	vld.idx.msk [tilespmem:v56+s25+$0x0], $0xffff;
	_ =	sdelay $0x2  }
0x2f0: {  	v57 =	vor.u32 $0x18, v2;
	_ =	sdelay $0x1  }
0x2f1: {  	v3 =	vmul.f32 v3, v49;
	_ =	sdelay $0x1  }
0x2f2: {  	[tilespmem:v22+s26+$0x0] =	vst.idx.msk $0xffff, v3  }
0x2f3: {  	v3 =	vld.idx.msk [tilespmem:v57+s25+$0x0], $0xffff;
	_ =	sdelay $0x2  }
0x2f4: {  	v58 =	vor.u32 $0x19, v2;
	_ =	sdelay $0x1  }
0x2f5: {  	v3 =	vmul.f32 v3, v49;
	_ =	sdelay $0x1  }
0x2f6: {  	[tilespmem:v23+s26+$0x0] =	vst.idx.msk $0xffff, v3  }
0x2f7: {  	v3 =	vld.idx.msk [tilespmem:v58+s25+$0x0], $0xffff;
	_ =	sdelay $0x2  }
0x2f8: {  	v59 =	vor.u32 $0x1A, v2;
	_ =	sdelay $0x1  }
0x2f9: {  	v3 =	vmul.f32 v3, v49;
	_ =	sdelay $0x1  }
0x2fa: {  	[tilespmem:v24+s26+$0x0] =	vst.idx.msk $0xffff, v3  }
0x2fb: {  	v3 =	vld.idx.msk [tilespmem:v59+s25+$0x0], $0xffff;
	_ =	sdelay $0x2  }
0x2fc: {  	v60 =	vor.u32 $0x1B, v2;
	_ =	sdelay $0x1  }
0x2fd: {  	v3 =	vmul.f32 v3, v49;
	_ =	sdelay $0x1  }
0x2fe: {  	[tilespmem:v25+s26+$0x0] =	vst.idx.msk $0xffff, v3  }
0x2ff: {  	v3 =	vld.idx.msk [tilespmem:v60+s25+$0x0], $0xffff;
	_ =	sdelay $0x2  }
0x300: {  	v61 =	vor.u32 $0x1C, v2;
	_ =	sdelay $0x1  }
0x301: {  	v3 =	vmul.f32 v3, v49;
	_ =	sdelay $0x1  }
0x302: {  	[tilespmem:v26+s26+$0x0] =	vst.idx.msk $0xffff, v3  }
0x303: {  	v3 =	vld.idx.msk [tilespmem:v61+s25+$0x0], $0xffff;
	_ =	sdelay $0x2  }
0x304: {  	v62 =	vor.u32 $0x1D, v2;
	_ =	sdelay $0x1  }
0x305: {  	v3 =	vmul.f32 v3, v49;
	_ =	sdelay $0x1  }
0x306: {  	[tilespmem:v27+s26+$0x0] =	vst.idx.msk $0xffff, v3  }
0x307: {  	v3 =	vld.idx.msk [tilespmem:v62+s25+$0x0], $0xffff;
	_ =	sdelay $0x2  }
0x308: {  	v63 =	vor.u32 $0x1E, v2;
	_ =	sdelay $0x1  }
0x309: {  	v3 =	vmul.f32 v3, v49;
	_ =	sdelay $0x1  }
0x30a: {  	[tilespmem:v28+s26+$0x0] =	vst.idx.msk $0xffff, v3  }
0x30b: {  	v3 =	vld.idx.msk [tilespmem:v63+s25+$0x0], $0xffff;
	_ =	sdelay $0x2  }
0x30c: {  	v2 =	vor.u32 $0x1F, v2;
	_ =	sdelay $0x1  }
0x30d: {  	v3 =	vmul.f32 v3, v49;
	_ =	sdelay $0x1  }
0x30e: {  	[tilespmem:v29+s26+$0x0] =	vst.idx.msk $0xffff, v3  }
0x30f: {  	v2 =	vld.idx.msk [tilespmem:v2+s25+$0x0], $0xffff;
	_ =	sdelay $0x4  }
0x310: {  	v2 =	vmul.f32 v2, v49  }
.Ltmp4:
0x311: {  	_ = 	snop;
	(pc) =	sbr.rel @p1 .LBB2_8-.Ltmp4, $4  }
0x312: {  	s4 =	sadd.s32 $0x880, s15;
	[tilespmem:v30+s26+$0x0] =	vst.idx.msk $0xffff, v2  }
0x313: {  	[spmem:s1] =	stream.indirect.scatter.add.f32 [tilespmem:s26], [sflag:$0x4], $0x10, s4, s22, $0xb8;
	[tilespmem:$0x1F180] =	vst v63  }
0x314: {  	_ = 	snop  }
0x315: {  	[spmem:s3] =	stream.indirect.scatter.add.f32 [tilespmem:s2], [sflag:$0x4], $0x1, s4, s22, $0xb8;
	[tilespmem:$0x1F180] =	vst v63  }
.Ltmp5:
0x316: {  	s4 =	sadd.s32 $0x180, s13;
	(pc) =	sbr.rel .LBB2_2-.Ltmp5, $4  }
0x317: {  	s4 =	sand.u32 $0x780, s4  }
0x318: {  	[tilespmem:s25], [sflag:$0x2] =	stream.indirect.gather [hbm4b:s5+s22], $0x20, s4, s22, $0xb8;
	[tilespmem:$0x1F180] =	vst v63  }
0x319: {  	s12 =	sadd.s32 $0x1, s12;
	s4 =	sor.u32 $0x800, s4  }
0x31a: {  	[tilespmem:s28], [sflag:$0x2] =	stream.indirect.gather [hbm4b:s6+s22], $0x10, s4, s22, $0xb8;
	[tilespmem:$0x1F180] =	vst v63  }
.LBB2_9:
0x31b: {  	_ =	sfence.sel $0x180000  }
0x31c: {  	[bflag:$0x0] =	sbarrier.arrive $0xFFFF  }
0x31d: {  	_ =	strace $0x9000004D  }
0x31e: {  	s0 =	stileid.u32;
	[bflag:$0x2] =	sbarrier.arrive $0xFFFF  }
0x31f: {  	p0 =	sne.s32 s0, $0x0;
	s0 =	rddreg [dreg:$0x4]  }
0x320: {  	s0 =	sadd.s32 @!p0 $0x100000, s0  }
0x321: {  	[sflag:s0] =	ssyncadd.tile.s32 @!p0 $0x1;
	_ =	shalt  }
.Lfunc_end2:
_tile_overlayer_lowered:
.L_overlay_start_2:
0x322: {  	(tag) =	ssettag $0x2  }
0x323: {  	s0 =	rddreg [dreg:$0x0];
	s2 =	stileid.u32  }
0x324: {  	s1 =	rddreg [dreg:$0x1];
	p0 =	sne.s32 s2, $0x0  }
0x325: {  	s3 =	rddreg [dreg:$0x2];
	[bflag:$0x3] =	sbarrier.arrive $0xFFFF;
	s2 =	simm.s32 @!p0 $0x1C05  }
0x326: {  	[timem:s3], [sflag:s2] =	dma.local @!p0 [hbm:s0], s1  }
0x327: {  	s0 =	simm.s32 @!p0 $0x5  }
0x328: {  	_ =	swait.ge @!p0 [sflag:s0], s1  }
0x329: {  	s1 =	ssub.s32 @!p0 $0x0, s1;
	[sflag:s0] =	ssyncset.done @!p0 $0x0  }
0x32a: {  	[sflag:s0] =	ssyncadd.s32 @!p0 s1  }
0x32b: {  	[bflag:$0x3] =	sbarrier.arrive $0xFFFF  }
0x32c: {  	_ =	shalt  }

// kernel: kernel.9.cloned.1.call-start
scs
__scs_entry_jumppad:
0x0: {  	(pc) =	sbr.rel $0x88, $3  }
0x1: {  	(tag) =	ssettag $0x0;
	lr =	simm.s32 $0x1  }
0x2: {  	[smem:$0x3F99] =	sst lr;
	_ =	strace $0xD0000000  }
0x3: {  	_ = 	snop  }
0x4: {  	_ = 	snop  }
0x5: {  	_ = 	snop  }
0x6: {  	_ = 	snop  }
0x7: {  	_ = 	snop  }
__scs_overlays_trampoline_lowered:
0x8: {  	[smem:$0x3FA8] =	sst s0  }
0x9: {  	[smem:$0x3FA9] =	sst s1  }
0xa: {  	[smem:$0x3FAA] =	sst s2  }
0xb: {  	[smem:$0x3FAB] =	sst s3  }
0xc: {  	[smem:$0x3FAC] =	sst s4  }
0xd: {  	[smem:$0x3FAD] =	sst s5  }
0xe: {  	[smem:$0x3FAE] =	sst s6  }
0xf: {  	[smem:$0x3FAF] =	sst s7  }
0x10: {  	[smem:$0x3FB0] =	sst s8  }
0x11: {  	[smem:$0x3FB1] =	sst s9;
	s0 =	simm.s32 @!p0 $0x0  }
0x12: {  	s1 =	sld [smem:$0x3F97];
	s0 =	simm.s32 @p0 $0x1  }
0x13: {  	[smem:$0x3FB2] =	sst s0;
	s0 =	simm.s32 @!p1 $0x0  }
0x14: {  	s2 =	sld [smem:$0x3F96];
	s0 =	simm.s32 @p1 $0x1  }
0x15: {  	[smem:$0x3FB3] =	sst s0;
	s0 =	simm.s32 @!p2 $0x0  }
0x16: {  	s3 =	sld [smem:$0x3FDB];
	s0 =	simm.s32 @p2 $0x1  }
0x17: {  	s4 =	simm.s32 $0x1BF5;
	[smem:$0x3FB5] =	sst s0  }
0x18: {  	s0 =	sld [smem:$0x3F98];
	_ =	swait.ge [sflag:s4], $0x0  }
0x19: {  	s7 =	sld [smem:$0x3F99]  }
0x1a: {  	s8 =	sadd.s32 $0xFFFFE003, lr  }
0x1b: {  	s9 =	sadd.s32 $0xFFFFFEF7, lr;
	s5 =	simm.s32 $0xFFFFFFFF;
	p2 =	slt.u32 s8, $0xFFFFF086  }
0x1c: {  	p1 =	slt.u32 s9, $0xF7A;
	s5 =	simm.s32 @!p2 $0x0  }
0x1d: {  	s5 =	simm.s32 @p1 $0x1;
	p0 =	seq.s32 s7, s2  }
0x1e: {  	s7 =	smul.u32 @!p0 $0xF7A, s2;
	p2 =	seq.s32 @!p0 s5, $0x0  }
0x1f: {  	s9 =	smul.u32 $0xF7A, s1;
	s8 =	simm.s32 @!p0 $0x1BF5;
	p2 =	por !p2, p0  }
0x20: {  	[sflag:s8] =	ssyncset.s32 @!p0 $0xFFFFF086;
	s6 =	sadd.s32 @!p0 s3, s7;
	s7 =	simm.s32 @!p0 $0x108  }
0x21: {  	s3 =	sadd.s32 s3, s9;
	s6 =	sadd.s32 @!p0 $0x88, s6;
	s7 =	simm.s32 @p2 $0x1082  }
0x22: {  	[simem:s7], [sflag:s8] =	dma.local @!p0 [hbm:s6], $0xF7A  }
0x23: {  	s9 =	sor.u32 $0xD0000000, s2;
	s6 =	simm.s32 $0x108;
	_ =	swait.ge @!p0 [sflag:s8], $0x0  }
0x24: {  	s3 =	sadd.s32 $0x88, s3;
	s6 =	simm.s32 @!p1 $0x1082;
	[sflag:s4] =	ssyncset.s32 $0xFFFFF086  }
0x25: {  	[simem:s6], [sflag:s4] =	dma.local [hbm:s3], $0xF7A  }
0x26: {  	[smem:$0x3F99] =	sst s1;
	(tag) =	ssettag s2;
	_ =	strace s9  }
0x27: {  	s1 =	sld [smem:$0x3FA9]  }
0x28: {  	s2 =	sld [smem:$0x3FAA]  }
0x29: {  	s4 =	sld [smem:$0x3FAC]  }
0x2a: {  	p0 =	seq.s32 s5, $0x0;
	s5 =	sld [smem:$0x3FAD]  }
0x2b: {  	s6 =	sld [smem:$0x3FAE]  }
0x2c: {  	s7 =	sld [smem:$0x3FAF]  }
0x2d: {  	s3 =	simm.s32 $0x108;
	s8 =	sld [smem:$0x3FB0]  }
0x2e: {  	s3 =	simm.s32 @!p0 $0x1082;
	s9 =	sld [smem:$0x3FB1]  }
0x2f: {  	lr =	sadd.s32 s0, s3;
	s0 =	sld [smem:$0x3FA8]  }
0x30: {  	s3 =	sld [smem:$0x3FAB]  }
0x31: {  	[smem:$0x3FB4] =	sst s10  }
0x32: {  	s10 =	sld [smem:$0x3FB2];
	_ =	sdelay $0x3  }
0x33: {  	p0 =	seq.s32 s10, $0x1;
	s10 =	sld [smem:$0x3FB4];
	_ =	sdelay $0x3  }
0x34: {  	[smem:$0x3FB4] =	sst s10  }
0x35: {  	s10 =	sld [smem:$0x3FB3];
	_ =	sdelay $0x3  }
0x36: {  	p1 =	seq.s32 s10, $0x1;
	s10 =	sld [smem:$0x3FB4];
	_ =	sdelay $0x3  }
0x37: {  	[smem:$0x3FB4] =	sst s10  }
0x38: {  	s10 =	sld [smem:$0x3FB5]  }
0x39: {  	_ = 	snop;
	(pc) =	sbr.ind lr, $3  }
0x3a: {  	_ = 	snop  }
0x3b: {  	_ = 	snop  }
0x3c: {  	p2 =	seq.s32 s10, $0x1;
	s10 =	sld [smem:$0x3FB4]  }
0x3d: {  	_ =	shalt  }
0x3e: {  	_ =	shalt  }
0x3f: {  	_ =	shalt  }
0x40: {  	_ =	shalt  }
0x41: {  	_ =	shalt  }
0x42: {  	_ =	shalt  }
0x43: {  	_ =	shalt  }
0x44: {  	_ =	shalt  }
0x45: {  	_ =	shalt  }
0x46: {  	_ =	shalt  }
0x47: {  	_ =	shalt  }
0x48: {  	_ =	shalt  }
0x49: {  	_ =	shalt  }
0x4a: {  	_ =	shalt  }
0x4b: {  	_ =	shalt  }
0x4c: {  	_ =	shalt  }
0x4d: {  	_ =	shalt  }
0x4e: {  	_ =	shalt  }
0x4f: {  	_ =	shalt  }
0x50: {  	_ =	shalt  }
0x51: {  	_ =	shalt  }
0x52: {  	_ =	shalt  }
0x53: {  	_ =	shalt  }
0x54: {  	_ =	shalt  }
0x55: {  	_ =	shalt  }
0x56: {  	_ =	shalt  }
0x57: {  	_ =	shalt  }
0x58: {  	_ =	shalt  }
0x59: {  	_ =	shalt  }
0x5a: {  	_ =	shalt  }
0x5b: {  	_ =	shalt  }
0x5c: {  	_ =	shalt  }
0x5d: {  	_ =	shalt  }
0x5e: {  	_ =	shalt  }
0x5f: {  	_ =	shalt  }
0x60: {  	_ =	shalt  }
0x61: {  	_ =	shalt  }
0x62: {  	_ =	shalt  }
0x63: {  	_ =	shalt  }
0x64: {  	_ =	shalt  }
0x65: {  	_ =	shalt  }
0x66: {  	_ =	shalt  }
0x67: {  	_ =	shalt  }
0x68: {  	_ =	shalt  }
0x69: {  	_ =	shalt  }
0x6a: {  	_ =	shalt  }
0x6b: {  	_ =	shalt  }
0x6c: {  	_ =	shalt  }
0x6d: {  	_ =	shalt  }
0x6e: {  	_ =	shalt  }
0x6f: {  	_ =	shalt  }
0x70: {  	_ =	shalt  }
0x71: {  	_ =	shalt  }
0x72: {  	_ =	shalt  }
0x73: {  	_ =	shalt  }
0x74: {  	_ =	shalt  }
0x75: {  	_ =	shalt  }
0x76: {  	_ =	shalt  }
0x77: {  	_ =	shalt  }
0x78: {  	_ =	shalt  }
0x79: {  	_ =	shalt  }
0x7a: {  	_ =	shalt  }
0x7b: {  	_ =	shalt  }
0x7c: {  	_ =	shalt  }
0x7d: {  	_ =	shalt  }
0x7e: {  	_ =	shalt  }
0x7f: {  	_ =	shalt  }
0x80: {  	_ =	shalt  }
0x81: {  	_ =	shalt  }
0x82: {  	_ =	shalt  }
0x83: {  	_ =	shalt  }
0x84: {  	_ =	shalt  }
0x85: {  	_ =	shalt  }
0x86: {  	_ =	shalt  }
0x87: {  	_ =	shalt  }
.Lfunc_end0:
.L_simem_size_0:
called_computation_lowered:
.L_overlay_start_0:
0x88: {  	s2 =	sld [smem:$0x3FD9]  }
0x89: {  	s3 =	sld [smem:$0x3FFE];
	_ =	sdelay $0x1  }
0x8a: {  	s1 =	srdreg.scid  }
0x8b: {  	s0 =	sand.u32 $0x1, s1  }
0x8c: {  	s17 =	sshll.u32 s0, $0xA;
	s2 =	sadd.s32 s3, s2  }
0x8d: {  	s2 =	sadd.s32 s2, s17  }
0x8e: {  	[smem:$0x3FC0] =	sst s2  }
0x8f: {  	_ = 	snop  }
0x90: {  	s2 =	sld [smem:$0x3FD0];
	(tm) =	ssettm $0x1  }
0x91: {  	s18 =	sld [smem:$0x3FFB];
	_ =	sdelay $0x3  }
0x92: {  	_ =	strace s18  }
0x93: {  	s3 =	sld [smem:$0x3FFC];
	_ =	sdelay $0x3  }
0x94: {  	_ =	strace s3  }
0x95: {  	s3 =	sld [smem:$0x3FFD];
	_ =	sdelay $0x3  }
0x96: {  	_ =	strace s3  }
0x97: {  	_ =	strace $0x8FFFFFFF  }
0x98: {  	s19 =	sld [smem:$0x3FDB];
	_ =	sdelay $0x1  }
0x99: {  	s4 =	simm.s32 $_scs_section_size  }
0x9a: {  	s5 =	simm.s32 $_size__tile_overlayer_lowered;
	s6 =	simm.s32 $_tile_overlayer_lowered  }
0x9b: {  	s22 =	simm.s32 $0x1BFF;
	s21 =	sshll.u32 s6, $0x1;
	s3 =	sadd.s32 s4, s19  }
0x9c: {  	s7 =	simm.s32 $0x0;
	s20 =	sshll.u32 s5, $0x1;
	s5 =	sadd.s32 s21, s3  }
0x9d: {  	[timem:s7], [sflag:s22] =	dma.local [hbm:s5], s20  }
0x9e: {  	_ =	swait.ge [sflag:s22], s20  }
0x9f: {  	s4 =	ssub.s32 $0x0, s20;
	[sflag:s22] =	ssyncset.done $0x0  }
0xa0: {  	[sflag:s22] =	ssyncadd.s32 s4;
	_ =	sdelay $0x1  }
0xa1: {  	s23 =	simm.s32 $0x1B8B  }
0xa2: {  	_ =	swait.ge [sflag:s23], $0x1  }
0xa3: {  	[sflag:s23] =	ssyncset.done $0x0  }
0xa4: {  	s25 =	simm.s32 $0x1B8E;
	s24 =	sld [smem:$0x3FFE];
	[sflag:s23] =	ssyncadd.s32 $0xFFFFFFFF  }
0xa5: {  	s26 =	simm.s32 $execute0_lowered;
	[smem:$0x3FD2] =	sst s25  }
0xa6: {  	s5 =	sshll.u32 s26, $0x1;
	_ =	strace $0x80000046;
	[dreg:$0x1] =	wrdreg $0xFFFFFFFF  }
0xa7: {  	s28 =	simm.s32 $_size_execute0_lowered;
	s3 =	sadd.s32 s3, s5;
	[dreg:$0x0] =	wrdreg $0x0  }
0xa8: {  	s5 =	sshll.u32 s28, $0x1;
	[dreg:$0x2] =	wrdreg s3  }
0xa9: {  	[dreg:$0x3] =	wrdreg s5  }
0xaa: {  	[dreg:$0x4] =	wrdreg $0xC0  }
0xab: {  	_ =	task [dreg:s7], $0x5FFFF  }
0xac: {  	[dreg:$0x1] =	wrdreg $0xFFFFFFFF  }
0xad: {  	[dreg:$0x0] =	wrdreg $0x60  }
0xae: {  	[dreg:$0x2] =	wrdreg s2  }
0xaf: {  	[dreg:$0x3] =	wrdreg s24  }
0xb0: {  	[dreg:$0x4] =	wrdreg $0x9  }
0xb1: {  	_ =	task.clear_ibuf [dreg:s7], $0x5FFFF;
	_ =	strace $0x90000046  }
0xb2: {  	s29 =	simm.s32 $0x9;
	_ =	strace $0x80000048  }
0xb3: {  	_ =	swait.ge [sflag:s29], $0x1  }
0xb4: {  	[sflag:s29] =	ssyncadd.s32 $0xFFFFFFFF  }
0xb5: {  	_ =	strace $0x90000048  }
0xb6: {  	_ =	sfence  }
0xb7: {  	s30 =	sld [smem:$0x0];
	_ =	sdelay $0x2  }
0xb8: {  	s31 =	sshll.u32 s1, $0xD;
	s1 =	sshrl.u32 s1, $0x2  }
0xb9: {  	s3 =	sand.u32 $0x4000, s31;
	s1 =	sadd.s32 s1, s30  }
0xba: {  	s0 =	sor.u32 s3, s0;
	s1 =	sshll.u32 s1, $0x11  }
0xbb: {  	s0 =	sor.u32 s1, s0  }
0xbc: {  	s0 =	sadd.s32 $0x8F2B, s0  }
0xbd: {  	[sflag:s0] =	ssyncadd.remote.s32 $0x1  }
0xbe: {  	_ =	sfence.sel $0xFFFF  }
0xbf: {  	[dreg:$0x0] =	wrdreg $0xFFFFFFFF;
	(pc) =	sbr.abs _section_cstart, $3  }
0xc0: {  	[dreg:$0x1] =	wrdreg $0xFFFFFFFF  }
0xc1: {  	_ =	task.clear_ibuf [dreg:s7], $0x2FFFF;
	_ =	strace $0x9FFFFFFF  }
0xc2: {  	(tm) =	ssettm $0x7FFFFFFF  }
0xc3: {  	_ =	shalt  }
tec
execute0_lowered:
.L_overlay_start_1:
0x0: {  	(tag) =	ssettag $0x1  }
0x1: {  	s1 =	srdreg.scid  }
0x2: {  	s0 =	stileid.u32;
	s2 =	rddreg [dreg:$0x0]  }
0x3: {  	s5 =	rddreg [dreg:$0x1];
	s3 =	simm.s32 $0x0;
	s14 =	simm.s32 $0x4  }
0x4: {  	s15 =	simm.s32 $0x0;
	s6 =	sand.u32 $0x1, s1;
	s9 =	smul.u32 $0x1900, s0  }
0x5: {  	s29 =	sshll.u32 s0, $0x1;
	s1 =	rddreg [dreg:$0x2];
	s11 =	smul.u32 $0x19000, s0  }
0x6: {  	[smem:$0x7FF] =	sst s3;
	s10 =	sadd.s32 $0x4E00, s5;
	s13 =	smul.u32 $0xC800, s6  }
0x7: {  	s4 =	sor.u32 s6, s29;
	s30 =	ssub.s32 $0x2, s6;
	s31 =	smul.u32 $0xC80, s6  }
0x8: {  	_ =	strace $0x80000047;
	s7 =	smul.u32 $0xC80, s4;
	s12 =	sshrl.u32 s30, $0x1  }
0x9: {  	s8 =	smul.u32 $0xC800, s4;
	s4 =	sadd.s32 $0x1C00, s5;
	s12 =	ssub.s32 s30, s12  }
0xa: {  	s11 =	sadd.s32 s13, s11;
	s9 =	sadd.s32 s31, s9;
	s13 =	simm.s32 $0x1  }
0xb: {  	s7 =	sshrl.u32 s7, $0x3;
	s6 =	smax.u32 s12, $0x1;
	s8 =	sshrl.u32 s8, $0x3  }
0xc: {  	s11 =	sshrl.u32 s11, $0x3;
	s12 =	simm.s32 $0x100;
	s8 =	sadd.s32 s10, s8  }
0xd: {  	s5 =	sadd.s32 s4, s7;
	s7 =	sadd.s32 $0x1800, s8;
	s8 =	sadd.s32 $0x80, s9  }
0xe: {  	s9 =	sadd.s32 s11, s10;
	s10 =	simm.s32 $0x3;
	s11 =	simm.s32 $0x80  }
.LBB2_1:
0xf: {  	[tilespmem:s3], [sflag:$0x3] =	stream.linear.gather [hbm4b:s5+s3], $0x80, $0x38;
	[tilespmem:$0x1100] =	vst v63  }
0x10: {  	s16 =	sand.u32 $0x1, s3;
	_ =	swait.ge [sflag:s10], $0x80  }
0x11: {  	p0 =	seq.s32 s16, $0x1;
	[sflag:s10] =	ssyncset.done $0x0  }
0x12: {  	s16 =	sshrl.u32 @p0 s8, $0x3;
	[sflag:s10] =	ssyncadd.s32 $0xFFFFFF80  }
0x13: {  	[tilespmem:s12], [sflag:$0x1] =	stream.indirect.gather [hbm4b:s2+s11], $0x10, s3, s11, $0xb8;
	[tilespmem:$0x1100] =	vst v63  }
0x14: {  	s17 =	simm.s32 @p0 $0x0;
	s18 =	simm.s32 @p0 $0x4;
	s16 =	sadd.s32 @p0 s4, s16  }
0x15: {  	[tilespmem:s17], [sflag:$0x4] =	stream.linear.gather @p0 [hbm4b:s16+s17], $0x80, $0x38;
	[tilespmem:$0x1100] =	vst v63  }
0x16: {  	_ =	swait.ge @p0 [sflag:s18], $0x80  }
0x17: {  	s19 =	simm.s32 @p0 $0x100;
	[sflag:s18] =	ssyncset.done @p0 $0x0  }
0x18: {  	s16 =	simm.s32 @p0 $0x2;
	[sflag:s18] =	ssyncadd.s32 @p0 $0xFFFFFF80;
	s18 =	simm.s32 @p0 $0x80  }
0x19: {  	[tilespmem:s19], [sflag:$0x1] =	stream.indirect.gather @p0 [hbm4b:s2+s18], $0x10, s17, s18, $0xb8;
	[tilespmem:$0x1100] =	vst v63  }
0x1a: {  	_ =	swait.ge @p0 [sflag:s16], $0x800  }
0x1b: {  	s18 =	sshrl.u32 @!p0 s8, $0x3;
	[sflag:s16] =	ssyncset.done @p0 $0x0  }
0x1c: {  	s19 =	simm.s32 @!p0 $0x4;
	[sflag:s16] =	ssyncadd.s32 @p0 $0xFFFFF800;
	s16 =	simm.s32 @p0 $0x900  }
0x1d: {  	[hbm4b:s9+s17] =	stream.linear.scatter @p0 [tilespmem:s16], [sflag:$0x3], $0x800, $0x38;
	[tilespmem:$0x1100] =	vst v63  }
0x1e: {  	s18 =	sadd.s32 @!p0 s4, s18;
	s17 =	simm.s32 @!p0 $0x0;
	s16 =	simm.s32 @!p0 $0x80  }
0x1f: {  	[tilespmem:s16], [sflag:$0x4] =	stream.linear.gather @!p0 [hbm4b:s18+s17], $0x80, $0x38;
	[tilespmem:$0x1100] =	vst v63  }
0x20: {  	_ =	swait.ge @!p0 [sflag:s19], $0x80  }
0x21: {  	s21 =	simm.s32 $0x1;
	[sflag:s19] =	ssyncset.done @!p0 $0x0  }
0x22: {  	s20 =	simm.s32 @!p0 $0x1;
	s18 =	simm.s32 @!p0 $0x900;
	[sflag:s19] =	ssyncadd.s32 @!p0 $0xFFFFFF80  }
0x23: {  	[tilespmem:s18], [sflag:$0x2] =	stream.indirect.gather @!p0 [hbm4b:s2+s16], $0x10, s16, s16, $0xb8;
	[tilespmem:$0x1100] =	vst v63  }
0x24: {  	s21 =	sand.u32 $0x1, s21;
	_ =	swait.ge @!p0 [sflag:s20], $0x800  }
0x25: {  	s22 =	simm.s32 @!p0 $0x100;
	s19 =	simm.s32 @p0 $0x3;
	[sflag:s20] =	ssyncset.done @!p0 $0x0  }
0x26: {  	s18 =	simm.s32 $0x2;
	s16 =	sadd.s32 $0x100, s9;
	[sflag:s20] =	ssyncadd.s32 @!p0 $0xFFFFF800  }
0x27: {  	[hbm4b:s9+s17] =	stream.linear.scatter @!p0 [tilespmem:s22], [sflag:$0x4], $0x800, $0x38;
	[tilespmem:$0x1100] =	vst v63  }
0x28: {  	p0 =	seq.s32 s21, $0x1;
	s17 =	sadd.s32 $0x80, s8;
	_ =	swait.ge [sflag:s19], $0x800  }
0x29: {  	s21 =	sshrl.u32 @p0 s17, $0x3;
	s20 =	simm.s32 @p0 $0x0;
	[sflag:s19] =	ssyncset.done $0x0  }
.LBB2_2:
0x2a: {  	s21 =	sadd.s32 @p0 s4, s21;
	s22 =	simm.s32 @p0 $0x4  }
0x2b: {  	[sflag:s19] =	ssyncadd.s32 $0xFFFFF800;
	s23 =	smov.u32 s18;
	s24 =	smov.u32 s16  }
0x2c: {  	[tilespmem:s20], [sflag:$0x4] =	stream.linear.gather @p0 [hbm4b:s21+s20], $0x80, $0x38;
	[tilespmem:$0x1100] =	vst v63  }
0x2d: {  	s18 =	sadd.s32 $0x1, s18;
	s19 =	sshrl.u32 @!p0 s17, $0x3;
	_ =	swait.ge @p0 [sflag:s22], $0x80  }
0x2e: {  	s21 =	simm.s32 @p0 $0x2;
	s25 =	sadd.s32 @!p0 s4, s19;
	[sflag:s22] =	ssyncset.done @p0 $0x0  }
0x2f: {  	s19 =	simm.s32 @p0 $0x80;
	[sflag:s22] =	ssyncadd.s32 @p0 $0xFFFFFF80;
	s22 =	simm.s32 @p0 $0x100  }
0x30: {  	[tilespmem:s22], [sflag:$0x1] =	stream.indirect.gather @p0 [hbm4b:s2+s19], $0x10, s20, s19, $0xb8;
	[tilespmem:$0x1100] =	vst v63  }
0x31: {  	p1 =	sne.s32 s18, $0x18;
	_ =	swait.ge @p0 [sflag:s21], $0x800  }
0x32: {  	[sflag:s21] =	ssyncset.done @p0 $0x0  }
0x33: {  	s19 =	simm.s32 @p0 $0x900;
	[sflag:s21] =	ssyncadd.s32 @p0 $0xFFFFF800  }
0x34: {  	[hbm4b:s16+s20] =	stream.linear.scatter @p0 [tilespmem:s19], [sflag:$0x3], $0x800, $0x38;
	[tilespmem:$0x1100] =	vst v63  }
0x35: {  	s21 =	simm.s32 @!p0 $0x80;
	s20 =	simm.s32 @!p0 $0x0;
	s19 =	simm.s32 @!p0 $0x4  }
0x36: {  	[tilespmem:s21], [sflag:$0x4] =	stream.linear.gather @!p0 [hbm4b:s25+s20], $0x80, $0x38;
	[tilespmem:$0x1100] =	vst v63  }
0x37: {  	_ =	swait.ge @!p0 [sflag:s19], $0x80  }
0x38: {  	[sflag:s19] =	ssyncset.done @!p0 $0x0  }
0x39: {  	s22 =	simm.s32 @!p0 $0x900;
	s25 =	simm.s32 @!p0 $0x1;
	[sflag:s19] =	ssyncadd.s32 @!p0 $0xFFFFFF80  }
0x3a: {  	[tilespmem:s22], [sflag:$0x2] =	stream.indirect.gather @!p0 [hbm4b:s2+s21], $0x10, s21, s21, $0xb8;
	[tilespmem:$0x1100] =	vst v63  }
0x3b: {  	s16 =	sadd.s32 $0x100, s16;
	_ =	swait.ge @!p0 [sflag:s25], $0x800  }
.Ltmp0:
0x3c: {  	s21 =	simm.s32 @!p0 $0x100;
	[sflag:s25] =	ssyncset.done @!p0 $0x0;
	(pc) =	sbr.rel @p1 .LBB2_2-.Ltmp0, $4  }
0x3d: {  	s19 =	simm.s32 @p0 $0x3;
	s22 =	sand.u32 $0x1, s23;
	[sflag:s25] =	ssyncadd.s32 @!p0 $0xFFFFF800  }
0x3e: {  	[hbm4b:s24+s20] =	stream.linear.scatter @!p0 [tilespmem:s21], [sflag:$0x4], $0x800, $0x38;
	[tilespmem:$0x1100] =	vst v63  }
0x3f: {  	s17 =	sadd.s32 $0x80, s17;
	p0 =	seq.s32 s22, $0x1;
	_ =	swait.ge [sflag:s19], $0x800  }
0x40: {  	s21 =	sshrl.u32 @p0 s17, $0x3;
	s20 =	simm.s32 @p0 $0x0;
	[sflag:s19] =	ssyncset.done $0x0  }
0x41: {  	s18 =	sadd.s32 @p0 s4, s21;
	s21 =	simm.s32 @p0 $0x4;
	[sflag:s19] =	ssyncadd.s32 $0xFFFFF800  }
0x42: {  	[tilespmem:s20], [sflag:$0x4] =	stream.linear.gather @p0 [hbm4b:s18+s20], $0x80, $0x38;
	[tilespmem:$0x1100] =	vst v63  }
0x43: {  	_ =	swait.ge @p0 [sflag:s21], $0x80  }
0x44: {  	s19 =	simm.s32 @p0 $0x80;
	[sflag:s21] =	ssyncset.done @p0 $0x0  }
0x45: {  	s18 =	simm.s32 @p0 $0x2;
	[sflag:s21] =	ssyncadd.s32 @p0 $0xFFFFFF80;
	s21 =	simm.s32 @p0 $0x100  }
0x46: {  	[tilespmem:s21], [sflag:$0x1] =	stream.indirect.gather @p0 [hbm4b:s2+s19], $0x10, s20, s19, $0xb8;
	[tilespmem:$0x1100] =	vst v63  }
0x47: {  	_ =	swait.ge @p0 [sflag:s18], $0x800  }
0x48: {  	s17 =	sshrl.u32 @!p0 s17, $0x3;
	[sflag:s18] =	ssyncset.done @p0 $0x0  }
0x49: {  	s17 =	sadd.s32 @!p0 s4, s17;
	[sflag:s18] =	ssyncadd.s32 @p0 $0xFFFFF800;
	s18 =	simm.s32 @p0 $0x900  }
0x4a: {  	[hbm4b:s16+s20] =	stream.linear.scatter @p0 [tilespmem:s18], [sflag:$0x3], $0x800, $0x38;
	[tilespmem:$0x1100] =	vst v63  }
0x4b: {  	s19 =	simm.s32 @!p0 $0x80;
	s18 =	simm.s32 @!p0 $0x0;
	s20 =	simm.s32 @!p0 $0x4  }
0x4c: {  	[tilespmem:s19], [sflag:$0x4] =	stream.linear.gather @!p0 [hbm4b:s17+s18], $0x80, $0x38;
	[tilespmem:$0x1100] =	vst v63  }
0x4d: {  	_ =	swait.ge @!p0 [sflag:s20], $0x80  }
0x4e: {  	[sflag:s20] =	ssyncset.done @!p0 $0x0  }
0x4f: {  	s21 =	simm.s32 @!p0 $0x1;
	s17 =	simm.s32 @!p0 $0x900;
	[sflag:s20] =	ssyncadd.s32 @!p0 $0xFFFFFF80  }
0x50: {  	[tilespmem:s17], [sflag:$0x2] =	stream.indirect.gather @!p0 [hbm4b:s2+s19], $0x10, s19, s19, $0xb8;
	[tilespmem:$0x1100] =	vst v63  }
0x51: {  	_ =	swait.ge @!p0 [sflag:s21], $0x800  }
0x52: {  	[sflag:s21] =	ssyncset.done @!p0 $0x0  }
0x53: {  	s20 =	simm.s32 @p0 $0x3;
	s17 =	simm.s32 @!p0 $0x100;
	[sflag:s21] =	ssyncadd.s32 @!p0 $0xFFFFF800  }
0x54: {  	[hbm4b:s16+s18] =	stream.linear.scatter @!p0 [tilespmem:s17], [sflag:$0x4], $0x800, $0x38;
	[tilespmem:$0x1100] =	vst v63  }
0x55: {  	_ =	swait.ge [sflag:s20], $0x800  }
0x56: {  	[sflag:s20] =	ssyncset.done $0x0  }
0x57: {  	[sflag:s20] =	ssyncadd.s32 $0xFFFFF800  }
0x58: {  	s15 =	sadd.s32 $0x1, s15;
	_ =	swait.ge [sflag:s13], $0x800  }
0x59: {  	p0 =	sne.s32 s15, s6;
	[sflag:s13] =	ssyncset.done $0x0  }
.Ltmp1:
0x5a: {  	[sflag:s13] =	ssyncadd.s32 $0xFFFFF800;
	(pc) =	sbr.rel @p0 .LBB2_1-.Ltmp1, $4  }
0x5b: {  	[hbm4b:s7+s3] =	stream.linear.scatter [tilespmem:s12], [sflag:$0x4], $0x800, $0x38;
	[tilespmem:$0x1100] =	vst v63  }
0x5c: {  	_ =	swait.ge [sflag:s14], $0x800  }
0x5d: {  	[sflag:s14] =	ssyncset.done $0x0  }
0x5e: {  	[sflag:s14] =	ssyncadd.s32 $0xFFFFF800  }
0x5f: {  	_ =	sfence.sel $0x180000  }
0x60: {  	[bflag:$0x0] =	sbarrier.arrive $0xFFFF  }
0x61: {  	p0 =	sne.s32 s0, $0x0;
	_ =	strace $0x90000047  }
0x62: {  	s0 =	sadd.s32 @!p0 $0x100000, s1;
	[bflag:$0x2] =	sbarrier.arrive $0xFFFF  }
0x63: {  	[sflag:s0] =	ssyncadd.tile.s32 @!p0 $0x1;
	_ =	shalt  }
.Lfunc_end2:
_tile_overlayer_lowered:
.L_overlay_start_2:
0x64: {  	(tag) =	ssettag $0x2  }
0x65: {  	s0 =	rddreg [dreg:$0x0];
	s2 =	stileid.u32  }
0x66: {  	s1 =	rddreg [dreg:$0x1];
	p0 =	sne.s32 s2, $0x0  }
0x67: {  	s3 =	rddreg [dreg:$0x2];
	[bflag:$0x3] =	sbarrier.arrive $0xFFFF;
	s2 =	simm.s32 @!p0 $0x1C03  }
0x68: {  	[timem:s3], [sflag:s2] =	dma.local @!p0 [hbm:s0], s1  }
0x69: {  	s0 =	simm.s32 @!p0 $0x3  }
0x6a: {  	_ =	swait.ge @!p0 [sflag:s0], s1  }
0x6b: {  	s1 =	ssub.s32 @!p0 $0x0, s1;
	[sflag:s0] =	ssyncset.done @!p0 $0x0  }
0x6c: {  	[sflag:s0] =	ssyncadd.s32 @!p0 s1  }
0x6d: {  	[bflag:$0x3] =	sbarrier.arrive $0xFFFF  }
0x6e: {  	_ =	shalt  }

</sc_bundles>
